<compile_context>
chip_gen: v7x
topology: tpu7x:2x2x1
jax: 0.10.2.dev20260603
libtpu: 0.0.44.dev20260713+nightly
codegen_flags: <defaults>
</compile_context>

<pallas_src>
import functools

import jax
import jax.numpy as jnp
from jax import lax
from jax.experimental import pallas as pl
from jax.experimental.pallas import tpu as pltpu
from jax.experimental.pallas import tpu_sc as plsc

EMBEDDING_DIM = 64
BATCH = 4096
_GROUP = 4


@functools.lru_cache(maxsize=None)
def _build_gather(batch, dim):
    info = plsc.get_sparse_core_info()
    nc, ns, nl = info.num_cores, info.num_subcores, info.num_lanes
    nw = nc * ns
    b_per_w = batch // nw
    assert batch % (8 * nw) == 0 and b_per_w % _GROUP == 0
    n_groups = b_per_w // _GROUP
    n_chunks = dim // nl

    mesh = plsc.VectorSubcoreMesh(core_axis_name="c", subcore_axis_name="s")

    @functools.partial(
        pl.kernel,
        mesh=mesh,
        out_type=jax.ShapeDtypeStruct((dim, batch), jnp.float32),
        scratch_types=[
            pltpu.VMEM((b_per_w,), jnp.int32),
            pltpu.VMEM((2 * _GROUP, dim, 128), jnp.float32),
            pltpu.VMEM((dim, b_per_w), jnp.float32),
            pltpu.SemaphoreType.DMA,
            pltpu.SemaphoreType.DMA,
        ],
        compiler_params=pltpu.CompilerParams(
            use_tc_tiling_on_sc=True, needs_layout_passes=False
        ),
    )
    def gather_kernel(
        idx_hbm, tab_t_hbm, out_t_hbm, idx_s, slabs_v, cols_v, sem_a, sem_b
    ):
        wid = lax.axis_index("s") * nc + lax.axis_index("c")
        base = wid * b_per_w
        pltpu.sync_copy(idx_hbm.at[pl.ds(base, b_per_w)], idx_s)
        lane_iota = lax.iota(jnp.int32, nl)
        sems = (sem_a, sem_b)

        def issue_set(s, chunk, p0):
            for j in range(_GROUP):
                i = chunk[p0 + j]
                slab = pl.multiple_of((i >> 7) << 7, 128)
                for c3 in range(dim // 8):
                    pltpu.async_copy(
                        tab_t_hbm.at[pl.ds(c3 * 8, 8), pl.ds(slab, 128)],
                        slabs_v.at[s * _GROUP + j, pl.ds(c3 * 8, 8)],
                        sems[s],
                    )

        def extract_set(s, chunk, p0, r0):
            for j in range(_GROUP):
                pltpu.make_async_copy(
                    tab_t_hbm.at[:, pl.ds(0, 128)], slabs_v.at[0], sems[s]
                ).wait()
            for j in range(_GROUP):
                i = chunk[p0 + j]
                lane = jnp.broadcast_to(i & 127, (nl,))
                col = jnp.broadcast_to(r0 + p0 + j, (nl,))
                buf = jnp.broadcast_to(s * _GROUP + j, (nl,))
                for k in range(n_chunks):
                    rows = lane_iota + (k * nl)
                    v = plsc.load_gather(slabs_v, [buf, rows, lane])
                    plsc.store_scatter(cols_v, [rows, col], v)

        n_sets = nl // _GROUP
        n_ch = b_per_w // nl

        chunk0 = idx_s[pl.ds(0, nl)]
        issue_set(0, chunk0, 0)
        issue_set(1, chunk0, _GROUP)

        def group(g, carry):
            r0 = pl.multiple_of(g * nl, nl)
            chunk = idx_s[pl.ds(r0, nl)]
            gn = jnp.minimum(g + 1, n_ch - 1)
            rn = pl.multiple_of(gn * nl, nl)
            chunk_n = idx_s[pl.ds(rn, nl)]
            not_last = g < n_ch - 1
            for h in range(n_sets):
                extract_set(h % 2, chunk, h * _GROUP, r0)
                if h + 2 < n_sets:
                    issue_set(h % 2, chunk, (h + 2) * _GROUP)
                else:
                    @pl.when(not_last)
                    def _(h=h):
                        issue_set(h % 2, chunk_n, (h + 2 - n_sets) * _GROUP)
            return carry

        lax.fori_loop(0, n_ch, group, 0)
        pltpu.sync_copy(cols_v, out_t_hbm.at[:, pl.ds(base, b_per_w)])

    return gather_kernel


def kernel(input_index, embeds):
    batch = input_index.shape[0]
    dim = embeds.shape[1]
    idx = input_index.reshape(batch).astype(jnp.int32)
    out_t = _build_gather(batch, dim)(idx, embeds.T)
    return out_t.T.reshape(batch, 1, dim)

# --- scband reference (transcript-rebuilt; emitter-appended) ---
"""Pipeline reference for scband-embeddings-15539191677747 (READ-ONLY COPY).

The authoritative reference and input builder live on the scoring server;
editing this copy changes nothing except your own understanding.
"""

import jax, jax.numpy as jnp
import numpy as np

NUM_EMBEDDINGS = 1000000
EMBEDDING_DIM = 64
BATCH = 4096

def setup_inputs(seed: int = 0) -> dict:
    key = jax.random.key(seed)
    k_idx, k_emb = jax.random.split(key)
    input_index = jax.random.randint(k_idx, (BATCH, 1), 0, NUM_EMBEDDINGS, dtype=jnp.int64 if jax.config.read('jax_enable_x64') else jnp.int32)
    embeds = jax.random.normal(k_emb, (NUM_EMBEDDINGS, EMBEDDING_DIM), dtype=jnp.float32) * 0.02
    return {"input_index": input_index, "embeds": embeds}

def reference(input_index, embeds):
    # Faithful translation of Embeddings.forward: self.embeds[input_index]
    # input_index: [B, 1] -> output: [B, 1, embedding_dim]
    return jnp.take(embeds, input_index, axis=0)

if __name__ == "__main__":
    import jax
    _d = setup_inputs()
    print(jax.jit(kernel)(*tuple(_d.values())))

</pallas_src>

<mosaic_0001>
#map = affine_map<(d0, d1) -> (0)>
#map1 = affine_map<(d0, d1) -> (0, 0)>
module attributes {stable_mosaic.version = 14 : i64} {
  func.func @gather_kernel(%arg0: i32, %arg1: i32, %arg2: memref<4096xi32, #tpu.memory_space<hbm>>, %arg3: memref<64x1000000xf32, #tpu.memory_space<hbm>>, %arg4: memref<64x4096xf32, #tpu.memory_space<hbm>>, %arg5: memref<128xi32, #tpu.memory_space<vmem>>, %arg6: memref<8x64x128xf32, #tpu.memory_space<vmem>>, %arg7: memref<64x128xf32, #tpu.memory_space<vmem>>, %arg8: memref<!tpu.dma_semaphore, #tpu.memory_space<semaphore_mem>>, %arg9: memref<!tpu.dma_semaphore, #tpu.memory_space<semaphore_mem>>) attributes {dimension_semantics = [#tpu.dimension_semantics<core_parallel>, #tpu.dimension_semantics<subcore_parallel>], iteration_bounds = array<i64: 2, 16>, scalar_prefetch = 0 : i64, scratch_operands = 5 : i64, tpu.core_type = #tpu.core_type<sc_vector_subcore>, window_params = [{transform_indices = #map}, {transform_indices = #map1}, {transform_indices = #map1}]} {
    %mul3A = arith.constant 2 : i32
    %mul3A_0 = arith.muli %arg1, %mul3A : i32
    %add3A = arith.addi %mul3A_0, %arg0 : i32
    %mul3A_1 = arith.constant 128 : i32
    %mul3A_2 = arith.muli %add3A, %mul3A_1 : i32
    "tpu.region"() ({
      %run_scoped3A = tpu.sem_alloc : memref<!tpu.dma_semaphore, #tpu.memory_space<semaphore_mem>>
      %dma_start3A_891 = tpu.memref_slice %arg2[%mul3A_2] : memref<4096xi32, #tpu.memory_space<hbm>> -> memref<128xi32, #tpu.memory_space<hbm>>
      %dma_start3A_892 = tpu.memref_slice %arg2[%mul3A_2] : memref<4096xi32, #tpu.memory_space<hbm>> -> memref<128xi32, #tpu.memory_space<hbm>>
      tpu.enqueue_dma source(%dma_start3A_892 : memref<128xi32, #tpu.memory_space<hbm>>) target(%arg5 : memref<128xi32, #tpu.memory_space<vmem>>) target_semaphore(%run_scoped3A : memref<!tpu.dma_semaphore, #tpu.memory_space<semaphore_mem>>)
      %dma_wait3A = tpu.memref_slice %arg2[%mul3A_2] : memref<4096xi32, #tpu.memory_space<hbm>> -> memref<128xi32, #tpu.memory_space<hbm>>
      %dma_wait3A_893 = tpu.memref_slice %arg2[%mul3A_2] : memref<4096xi32, #tpu.memory_space<hbm>> -> memref<128xi32, #tpu.memory_space<hbm>>
      tpu.wait_dma2 semaphore(%run_scoped3A : memref<!tpu.dma_semaphore, #tpu.memory_space<semaphore_mem>>) src(%dma_wait3A_893 : memref<128xi32, #tpu.memory_space<hbm>>) dst(%arg5 : memref<128xi32, #tpu.memory_space<vmem>>)
      tpu.yield
    }) : () -> ()
    %iota3A = tpu.iota {dimensions = array<i32: 0>} : vector<16xi32>
    %get3A = arith.constant 0 : index
    %get3A_3 = tpu.vector_load %arg5[%get3A] {strides = array<i32>} : memref<128xi32, #tpu.memory_space<vmem>>, vector<16xi32>,
    %slice3A = vector.extract_strided_slice %get3A_3 {offsets = [0], sizes = [1], strides = [1]} : vector<16xi32> to vector<1xi32>
    %squeeze3A = vector.extract %slice3A[0] : i32 from vector<1xi32>
    %shift_right_arithmetic3A = arith.constant 7 : i32
    %shift_right_arithmetic3A_4 = arith.shrsi %squeeze3A, %shift_right_arithmetic3A : i32
    %shift_left3A = arith.constant 7 : i32
    %shift_left3A_5 = arith.shli %shift_right_arithmetic3A_4, %shift_left3A : i32
    %multiple_of3A = tpu.assume_multiple %shift_left3A_5, 128 : i32
    %dma_start3A = arith.constant 0 : i32
    %dma_start3A_6 = arith.constant 0 : i32
    %dma_start3A_7 = arith.constant 0 : i32
    %dma_start3A_8 = tpu.memref_slice %arg6[%dma_start3A, %dma_start3A_6, %dma_start3A_7] : memref<8x64x128xf32, #tpu.memory_space<vmem>> -> memref<1x8x128xf32, #tpu.memory_space<vmem>>
    %dma_start3A_9 = tpu.memref_squeeze %dma_start3A_8 : memref<1x8x128xf32, #tpu.memory_space<vmem>> -> memref<8x128xf32, #tpu.memory_space<vmem>>
    %dma_start3A_10 = arith.constant 0 : i32
    %dma_start3A_11 = tpu.memref_slice %arg3[%dma_start3A_10, %multiple_of3A] : memref<64x1000000xf32, #tpu.memory_space<hbm>> -> memref<8x128xf32, #tpu.memory_space<hbm>>
    %dma_start3A_12 = arith.constant 0 : i32
    %dma_start3A_13 = arith.constant 0 : i32
    %dma_start3A_14 = tpu.memref_slice %arg6[%dma_start3A, %dma_start3A_12, %dma_start3A_13] : memref<8x64x128xf32, #tpu.memory_space<vmem>> -> memref<1x8x128xf32, #tpu.memory_space<vmem>>
    %dma_start3A_15 = tpu.memref_squeeze %dma_start3A_14 : memref<1x8x128xf32, #tpu.memory_space<vmem>> -> memref<8x128xf32, #tpu.memory_space<vmem>>
    %dma_start3A_16 = arith.constant 0 : i32
    %dma_start3A_17 = tpu.memref_slice %arg3[%dma_start3A_16, %multiple_of3A] : memref<64x1000000xf32, #tpu.memory_space<hbm>> -> memref<8x128xf32, #tpu.memory_space<hbm>>
    tpu.enqueue_dma source(%dma_start3A_17 : memref<8x128xf32, #tpu.memory_space<hbm>>) target(%dma_start3A_15 : memref<8x128xf32, #tpu.memory_space<vmem>>) target_semaphore(%arg8 : memref<!tpu.dma_semaphore, #tpu.memory_space<semaphore_mem>>)
    %dma_start3A_18 = arith.constant 0 : i32
    %dma_start3A_19 = arith.constant 8 : i32
    %dma_start3A_20 = arith.constant 0 : i32
    %dma_start3A_21 = tpu.memref_slice %arg6[%dma_start3A_18, %dma_start3A_19, %dma_start3A_20] : memref<8x64x128xf32, #tpu.memory_space<vmem>> -> memref<1x8x128xf32, #tpu.memory_space<vmem>>
    %dma_start3A_22 = tpu.memref_squeeze %dma_start3A_21 : memref<1x8x128xf32, #tpu.memory_space<vmem>> -> memref<8x128xf32, #tpu.memory_space<vmem>>
    %dma_start3A_23 = arith.constant 8 : i32
    %dma_start3A_24 = tpu.memref_slice %arg3[%dma_start3A_23, %multiple_of3A] : memref<64x1000000xf32, #tpu.memory_space<hbm>> -> memref<8x128xf32, #tpu.memory_space<hbm>>
    %dma_start3A_25 = arith.constant 8 : i32
    %dma_start3A_26 = arith.constant 0 : i32
    %dma_start3A_27 = tpu.memref_slice %arg6[%dma_start3A_18, %dma_start3A_25, %dma_start3A_26] : memref<8x64x128xf32, #tpu.memory_space<vmem>> -> memref<1x8x128xf32, #tpu.memory_space<vmem>>
    %dma_start3A_28 = tpu.memref_squeeze %dma_start3A_27 : memref<1x8x128xf32, #tpu.memory_space<vmem>> -> memref<8x128xf32, #tpu.memory_space<vmem>>
    %dma_start3A_29 = arith.constant 8 : i32
    %dma_start3A_30 = tpu.memref_slice %arg3[%dma_start3A_29, %multiple_of3A] : memref<64x1000000xf32, #tpu.memory_space<hbm>> -> memref<8x128xf32, #tpu.memory_space<hbm>>
    tpu.enqueue_dma source(%dma_start3A_30 : memref<8x128xf32, #tpu.memory_space<hbm>>) target(%dma_start3A_28 : memref<8x128xf32, #tpu.memory_space<vmem>>) target_semaphore(%arg8 : memref<!tpu.dma_semaphore, #tpu.memory_space<semaphore_mem>>)
    %dma_start3A_31 = arith.constant 0 : i32
    %dma_start3A_32 = arith.constant 16 : i32
    %dma_start3A_33 = arith.constant 0 : i32
    %dma_start3A_34 = tpu.memref_slice %arg6[%dma_start3A_31, %dma_start3A_32, %dma_start3A_33] : memref<8x64x128xf32, #tpu.memory_space<vmem>> -> memref<1x8x128xf32, #tpu.memory_space<vmem>>
    %dma_start3A_35 = tpu.memref_squeeze %dma_start3A_34 : memref<1x8x128xf32, #tpu.memory_space<vmem>> -> memref<8x128xf32, #tpu.memory_space<vmem>>
    %dma_start3A_36 = arith.constant 16 : i32
    %dma_start3A_37 = tpu.memref_slice %arg3[%dma_start3A_36, %multiple_of3A] : memref<64x1000000xf32, #tpu.memory_space<hbm>> -> memref<8x128xf32, #tpu.memory_space<hbm>>
    %dma_start3A_38 = arith.constant 16 : i32
    %dma_start3A_39 = arith.constant 0 : i32
    %dma_start3A_40 = tpu.memref_slice %arg6[%dma_start3A_31, %dma_start3A_38, %dma_start3A_39] : memref<8x64x128xf32, #tpu.memory_space<vmem>> -> memref<1x8x128xf32, #tpu.memory_space<vmem>>
    %dma_start3A_41 = tpu.memref_squeeze %dma_start3A_40 : memref<1x8x128xf32, #tpu.memory_space<vmem>> -> memref<8x128xf32, #tpu.memory_space<vmem>>
    %dma_start3A_42 = arith.constant 16 : i32
    %dma_start3A_43 = tpu.memref_slice %arg3[%dma_start3A_42, %multiple_of3A] : memref<64x1000000xf32, #tpu.memory_space<hbm>> -> memref<8x128xf32, #tpu.memory_space<hbm>>
    tpu.enqueue_dma source(%dma_start3A_43 : memref<8x128xf32, #tpu.memory_space<hbm>>) target(%dma_start3A_41 : memref<8x128xf32, #tpu.memory_space<vmem>>) target_semaphore(%arg8 : memref<!tpu.dma_semaphore, #tpu.memory_space<semaphore_mem>>)
    %dma_start3A_44 = arith.constant 0 : i32
    %dma_start3A_45 = arith.constant 24 : i32
    %dma_start3A_46 = arith.constant 0 : i32
    %dma_start3A_47 = tpu.memref_slice %arg6[%dma_start3A_44, %dma_start3A_45, %dma_start3A_46] : memref<8x64x128xf32, #tpu.memory_space<vmem>> -> memref<1x8x128xf32, #tpu.memory_space<vmem>>
    %dma_start3A_48 = tpu.memref_squeeze %dma_start3A_47 : memref<1x8x128xf32, #tpu.memory_space<vmem>> -> memref<8x128xf32, #tpu.memory_space<vmem>>
    %dma_start3A_49 = arith.constant 24 : i32
    %dma_start3A_50 = tpu.memref_slice %arg3[%dma_start3A_49, %multiple_of3A] : memref<64x1000000xf32, #tpu.memory_space<hbm>> -> memref<8x128xf32, #tpu.memory_space<hbm>>
    %dma_start3A_51 = arith.constant 24 : i32
    %dma_start3A_52 = arith.constant 0 : i32
    %dma_start3A_53 = tpu.memref_slice %arg6[%dma_start3A_44, %dma_start3A_51, %dma_start3A_52] : memref<8x64x128xf32, #tpu.memory_space<vmem>> -> memref<1x8x128xf32, #tpu.memory_space<vmem>>
    %dma_start3A_54 = tpu.memref_squeeze %dma_start3A_53 : memref<1x8x128xf32, #tpu.memory_space<vmem>> -> memref<8x128xf32, #tpu.memory_space<vmem>>
    %dma_start3A_55 = arith.constant 24 : i32
    %dma_start3A_56 = tpu.memref_slice %arg3[%dma_start3A_55, %multiple_of3A] : memref<64x1000000xf32, #tpu.memory_space<hbm>> -> memref<8x128xf32, #tpu.memory_space<hbm>>
    tpu.enqueue_dma source(%dma_start3A_56 : memref<8x128xf32, #tpu.memory_space<hbm>>) target(%dma_start3A_54 : memref<8x128xf32, #tpu.memory_space<vmem>>) target_semaphore(%arg8 : memref<!tpu.dma_semaphore, #tpu.memory_space<semaphore_mem>>)
    %dma_start3A_57 = arith.constant 0 : i32
    %dma_start3A_58 = arith.constant 32 : i32
    %dma_start3A_59 = arith.constant 0 : i32
    %dma_start3A_60 = tpu.memref_slice %arg6[%dma_start3A_57, %dma_start3A_58, %dma_start3A_59] : memref<8x64x128xf32, #tpu.memory_space<vmem>> -> memref<1x8x128xf32, #tpu.memory_space<vmem>>
    %dma_start3A_61 = tpu.memref_squeeze %dma_start3A_60 : memref<1x8x128xf32, #tpu.memory_space<vmem>> -> memref<8x128xf32, #tpu.memory_space<vmem>>
    %dma_start3A_62 = arith.constant 32 : i32
    %dma_start3A_63 = tpu.memref_slice %arg3[%dma_start3A_62, %multiple_of3A] : memref<64x1000000xf32, #tpu.memory_space<hbm>> -> memref<8x128xf32, #tpu.memory_space<hbm>>
    %dma_start3A_64 = arith.constant 32 : i32
    %dma_start3A_65 = arith.constant 0 : i32
    %dma_start3A_66 = tpu.memref_slice %arg6[%dma_start3A_57, %dma_start3A_64, %dma_start3A_65] : memref<8x64x128xf32, #tpu.memory_space<vmem>> -> memref<1x8x128xf32, #tpu.memory_space<vmem>>
    %dma_start3A_67 = tpu.memref_squeeze %dma_start3A_66 : memref<1x8x128xf32, #tpu.memory_space<vmem>> -> memref<8x128xf32, #tpu.memory_space<vmem>>
    %dma_start3A_68 = arith.constant 32 : i32
    %dma_start3A_69 = tpu.memref_slice %arg3[%dma_start3A_68, %multiple_of3A] : memref<64x1000000xf32, #tpu.memory_space<hbm>> -> memref<8x128xf32, #tpu.memory_space<hbm>>
    tpu.enqueue_dma source(%dma_start3A_69 : memref<8x128xf32, #tpu.memory_space<hbm>>) target(%dma_start3A_67 : memref<8x128xf32, #tpu.memory_space<vmem>>) target_semaphore(%arg8 : memref<!tpu.dma_semaphore, #tpu.memory_space<semaphore_mem>>)
    %dma_start3A_70 = arith.constant 0 : i32
    %dma_start3A_71 = arith.constant 40 : i32
    %dma_start3A_72 = arith.constant 0 : i32
    %dma_start3A_73 = tpu.memref_slice %arg6[%dma_start3A_70, %dma_start3A_71, %dma_start3A_72] : memref<8x64x128xf32, #tpu.memory_space<vmem>> -> memref<1x8x128xf32, #tpu.memory_space<vmem>>
    %dma_start3A_74 = tpu.memref_squeeze %dma_start3A_73 : memref<1x8x128xf32, #tpu.memory_space<vmem>> -> memref<8x128xf32, #tpu.memory_space<vmem>>
    %dma_start3A_75 = arith.constant 40 : i32
    %dma_start3A_76 = tpu.memref_slice %arg3[%dma_start3A_75, %multiple_of3A] : memref<64x1000000xf32, #tpu.memory_space<hbm>> -> memref<8x128xf32, #tpu.memory_space<hbm>>
    %dma_start3A_77 = arith.constant 40 : i32
    %dma_start3A_78 = arith.constant 0 : i32
    %dma_start3A_79 = tpu.memref_slice %arg6[%dma_start3A_70, %dma_start3A_77, %dma_start3A_78] : memref<8x64x128xf32, #tpu.memory_space<vmem>> -> memref<1x8x128xf32, #tpu.memory_space<vmem>>
    %dma_start3A_80 = tpu.memref_squeeze %dma_start3A_79 : memref<1x8x128xf32, #tpu.memory_space<vmem>> -> memref<8x128xf32, #tpu.memory_space<vmem>>
    %dma_start3A_81 = arith.constant 40 : i32
    %dma_start3A_82 = tpu.memref_slice %arg3[%dma_start3A_81, %multiple_of3A] : memref<64x1000000xf32, #tpu.memory_space<hbm>> -> memref<8x128xf32, #tpu.memory_space<hbm>>
    tpu.enqueue_dma source(%dma_start3A_82 : memref<8x128xf32, #tpu.memory_space<hbm>>) target(%dma_start3A_80 : memref<8x128xf32, #tpu.memory_space<vmem>>) target_semaphore(%arg8 : memref<!tpu.dma_semaphore, #tpu.memory_space<semaphore_mem>>)
    %dma_start3A_83 = arith.constant 0 : i32
    %dma_start3A_84 = arith.constant 48 : i32
    %dma_start3A_85 = arith.constant 0 : i32
    %dma_start3A_86 = tpu.memref_slice %arg6[%dma_start3A_83, %dma_start3A_84, %dma_start3A_85] : memref<8x64x128xf32, #tpu.memory_space<vmem>> -> memref<1x8x128xf32, #tpu.memory_space<vmem>>
    %dma_start3A_87 = tpu.memref_squeeze %dma_start3A_86 : memref<1x8x128xf32, #tpu.memory_space<vmem>> -> memref<8x128xf32, #tpu.memory_space<vmem>>
    %dma_start3A_88 = arith.constant 48 : i32
    %dma_start3A_89 = tpu.memref_slice %arg3[%dma_start3A_88, %multiple_of3A] : memref<64x1000000xf32, #tpu.memory_space<hbm>> -> memref<8x128xf32, #tpu.memory_space<hbm>>
    %dma_start3A_90 = arith.constant 48 : i32
    %dma_start3A_91 = arith.constant 0 : i32
    %dma_start3A_92 = tpu.memref_slice %arg6[%dma_start3A_83, %dma_start3A_90, %dma_start3A_91] : memref<8x64x128xf32, #tpu.memory_space<vmem>> -> memref<1x8x128xf32, #tpu.memory_space<vmem>>
    %dma_start3A_93 = tpu.memref_squeeze %dma_start3A_92 : memref<1x8x128xf32, #tpu.memory_space<vmem>> -> memref<8x128xf32, #tpu.memory_space<vmem>>
    %dma_start3A_94 = arith.constant 48 : i32
    %dma_start3A_95 = tpu.memref_slice %arg3[%dma_start3A_94, %multiple_of3A] : memref<64x1000000xf32, #tpu.memory_space<hbm>> -> memref<8x128xf32, #tpu.memory_space<hbm>>
    tpu.enqueue_dma source(%dma_start3A_95 : memref<8x128xf32, #tpu.memory_space<hbm>>) target(%dma_start3A_93 : memref<8x128xf32, #tpu.memory_space<vmem>>) target_semaphore(%arg8 : memref<!tpu.dma_semaphore, #tpu.memory_space<semaphore_mem>>)
    %dma_start3A_96 = arith.constant 0 : i32
    %dma_start3A_97 = arith.constant 56 : i32
    %dma_start3A_98 = arith.constant 0 : i32
    %dma_start3A_99 = tpu.memref_slice %arg6[%dma_start3A_96, %dma_start3A_97, %dma_start3A_98] : memref<8x64x128xf32, #tpu.memory_space<vmem>> -> memref<1x8x128xf32, #tpu.memory_space<vmem>>
    %dma_start3A_100 = tpu.memref_squeeze %dma_start3A_99 : memref<1x8x128xf32, #tpu.memory_space<vmem>> -> memref<8x128xf32, #tpu.memory_space<vmem>>
    %dma_start3A_101 = arith.constant 56 : i32
    %dma_start3A_102 = tpu.memref_slice %arg3[%dma_start3A_101, %multiple_of3A] : memref<64x1000000xf32, #tpu.memory_space<hbm>> -> memref<8x128xf32, #tpu.memory_space<hbm>>
    %dma_start3A_103 = arith.constant 56 : i32
    %dma_start3A_104 = arith.constant 0 : i32
    %dma_start3A_105 = tpu.memref_slice %arg6[%dma_start3A_96, %dma_start3A_103, %dma_start3A_104] : memref<8x64x128xf32, #tpu.memory_space<vmem>> -> memref<1x8x128xf32, #tpu.memory_space<vmem>>
    %dma_start3A_106 = tpu.memref_squeeze %dma_start3A_105 : memref<1x8x128xf32, #tpu.memory_space<vmem>> -> memref<8x128xf32, #tpu.memory_space<vmem>>
    %dma_start3A_107 = arith.constant 56 : i32
    %dma_start3A_108 = tpu.memref_slice %arg3[%dma_start3A_107, %multiple_of3A] : memref<64x1000000xf32, #tpu.memory_space<hbm>> -> memref<8x128xf32, #tpu.memory_space<hbm>>
    tpu.enqueue_dma source(%dma_start3A_108 : memref<8x128xf32, #tpu.memory_space<hbm>>) target(%dma_start3A_106 : memref<8x128xf32, #tpu.memory_space<vmem>>) target_semaphore(%arg8 : memref<!tpu.dma_semaphore, #tpu.memory_space<semaphore_mem>>)
    %slice3A_109 = vector.extract_strided_slice %get3A_3 {offsets = [1], sizes = [1], strides = [1]} : vector<16xi32> to vector<1xi32>
    %squeeze3A_110 = vector.extract %slice3A_109[0] : i32 from vector<1xi32>
    %shift_right_arithmetic3A_111 = arith.constant 7 : i32
    %shift_right_arithmetic3A_112 = arith.shrsi %squeeze3A_110, %shift_right_arithmetic3A_111 : i32
    %shift_left3A_113 = arith.constant 7 : i32
    %shift_left3A_114 = arith.shli %shift_right_arithmetic3A_112, %shift_left3A_113 : i32
    %multiple_of3A_115 = tpu.assume_multiple %shift_left3A_114, 128 : i32
    %dma_start3A_116 = arith.constant 1 : i32
    %dma_start3A_117 = arith.constant 0 : i32
    %dma_start3A_118 = arith.constant 0 : i32
    %dma_start3A_119 = tpu.memref_slice %arg6[%dma_start3A_116, %dma_start3A_117, %dma_start3A_118] : memref<8x64x128xf32, #tpu.memory_space<vmem>> -> memref<1x8x128xf32, #tpu.memory_space<vmem>>
    %dma_start3A_120 = tpu.memref_squeeze %dma_start3A_119 : memref<1x8x128xf32, #tpu.memory_space<vmem>> -> memref<8x128xf32, #tpu.memory_space<vmem>>
    %dma_start3A_121 = arith.constant 0 : i32
    %dma_start3A_122 = tpu.memref_slice %arg3[%dma_start3A_121, %multiple_of3A_115] : memref<64x1000000xf32, #tpu.memory_space<hbm>> -> memref<8x128xf32, #tpu.memory_space<hbm>>
    %dma_start3A_123 = arith.constant 0 : i32
    %dma_start3A_124 = arith.constant 0 : i32
    %dma_start3A_125 = tpu.memref_slice %arg6[%dma_start3A_116, %dma_start3A_123, %dma_start3A_124] : memref<8x64x128xf32, #tpu.memory_space<vmem>> -> memref<1x8x128xf32, #tpu.memory_space<vmem>>
    %dma_start3A_126 = tpu.memref_squeeze %dma_start3A_125 : memref<1x8x128xf32, #tpu.memory_space<vmem>> -> memref<8x128xf32, #tpu.memory_space<vmem>>
    %dma_start3A_127 = arith.constant 0 : i32
    %dma_start3A_128 = tpu.memref_slice %arg3[%dma_start3A_127, %multiple_of3A_115] : memref<64x1000000xf32, #tpu.memory_space<hbm>> -> memref<8x128xf32, #tpu.memory_space<hbm>>
    tpu.enqueue_dma source(%dma_start3A_128 : memref<8x128xf32, #tpu.memory_space<hbm>>) target(%dma_start3A_126 : memref<8x128xf32, #tpu.memory_space<vmem>>) target_semaphore(%arg8 : memref<!tpu.dma_semaphore, #tpu.memory_space<semaphore_mem>>)
    %dma_start3A_129 = arith.constant 1 : i32
    %dma_start3A_130 = arith.constant 8 : i32
    %dma_start3A_131 = arith.constant 0 : i32
    %dma_start3A_132 = tpu.memref_slice %arg6[%dma_start3A_129, %dma_start3A_130, %dma_start3A_131] : memref<8x64x128xf32, #tpu.memory_space<vmem>> -> memref<1x8x128xf32, #tpu.memory_space<vmem>>
    %dma_start3A_133 = tpu.memref_squeeze %dma_start3A_132 : memref<1x8x128xf32, #tpu.memory_space<vmem>> -> memref<8x128xf32, #tpu.memory_space<vmem>>
    %dma_start3A_134 = arith.constant 8 : i32
    %dma_start3A_135 = tpu.memref_slice %arg3[%dma_start3A_134, %multiple_of3A_115] : memref<64x1000000xf32, #tpu.memory_space<hbm>> -> memref<8x128xf32, #tpu.memory_space<hbm>>
    %dma_start3A_136 = arith.constant 8 : i32
    %dma_start3A_137 = arith.constant 0 : i32
    %dma_start3A_138 = tpu.memref_slice %arg6[%dma_start3A_129, %dma_start3A_136, %dma_start3A_137] : memref<8x64x128xf32, #tpu.memory_space<vmem>> -> memref<1x8x128xf32, #tpu.memory_space<vmem>>
    %dma_start3A_139 = tpu.memref_squeeze %dma_start3A_138 : memref<1x8x128xf32, #tpu.memory_space<vmem>> -> memref<8x128xf32, #tpu.memory_space<vmem>>
    %dma_start3A_140 = arith.constant 8 : i32
    %dma_start3A_141 = tpu.memref_slice %arg3[%dma_start3A_140, %multiple_of3A_115] : memref<64x1000000xf32, #tpu.memory_space<hbm>> -> memref<8x128xf32, #tpu.memory_space<hbm>>
    tpu.enqueue_dma source(%dma_start3A_141 : memref<8x128xf32, #tpu.memory_space<hbm>>) target(%dma_start3A_139 : memref<8x128xf32, #tpu.memory_space<vmem>>) target_semaphore(%arg8 : memref<!tpu.dma_semaphore, #tpu.memory_space<semaphore_mem>>)
    %dma_start3A_142 = arith.constant 1 : i32
    %dma_start3A_143 = arith.constant 16 : i32
    %dma_start3A_144 = arith.constant 0 : i32
    %dma_start3A_145 = tpu.memref_slice %arg6[%dma_start3A_142, %dma_start3A_143, %dma_start3A_144] : memref<8x64x128xf32, #tpu.memory_space<vmem>> -> memref<1x8x128xf32, #tpu.memory_space<vmem>>
    %dma_start3A_146 = tpu.memref_squeeze %dma_start3A_145 : memref<1x8x128xf32, #tpu.memory_space<vmem>> -> memref<8x128xf32, #tpu.memory_space<vmem>>
    %dma_start3A_147 = arith.constant 16 : i32
    %dma_start3A_148 = tpu.memref_slice %arg3[%dma_start3A_147, %multiple_of3A_115] : memref<64x1000000xf32, #tpu.memory_space<hbm>> -> memref<8x128xf32, #tpu.memory_space<hbm>>
    %dma_start3A_149 = arith.constant 16 : i32
    %dma_start3A_150 = arith.constant 0 : i32
    %dma_start3A_151 = tpu.memref_slice %arg6[%dma_start3A_142, %dma_start3A_149, %dma_start3A_150] : memref<8x64x128xf32, #tpu.memory_space<vmem>> -> memref<1x8x128xf32, #tpu.memory_space<vmem>>
    %dma_start3A_152 = tpu.memref_squeeze %dma_start3A_151 : memref<1x8x128xf32, #tpu.memory_space<vmem>> -> memref<8x128xf32, #tpu.memory_space<vmem>>
    %dma_start3A_153 = arith.constant 16 : i32
    %dma_start3A_154 = tpu.memref_slice %arg3[%dma_start3A_153, %multiple_of3A_115] : memref<64x1000000xf32, #tpu.memory_space<hbm>> -> memref<8x128xf32, #tpu.memory_space<hbm>>
    tpu.enqueue_dma source(%dma_start3A_154 : memref<8x128xf32, #tpu.memory_space<hbm>>) target(%dma_start3A_152 : memref<8x128xf32, #tpu.memory_space<vmem>>) target_semaphore(%arg8 : memref<!tpu.dma_semaphore, #tpu.memory_space<semaphore_mem>>)
    %dma_start3A_155 = arith.constant 1 : i32
    %dma_start3A_156 = arith.constant 24 : i32
    %dma_start3A_157 = arith.constant 0 : i32
    %dma_start3A_158 = tpu.memref_slice %arg6[%dma_start3A_155, %dma_start3A_156, %dma_start3A_157] : memref<8x64x128xf32, #tpu.memory_space<vmem>> -> memref<1x8x128xf32, #tpu.memory_space<vmem>>
    %dma_start3A_159 = tpu.memref_squeeze %dma_start3A_158 : memref<1x8x128xf32, #tpu.memory_space<vmem>> -> memref<8x128xf32, #tpu.memory_space<vmem>>
    %dma_start3A_160 = arith.constant 24 : i32
    %dma_start3A_161 = tpu.memref_slice %arg3[%dma_start3A_160, %multiple_of3A_115] : memref<64x1000000xf32, #tpu.memory_space<hbm>> -> memref<8x128xf32, #tpu.memory_space<hbm>>
    %dma_start3A_162 = arith.constant 24 : i32
    %dma_start3A_163 = arith.constant 0 : i32
    %dma_start3A_164 = tpu.memref_slice %arg6[%dma_start3A_155, %dma_start3A_162, %dma_start3A_163] : memref<8x64x128xf32, #tpu.memory_space<vmem>> -> memref<1x8x128xf32, #tpu.memory_space<vmem>>
    %dma_start3A_165 = tpu.memref_squeeze %dma_start3A_164 : memref<1x8x128xf32, #tpu.memory_space<vmem>> -> memref<8x128xf32, #tpu.memory_space<vmem>>
    %dma_start3A_166 = arith.constant 24 : i32
    %dma_start3A_167 = tpu.memref_slice %arg3[%dma_start3A_166, %multiple_of3A_115] : memref<64x1000000xf32, #tpu.memory_space<hbm>> -> memref<8x128xf32, #tpu.memory_space<hbm>>
    tpu.enqueue_dma source(%dma_start3A_167 : memref<8x128xf32, #tpu.memory_space<hbm>>) target(%dma_start3A_165 : memref<8x128xf32, #tpu.memory_space<vmem>>) target_semaphore(%arg8 : memref<!tpu.dma_semaphore, #tpu.memory_space<semaphore_mem>>)
    %dma_start3A_168 = arith.constant 1 : i32
    %dma_start3A_169 = arith.constant 32 : i32
    %dma_start3A_170 = arith.constant 0 : i32
    %dma_start3A_171 = tpu.memref_slice %arg6[%dma_start3A_168, %dma_start3A_169, %dma_start3A_170] : memref<8x64x128xf32, #tpu.memory_space<vmem>> -> memref<1x8x128xf32, #tpu.memory_space<vmem>>
    %dma_start3A_172 = tpu.memref_squeeze %dma_start3A_171 : memref<1x8x128xf32, #tpu.memory_space<vmem>> -> memref<8x128xf32, #tpu.memory_space<vmem>>
    %dma_start3A_173 = arith.constant 32 : i32
    %dma_start3A_174 = tpu.memref_slice %arg3[%dma_start3A_173, %multiple_of3A_115] : memref<64x1000000xf32, #tpu.memory_space<hbm>> -> memref<8x128xf32, #tpu.memory_space<hbm>>
    %dma_start3A_175 = arith.constant 32 : i32
    %dma_start3A_176 = arith.constant 0 : i32
    %dma_start3A_177 = tpu.memref_slice %arg6[%dma_start3A_168, %dma_start3A_175, %dma_start3A_176] : memref<8x64x128xf32, #tpu.memory_space<vmem>> -> memref<1x8x128xf32, #tpu.memory_space<vmem>>
    %dma_start3A_178 = tpu.memref_squeeze %dma_start3A_177 : memref<1x8x128xf32, #tpu.memory_space<vmem>> -> memref<8x128xf32, #tpu.memory_space<vmem>>
    %dma_start3A_179 = arith.constant 32 : i32
    %dma_start3A_180 = tpu.memref_slice %arg3[%dma_start3A_179, %multiple_of3A_115] : memref<64x1000000xf32, #tpu.memory_space<hbm>> -> memref<8x128xf32, #tpu.memory_space<hbm>>
    tpu.enqueue_dma source(%dma_start3A_180 : memref<8x128xf32, #tpu.memory_space<hbm>>) target(%dma_start3A_178 : memref<8x128xf32, #tpu.memory_space<vmem>>) target_semaphore(%arg8 : memref<!tpu.dma_semaphore, #tpu.memory_space<semaphore_mem>>)
    %dma_start3A_181 = arith.constant 1 : i32
    %dma_start3A_182 = arith.constant 40 : i32
    %dma_start3A_183 = arith.constant 0 : i32
    %dma_start3A_184 = tpu.memref_slice %arg6[%dma_start3A_181, %dma_start3A_182, %dma_start3A_183] : memref<8x64x128xf32, #tpu.memory_space<vmem>> -> memref<1x8x128xf32, #tpu.memory_space<vmem>>
    %dma_start3A_185 = tpu.memref_squeeze %dma_start3A_184 : memref<1x8x128xf32, #tpu.memory_space<vmem>> -> memref<8x128xf32, #tpu.memory_space<vmem>>
    %dma_start3A_186 = arith.constant 40 : i32
    %dma_start3A_187 = tpu.memref_slice %arg3[%dma_start3A_186, %multiple_of3A_115] : memref<64x1000000xf32, #tpu.memory_space<hbm>> -> memref<8x128xf32, #tpu.memory_space<hbm>>
    %dma_start3A_188 = arith.constant 40 : i32
    %dma_start3A_189 = arith.constant 0 : i32
    %dma_start3A_190 = tpu.memref_slice %arg6[%dma_start3A_181, %dma_start3A_188, %dma_start3A_189] : memref<8x64x128xf32, #tpu.memory_space<vmem>> -> memref<1x8x128xf32, #tpu.memory_space<vmem>>
    %dma_start3A_191 = tpu.memref_squeeze %dma_start3A_190 : memref<1x8x128xf32, #tpu.memory_space<vmem>> -> memref<8x128xf32, #tpu.memory_space<vmem>>
    %dma_start3A_192 = arith.constant 40 : i32
    %dma_start3A_193 = tpu.memref_slice %arg3[%dma_start3A_192, %multiple_of3A_115] : memref<64x1000000xf32, #tpu.memory_space<hbm>> -> memref<8x128xf32, #tpu.memory_space<hbm>>
    tpu.enqueue_dma source(%dma_start3A_193 : memref<8x128xf32, #tpu.memory_space<hbm>>) target(%dma_start3A_191 : memref<8x128xf32, #tpu.memory_space<vmem>>) target_semaphore(%arg8 : memref<!tpu.dma_semaphore, #tpu.memory_space<semaphore_mem>>)
    %dma_start3A_194 = arith.constant 1 : i32
    %dma_start3A_195 = arith.constant 48 : i32
    %dma_start3A_196 = arith.constant 0 : i32
    %dma_start3A_197 = tpu.memref_slice %arg6[%dma_start3A_194, %dma_start3A_195, %dma_start3A_196] : memref<8x64x128xf32, #tpu.memory_space<vmem>> -> memref<1x8x128xf32, #tpu.memory_space<vmem>>
    %dma_start3A_198 = tpu.memref_squeeze %dma_start3A_197 : memref<1x8x128xf32, #tpu.memory_space<vmem>> -> memref<8x128xf32, #tpu.memory_space<vmem>>
    %dma_start3A_199 = arith.constant 48 : i32
    %dma_start3A_200 = tpu.memref_slice %arg3[%dma_start3A_199, %multiple_of3A_115] : memref<64x1000000xf32, #tpu.memory_space<hbm>> -> memref<8x128xf32, #tpu.memory_space<hbm>>
    %dma_start3A_201 = arith.constant 48 : i32
    %dma_start3A_202 = arith.constant 0 : i32
    %dma_start3A_203 = tpu.memref_slice %arg6[%dma_start3A_194, %dma_start3A_201, %dma_start3A_202] : memref<8x64x128xf32, #tpu.memory_space<vmem>> -> memref<1x8x128xf32, #tpu.memory_space<vmem>>
    %dma_start3A_204 = tpu.memref_squeeze %dma_start3A_203 : memref<1x8x128xf32, #tpu.memory_space<vmem>> -> memref<8x128xf32, #tpu.memory_space<vmem>>
    %dma_start3A_205 = arith.constant 48 : i32
    %dma_start3A_206 = tpu.memref_slice %arg3[%dma_start3A_205, %multiple_of3A_115] : memref<64x1000000xf32, #tpu.memory_space<hbm>> -> memref<8x128xf32, #tpu.memory_space<hbm>>
    tpu.enqueue_dma source(%dma_start3A_206 : memref<8x128xf32, #tpu.memory_space<hbm>>) target(%dma_start3A_204 : memref<8x128xf32, #tpu.memory_space<vmem>>) target_semaphore(%arg8 : memref<!tpu.dma_semaphore, #tpu.memory_space<semaphore_mem>>)
    %dma_start3A_207 = arith.constant 1 : i32
    %dma_start3A_208 = arith.constant 56 : i32
    %dma_start3A_209 = arith.constant 0 : i32
    %dma_start3A_210 = tpu.memref_slice %arg6[%dma_start3A_207, %dma_start3A_208, %dma_start3A_209] : memref<8x64x128xf32, #tpu.memory_space<vmem>> -> memref<1x8x128xf32, #tpu.memory_space<vmem>>
    %dma_start3A_211 = tpu.memref_squeeze %dma_start3A_210 : memref<1x8x128xf32, #tpu.memory_space<vmem>> -> memref<8x128xf32, #tpu.memory_space<vmem>>
    %dma_start3A_212 = arith.constant 56 : i32
    %dma_start3A_213 = tpu.memref_slice %arg3[%dma_start3A_212, %multiple_of3A_115] : memref<64x1000000xf32, #tpu.memory_space<hbm>> -> memref<8x128xf32, #tpu.memory_space<hbm>>
    %dma_start3A_214 = arith.constant 56 : i32
    %dma_start3A_215 = arith.constant 0 : i32
    %dma_start3A_216 = tpu.memref_slice %arg6[%dma_start3A_207, %dma_start3A_214, %dma_start3A_215] : memref<8x64x128xf32, #tpu.memory_space<vmem>> -> memref<1x8x128xf32, #tpu.memory_space<vmem>>
    %dma_start3A_217 = tpu.memref_squeeze %dma_start3A_216 : memref<1x8x128xf32, #tpu.memory_space<vmem>> -> memref<8x128xf32, #tpu.memory_space<vmem>>
    %dma_start3A_218 = arith.constant 56 : i32
    %dma_start3A_219 = tpu.memref_slice %arg3[%dma_start3A_218, %multiple_of3A_115] : memref<64x1000000xf32, #tpu.memory_space<hbm>> -> memref<8x128xf32, #tpu.memory_space<hbm>>
    tpu.enqueue_dma source(%dma_start3A_219 : memref<8x128xf32, #tpu.memory_space<hbm>>) target(%dma_start3A_217 : memref<8x128xf32, #tpu.memory_space<vmem>>) target_semaphore(%arg8 : memref<!tpu.dma_semaphore, #tpu.memory_space<semaphore_mem>>)
    %slice3A_220 = vector.extract_strided_slice %get3A_3 {offsets = [2], sizes = [1], strides = [1]} : vector<16xi32> to vector<1xi32>
    %squeeze3A_221 = vector.extract %slice3A_220[0] : i32 from vector<1xi32>
    %shift_right_arithmetic3A_222 = arith.constant 7 : i32
    %shift_right_arithmetic3A_223 = arith.shrsi %squeeze3A_221, %shift_right_arithmetic3A_222 : i32
    %shift_left3A_224 = arith.constant 7 : i32
    %shift_left3A_225 = arith.shli %shift_right_arithmetic3A_223, %shift_left3A_224 : i32
    %multiple_of3A_226 = tpu.assume_multiple %shift_left3A_225, 128 : i32
    %dma_start3A_227 = arith.constant 2 : i32
    %dma_start3A_228 = arith.constant 0 : i32
    %dma_start3A_229 = arith.constant 0 : i32
    %dma_start3A_230 = tpu.memref_slice %arg6[%dma_start3A_227, %dma_start3A_228, %dma_start3A_229] : memref<8x64x128xf32, #tpu.memory_space<vmem>> -> memref<1x8x128xf32, #tpu.memory_space<vmem>>
    %dma_start3A_231 = tpu.memref_squeeze %dma_start3A_230 : memref<1x8x128xf32, #tpu.memory_space<vmem>> -> memref<8x128xf32, #tpu.memory_space<vmem>>
    %dma_start3A_232 = arith.constant 0 : i32
    %dma_start3A_233 = tpu.memref_slice %arg3[%dma_start3A_232, %multiple_of3A_226] : memref<64x1000000xf32, #tpu.memory_space<hbm>> -> memref<8x128xf32, #tpu.memory_space<hbm>>
    %dma_start3A_234 = arith.constant 0 : i32
    %dma_start3A_235 = arith.constant 0 : i32
    %dma_start3A_236 = tpu.memref_slice %arg6[%dma_start3A_227, %dma_start3A_234, %dma_start3A_235] : memref<8x64x128xf32, #tpu.memory_space<vmem>> -> memref<1x8x128xf32, #tpu.memory_space<vmem>>
    %dma_start3A_237 = tpu.memref_squeeze %dma_start3A_236 : memref<1x8x128xf32, #tpu.memory_space<vmem>> -> memref<8x128xf32, #tpu.memory_space<vmem>>
    %dma_start3A_238 = arith.constant 0 : i32
    %dma_start3A_239 = tpu.memref_slice %arg3[%dma_start3A_238, %multiple_of3A_226] : memref<64x1000000xf32, #tpu.memory_space<hbm>> -> memref<8x128xf32, #tpu.memory_space<hbm>>
    tpu.enqueue_dma source(%dma_start3A_239 : memref<8x128xf32, #tpu.memory_space<hbm>>) target(%dma_start3A_237 : memref<8x128xf32, #tpu.memory_space<vmem>>) target_semaphore(%arg8 : memref<!tpu.dma_semaphore, #tpu.memory_space<semaphore_mem>>)
    %dma_start3A_240 = arith.constant 2 : i32
    %dma_start3A_241 = arith.constant 8 : i32
    %dma_start3A_242 = arith.constant 0 : i32
    %dma_start3A_243 = tpu.memref_slice %arg6[%dma_start3A_240, %dma_start3A_241, %dma_start3A_242] : memref<8x64x128xf32, #tpu.memory_space<vmem>> -> memref<1x8x128xf32, #tpu.memory_space<vmem>>
    %dma_start3A_244 = tpu.memref_squeeze %dma_start3A_243 : memref<1x8x128xf32, #tpu.memory_space<vmem>> -> memref<8x128xf32, #tpu.memory_space<vmem>>
    %dma_start3A_245 = arith.constant 8 : i32
    %dma_start3A_246 = tpu.memref_slice %arg3[%dma_start3A_245, %multiple_of3A_226] : memref<64x1000000xf32, #tpu.memory_space<hbm>> -> memref<8x128xf32, #tpu.memory_space<hbm>>
    %dma_start3A_247 = arith.constant 8 : i32
    %dma_start3A_248 = arith.constant 0 : i32
    %dma_start3A_249 = tpu.memref_slice %arg6[%dma_start3A_240, %dma_start3A_247, %dma_start3A_248] : memref<8x64x128xf32, #tpu.memory_space<vmem>> -> memref<1x8x128xf32, #tpu.memory_space<vmem>>
    %dma_start3A_250 = tpu.memref_squeeze %dma_start3A_249 : memref<1x8x128xf32, #tpu.memory_space<vmem>> -> memref<8x128xf32, #tpu.memory_space<vmem>>
    %dma_start3A_251 = arith.constant 8 : i32
    %dma_start3A_252 = tpu.memref_slice %arg3[%dma_start3A_251, %multiple_of3A_226] : memref<64x1000000xf32, #tpu.memory_space<hbm>> -> memref<8x128xf32, #tpu.memory_space<hbm>>
    tpu.enqueue_dma source(%dma_start3A_252 : memref<8x128xf32, #tpu.memory_space<hbm>>) target(%dma_start3A_250 : memref<8x128xf32, #tpu.memory_space<vmem>>) target_semaphore(%arg8 : memref<!tpu.dma_semaphore, #tpu.memory_space<semaphore_mem>>)
    %dma_start3A_253 = arith.constant 2 : i32
    %dma_start3A_254 = arith.constant 16 : i32
    %dma_start3A_255 = arith.constant 0 : i32
    %dma_start3A_256 = tpu.memref_slice %arg6[%dma_start3A_253, %dma_start3A_254, %dma_start3A_255] : memref<8x64x128xf32, #tpu.memory_space<vmem>> -> memref<1x8x128xf32, #tpu.memory_space<vmem>>
    %dma_start3A_257 = tpu.memref_squeeze %dma_start3A_256 : memref<1x8x128xf32, #tpu.memory_space<vmem>> -> memref<8x128xf32, #tpu.memory_space<vmem>>
    %dma_start3A_258 = arith.constant 16 : i32
    %dma_start3A_259 = tpu.memref_slice %arg3[%dma_start3A_258, %multiple_of3A_226] : memref<64x1000000xf32, #tpu.memory_space<hbm>> -> memref<8x128xf32, #tpu.memory_space<hbm>>
    %dma_start3A_260 = arith.constant 16 : i32
    %dma_start3A_261 = arith.constant 0 : i32
    %dma_start3A_262 = tpu.memref_slice %arg6[%dma_start3A_253, %dma_start3A_260, %dma_start3A_261] : memref<8x64x128xf32, #tpu.memory_space<vmem>> -> memref<1x8x128xf32, #tpu.memory_space<vmem>>
    %dma_start3A_263 = tpu.memref_squeeze %dma_start3A_262 : memref<1x8x128xf32, #tpu.memory_space<vmem>> -> memref<8x128xf32, #tpu.memory_space<vmem>>
    %dma_start3A_264 = arith.constant 16 : i32
    %dma_start3A_265 = tpu.memref_slice %arg3[%dma_start3A_264, %multiple_of3A_226] : memref<64x1000000xf32, #tpu.memory_space<hbm>> -> memref<8x128xf32, #tpu.memory_space<hbm>>
    tpu.enqueue_dma source(%dma_start3A_265 : memref<8x128xf32, #tpu.memory_space<hbm>>) target(%dma_start3A_263 : memref<8x128xf32, #tpu.memory_space<vmem>>) target_semaphore(%arg8 : memref<!tpu.dma_semaphore, #tpu.memory_space<semaphore_mem>>)
    %dma_start3A_266 = arith.constant 2 : i32
    %dma_start3A_267 = arith.constant 24 : i32
    %dma_start3A_268 = arith.constant 0 : i32
    %dma_start3A_269 = tpu.memref_slice %arg6[%dma_start3A_266, %dma_start3A_267, %dma_start3A_268] : memref<8x64x128xf32, #tpu.memory_space<vmem>> -> memref<1x8x128xf32, #tpu.memory_space<vmem>>
    %dma_start3A_270 = tpu.memref_squeeze %dma_start3A_269 : memref<1x8x128xf32, #tpu.memory_space<vmem>> -> memref<8x128xf32, #tpu.memory_space<vmem>>
    %dma_start3A_271 = arith.constant 24 : i32
    %dma_start3A_272 = tpu.memref_slice %arg3[%dma_start3A_271, %multiple_of3A_226] : memref<64x1000000xf32, #tpu.memory_space<hbm>> -> memref<8x128xf32, #tpu.memory_space<hbm>>
    %dma_start3A_273 = arith.constant 24 : i32
    %dma_start3A_274 = arith.constant 0 : i32
    %dma_start3A_275 = tpu.memref_slice %arg6[%dma_start3A_266, %dma_start3A_273, %dma_start3A_274] : memref<8x64x128xf32, #tpu.memory_space<vmem>> -> memref<1x8x128xf32, #tpu.memory_space<vmem>>
    %dma_start3A_276 = tpu.memref_squeeze %dma_start3A_275 : memref<1x8x128xf32, #tpu.memory_space<vmem>> -> memref<8x128xf32, #tpu.memory_space<vmem>>
    %dma_start3A_277 = arith.constant 24 : i32
    %dma_start3A_278 = tpu.memref_slice %arg3[%dma_start3A_277, %multiple_of3A_226] : memref<64x1000000xf32, #tpu.memory_space<hbm>> -> memref<8x128xf32, #tpu.memory_space<hbm>>
    tpu.enqueue_dma source(%dma_start3A_278 : memref<8x128xf32, #tpu.memory_space<hbm>>) target(%dma_start3A_276 : memref<8x128xf32, #tpu.memory_space<vmem>>) target_semaphore(%arg8 : memref<!tpu.dma_semaphore, #tpu.memory_space<semaphore_mem>>)
    %dma_start3A_279 = arith.constant 2 : i32
    %dma_start3A_280 = arith.constant 32 : i32
    %dma_start3A_281 = arith.constant 0 : i32
    %dma_start3A_282 = tpu.memref_slice %arg6[%dma_start3A_279, %dma_start3A_280, %dma_start3A_281] : memref<8x64x128xf32, #tpu.memory_space<vmem>> -> memref<1x8x128xf32, #tpu.memory_space<vmem>>
    %dma_start3A_283 = tpu.memref_squeeze %dma_start3A_282 : memref<1x8x128xf32, #tpu.memory_space<vmem>> -> memref<8x128xf32, #tpu.memory_space<vmem>>
    %dma_start3A_284 = arith.constant 32 : i32
    %dma_start3A_285 = tpu.memref_slice %arg3[%dma_start3A_284, %multiple_of3A_226] : memref<64x1000000xf32, #tpu.memory_space<hbm>> -> memref<8x128xf32, #tpu.memory_space<hbm>>
    %dma_start3A_286 = arith.constant 32 : i32
    %dma_start3A_287 = arith.constant 0 : i32
    %dma_start3A_288 = tpu.memref_slice %arg6[%dma_start3A_279, %dma_start3A_286, %dma_start3A_287] : memref<8x64x128xf32, #tpu.memory_space<vmem>> -> memref<1x8x128xf32, #tpu.memory_space<vmem>>
    %dma_start3A_289 = tpu.memref_squeeze %dma_start3A_288 : memref<1x8x128xf32, #tpu.memory_space<vmem>> -> memref<8x128xf32, #tpu.memory_space<vmem>>
    %dma_start3A_290 = arith.constant 32 : i32
    %dma_start3A_291 = tpu.memref_slice %arg3[%dma_start3A_290, %multiple_of3A_226] : memref<64x1000000xf32, #tpu.memory_space<hbm>> -> memref<8x128xf32, #tpu.memory_space<hbm>>
    tpu.enqueue_dma source(%dma_start3A_291 : memref<8x128xf32, #tpu.memory_space<hbm>>) target(%dma_start3A_289 : memref<8x128xf32, #tpu.memory_space<vmem>>) target_semaphore(%arg8 : memref<!tpu.dma_semaphore, #tpu.memory_space<semaphore_mem>>)
    %dma_start3A_292 = arith.constant 2 : i32
    %dma_start3A_293 = arith.constant 40 : i32
    %dma_start3A_294 = arith.constant 0 : i32
    %dma_start3A_295 = tpu.memref_slice %arg6[%dma_start3A_292, %dma_start3A_293, %dma_start3A_294] : memref<8x64x128xf32, #tpu.memory_space<vmem>> -> memref<1x8x128xf32, #tpu.memory_space<vmem>>
    %dma_start3A_296 = tpu.memref_squeeze %dma_start3A_295 : memref<1x8x128xf32, #tpu.memory_space<vmem>> -> memref<8x128xf32, #tpu.memory_space<vmem>>
    %dma_start3A_297 = arith.constant 40 : i32
    %dma_start3A_298 = tpu.memref_slice %arg3[%dma_start3A_297, %multiple_of3A_226] : memref<64x1000000xf32, #tpu.memory_space<hbm>> -> memref<8x128xf32, #tpu.memory_space<hbm>>
    %dma_start3A_299 = arith.constant 40 : i32
    %dma_start3A_300 = arith.constant 0 : i32
    %dma_start3A_301 = tpu.memref_slice %arg6[%dma_start3A_292, %dma_start3A_299, %dma_start3A_300] : memref<8x64x128xf32, #tpu.memory_space<vmem>> -> memref<1x8x128xf32, #tpu.memory_space<vmem>>
    %dma_start3A_302 = tpu.memref_squeeze %dma_start3A_301 : memref<1x8x128xf32, #tpu.memory_space<vmem>> -> memref<8x128xf32, #tpu.memory_space<vmem>>
    %dma_start3A_303 = arith.constant 40 : i32
    %dma_start3A_304 = tpu.memref_slice %arg3[%dma_start3A_303, %multiple_of3A_226] : memref<64x1000000xf32, #tpu.memory_space<hbm>> -> memref<8x128xf32, #tpu.memory_space<hbm>>
    tpu.enqueue_dma source(%dma_start3A_304 : memref<8x128xf32, #tpu.memory_space<hbm>>) target(%dma_start3A_302 : memref<8x128xf32, #tpu.memory_space<vmem>>) target_semaphore(%arg8 : memref<!tpu.dma_semaphore, #tpu.memory_space<semaphore_mem>>)
    %dma_start3A_305 = arith.constant 2 : i32
    %dma_start3A_306 = arith.constant 48 : i32
    %dma_start3A_307 = arith.constant 0 : i32
    %dma_start3A_308 = tpu.memref_slice %arg6[%dma_start3A_305, %dma_start3A_306, %dma_start3A_307] : memref<8x64x128xf32, #tpu.memory_space<vmem>> -> memref<1x8x128xf32, #tpu.memory_space<vmem>>
    %dma_start3A_309 = tpu.memref_squeeze %dma_start3A_308 : memref<1x8x128xf32, #tpu.memory_space<vmem>> -> memref<8x128xf32, #tpu.memory_space<vmem>>
    %dma_start3A_310 = arith.constant 48 : i32
    %dma_start3A_311 = tpu.memref_slice %arg3[%dma_start3A_310, %multiple_of3A_226] : memref<64x1000000xf32, #tpu.memory_space<hbm>> -> memref<8x128xf32, #tpu.memory_space<hbm>>
    %dma_start3A_312 = arith.constant 48 : i32
    %dma_start3A_313 = arith.constant 0 : i32
    %dma_start3A_314 = tpu.memref_slice %arg6[%dma_start3A_305, %dma_start3A_312, %dma_start3A_313] : memref<8x64x128xf32, #tpu.memory_space<vmem>> -> memref<1x8x128xf32, #tpu.memory_space<vmem>>
    %dma_start3A_315 = tpu.memref_squeeze %dma_start3A_314 : memref<1x8x128xf32, #tpu.memory_space<vmem>> -> memref<8x128xf32, #tpu.memory_space<vmem>>
    %dma_start3A_316 = arith.constant 48 : i32
    %dma_start3A_317 = tpu.memref_slice %arg3[%dma_start3A_316, %multiple_of3A_226] : memref<64x1000000xf32, #tpu.memory_space<hbm>> -> memref<8x128xf32, #tpu.memory_space<hbm>>
    tpu.enqueue_dma source(%dma_start3A_317 : memref<8x128xf32, #tpu.memory_space<hbm>>) target(%dma_start3A_315 : memref<8x128xf32, #tpu.memory_space<vmem>>) target_semaphore(%arg8 : memref<!tpu.dma_semaphore, #tpu.memory_space<semaphore_mem>>)
    %dma_start3A_318 = arith.constant 2 : i32
    %dma_start3A_319 = arith.constant 56 : i32
    %dma_start3A_320 = arith.constant 0 : i32
    %dma_start3A_321 = tpu.memref_slice %arg6[%dma_start3A_318, %dma_start3A_319, %dma_start3A_320] : memref<8x64x128xf32, #tpu.memory_space<vmem>> -> memref<1x8x128xf32, #tpu.memory_space<vmem>>
    %dma_start3A_322 = tpu.memref_squeeze %dma_start3A_321 : memref<1x8x128xf32, #tpu.memory_space<vmem>> -> memref<8x128xf32, #tpu.memory_space<vmem>>
    %dma_start3A_323 = arith.constant 56 : i32
    %dma_start3A_324 = tpu.memref_slice %arg3[%dma_start3A_323, %multiple_of3A_226] : memref<64x1000000xf32, #tpu.memory_space<hbm>> -> memref<8x128xf32, #tpu.memory_space<hbm>>
    %dma_start3A_325 = arith.constant 56 : i32
    %dma_start3A_326 = arith.constant 0 : i32
    %dma_start3A_327 = tpu.memref_slice %arg6[%dma_start3A_318, %dma_start3A_325, %dma_start3A_326] : memref<8x64x128xf32, #tpu.memory_space<vmem>> -> memref<1x8x128xf32, #tpu.memory_space<vmem>>
    %dma_start3A_328 = tpu.memref_squeeze %dma_start3A_327 : memref<1x8x128xf32, #tpu.memory_space<vmem>> -> memref<8x128xf32, #tpu.memory_space<vmem>>
    %dma_start3A_329 = arith.constant 56 : i32
    %dma_start3A_330 = tpu.memref_slice %arg3[%dma_start3A_329, %multiple_of3A_226] : memref<64x1000000xf32, #tpu.memory_space<hbm>> -> memref<8x128xf32, #tpu.memory_space<hbm>>
    tpu.enqueue_dma source(%dma_start3A_330 : memref<8x128xf32, #tpu.memory_space<hbm>>) target(%dma_start3A_328 : memref<8x128xf32, #tpu.memory_space<vmem>>) target_semaphore(%arg8 : memref<!tpu.dma_semaphore, #tpu.memory_space<semaphore_mem>>)
    %slice3A_331 = vector.extract_strided_slice %get3A_3 {offsets = [3], sizes = [1], strides = [1]} : vector<16xi32> to vector<1xi32>
    %squeeze3A_332 = vector.extract %slice3A_331[0] : i32 from vector<1xi32>
    %shift_right_arithmetic3A_333 = arith.constant 7 : i32
    %shift_right_arithmetic3A_334 = arith.shrsi %squeeze3A_332, %shift_right_arithmetic3A_333 : i32
    %shift_left3A_335 = arith.constant 7 : i32
    %shift_left3A_336 = arith.shli %shift_right_arithmetic3A_334, %shift_left3A_335 : i32
    %multiple_of3A_337 = tpu.assume_multiple %shift_left3A_336, 128 : i32
    %dma_start3A_338 = arith.constant 3 : i32
    %dma_start3A_339 = arith.constant 0 : i32
    %dma_start3A_340 = arith.constant 0 : i32
    %dma_start3A_341 = tpu.memref_slice %arg6[%dma_start3A_338, %dma_start3A_339, %dma_start3A_340] : memref<8x64x128xf32, #tpu.memory_space<vmem>> -> memref<1x8x128xf32, #tpu.memory_space<vmem>>
    %dma_start3A_342 = tpu.memref_squeeze %dma_start3A_341 : memref<1x8x128xf32, #tpu.memory_space<vmem>> -> memref<8x128xf32, #tpu.memory_space<vmem>>
    %dma_start3A_343 = arith.constant 0 : i32
    %dma_start3A_344 = tpu.memref_slice %arg3[%dma_start3A_343, %multiple_of3A_337] : memref<64x1000000xf32, #tpu.memory_space<hbm>> -> memref<8x128xf32, #tpu.memory_space<hbm>>
    %dma_start3A_345 = arith.constant 0 : i32
    %dma_start3A_346 = arith.constant 0 : i32
    %dma_start3A_347 = tpu.memref_slice %arg6[%dma_start3A_338, %dma_start3A_345, %dma_start3A_346] : memref<8x64x128xf32, #tpu.memory_space<vmem>> -> memref<1x8x128xf32, #tpu.memory_space<vmem>>
    %dma_start3A_348 = tpu.memref_squeeze %dma_start3A_347 : memref<1x8x128xf32, #tpu.memory_space<vmem>> -> memref<8x128xf32, #tpu.memory_space<vmem>>
    %dma_start3A_349 = arith.constant 0 : i32
    %dma_start3A_350 = tpu.memref_slice %arg3[%dma_start3A_349, %multiple_of3A_337] : memref<64x1000000xf32, #tpu.memory_space<hbm>> -> memref<8x128xf32, #tpu.memory_space<hbm>>
    tpu.enqueue_dma source(%dma_start3A_350 : memref<8x128xf32, #tpu.memory_space<hbm>>) target(%dma_start3A_348 : memref<8x128xf32, #tpu.memory_space<vmem>>) target_semaphore(%arg8 : memref<!tpu.dma_semaphore, #tpu.memory_space<semaphore_mem>>)
    %dma_start3A_351 = arith.constant 3 : i32
    %dma_start3A_352 = arith.constant 8 : i32
    %dma_start3A_353 = arith.constant 0 : i32
    %dma_start3A_354 = tpu.memref_slice %arg6[%dma_start3A_351, %dma_start3A_352, %dma_start3A_353] : memref<8x64x128xf32, #tpu.memory_space<vmem>> -> memref<1x8x128xf32, #tpu.memory_space<vmem>>
    %dma_start3A_355 = tpu.memref_squeeze %dma_start3A_354 : memref<1x8x128xf32, #tpu.memory_space<vmem>> -> memref<8x128xf32, #tpu.memory_space<vmem>>
    %dma_start3A_356 = arith.constant 8 : i32
    %dma_start3A_357 = tpu.memref_slice %arg3[%dma_start3A_356, %multiple_of3A_337] : memref<64x1000000xf32, #tpu.memory_space<hbm>> -> memref<8x128xf32, #tpu.memory_space<hbm>>
    %dma_start3A_358 = arith.constant 8 : i32
    %dma_start3A_359 = arith.constant 0 : i32
    %dma_start3A_360 = tpu.memref_slice %arg6[%dma_start3A_351, %dma_start3A_358, %dma_start3A_359] : memref<8x64x128xf32, #tpu.memory_space<vmem>> -> memref<1x8x128xf32, #tpu.memory_space<vmem>>
    %dma_start3A_361 = tpu.memref_squeeze %dma_start3A_360 : memref<1x8x128xf32, #tpu.memory_space<vmem>> -> memref<8x128xf32, #tpu.memory_space<vmem>>
    %dma_start3A_362 = arith.constant 8 : i32
    %dma_start3A_363 = tpu.memref_slice %arg3[%dma_start3A_362, %multiple_of3A_337] : memref<64x1000000xf32, #tpu.memory_space<hbm>> -> memref<8x128xf32, #tpu.memory_space<hbm>>
    tpu.enqueue_dma source(%dma_start3A_363 : memref<8x128xf32, #tpu.memory_space<hbm>>) target(%dma_start3A_361 : memref<8x128xf32, #tpu.memory_space<vmem>>) target_semaphore(%arg8 : memref<!tpu.dma_semaphore, #tpu.memory_space<semaphore_mem>>)
    %dma_start3A_364 = arith.constant 3 : i32
    %dma_start3A_365 = arith.constant 16 : i32
    %dma_start3A_366 = arith.constant 0 : i32
    %dma_start3A_367 = tpu.memref_slice %arg6[%dma_start3A_364, %dma_start3A_365, %dma_start3A_366] : memref<8x64x128xf32, #tpu.memory_space<vmem>> -> memref<1x8x128xf32, #tpu.memory_space<vmem>>
    %dma_start3A_368 = tpu.memref_squeeze %dma_start3A_367 : memref<1x8x128xf32, #tpu.memory_space<vmem>> -> memref<8x128xf32, #tpu.memory_space<vmem>>
    %dma_start3A_369 = arith.constant 16 : i32
    %dma_start3A_370 = tpu.memref_slice %arg3[%dma_start3A_369, %multiple_of3A_337] : memref<64x1000000xf32, #tpu.memory_space<hbm>> -> memref<8x128xf32, #tpu.memory_space<hbm>>
    %dma_start3A_371 = arith.constant 16 : i32
    %dma_start3A_372 = arith.constant 0 : i32
    %dma_start3A_373 = tpu.memref_slice %arg6[%dma_start3A_364, %dma_start3A_371, %dma_start3A_372] : memref<8x64x128xf32, #tpu.memory_space<vmem>> -> memref<1x8x128xf32, #tpu.memory_space<vmem>>
    %dma_start3A_374 = tpu.memref_squeeze %dma_start3A_373 : memref<1x8x128xf32, #tpu.memory_space<vmem>> -> memref<8x128xf32, #tpu.memory_space<vmem>>
    %dma_start3A_375 = arith.constant 16 : i32
    %dma_start3A_376 = tpu.memref_slice %arg3[%dma_start3A_375, %multiple_of3A_337] : memref<64x1000000xf32, #tpu.memory_space<hbm>> -> memref<8x128xf32, #tpu.memory_space<hbm>>
    tpu.enqueue_dma source(%dma_start3A_376 : memref<8x128xf32, #tpu.memory_space<hbm>>) target(%dma_start3A_374 : memref<8x128xf32, #tpu.memory_space<vmem>>) target_semaphore(%arg8 : memref<!tpu.dma_semaphore, #tpu.memory_space<semaphore_mem>>)
    %dma_start3A_377 = arith.constant 3 : i32
    %dma_start3A_378 = arith.constant 24 : i32
    %dma_start3A_379 = arith.constant 0 : i32
    %dma_start3A_380 = tpu.memref_slice %arg6[%dma_start3A_377, %dma_start3A_378, %dma_start3A_379] : memref<8x64x128xf32, #tpu.memory_space<vmem>> -> memref<1x8x128xf32, #tpu.memory_space<vmem>>
    %dma_start3A_381 = tpu.memref_squeeze %dma_start3A_380 : memref<1x8x128xf32, #tpu.memory_space<vmem>> -> memref<8x128xf32, #tpu.memory_space<vmem>>
    %dma_start3A_382 = arith.constant 24 : i32
    %dma_start3A_383 = tpu.memref_slice %arg3[%dma_start3A_382, %multiple_of3A_337] : memref<64x1000000xf32, #tpu.memory_space<hbm>> -> memref<8x128xf32, #tpu.memory_space<hbm>>
    %dma_start3A_384 = arith.constant 24 : i32
    %dma_start3A_385 = arith.constant 0 : i32
    %dma_start3A_386 = tpu.memref_slice %arg6[%dma_start3A_377, %dma_start3A_384, %dma_start3A_385] : memref<8x64x128xf32, #tpu.memory_space<vmem>> -> memref<1x8x128xf32, #tpu.memory_space<vmem>>
    %dma_start3A_387 = tpu.memref_squeeze %dma_start3A_386 : memref<1x8x128xf32, #tpu.memory_space<vmem>> -> memref<8x128xf32, #tpu.memory_space<vmem>>
    %dma_start3A_388 = arith.constant 24 : i32
    %dma_start3A_389 = tpu.memref_slice %arg3[%dma_start3A_388, %multiple_of3A_337] : memref<64x1000000xf32, #tpu.memory_space<hbm>> -> memref<8x128xf32, #tpu.memory_space<hbm>>
    tpu.enqueue_dma source(%dma_start3A_389 : memref<8x128xf32, #tpu.memory_space<hbm>>) target(%dma_start3A_387 : memref<8x128xf32, #tpu.memory_space<vmem>>) target_semaphore(%arg8 : memref<!tpu.dma_semaphore, #tpu.memory_space<semaphore_mem>>)
    %dma_start3A_390 = arith.constant 3 : i32
    %dma_start3A_391 = arith.constant 32 : i32
    %dma_start3A_392 = arith.constant 0 : i32
    %dma_start3A_393 = tpu.memref_slice %arg6[%dma_start3A_390, %dma_start3A_391, %dma_start3A_392] : memref<8x64x128xf32, #tpu.memory_space<vmem>> -> memref<1x8x128xf32, #tpu.memory_space<vmem>>
    %dma_start3A_394 = tpu.memref_squeeze %dma_start3A_393 : memref<1x8x128xf32, #tpu.memory_space<vmem>> -> memref<8x128xf32, #tpu.memory_space<vmem>>
    %dma_start3A_395 = arith.constant 32 : i32
    %dma_start3A_396 = tpu.memref_slice %arg3[%dma_start3A_395, %multiple_of3A_337] : memref<64x1000000xf32, #tpu.memory_space<hbm>> -> memref<8x128xf32, #tpu.memory_space<hbm>>
    %dma_start3A_397 = arith.constant 32 : i32
    %dma_start3A_398 = arith.constant 0 : i32
    %dma_start3A_399 = tpu.memref_slice %arg6[%dma_start3A_390, %dma_start3A_397, %dma_start3A_398] : memref<8x64x128xf32, #tpu.memory_space<vmem>> -> memref<1x8x128xf32, #tpu.memory_space<vmem>>
    %dma_start3A_400 = tpu.memref_squeeze %dma_start3A_399 : memref<1x8x128xf32, #tpu.memory_space<vmem>> -> memref<8x128xf32, #tpu.memory_space<vmem>>
    %dma_start3A_401 = arith.constant 32 : i32
    %dma_start3A_402 = tpu.memref_slice %arg3[%dma_start3A_401, %multiple_of3A_337] : memref<64x1000000xf32, #tpu.memory_space<hbm>> -> memref<8x128xf32, #tpu.memory_space<hbm>>
    tpu.enqueue_dma source(%dma_start3A_402 : memref<8x128xf32, #tpu.memory_space<hbm>>) target(%dma_start3A_400 : memref<8x128xf32, #tpu.memory_space<vmem>>) target_semaphore(%arg8 : memref<!tpu.dma_semaphore, #tpu.memory_space<semaphore_mem>>)
    %dma_start3A_403 = arith.constant 3 : i32
    %dma_start3A_404 = arith.constant 40 : i32
    %dma_start3A_405 = arith.constant 0 : i32
    %dma_start3A_406 = tpu.memref_slice %arg6[%dma_start3A_403, %dma_start3A_404, %dma_start3A_405] : memref<8x64x128xf32, #tpu.memory_space<vmem>> -> memref<1x8x128xf32, #tpu.memory_space<vmem>>
    %dma_start3A_407 = tpu.memref_squeeze %dma_start3A_406 : memref<1x8x128xf32, #tpu.memory_space<vmem>> -> memref<8x128xf32, #tpu.memory_space<vmem>>
    %dma_start3A_408 = arith.constant 40 : i32
    %dma_start3A_409 = tpu.memref_slice %arg3[%dma_start3A_408, %multiple_of3A_337] : memref<64x1000000xf32, #tpu.memory_space<hbm>> -> memref<8x128xf32, #tpu.memory_space<hbm>>
    %dma_start3A_410 = arith.constant 40 : i32
    %dma_start3A_411 = arith.constant 0 : i32
    %dma_start3A_412 = tpu.memref_slice %arg6[%dma_start3A_403, %dma_start3A_410, %dma_start3A_411] : memref<8x64x128xf32, #tpu.memory_space<vmem>> -> memref<1x8x128xf32, #tpu.memory_space<vmem>>
    %dma_start3A_413 = tpu.memref_squeeze %dma_start3A_412 : memref<1x8x128xf32, #tpu.memory_space<vmem>> -> memref<8x128xf32, #tpu.memory_space<vmem>>
    %dma_start3A_414 = arith.constant 40 : i32
    %dma_start3A_415 = tpu.memref_slice %arg3[%dma_start3A_414, %multiple_of3A_337] : memref<64x1000000xf32, #tpu.memory_space<hbm>> -> memref<8x128xf32, #tpu.memory_space<hbm>>
    tpu.enqueue_dma source(%dma_start3A_415 : memref<8x128xf32, #tpu.memory_space<hbm>>) target(%dma_start3A_413 : memref<8x128xf32, #tpu.memory_space<vmem>>) target_semaphore(%arg8 : memref<!tpu.dma_semaphore, #tpu.memory_space<semaphore_mem>>)
    %dma_start3A_416 = arith.constant 3 : i32
    %dma_start3A_417 = arith.constant 48 : i32
    %dma_start3A_418 = arith.constant 0 : i32
    %dma_start3A_419 = tpu.memref_slice %arg6[%dma_start3A_416, %dma_start3A_417, %dma_start3A_418] : memref<8x64x128xf32, #tpu.memory_space<vmem>> -> memref<1x8x128xf32, #tpu.memory_space<vmem>>
    %dma_start3A_420 = tpu.memref_squeeze %dma_start3A_419 : memref<1x8x128xf32, #tpu.memory_space<vmem>> -> memref<8x128xf32, #tpu.memory_space<vmem>>
    %dma_start3A_421 = arith.constant 48 : i32
    %dma_start3A_422 = tpu.memref_slice %arg3[%dma_start3A_421, %multiple_of3A_337] : memref<64x1000000xf32, #tpu.memory_space<hbm>> -> memref<8x128xf32, #tpu.memory_space<hbm>>
    %dma_start3A_423 = arith.constant 48 : i32
    %dma_start3A_424 = arith.constant 0 : i32
    %dma_start3A_425 = tpu.memref_slice %arg6[%dma_start3A_416, %dma_start3A_423, %dma_start3A_424] : memref<8x64x128xf32, #tpu.memory_space<vmem>> -> memref<1x8x128xf32, #tpu.memory_space<vmem>>
    %dma_start3A_426 = tpu.memref_squeeze %dma_start3A_425 : memref<1x8x128xf32, #tpu.memory_space<vmem>> -> memref<8x128xf32, #tpu.memory_space<vmem>>
    %dma_start3A_427 = arith.constant 48 : i32
    %dma_start3A_428 = tpu.memref_slice %arg3[%dma_start3A_427, %multiple_of3A_337] : memref<64x1000000xf32, #tpu.memory_space<hbm>> -> memref<8x128xf32, #tpu.memory_space<hbm>>
    tpu.enqueue_dma source(%dma_start3A_428 : memref<8x128xf32, #tpu.memory_space<hbm>>) target(%dma_start3A_426 : memref<8x128xf32, #tpu.memory_space<vmem>>) target_semaphore(%arg8 : memref<!tpu.dma_semaphore, #tpu.memory_space<semaphore_mem>>)
    %dma_start3A_429 = arith.constant 3 : i32
    %dma_start3A_430 = arith.constant 56 : i32
    %dma_start3A_431 = arith.constant 0 : i32
    %dma_start3A_432 = tpu.memref_slice %arg6[%dma_start3A_429, %dma_start3A_430, %dma_start3A_431] : memref<8x64x128xf32, #tpu.memory_space<vmem>> -> memref<1x8x128xf32, #tpu.memory_space<vmem>>
    %dma_start3A_433 = tpu.memref_squeeze %dma_start3A_432 : memref<1x8x128xf32, #tpu.memory_space<vmem>> -> memref<8x128xf32, #tpu.memory_space<vmem>>
    %dma_start3A_434 = arith.constant 56 : i32
    %dma_start3A_435 = tpu.memref_slice %arg3[%dma_start3A_434, %multiple_of3A_337] : memref<64x1000000xf32, #tpu.memory_space<hbm>> -> memref<8x128xf32, #tpu.memory_space<hbm>>
    %dma_start3A_436 = arith.constant 56 : i32
    %dma_start3A_437 = arith.constant 0 : i32
    %dma_start3A_438 = tpu.memref_slice %arg6[%dma_start3A_429, %dma_start3A_436, %dma_start3A_437] : memref<8x64x128xf32, #tpu.memory_space<vmem>> -> memref<1x8x128xf32, #tpu.memory_space<vmem>>
    %dma_start3A_439 = tpu.memref_squeeze %dma_start3A_438 : memref<1x8x128xf32, #tpu.memory_space<vmem>> -> memref<8x128xf32, #tpu.memory_space<vmem>>
    %dma_start3A_440 = arith.constant 56 : i32
    %dma_start3A_441 = tpu.memref_slice %arg3[%dma_start3A_440, %multiple_of3A_337] : memref<64x1000000xf32, #tpu.memory_space<hbm>> -> memref<8x128xf32, #tpu.memory_space<hbm>>
    tpu.enqueue_dma source(%dma_start3A_441 : memref<8x128xf32, #tpu.memory_space<hbm>>) target(%dma_start3A_439 : memref<8x128xf32, #tpu.memory_space<vmem>>) target_semaphore(%arg8 : memref<!tpu.dma_semaphore, #tpu.memory_space<semaphore_mem>>)
    %slice3A_442 = vector.extract_strided_slice %get3A_3 {offsets = [4], sizes = [1], strides = [1]} : vector<16xi32> to vector<1xi32>
    %squeeze3A_443 = vector.extract %slice3A_442[0] : i32 from vector<1xi32>
    %shift_right_arithmetic3A_444 = arith.constant 7 : i32
    %shift_right_arithmetic3A_445 = arith.shrsi %squeeze3A_443, %shift_right_arithmetic3A_444 : i32
    %shift_left3A_446 = arith.constant 7 : i32
    %shift_left3A_447 = arith.shli %shift_right_arithmetic3A_445, %shift_left3A_446 : i32
    %multiple_of3A_448 = tpu.assume_multiple %shift_left3A_447, 128 : i32
    %dma_start3A_449 = arith.constant 4 : i32
    %dma_start3A_450 = arith.constant 0 : i32
    %dma_start3A_451 = arith.constant 0 : i32
    %dma_start3A_452 = tpu.memref_slice %arg6[%dma_start3A_449, %dma_start3A_450, %dma_start3A_451] : memref<8x64x128xf32, #tpu.memory_space<vmem>> -> memref<1x8x128xf32, #tpu.memory_space<vmem>>
    %dma_start3A_453 = tpu.memref_squeeze %dma_start3A_452 : memref<1x8x128xf32, #tpu.memory_space<vmem>> -> memref<8x128xf32, #tpu.memory_space<vmem>>
    %dma_start3A_454 = arith.constant 0 : i32
    %dma_start3A_455 = tpu.memref_slice %arg3[%dma_start3A_454, %multiple_of3A_448] : memref<64x1000000xf32, #tpu.memory_space<hbm>> -> memref<8x128xf32, #tpu.memory_space<hbm>>
    %dma_start3A_456 = arith.constant 0 : i32
    %dma_start3A_457 = arith.constant 0 : i32
    %dma_start3A_458 = tpu.memref_slice %arg6[%dma_start3A_449, %dma_start3A_456, %dma_start3A_457] : memref<8x64x128xf32, #tpu.memory_space<vmem>> -> memref<1x8x128xf32, #tpu.memory_space<vmem>>
    %dma_start3A_459 = tpu.memref_squeeze %dma_start3A_458 : memref<1x8x128xf32, #tpu.memory_space<vmem>> -> memref<8x128xf32, #tpu.memory_space<vmem>>
    %dma_start3A_460 = arith.constant 0 : i32
    %dma_start3A_461 = tpu.memref_slice %arg3[%dma_start3A_460, %multiple_of3A_448] : memref<64x1000000xf32, #tpu.memory_space<hbm>> -> memref<8x128xf32, #tpu.memory_space<hbm>>
    tpu.enqueue_dma source(%dma_start3A_461 : memref<8x128xf32, #tpu.memory_space<hbm>>) target(%dma_start3A_459 : memref<8x128xf32, #tpu.memory_space<vmem>>) target_semaphore(%arg9 : memref<!tpu.dma_semaphore, #tpu.memory_space<semaphore_mem>>)
    %dma_start3A_462 = arith.constant 4 : i32
    %dma_start3A_463 = arith.constant 8 : i32
    %dma_start3A_464 = arith.constant 0 : i32
    %dma_start3A_465 = tpu.memref_slice %arg6[%dma_start3A_462, %dma_start3A_463, %dma_start3A_464] : memref<8x64x128xf32, #tpu.memory_space<vmem>> -> memref<1x8x128xf32, #tpu.memory_space<vmem>>
    %dma_start3A_466 = tpu.memref_squeeze %dma_start3A_465 : memref<1x8x128xf32, #tpu.memory_space<vmem>> -> memref<8x128xf32, #tpu.memory_space<vmem>>
    %dma_start3A_467 = arith.constant 8 : i32
    %dma_start3A_468 = tpu.memref_slice %arg3[%dma_start3A_467, %multiple_of3A_448] : memref<64x1000000xf32, #tpu.memory_space<hbm>> -> memref<8x128xf32, #tpu.memory_space<hbm>>
    %dma_start3A_469 = arith.constant 8 : i32
    %dma_start3A_470 = arith.constant 0 : i32
    %dma_start3A_471 = tpu.memref_slice %arg6[%dma_start3A_462, %dma_start3A_469, %dma_start3A_470] : memref<8x64x128xf32, #tpu.memory_space<vmem>> -> memref<1x8x128xf32, #tpu.memory_space<vmem>>
    %dma_start3A_472 = tpu.memref_squeeze %dma_start3A_471 : memref<1x8x128xf32, #tpu.memory_space<vmem>> -> memref<8x128xf32, #tpu.memory_space<vmem>>
    %dma_start3A_473 = arith.constant 8 : i32
    %dma_start3A_474 = tpu.memref_slice %arg3[%dma_start3A_473, %multiple_of3A_448] : memref<64x1000000xf32, #tpu.memory_space<hbm>> -> memref<8x128xf32, #tpu.memory_space<hbm>>
    tpu.enqueue_dma source(%dma_start3A_474 : memref<8x128xf32, #tpu.memory_space<hbm>>) target(%dma_start3A_472 : memref<8x128xf32, #tpu.memory_space<vmem>>) target_semaphore(%arg9 : memref<!tpu.dma_semaphore, #tpu.memory_space<semaphore_mem>>)
    %dma_start3A_475 = arith.constant 4 : i32
    %dma_start3A_476 = arith.constant 16 : i32
    %dma_start3A_477 = arith.constant 0 : i32
    %dma_start3A_478 = tpu.memref_slice %arg6[%dma_start3A_475, %dma_start3A_476, %dma_start3A_477] : memref<8x64x128xf32, #tpu.memory_space<vmem>> -> memref<1x8x128xf32, #tpu.memory_space<vmem>>
    %dma_start3A_479 = tpu.memref_squeeze %dma_start3A_478 : memref<1x8x128xf32, #tpu.memory_space<vmem>> -> memref<8x128xf32, #tpu.memory_space<vmem>>
    %dma_start3A_480 = arith.constant 16 : i32
    %dma_start3A_481 = tpu.memref_slice %arg3[%dma_start3A_480, %multiple_of3A_448] : memref<64x1000000xf32, #tpu.memory_space<hbm>> -> memref<8x128xf32, #tpu.memory_space<hbm>>
    %dma_start3A_482 = arith.constant 16 : i32
    %dma_start3A_483 = arith.constant 0 : i32
    %dma_start3A_484 = tpu.memref_slice %arg6[%dma_start3A_475, %dma_start3A_482, %dma_start3A_483] : memref<8x64x128xf32, #tpu.memory_space<vmem>> -> memref<1x8x128xf32, #tpu.memory_space<vmem>>
    %dma_start3A_485 = tpu.memref_squeeze %dma_start3A_484 : memref<1x8x128xf32, #tpu.memory_space<vmem>> -> memref<8x128xf32, #tpu.memory_space<vmem>>
    %dma_start3A_486 = arith.constant 16 : i32
    %dma_start3A_487 = tpu.memref_slice %arg3[%dma_start3A_486, %multiple_of3A_448] : memref<64x1000000xf32, #tpu.memory_space<hbm>> -> memref<8x128xf32, #tpu.memory_space<hbm>>
    tpu.enqueue_dma source(%dma_start3A_487 : memref<8x128xf32, #tpu.memory_space<hbm>>) target(%dma_start3A_485 : memref<8x128xf32, #tpu.memory_space<vmem>>) target_semaphore(%arg9 : memref<!tpu.dma_semaphore, #tpu.memory_space<semaphore_mem>>)
    %dma_start3A_488 = arith.constant 4 : i32
    %dma_start3A_489 = arith.constant 24 : i32
    %dma_start3A_490 = arith.constant 0 : i32
    %dma_start3A_491 = tpu.memref_slice %arg6[%dma_start3A_488, %dma_start3A_489, %dma_start3A_490] : memref<8x64x128xf32, #tpu.memory_space<vmem>> -> memref<1x8x128xf32, #tpu.memory_space<vmem>>
    %dma_start3A_492 = tpu.memref_squeeze %dma_start3A_491 : memref<1x8x128xf32, #tpu.memory_space<vmem>> -> memref<8x128xf32, #tpu.memory_space<vmem>>
    %dma_start3A_493 = arith.constant 24 : i32
    %dma_start3A_494 = tpu.memref_slice %arg3[%dma_start3A_493, %multiple_of3A_448] : memref<64x1000000xf32, #tpu.memory_space<hbm>> -> memref<8x128xf32, #tpu.memory_space<hbm>>
    %dma_start3A_495 = arith.constant 24 : i32
    %dma_start3A_496 = arith.constant 0 : i32
    %dma_start3A_497 = tpu.memref_slice %arg6[%dma_start3A_488, %dma_start3A_495, %dma_start3A_496] : memref<8x64x128xf32, #tpu.memory_space<vmem>> -> memref<1x8x128xf32, #tpu.memory_space<vmem>>
    %dma_start3A_498 = tpu.memref_squeeze %dma_start3A_497 : memref<1x8x128xf32, #tpu.memory_space<vmem>> -> memref<8x128xf32, #tpu.memory_space<vmem>>
    %dma_start3A_499 = arith.constant 24 : i32
    %dma_start3A_500 = tpu.memref_slice %arg3[%dma_start3A_499, %multiple_of3A_448] : memref<64x1000000xf32, #tpu.memory_space<hbm>> -> memref<8x128xf32, #tpu.memory_space<hbm>>
    tpu.enqueue_dma source(%dma_start3A_500 : memref<8x128xf32, #tpu.memory_space<hbm>>) target(%dma_start3A_498 : memref<8x128xf32, #tpu.memory_space<vmem>>) target_semaphore(%arg9 : memref<!tpu.dma_semaphore, #tpu.memory_space<semaphore_mem>>)
    %dma_start3A_501 = arith.constant 4 : i32
    %dma_start3A_502 = arith.constant 32 : i32
    %dma_start3A_503 = arith.constant 0 : i32
    %dma_start3A_504 = tpu.memref_slice %arg6[%dma_start3A_501, %dma_start3A_502, %dma_start3A_503] : memref<8x64x128xf32, #tpu.memory_space<vmem>> -> memref<1x8x128xf32, #tpu.memory_space<vmem>>
    %dma_start3A_505 = tpu.memref_squeeze %dma_start3A_504 : memref<1x8x128xf32, #tpu.memory_space<vmem>> -> memref<8x128xf32, #tpu.memory_space<vmem>>
    %dma_start3A_506 = arith.constant 32 : i32
    %dma_start3A_507 = tpu.memref_slice %arg3[%dma_start3A_506, %multiple_of3A_448] : memref<64x1000000xf32, #tpu.memory_space<hbm>> -> memref<8x128xf32, #tpu.memory_space<hbm>>
    %dma_start3A_508 = arith.constant 32 : i32
    %dma_start3A_509 = arith.constant 0 : i32
    %dma_start3A_510 = tpu.memref_slice %arg6[%dma_start3A_501, %dma_start3A_508, %dma_start3A_509] : memref<8x64x128xf32, #tpu.memory_space<vmem>> -> memref<1x8x128xf32, #tpu.memory_space<vmem>>
    %dma_start3A_511 = tpu.memref_squeeze %dma_start3A_510 : memref<1x8x128xf32, #tpu.memory_space<vmem>> -> memref<8x128xf32, #tpu.memory_space<vmem>>
    %dma_start3A_512 = arith.constant 32 : i32
    %dma_start3A_513 = tpu.memref_slice %arg3[%dma_start3A_512, %multiple_of3A_448] : memref<64x1000000xf32, #tpu.memory_space<hbm>> -> memref<8x128xf32, #tpu.memory_space<hbm>>
    tpu.enqueue_dma source(%dma_start3A_513 : memref<8x128xf32, #tpu.memory_space<hbm>>) target(%dma_start3A_511 : memref<8x128xf32, #tpu.memory_space<vmem>>) target_semaphore(%arg9 : memref<!tpu.dma_semaphore, #tpu.memory_space<semaphore_mem>>)
    %dma_start3A_514 = arith.constant 4 : i32
    %dma_start3A_515 = arith.constant 40 : i32
    %dma_start3A_516 = arith.constant 0 : i32
    %dma_start3A_517 = tpu.memref_slice %arg6[%dma_start3A_514, %dma_start3A_515, %dma_start3A_516] : memref<8x64x128xf32, #tpu.memory_space<vmem>> -> memref<1x8x128xf32, #tpu.memory_space<vmem>>
    %dma_start3A_518 = tpu.memref_squeeze %dma_start3A_517 : memref<1x8x128xf32, #tpu.memory_space<vmem>> -> memref<8x128xf32, #tpu.memory_space<vmem>>
    %dma_start3A_519 = arith.constant 40 : i32
    %dma_start3A_520 = tpu.memref_slice %arg3[%dma_start3A_519, %multiple_of3A_448] : memref<64x1000000xf32, #tpu.memory_space<hbm>> -> memref<8x128xf32, #tpu.memory_space<hbm>>
    %dma_start3A_521 = arith.constant 40 : i32
    %dma_start3A_522 = arith.constant 0 : i32
    %dma_start3A_523 = tpu.memref_slice %arg6[%dma_start3A_514, %dma_start3A_521, %dma_start3A_522] : memref<8x64x128xf32, #tpu.memory_space<vmem>> -> memref<1x8x128xf32, #tpu.memory_space<vmem>>
    %dma_start3A_524 = tpu.memref_squeeze %dma_start3A_523 : memref<1x8x128xf32, #tpu.memory_space<vmem>> -> memref<8x128xf32, #tpu.memory_space<vmem>>
    %dma_start3A_525 = arith.constant 40 : i32
    %dma_start3A_526 = tpu.memref_slice %arg3[%dma_start3A_525, %multiple_of3A_448] : memref<64x1000000xf32, #tpu.memory_space<hbm>> -> memref<8x128xf32, #tpu.memory_space<hbm>>
    tpu.enqueue_dma source(%dma_start3A_526 : memref<8x128xf32, #tpu.memory_space<hbm>>) target(%dma_start3A_524 : memref<8x128xf32, #tpu.memory_space<vmem>>) target_semaphore(%arg9 : memref<!tpu.dma_semaphore, #tpu.memory_space<semaphore_mem>>)
    %dma_start3A_527 = arith.constant 4 : i32
    %dma_start3A_528 = arith.constant 48 : i32
    %dma_start3A_529 = arith.constant 0 : i32
    %dma_start3A_530 = tpu.memref_slice %arg6[%dma_start3A_527, %dma_start3A_528, %dma_start3A_529] : memref<8x64x128xf32, #tpu.memory_space<vmem>> -> memref<1x8x128xf32, #tpu.memory_space<vmem>>
    %dma_start3A_531 = tpu.memref_squeeze %dma_start3A_530 : memref<1x8x128xf32, #tpu.memory_space<vmem>> -> memref<8x128xf32, #tpu.memory_space<vmem>>
    %dma_start3A_532 = arith.constant 48 : i32
    %dma_start3A_533 = tpu.memref_slice %arg3[%dma_start3A_532, %multiple_of3A_448] : memref<64x1000000xf32, #tpu.memory_space<hbm>> -> memref<8x128xf32, #tpu.memory_space<hbm>>
    %dma_start3A_534 = arith.constant 48 : i32
    %dma_start3A_535 = arith.constant 0 : i32
    %dma_start3A_536 = tpu.memref_slice %arg6[%dma_start3A_527, %dma_start3A_534, %dma_start3A_535] : memref<8x64x128xf32, #tpu.memory_space<vmem>> -> memref<1x8x128xf32, #tpu.memory_space<vmem>>
    %dma_start3A_537 = tpu.memref_squeeze %dma_start3A_536 : memref<1x8x128xf32, #tpu.memory_space<vmem>> -> memref<8x128xf32, #tpu.memory_space<vmem>>
    %dma_start3A_538 = arith.constant 48 : i32
    %dma_start3A_539 = tpu.memref_slice %arg3[%dma_start3A_538, %multiple_of3A_448] : memref<64x1000000xf32, #tpu.memory_space<hbm>> -> memref<8x128xf32, #tpu.memory_space<hbm>>
    tpu.enqueue_dma source(%dma_start3A_539 : memref<8x128xf32, #tpu.memory_space<hbm>>) target(%dma_start3A_537 : memref<8x128xf32, #tpu.memory_space<vmem>>) target_semaphore(%arg9 : memref<!tpu.dma_semaphore, #tpu.memory_space<semaphore_mem>>)
    %dma_start3A_540 = arith.constant 4 : i32
    %dma_start3A_541 = arith.constant 56 : i32
    %dma_start3A_542 = arith.constant 0 : i32
    %dma_start3A_543 = tpu.memref_slice %arg6[%dma_start3A_540, %dma_start3A_541, %dma_start3A_542] : memref<8x64x128xf32, #tpu.memory_space<vmem>> -> memref<1x8x128xf32, #tpu.memory_space<vmem>>
    %dma_start3A_544 = tpu.memref_squeeze %dma_start3A_543 : memref<1x8x128xf32, #tpu.memory_space<vmem>> -> memref<8x128xf32, #tpu.memory_space<vmem>>
    %dma_start3A_545 = arith.constant 56 : i32
    %dma_start3A_546 = tpu.memref_slice %arg3[%dma_start3A_545, %multiple_of3A_448] : memref<64x1000000xf32, #tpu.memory_space<hbm>> -> memref<8x128xf32, #tpu.memory_space<hbm>>
    %dma_start3A_547 = arith.constant 56 : i32
    %dma_start3A_548 = arith.constant 0 : i32
    %dma_start3A_549 = tpu.memref_slice %arg6[%dma_start3A_540, %dma_start3A_547, %dma_start3A_548] : memref<8x64x128xf32, #tpu.memory_space<vmem>> -> memref<1x8x128xf32, #tpu.memory_space<vmem>>
    %dma_start3A_550 = tpu.memref_squeeze %dma_start3A_549 : memref<1x8x128xf32, #tpu.memory_space<vmem>> -> memref<8x128xf32, #tpu.memory_space<vmem>>
    %dma_start3A_551 = arith.constant 56 : i32
    %dma_start3A_552 = tpu.memref_slice %arg3[%dma_start3A_551, %multiple_of3A_448] : memref<64x1000000xf32, #tpu.memory_space<hbm>> -> memref<8x128xf32, #tpu.memory_space<hbm>>
    tpu.enqueue_dma source(%dma_start3A_552 : memref<8x128xf32, #tpu.memory_space<hbm>>) target(%dma_start3A_550 : memref<8x128xf32, #tpu.memory_space<vmem>>) target_semaphore(%arg9 : memref<!tpu.dma_semaphore, #tpu.memory_space<semaphore_mem>>)
    %slice3A_553 = vector.extract_strided_slice %get3A_3 {offsets = [5], sizes = [1], strides = [1]} : vector<16xi32> to vector<1xi32>
    %squeeze3A_554 = vector.extract %slice3A_553[0] : i32 from vector<1xi32>
    %shift_right_arithmetic3A_555 = arith.constant 7 : i32
    %shift_right_arithmetic3A_556 = arith.shrsi %squeeze3A_554, %shift_right_arithmetic3A_555 : i32
    %shift_left3A_557 = arith.constant 7 : i32
    %shift_left3A_558 = arith.shli %shift_right_arithmetic3A_556, %shift_left3A_557 : i32
    %multiple_of3A_559 = tpu.assume_multiple %shift_left3A_558, 128 : i32
    %dma_start3A_560 = arith.constant 5 : i32
    %dma_start3A_561 = arith.constant 0 : i32
    %dma_start3A_562 = arith.constant 0 : i32
    %dma_start3A_563 = tpu.memref_slice %arg6[%dma_start3A_560, %dma_start3A_561, %dma_start3A_562] : memref<8x64x128xf32, #tpu.memory_space<vmem>> -> memref<1x8x128xf32, #tpu.memory_space<vmem>>
    %dma_start3A_564 = tpu.memref_squeeze %dma_start3A_563 : memref<1x8x128xf32, #tpu.memory_space<vmem>> -> memref<8x128xf32, #tpu.memory_space<vmem>>
    %dma_start3A_565 = arith.constant 0 : i32
    %dma_start3A_566 = tpu.memref_slice %arg3[%dma_start3A_565, %multiple_of3A_559] : memref<64x1000000xf32, #tpu.memory_space<hbm>> -> memref<8x128xf32, #tpu.memory_space<hbm>>
    %dma_start3A_567 = arith.constant 0 : i32
    %dma_start3A_568 = arith.constant 0 : i32
    %dma_start3A_569 = tpu.memref_slice %arg6[%dma_start3A_560, %dma_start3A_567, %dma_start3A_568] : memref<8x64x128xf32, #tpu.memory_space<vmem>> -> memref<1x8x128xf32, #tpu.memory_space<vmem>>
    %dma_start3A_570 = tpu.memref_squeeze %dma_start3A_569 : memref<1x8x128xf32, #tpu.memory_space<vmem>> -> memref<8x128xf32, #tpu.memory_space<vmem>>
    %dma_start3A_571 = arith.constant 0 : i32
    %dma_start3A_572 = tpu.memref_slice %arg3[%dma_start3A_571, %multiple_of3A_559] : memref<64x1000000xf32, #tpu.memory_space<hbm>> -> memref<8x128xf32, #tpu.memory_space<hbm>>
    tpu.enqueue_dma source(%dma_start3A_572 : memref<8x128xf32, #tpu.memory_space<hbm>>) target(%dma_start3A_570 : memref<8x128xf32, #tpu.memory_space<vmem>>) target_semaphore(%arg9 : memref<!tpu.dma_semaphore, #tpu.memory_space<semaphore_mem>>)
    %dma_start3A_573 = arith.constant 5 : i32
    %dma_start3A_574 = arith.constant 8 : i32
    %dma_start3A_575 = arith.constant 0 : i32
    %dma_start3A_576 = tpu.memref_slice %arg6[%dma_start3A_573, %dma_start3A_574, %dma_start3A_575] : memref<8x64x128xf32, #tpu.memory_space<vmem>> -> memref<1x8x128xf32, #tpu.memory_space<vmem>>
    %dma_start3A_577 = tpu.memref_squeeze %dma_start3A_576 : memref<1x8x128xf32, #tpu.memory_space<vmem>> -> memref<8x128xf32, #tpu.memory_space<vmem>>
    %dma_start3A_578 = arith.constant 8 : i32
    %dma_start3A_579 = tpu.memref_slice %arg3[%dma_start3A_578, %multiple_of3A_559] : memref<64x1000000xf32, #tpu.memory_space<hbm>> -> memref<8x128xf32, #tpu.memory_space<hbm>>
    %dma_start3A_580 = arith.constant 8 : i32
    %dma_start3A_581 = arith.constant 0 : i32
    %dma_start3A_582 = tpu.memref_slice %arg6[%dma_start3A_573, %dma_start3A_580, %dma_start3A_581] : memref<8x64x128xf32, #tpu.memory_space<vmem>> -> memref<1x8x128xf32, #tpu.memory_space<vmem>>
    %dma_start3A_583 = tpu.memref_squeeze %dma_start3A_582 : memref<1x8x128xf32, #tpu.memory_space<vmem>> -> memref<8x128xf32, #tpu.memory_space<vmem>>
    %dma_start3A_584 = arith.constant 8 : i32
    %dma_start3A_585 = tpu.memref_slice %arg3[%dma_start3A_584, %multiple_of3A_559] : memref<64x1000000xf32, #tpu.memory_space<hbm>> -> memref<8x128xf32, #tpu.memory_space<hbm>>
    tpu.enqueue_dma source(%dma_start3A_585 : memref<8x128xf32, #tpu.memory_space<hbm>>) target(%dma_start3A_583 : memref<8x128xf32, #tpu.memory_space<vmem>>) target_semaphore(%arg9 : memref<!tpu.dma_semaphore, #tpu.memory_space<semaphore_mem>>)
    %dma_start3A_586 = arith.constant 5 : i32
    %dma_start3A_587 = arith.constant 16 : i32
    %dma_start3A_588 = arith.constant 0 : i32
    %dma_start3A_589 = tpu.memref_slice %arg6[%dma_start3A_586, %dma_start3A_587, %dma_start3A_588] : memref<8x64x128xf32, #tpu.memory_space<vmem>> -> memref<1x8x128xf32, #tpu.memory_space<vmem>>
    %dma_start3A_590 = tpu.memref_squeeze %dma_start3A_589 : memref<1x8x128xf32, #tpu.memory_space<vmem>> -> memref<8x128xf32, #tpu.memory_space<vmem>>
    %dma_start3A_591 = arith.constant 16 : i32
    %dma_start3A_592 = tpu.memref_slice %arg3[%dma_start3A_591, %multiple_of3A_559] : memref<64x1000000xf32, #tpu.memory_space<hbm>> -> memref<8x128xf32, #tpu.memory_space<hbm>>
    %dma_start3A_593 = arith.constant 16 : i32
    %dma_start3A_594 = arith.constant 0 : i32
    %dma_start3A_595 = tpu.memref_slice %arg6[%dma_start3A_586, %dma_start3A_593, %dma_start3A_594] : memref<8x64x128xf32, #tpu.memory_space<vmem>> -> memref<1x8x128xf32, #tpu.memory_space<vmem>>
    %dma_start3A_596 = tpu.memref_squeeze %dma_start3A_595 : memref<1x8x128xf32, #tpu.memory_space<vmem>> -> memref<8x128xf32, #tpu.memory_space<vmem>>
    %dma_start3A_597 = arith.constant 16 : i32
    %dma_start3A_598 = tpu.memref_slice %arg3[%dma_start3A_597, %multiple_of3A_559] : memref<64x1000000xf32, #tpu.memory_space<hbm>> -> memref<8x128xf32, #tpu.memory_space<hbm>>
    tpu.enqueue_dma source(%dma_start3A_598 : memref<8x128xf32, #tpu.memory_space<hbm>>) target(%dma_start3A_596 : memref<8x128xf32, #tpu.memory_space<vmem>>) target_semaphore(%arg9 : memref<!tpu.dma_semaphore, #tpu.memory_space<semaphore_mem>>)
    %dma_start3A_599 = arith.constant 5 : i32
    %dma_start3A_600 = arith.constant 24 : i32
    %dma_start3A_601 = arith.constant 0 : i32
    %dma_start3A_602 = tpu.memref_slice %arg6[%dma_start3A_599, %dma_start3A_600, %dma_start3A_601] : memref<8x64x128xf32, #tpu.memory_space<vmem>> -> memref<1x8x128xf32, #tpu.memory_space<vmem>>
    %dma_start3A_603 = tpu.memref_squeeze %dma_start3A_602 : memref<1x8x128xf32, #tpu.memory_space<vmem>> -> memref<8x128xf32, #tpu.memory_space<vmem>>
    %dma_start3A_604 = arith.constant 24 : i32
    %dma_start3A_605 = tpu.memref_slice %arg3[%dma_start3A_604, %multiple_of3A_559] : memref<64x1000000xf32, #tpu.memory_space<hbm>> -> memref<8x128xf32, #tpu.memory_space<hbm>>
    %dma_start3A_606 = arith.constant 24 : i32
    %dma_start3A_607 = arith.constant 0 : i32
    %dma_start3A_608 = tpu.memref_slice %arg6[%dma_start3A_599, %dma_start3A_606, %dma_start3A_607] : memref<8x64x128xf32, #tpu.memory_space<vmem>> -> memref<1x8x128xf32, #tpu.memory_space<vmem>>
    %dma_start3A_609 = tpu.memref_squeeze %dma_start3A_608 : memref<1x8x128xf32, #tpu.memory_space<vmem>> -> memref<8x128xf32, #tpu.memory_space<vmem>>
    %dma_start3A_610 = arith.constant 24 : i32
    %dma_start3A_611 = tpu.memref_slice %arg3[%dma_start3A_610, %multiple_of3A_559] : memref<64x1000000xf32, #tpu.memory_space<hbm>> -> memref<8x128xf32, #tpu.memory_space<hbm>>
    tpu.enqueue_dma source(%dma_start3A_611 : memref<8x128xf32, #tpu.memory_space<hbm>>) target(%dma_start3A_609 : memref<8x128xf32, #tpu.memory_space<vmem>>) target_semaphore(%arg9 : memref<!tpu.dma_semaphore, #tpu.memory_space<semaphore_mem>>)
    %dma_start3A_612 = arith.constant 5 : i32
    %dma_start3A_613 = arith.constant 32 : i32
    %dma_start3A_614 = arith.constant 0 : i32
    %dma_start3A_615 = tpu.memref_slice %arg6[%dma_start3A_612, %dma_start3A_613, %dma_start3A_614] : memref<8x64x128xf32, #tpu.memory_space<vmem>> -> memref<1x8x128xf32, #tpu.memory_space<vmem>>
    %dma_start3A_616 = tpu.memref_squeeze %dma_start3A_615 : memref<1x8x128xf32, #tpu.memory_space<vmem>> -> memref<8x128xf32, #tpu.memory_space<vmem>>
    %dma_start3A_617 = arith.constant 32 : i32
    %dma_start3A_618 = tpu.memref_slice %arg3[%dma_start3A_617, %multiple_of3A_559] : memref<64x1000000xf32, #tpu.memory_space<hbm>> -> memref<8x128xf32, #tpu.memory_space<hbm>>
    %dma_start3A_619 = arith.constant 32 : i32
    %dma_start3A_620 = arith.constant 0 : i32
    %dma_start3A_621 = tpu.memref_slice %arg6[%dma_start3A_612, %dma_start3A_619, %dma_start3A_620] : memref<8x64x128xf32, #tpu.memory_space<vmem>> -> memref<1x8x128xf32, #tpu.memory_space<vmem>>
    %dma_start3A_622 = tpu.memref_squeeze %dma_start3A_621 : memref<1x8x128xf32, #tpu.memory_space<vmem>> -> memref<8x128xf32, #tpu.memory_space<vmem>>
    %dma_start3A_623 = arith.constant 32 : i32
    %dma_start3A_624 = tpu.memref_slice %arg3[%dma_start3A_623, %multiple_of3A_559] : memref<64x1000000xf32, #tpu.memory_space<hbm>> -> memref<8x128xf32, #tpu.memory_space<hbm>>
    tpu.enqueue_dma source(%dma_start3A_624 : memref<8x128xf32, #tpu.memory_space<hbm>>) target(%dma_start3A_622 : memref<8x128xf32, #tpu.memory_space<vmem>>) target_semaphore(%arg9 : memref<!tpu.dma_semaphore, #tpu.memory_space<semaphore_mem>>)
    %dma_start3A_625 = arith.constant 5 : i32
    %dma_start3A_626 = arith.constant 40 : i32
    %dma_start3A_627 = arith.constant 0 : i32
    %dma_start3A_628 = tpu.memref_slice %arg6[%dma_start3A_625, %dma_start3A_626, %dma_start3A_627] : memref<8x64x128xf32, #tpu.memory_space<vmem>> -> memref<1x8x128xf32, #tpu.memory_space<vmem>>
    %dma_start3A_629 = tpu.memref_squeeze %dma_start3A_628 : memref<1x8x128xf32, #tpu.memory_space<vmem>> -> memref<8x128xf32, #tpu.memory_space<vmem>>
    %dma_start3A_630 = arith.constant 40 : i32
    %dma_start3A_631 = tpu.memref_slice %arg3[%dma_start3A_630, %multiple_of3A_559] : memref<64x1000000xf32, #tpu.memory_space<hbm>> -> memref<8x128xf32, #tpu.memory_space<hbm>>
    %dma_start3A_632 = arith.constant 40 : i32
    %dma_start3A_633 = arith.constant 0 : i32
    %dma_start3A_634 = tpu.memref_slice %arg6[%dma_start3A_625, %dma_start3A_632, %dma_start3A_633] : memref<8x64x128xf32, #tpu.memory_space<vmem>> -> memref<1x8x128xf32, #tpu.memory_space<vmem>>
    %dma_start3A_635 = tpu.memref_squeeze %dma_start3A_634 : memref<1x8x128xf32, #tpu.memory_space<vmem>> -> memref<8x128xf32, #tpu.memory_space<vmem>>
    %dma_start3A_636 = arith.constant 40 : i32
    %dma_start3A_637 = tpu.memref_slice %arg3[%dma_start3A_636, %multiple_of3A_559] : memref<64x1000000xf32, #tpu.memory_space<hbm>> -> memref<8x128xf32, #tpu.memory_space<hbm>>
    tpu.enqueue_dma source(%dma_start3A_637 : memref<8x128xf32, #tpu.memory_space<hbm>>) target(%dma_start3A_635 : memref<8x128xf32, #tpu.memory_space<vmem>>) target_semaphore(%arg9 : memref<!tpu.dma_semaphore, #tpu.memory_space<semaphore_mem>>)
    %dma_start3A_638 = arith.constant 5 : i32
    %dma_start3A_639 = arith.constant 48 : i32
    %dma_start3A_640 = arith.constant 0 : i32
    %dma_start3A_641 = tpu.memref_slice %arg6[%dma_start3A_638, %dma_start3A_639, %dma_start3A_640] : memref<8x64x128xf32, #tpu.memory_space<vmem>> -> memref<1x8x128xf32, #tpu.memory_space<vmem>>
    %dma_start3A_642 = tpu.memref_squeeze %dma_start3A_641 : memref<1x8x128xf32, #tpu.memory_space<vmem>> -> memref<8x128xf32, #tpu.memory_space<vmem>>
    %dma_start3A_643 = arith.constant 48 : i32
    %dma_start3A_644 = tpu.memref_slice %arg3[%dma_start3A_643, %multiple_of3A_559] : memref<64x1000000xf32, #tpu.memory_space<hbm>> -> memref<8x128xf32, #tpu.memory_space<hbm>>
    %dma_start3A_645 = arith.constant 48 : i32
    %dma_start3A_646 = arith.constant 0 : i32
    %dma_start3A_647 = tpu.memref_slice %arg6[%dma_start3A_638, %dma_start3A_645, %dma_start3A_646] : memref<8x64x128xf32, #tpu.memory_space<vmem>> -> memref<1x8x128xf32, #tpu.memory_space<vmem>>
    %dma_start3A_648 = tpu.memref_squeeze %dma_start3A_647 : memref<1x8x128xf32, #tpu.memory_space<vmem>> -> memref<8x128xf32, #tpu.memory_space<vmem>>
    %dma_start3A_649 = arith.constant 48 : i32
    %dma_start3A_650 = tpu.memref_slice %arg3[%dma_start3A_649, %multiple_of3A_559] : memref<64x1000000xf32, #tpu.memory_space<hbm>> -> memref<8x128xf32, #tpu.memory_space<hbm>>
    tpu.enqueue_dma source(%dma_start3A_650 : memref<8x128xf32, #tpu.memory_space<hbm>>) target(%dma_start3A_648 : memref<8x128xf32, #tpu.memory_space<vmem>>) target_semaphore(%arg9 : memref<!tpu.dma_semaphore, #tpu.memory_space<semaphore_mem>>)
    %dma_start3A_651 = arith.constant 5 : i32
    %dma_start3A_652 = arith.constant 56 : i32
    %dma_start3A_653 = arith.constant 0 : i32
    %dma_start3A_654 = tpu.memref_slice %arg6[%dma_start3A_651, %dma_start3A_652, %dma_start3A_653] : memref<8x64x128xf32, #tpu.memory_space<vmem>> -> memref<1x8x128xf32, #tpu.memory_space<vmem>>
    %dma_start3A_655 = tpu.memref_squeeze %dma_start3A_654 : memref<1x8x128xf32, #tpu.memory_space<vmem>> -> memref<8x128xf32, #tpu.memory_space<vmem>>
    %dma_start3A_656 = arith.constant 56 : i32
    %dma_start3A_657 = tpu.memref_slice %arg3[%dma_start3A_656, %multiple_of3A_559] : memref<64x1000000xf32, #tpu.memory_space<hbm>> -> memref<8x128xf32, #tpu.memory_space<hbm>>
    %dma_start3A_658 = arith.constant 56 : i32
    %dma_start3A_659 = arith.constant 0 : i32
    %dma_start3A_660 = tpu.memref_slice %arg6[%dma_start3A_651, %dma_start3A_658, %dma_start3A_659] : memref<8x64x128xf32, #tpu.memory_space<vmem>> -> memref<1x8x128xf32, #tpu.memory_space<vmem>>
    %dma_start3A_661 = tpu.memref_squeeze %dma_start3A_660 : memref<1x8x128xf32, #tpu.memory_space<vmem>> -> memref<8x128xf32, #tpu.memory_space<vmem>>
    %dma_start3A_662 = arith.constant 56 : i32
    %dma_start3A_663 = tpu.memref_slice %arg3[%dma_start3A_662, %multiple_of3A_559] : memref<64x1000000xf32, #tpu.memory_space<hbm>> -> memref<8x128xf32, #tpu.memory_space<hbm>>
    tpu.enqueue_dma source(%dma_start3A_663 : memref<8x128xf32, #tpu.memory_space<hbm>>) target(%dma_start3A_661 : memref<8x128xf32, #tpu.memory_space<vmem>>) target_semaphore(%arg9 : memref<!tpu.dma_semaphore, #tpu.memory_space<semaphore_mem>>)
    %slice3A_664 = vector.extract_strided_slice %get3A_3 {offsets = [6], sizes = [1], strides = [1]} : vector<16xi32> to vector<1xi32>
    %squeeze3A_665 = vector.extract %slice3A_664[0] : i32 from vector<1xi32>
    %shift_right_arithmetic3A_666 = arith.constant 7 : i32
    %shift_right_arithmetic3A_667 = arith.shrsi %squeeze3A_665, %shift_right_arithmetic3A_666 : i32
    %shift_left3A_668 = arith.constant 7 : i32
    %shift_left3A_669 = arith.shli %shift_right_arithmetic3A_667, %shift_left3A_668 : i32
    %multiple_of3A_670 = tpu.assume_multiple %shift_left3A_669, 128 : i32
    %dma_start3A_671 = arith.constant 6 : i32
    %dma_start3A_672 = arith.constant 0 : i32
    %dma_start3A_673 = arith.constant 0 : i32
    %dma_start3A_674 = tpu.memref_slice %arg6[%dma_start3A_671, %dma_start3A_672, %dma_start3A_673] : memref<8x64x128xf32, #tpu.memory_space<vmem>> -> memref<1x8x128xf32, #tpu.memory_space<vmem>>
    %dma_start3A_675 = tpu.memref_squeeze %dma_start3A_674 : memref<1x8x128xf32, #tpu.memory_space<vmem>> -> memref<8x128xf32, #tpu.memory_space<vmem>>
    %dma_start3A_676 = arith.constant 0 : i32
    %dma_start3A_677 = tpu.memref_slice %arg3[%dma_start3A_676, %multiple_of3A_670] : memref<64x1000000xf32, #tpu.memory_space<hbm>> -> memref<8x128xf32, #tpu.memory_space<hbm>>
    %dma_start3A_678 = arith.constant 0 : i32
    %dma_start3A_679 = arith.constant 0 : i32
    %dma_start3A_680 = tpu.memref_slice %arg6[%dma_start3A_671, %dma_start3A_678, %dma_start3A_679] : memref<8x64x128xf32, #tpu.memory_space<vmem>> -> memref<1x8x128xf32, #tpu.memory_space<vmem>>
    %dma_start3A_681 = tpu.memref_squeeze %dma_start3A_680 : memref<1x8x128xf32, #tpu.memory_space<vmem>> -> memref<8x128xf32, #tpu.memory_space<vmem>>
    %dma_start3A_682 = arith.constant 0 : i32
    %dma_start3A_683 = tpu.memref_slice %arg3[%dma_start3A_682, %multiple_of3A_670] : memref<64x1000000xf32, #tpu.memory_space<hbm>> -> memref<8x128xf32, #tpu.memory_space<hbm>>
    tpu.enqueue_dma source(%dma_start3A_683 : memref<8x128xf32, #tpu.memory_space<hbm>>) target(%dma_start3A_681 : memref<8x128xf32, #tpu.memory_space<vmem>>) target_semaphore(%arg9 : memref<!tpu.dma_semaphore, #tpu.memory_space<semaphore_mem>>)
    %dma_start3A_684 = arith.constant 6 : i32
    %dma_start3A_685 = arith.constant 8 : i32
    %dma_start3A_686 = arith.constant 0 : i32
    %dma_start3A_687 = tpu.memref_slice %arg6[%dma_start3A_684, %dma_start3A_685, %dma_start3A_686] : memref<8x64x128xf32, #tpu.memory_space<vmem>> -> memref<1x8x128xf32, #tpu.memory_space<vmem>>
    %dma_start3A_688 = tpu.memref_squeeze %dma_start3A_687 : memref<1x8x128xf32, #tpu.memory_space<vmem>> -> memref<8x128xf32, #tpu.memory_space<vmem>>
    %dma_start3A_689 = arith.constant 8 : i32
    %dma_start3A_690 = tpu.memref_slice %arg3[%dma_start3A_689, %multiple_of3A_670] : memref<64x1000000xf32, #tpu.memory_space<hbm>> -> memref<8x128xf32, #tpu.memory_space<hbm>>
    %dma_start3A_691 = arith.constant 8 : i32
    %dma_start3A_692 = arith.constant 0 : i32
    %dma_start3A_693 = tpu.memref_slice %arg6[%dma_start3A_684, %dma_start3A_691, %dma_start3A_692] : memref<8x64x128xf32, #tpu.memory_space<vmem>> -> memref<1x8x128xf32, #tpu.memory_space<vmem>>
    %dma_start3A_694 = tpu.memref_squeeze %dma_start3A_693 : memref<1x8x128xf32, #tpu.memory_space<vmem>> -> memref<8x128xf32, #tpu.memory_space<vmem>>
    %dma_start3A_695 = arith.constant 8 : i32
    %dma_start3A_696 = tpu.memref_slice %arg3[%dma_start3A_695, %multiple_of3A_670] : memref<64x1000000xf32, #tpu.memory_space<hbm>> -> memref<8x128xf32, #tpu.memory_space<hbm>>
    tpu.enqueue_dma source(%dma_start3A_696 : memref<8x128xf32, #tpu.memory_space<hbm>>) target(%dma_start3A_694 : memref<8x128xf32, #tpu.memory_space<vmem>>) target_semaphore(%arg9 : memref<!tpu.dma_semaphore, #tpu.memory_space<semaphore_mem>>)
    %dma_start3A_697 = arith.constant 6 : i32
    %dma_start3A_698 = arith.constant 16 : i32
    %dma_start3A_699 = arith.constant 0 : i32
    %dma_start3A_700 = tpu.memref_slice %arg6[%dma_start3A_697, %dma_start3A_698, %dma_start3A_699] : memref<8x64x128xf32, #tpu.memory_space<vmem>> -> memref<1x8x128xf32, #tpu.memory_space<vmem>>
    %dma_start3A_701 = tpu.memref_squeeze %dma_start3A_700 : memref<1x8x128xf32, #tpu.memory_space<vmem>> -> memref<8x128xf32, #tpu.memory_space<vmem>>
    %dma_start3A_702 = arith.constant 16 : i32
    %dma_start3A_703 = tpu.memref_slice %arg3[%dma_start3A_702, %multiple_of3A_670] : memref<64x1000000xf32, #tpu.memory_space<hbm>> -> memref<8x128xf32, #tpu.memory_space<hbm>>
    %dma_start3A_704 = arith.constant 16 : i32
    %dma_start3A_705 = arith.constant 0 : i32
    %dma_start3A_706 = tpu.memref_slice %arg6[%dma_start3A_697, %dma_start3A_704, %dma_start3A_705] : memref<8x64x128xf32, #tpu.memory_space<vmem>> -> memref<1x8x128xf32, #tpu.memory_space<vmem>>
    %dma_start3A_707 = tpu.memref_squeeze %dma_start3A_706 : memref<1x8x128xf32, #tpu.memory_space<vmem>> -> memref<8x128xf32, #tpu.memory_space<vmem>>
    %dma_start3A_708 = arith.constant 16 : i32
    %dma_start3A_709 = tpu.memref_slice %arg3[%dma_start3A_708, %multiple_of3A_670] : memref<64x1000000xf32, #tpu.memory_space<hbm>> -> memref<8x128xf32, #tpu.memory_space<hbm>>
    tpu.enqueue_dma source(%dma_start3A_709 : memref<8x128xf32, #tpu.memory_space<hbm>>) target(%dma_start3A_707 : memref<8x128xf32, #tpu.memory_space<vmem>>) target_semaphore(%arg9 : memref<!tpu.dma_semaphore, #tpu.memory_space<semaphore_mem>>)
    %dma_start3A_710 = arith.constant 6 : i32
    %dma_start3A_711 = arith.constant 24 : i32
    %dma_start3A_712 = arith.constant 0 : i32
    %dma_start3A_713 = tpu.memref_slice %arg6[%dma_start3A_710, %dma_start3A_711, %dma_start3A_712] : memref<8x64x128xf32, #tpu.memory_space<vmem>> -> memref<1x8x128xf32, #tpu.memory_space<vmem>>
    %dma_start3A_714 = tpu.memref_squeeze %dma_start3A_713 : memref<1x8x128xf32, #tpu.memory_space<vmem>> -> memref<8x128xf32, #tpu.memory_space<vmem>>
    %dma_start3A_715 = arith.constant 24 : i32
    %dma_start3A_716 = tpu.memref_slice %arg3[%dma_start3A_715, %multiple_of3A_670] : memref<64x1000000xf32, #tpu.memory_space<hbm>> -> memref<8x128xf32, #tpu.memory_space<hbm>>
    %dma_start3A_717 = arith.constant 24 : i32
    %dma_start3A_718 = arith.constant 0 : i32
    %dma_start3A_719 = tpu.memref_slice %arg6[%dma_start3A_710, %dma_start3A_717, %dma_start3A_718] : memref<8x64x128xf32, #tpu.memory_space<vmem>> -> memref<1x8x128xf32, #tpu.memory_space<vmem>>
    %dma_start3A_720 = tpu.memref_squeeze %dma_start3A_719 : memref<1x8x128xf32, #tpu.memory_space<vmem>> -> memref<8x128xf32, #tpu.memory_space<vmem>>
    %dma_start3A_721 = arith.constant 24 : i32
    %dma_start3A_722 = tpu.memref_slice %arg3[%dma_start3A_721, %multiple_of3A_670] : memref<64x1000000xf32, #tpu.memory_space<hbm>> -> memref<8x128xf32, #tpu.memory_space<hbm>>
    tpu.enqueue_dma source(%dma_start3A_722 : memref<8x128xf32, #tpu.memory_space<hbm>>) target(%dma_start3A_720 : memref<8x128xf32, #tpu.memory_space<vmem>>) target_semaphore(%arg9 : memref<!tpu.dma_semaphore, #tpu.memory_space<semaphore_mem>>)
    %dma_start3A_723 = arith.constant 6 : i32
    %dma_start3A_724 = arith.constant 32 : i32
    %dma_start3A_725 = arith.constant 0 : i32
    %dma_start3A_726 = tpu.memref_slice %arg6[%dma_start3A_723, %dma_start3A_724, %dma_start3A_725] : memref<8x64x128xf32, #tpu.memory_space<vmem>> -> memref<1x8x128xf32, #tpu.memory_space<vmem>>
    %dma_start3A_727 = tpu.memref_squeeze %dma_start3A_726 : memref<1x8x128xf32, #tpu.memory_space<vmem>> -> memref<8x128xf32, #tpu.memory_space<vmem>>
    %dma_start3A_728 = arith.constant 32 : i32
    %dma_start3A_729 = tpu.memref_slice %arg3[%dma_start3A_728, %multiple_of3A_670] : memref<64x1000000xf32, #tpu.memory_space<hbm>> -> memref<8x128xf32, #tpu.memory_space<hbm>>
    %dma_start3A_730 = arith.constant 32 : i32
    %dma_start3A_731 = arith.constant 0 : i32
    %dma_start3A_732 = tpu.memref_slice %arg6[%dma_start3A_723, %dma_start3A_730, %dma_start3A_731] : memref<8x64x128xf32, #tpu.memory_space<vmem>> -> memref<1x8x128xf32, #tpu.memory_space<vmem>>
    %dma_start3A_733 = tpu.memref_squeeze %dma_start3A_732 : memref<1x8x128xf32, #tpu.memory_space<vmem>> -> memref<8x128xf32, #tpu.memory_space<vmem>>
    %dma_start3A_734 = arith.constant 32 : i32
    %dma_start3A_735 = tpu.memref_slice %arg3[%dma_start3A_734, %multiple_of3A_670] : memref<64x1000000xf32, #tpu.memory_space<hbm>> -> memref<8x128xf32, #tpu.memory_space<hbm>>
    tpu.enqueue_dma source(%dma_start3A_735 : memref<8x128xf32, #tpu.memory_space<hbm>>) target(%dma_start3A_733 : memref<8x128xf32, #tpu.memory_space<vmem>>) target_semaphore(%arg9 : memref<!tpu.dma_semaphore, #tpu.memory_space<semaphore_mem>>)
    %dma_start3A_736 = arith.constant 6 : i32
    %dma_start3A_737 = arith.constant 40 : i32
    %dma_start3A_738 = arith.constant 0 : i32
    %dma_start3A_739 = tpu.memref_slice %arg6[%dma_start3A_736, %dma_start3A_737, %dma_start3A_738] : memref<8x64x128xf32, #tpu.memory_space<vmem>> -> memref<1x8x128xf32, #tpu.memory_space<vmem>>
    %dma_start3A_740 = tpu.memref_squeeze %dma_start3A_739 : memref<1x8x128xf32, #tpu.memory_space<vmem>> -> memref<8x128xf32, #tpu.memory_space<vmem>>
    %dma_start3A_741 = arith.constant 40 : i32
    %dma_start3A_742 = tpu.memref_slice %arg3[%dma_start3A_741, %multiple_of3A_670] : memref<64x1000000xf32, #tpu.memory_space<hbm>> -> memref<8x128xf32, #tpu.memory_space<hbm>>
    %dma_start3A_743 = arith.constant 40 : i32
    %dma_start3A_744 = arith.constant 0 : i32
    %dma_start3A_745 = tpu.memref_slice %arg6[%dma_start3A_736, %dma_start3A_743, %dma_start3A_744] : memref<8x64x128xf32, #tpu.memory_space<vmem>> -> memref<1x8x128xf32, #tpu.memory_space<vmem>>
    %dma_start3A_746 = tpu.memref_squeeze %dma_start3A_745 : memref<1x8x128xf32, #tpu.memory_space<vmem>> -> memref<8x128xf32, #tpu.memory_space<vmem>>
    %dma_start3A_747 = arith.constant 40 : i32
    %dma_start3A_748 = tpu.memref_slice %arg3[%dma_start3A_747, %multiple_of3A_670] : memref<64x1000000xf32, #tpu.memory_space<hbm>> -> memref<8x128xf32, #tpu.memory_space<hbm>>
    tpu.enqueue_dma source(%dma_start3A_748 : memref<8x128xf32, #tpu.memory_space<hbm>>) target(%dma_start3A_746 : memref<8x128xf32, #tpu.memory_space<vmem>>) target_semaphore(%arg9 : memref<!tpu.dma_semaphore, #tpu.memory_space<semaphore_mem>>)
    %dma_start3A_749 = arith.constant 6 : i32
    %dma_start3A_750 = arith.constant 48 : i32
    %dma_start3A_751 = arith.constant 0 : i32
    %dma_start3A_752 = tpu.memref_slice %arg6[%dma_start3A_749, %dma_start3A_750, %dma_start3A_751] : memref<8x64x128xf32, #tpu.memory_space<vmem>> -> memref<1x8x128xf32, #tpu.memory_space<vmem>>
    %dma_start3A_753 = tpu.memref_squeeze %dma_start3A_752 : memref<1x8x128xf32, #tpu.memory_space<vmem>> -> memref<8x128xf32, #tpu.memory_space<vmem>>
    %dma_start3A_754 = arith.constant 48 : i32
    %dma_start3A_755 = tpu.memref_slice %arg3[%dma_start3A_754, %multiple_of3A_670] : memref<64x1000000xf32, #tpu.memory_space<hbm>> -> memref<8x128xf32, #tpu.memory_space<hbm>>
    %dma_start3A_756 = arith.constant 48 : i32
    %dma_start3A_757 = arith.constant 0 : i32
    %dma_start3A_758 = tpu.memref_slice %arg6[%dma_start3A_749, %dma_start3A_756, %dma_start3A_757] : memref<8x64x128xf32, #tpu.memory_space<vmem>> -> memref<1x8x128xf32, #tpu.memory_space<vmem>>
    %dma_start3A_759 = tpu.memref_squeeze %dma_start3A_758 : memref<1x8x128xf32, #tpu.memory_space<vmem>> -> memref<8x128xf32, #tpu.memory_space<vmem>>
    %dma_start3A_760 = arith.constant 48 : i32
    %dma_start3A_761 = tpu.memref_slice %arg3[%dma_start3A_760, %multiple_of3A_670] : memref<64x1000000xf32, #tpu.memory_space<hbm>> -> memref<8x128xf32, #tpu.memory_space<hbm>>
    tpu.enqueue_dma source(%dma_start3A_761 : memref<8x128xf32, #tpu.memory_space<hbm>>) target(%dma_start3A_759 : memref<8x128xf32, #tpu.memory_space<vmem>>) target_semaphore(%arg9 : memref<!tpu.dma_semaphore, #tpu.memory_space<semaphore_mem>>)
    %dma_start3A_762 = arith.constant 6 : i32
    %dma_start3A_763 = arith.constant 56 : i32
    %dma_start3A_764 = arith.constant 0 : i32
    %dma_start3A_765 = tpu.memref_slice %arg6[%dma_start3A_762, %dma_start3A_763, %dma_start3A_764] : memref<8x64x128xf32, #tpu.memory_space<vmem>> -> memref<1x8x128xf32, #tpu.memory_space<vmem>>
    %dma_start3A_766 = tpu.memref_squeeze %dma_start3A_765 : memref<1x8x128xf32, #tpu.memory_space<vmem>> -> memref<8x128xf32, #tpu.memory_space<vmem>>
    %dma_start3A_767 = arith.constant 56 : i32
    %dma_start3A_768 = tpu.memref_slice %arg3[%dma_start3A_767, %multiple_of3A_670] : memref<64x1000000xf32, #tpu.memory_space<hbm>> -> memref<8x128xf32, #tpu.memory_space<hbm>>
    %dma_start3A_769 = arith.constant 56 : i32
    %dma_start3A_770 = arith.constant 0 : i32
    %dma_start3A_771 = tpu.memref_slice %arg6[%dma_start3A_762, %dma_start3A_769, %dma_start3A_770] : memref<8x64x128xf32, #tpu.memory_space<vmem>> -> memref<1x8x128xf32, #tpu.memory_space<vmem>>
    %dma_start3A_772 = tpu.memref_squeeze %dma_start3A_771 : memref<1x8x128xf32, #tpu.memory_space<vmem>> -> memref<8x128xf32, #tpu.memory_space<vmem>>
    %dma_start3A_773 = arith.constant 56 : i32
    %dma_start3A_774 = tpu.memref_slice %arg3[%dma_start3A_773, %multiple_of3A_670] : memref<64x1000000xf32, #tpu.memory_space<hbm>> -> memref<8x128xf32, #tpu.memory_space<hbm>>
    tpu.enqueue_dma source(%dma_start3A_774 : memref<8x128xf32, #tpu.memory_space<hbm>>) target(%dma_start3A_772 : memref<8x128xf32, #tpu.memory_space<vmem>>) target_semaphore(%arg9 : memref<!tpu.dma_semaphore, #tpu.memory_space<semaphore_mem>>)
    %slice3A_775 = vector.extract_strided_slice %get3A_3 {offsets = [7], sizes = [1], strides = [1]} : vector<16xi32> to vector<1xi32>
    %squeeze3A_776 = vector.extract %slice3A_775[0] : i32 from vector<1xi32>
    %shift_right_arithmetic3A_777 = arith.constant 7 : i32
    %shift_right_arithmetic3A_778 = arith.shrsi %squeeze3A_776, %shift_right_arithmetic3A_777 : i32
    %shift_left3A_779 = arith.constant 7 : i32
    %shift_left3A_780 = arith.shli %shift_right_arithmetic3A_778, %shift_left3A_779 : i32
    %multiple_of3A_781 = tpu.assume_multiple %shift_left3A_780, 128 : i32
    %dma_start3A_782 = arith.constant 7 : i32
    %dma_start3A_783 = arith.constant 0 : i32
    %dma_start3A_784 = arith.constant 0 : i32
    %dma_start3A_785 = tpu.memref_slice %arg6[%dma_start3A_782, %dma_start3A_783, %dma_start3A_784] : memref<8x64x128xf32, #tpu.memory_space<vmem>> -> memref<1x8x128xf32, #tpu.memory_space<vmem>>
    %dma_start3A_786 = tpu.memref_squeeze %dma_start3A_785 : memref<1x8x128xf32, #tpu.memory_space<vmem>> -> memref<8x128xf32, #tpu.memory_space<vmem>>
    %dma_start3A_787 = arith.constant 0 : i32
    %dma_start3A_788 = tpu.memref_slice %arg3[%dma_start3A_787, %multiple_of3A_781] : memref<64x1000000xf32, #tpu.memory_space<hbm>> -> memref<8x128xf32, #tpu.memory_space<hbm>>
    %dma_start3A_789 = arith.constant 0 : i32
    %dma_start3A_790 = arith.constant 0 : i32
    %dma_start3A_791 = tpu.memref_slice %arg6[%dma_start3A_782, %dma_start3A_789, %dma_start3A_790] : memref<8x64x128xf32, #tpu.memory_space<vmem>> -> memref<1x8x128xf32, #tpu.memory_space<vmem>>
    %dma_start3A_792 = tpu.memref_squeeze %dma_start3A_791 : memref<1x8x128xf32, #tpu.memory_space<vmem>> -> memref<8x128xf32, #tpu.memory_space<vmem>>
    %dma_start3A_793 = arith.constant 0 : i32
    %dma_start3A_794 = tpu.memref_slice %arg3[%dma_start3A_793, %multiple_of3A_781] : memref<64x1000000xf32, #tpu.memory_space<hbm>> -> memref<8x128xf32, #tpu.memory_space<hbm>>
    tpu.enqueue_dma source(%dma_start3A_794 : memref<8x128xf32, #tpu.memory_space<hbm>>) target(%dma_start3A_792 : memref<8x128xf32, #tpu.memory_space<vmem>>) target_semaphore(%arg9 : memref<!tpu.dma_semaphore, #tpu.memory_space<semaphore_mem>>)
    %dma_start3A_795 = arith.constant 7 : i32
    %dma_start3A_796 = arith.constant 8 : i32
    %dma_start3A_797 = arith.constant 0 : i32
    %dma_start3A_798 = tpu.memref_slice %arg6[%dma_start3A_795, %dma_start3A_796, %dma_start3A_797] : memref<8x64x128xf32, #tpu.memory_space<vmem>> -> memref<1x8x128xf32, #tpu.memory_space<vmem>>
    %dma_start3A_799 = tpu.memref_squeeze %dma_start3A_798 : memref<1x8x128xf32, #tpu.memory_space<vmem>> -> memref<8x128xf32, #tpu.memory_space<vmem>>
    %dma_start3A_800 = arith.constant 8 : i32
    %dma_start3A_801 = tpu.memref_slice %arg3[%dma_start3A_800, %multiple_of3A_781] : memref<64x1000000xf32, #tpu.memory_space<hbm>> -> memref<8x128xf32, #tpu.memory_space<hbm>>
    %dma_start3A_802 = arith.constant 8 : i32
    %dma_start3A_803 = arith.constant 0 : i32
    %dma_start3A_804 = tpu.memref_slice %arg6[%dma_start3A_795, %dma_start3A_802, %dma_start3A_803] : memref<8x64x128xf32, #tpu.memory_space<vmem>> -> memref<1x8x128xf32, #tpu.memory_space<vmem>>
    %dma_start3A_805 = tpu.memref_squeeze %dma_start3A_804 : memref<1x8x128xf32, #tpu.memory_space<vmem>> -> memref<8x128xf32, #tpu.memory_space<vmem>>
    %dma_start3A_806 = arith.constant 8 : i32
    %dma_start3A_807 = tpu.memref_slice %arg3[%dma_start3A_806, %multiple_of3A_781] : memref<64x1000000xf32, #tpu.memory_space<hbm>> -> memref<8x128xf32, #tpu.memory_space<hbm>>
    tpu.enqueue_dma source(%dma_start3A_807 : memref<8x128xf32, #tpu.memory_space<hbm>>) target(%dma_start3A_805 : memref<8x128xf32, #tpu.memory_space<vmem>>) target_semaphore(%arg9 : memref<!tpu.dma_semaphore, #tpu.memory_space<semaphore_mem>>)
    %dma_start3A_808 = arith.constant 7 : i32
    %dma_start3A_809 = arith.constant 16 : i32
    %dma_start3A_810 = arith.constant 0 : i32
    %dma_start3A_811 = tpu.memref_slice %arg6[%dma_start3A_808, %dma_start3A_809, %dma_start3A_810] : memref<8x64x128xf32, #tpu.memory_space<vmem>> -> memref<1x8x128xf32, #tpu.memory_space<vmem>>
    %dma_start3A_812 = tpu.memref_squeeze %dma_start3A_811 : memref<1x8x128xf32, #tpu.memory_space<vmem>> -> memref<8x128xf32, #tpu.memory_space<vmem>>
    %dma_start3A_813 = arith.constant 16 : i32
    %dma_start3A_814 = tpu.memref_slice %arg3[%dma_start3A_813, %multiple_of3A_781] : memref<64x1000000xf32, #tpu.memory_space<hbm>> -> memref<8x128xf32, #tpu.memory_space<hbm>>
    %dma_start3A_815 = arith.constant 16 : i32
    %dma_start3A_816 = arith.constant 0 : i32
    %dma_start3A_817 = tpu.memref_slice %arg6[%dma_start3A_808, %dma_start3A_815, %dma_start3A_816] : memref<8x64x128xf32, #tpu.memory_space<vmem>> -> memref<1x8x128xf32, #tpu.memory_space<vmem>>
    %dma_start3A_818 = tpu.memref_squeeze %dma_start3A_817 : memref<1x8x128xf32, #tpu.memory_space<vmem>> -> memref<8x128xf32, #tpu.memory_space<vmem>>
    %dma_start3A_819 = arith.constant 16 : i32
    %dma_start3A_820 = tpu.memref_slice %arg3[%dma_start3A_819, %multiple_of3A_781] : memref<64x1000000xf32, #tpu.memory_space<hbm>> -> memref<8x128xf32, #tpu.memory_space<hbm>>
    tpu.enqueue_dma source(%dma_start3A_820 : memref<8x128xf32, #tpu.memory_space<hbm>>) target(%dma_start3A_818 : memref<8x128xf32, #tpu.memory_space<vmem>>) target_semaphore(%arg9 : memref<!tpu.dma_semaphore, #tpu.memory_space<semaphore_mem>>)
    %dma_start3A_821 = arith.constant 7 : i32
    %dma_start3A_822 = arith.constant 24 : i32
    %dma_start3A_823 = arith.constant 0 : i32
    %dma_start3A_824 = tpu.memref_slice %arg6[%dma_start3A_821, %dma_start3A_822, %dma_start3A_823] : memref<8x64x128xf32, #tpu.memory_space<vmem>> -> memref<1x8x128xf32, #tpu.memory_space<vmem>>
    %dma_start3A_825 = tpu.memref_squeeze %dma_start3A_824 : memref<1x8x128xf32, #tpu.memory_space<vmem>> -> memref<8x128xf32, #tpu.memory_space<vmem>>
    %dma_start3A_826 = arith.constant 24 : i32
    %dma_start3A_827 = tpu.memref_slice %arg3[%dma_start3A_826, %multiple_of3A_781] : memref<64x1000000xf32, #tpu.memory_space<hbm>> -> memref<8x128xf32, #tpu.memory_space<hbm>>
    %dma_start3A_828 = arith.constant 24 : i32
    %dma_start3A_829 = arith.constant 0 : i32
    %dma_start3A_830 = tpu.memref_slice %arg6[%dma_start3A_821, %dma_start3A_828, %dma_start3A_829] : memref<8x64x128xf32, #tpu.memory_space<vmem>> -> memref<1x8x128xf32, #tpu.memory_space<vmem>>
    %dma_start3A_831 = tpu.memref_squeeze %dma_start3A_830 : memref<1x8x128xf32, #tpu.memory_space<vmem>> -> memref<8x128xf32, #tpu.memory_space<vmem>>
    %dma_start3A_832 = arith.constant 24 : i32
    %dma_start3A_833 = tpu.memref_slice %arg3[%dma_start3A_832, %multiple_of3A_781] : memref<64x1000000xf32, #tpu.memory_space<hbm>> -> memref<8x128xf32, #tpu.memory_space<hbm>>
    tpu.enqueue_dma source(%dma_start3A_833 : memref<8x128xf32, #tpu.memory_space<hbm>>) target(%dma_start3A_831 : memref<8x128xf32, #tpu.memory_space<vmem>>) target_semaphore(%arg9 : memref<!tpu.dma_semaphore, #tpu.memory_space<semaphore_mem>>)
    %dma_start3A_834 = arith.constant 7 : i32
    %dma_start3A_835 = arith.constant 32 : i32
    %dma_start3A_836 = arith.constant 0 : i32
    %dma_start3A_837 = tpu.memref_slice %arg6[%dma_start3A_834, %dma_start3A_835, %dma_start3A_836] : memref<8x64x128xf32, #tpu.memory_space<vmem>> -> memref<1x8x128xf32, #tpu.memory_space<vmem>>
    %dma_start3A_838 = tpu.memref_squeeze %dma_start3A_837 : memref<1x8x128xf32, #tpu.memory_space<vmem>> -> memref<8x128xf32, #tpu.memory_space<vmem>>
    %dma_start3A_839 = arith.constant 32 : i32
    %dma_start3A_840 = tpu.memref_slice %arg3[%dma_start3A_839, %multiple_of3A_781] : memref<64x1000000xf32, #tpu.memory_space<hbm>> -> memref<8x128xf32, #tpu.memory_space<hbm>>
    %dma_start3A_841 = arith.constant 32 : i32
    %dma_start3A_842 = arith.constant 0 : i32
    %dma_start3A_843 = tpu.memref_slice %arg6[%dma_start3A_834, %dma_start3A_841, %dma_start3A_842] : memref<8x64x128xf32, #tpu.memory_space<vmem>> -> memref<1x8x128xf32, #tpu.memory_space<vmem>>
    %dma_start3A_844 = tpu.memref_squeeze %dma_start3A_843 : memref<1x8x128xf32, #tpu.memory_space<vmem>> -> memref<8x128xf32, #tpu.memory_space<vmem>>
    %dma_start3A_845 = arith.constant 32 : i32
    %dma_start3A_846 = tpu.memref_slice %arg3[%dma_start3A_845, %multiple_of3A_781] : memref<64x1000000xf32, #tpu.memory_space<hbm>> -> memref<8x128xf32, #tpu.memory_space<hbm>>
    tpu.enqueue_dma source(%dma_start3A_846 : memref<8x128xf32, #tpu.memory_space<hbm>>) target(%dma_start3A_844 : memref<8x128xf32, #tpu.memory_space<vmem>>) target_semaphore(%arg9 : memref<!tpu.dma_semaphore, #tpu.memory_space<semaphore_mem>>)
    %dma_start3A_847 = arith.constant 7 : i32
    %dma_start3A_848 = arith.constant 40 : i32
    %dma_start3A_849 = arith.constant 0 : i32
    %dma_start3A_850 = tpu.memref_slice %arg6[%dma_start3A_847, %dma_start3A_848, %dma_start3A_849] : memref<8x64x128xf32, #tpu.memory_space<vmem>> -> memref<1x8x128xf32, #tpu.memory_space<vmem>>
    %dma_start3A_851 = tpu.memref_squeeze %dma_start3A_850 : memref<1x8x128xf32, #tpu.memory_space<vmem>> -> memref<8x128xf32, #tpu.memory_space<vmem>>
    %dma_start3A_852 = arith.constant 40 : i32
    %dma_start3A_853 = tpu.memref_slice %arg3[%dma_start3A_852, %multiple_of3A_781] : memref<64x1000000xf32, #tpu.memory_space<hbm>> -> memref<8x128xf32, #tpu.memory_space<hbm>>
    %dma_start3A_854 = arith.constant 40 : i32
    %dma_start3A_855 = arith.constant 0 : i32
    %dma_start3A_856 = tpu.memref_slice %arg6[%dma_start3A_847, %dma_start3A_854, %dma_start3A_855] : memref<8x64x128xf32, #tpu.memory_space<vmem>> -> memref<1x8x128xf32, #tpu.memory_space<vmem>>
    %dma_start3A_857 = tpu.memref_squeeze %dma_start3A_856 : memref<1x8x128xf32, #tpu.memory_space<vmem>> -> memref<8x128xf32, #tpu.memory_space<vmem>>
    %dma_start3A_858 = arith.constant 40 : i32
    %dma_start3A_859 = tpu.memref_slice %arg3[%dma_start3A_858, %multiple_of3A_781] : memref<64x1000000xf32, #tpu.memory_space<hbm>> -> memref<8x128xf32, #tpu.memory_space<hbm>>
    tpu.enqueue_dma source(%dma_start3A_859 : memref<8x128xf32, #tpu.memory_space<hbm>>) target(%dma_start3A_857 : memref<8x128xf32, #tpu.memory_space<vmem>>) target_semaphore(%arg9 : memref<!tpu.dma_semaphore, #tpu.memory_space<semaphore_mem>>)
    %dma_start3A_860 = arith.constant 7 : i32
    %dma_start3A_861 = arith.constant 48 : i32
    %dma_start3A_862 = arith.constant 0 : i32
    %dma_start3A_863 = tpu.memref_slice %arg6[%dma_start3A_860, %dma_start3A_861, %dma_start3A_862] : memref<8x64x128xf32, #tpu.memory_space<vmem>> -> memref<1x8x128xf32, #tpu.memory_space<vmem>>
    %dma_start3A_864 = tpu.memref_squeeze %dma_start3A_863 : memref<1x8x128xf32, #tpu.memory_space<vmem>> -> memref<8x128xf32, #tpu.memory_space<vmem>>
    %dma_start3A_865 = arith.constant 48 : i32
    %dma_start3A_866 = tpu.memref_slice %arg3[%dma_start3A_865, %multiple_of3A_781] : memref<64x1000000xf32, #tpu.memory_space<hbm>> -> memref<8x128xf32, #tpu.memory_space<hbm>>
    %dma_start3A_867 = arith.constant 48 : i32
    %dma_start3A_868 = arith.constant 0 : i32
    %dma_start3A_869 = tpu.memref_slice %arg6[%dma_start3A_860, %dma_start3A_867, %dma_start3A_868] : memref<8x64x128xf32, #tpu.memory_space<vmem>> -> memref<1x8x128xf32, #tpu.memory_space<vmem>>
    %dma_start3A_870 = tpu.memref_squeeze %dma_start3A_869 : memref<1x8x128xf32, #tpu.memory_space<vmem>> -> memref<8x128xf32, #tpu.memory_space<vmem>>
    %dma_start3A_871 = arith.constant 48 : i32
    %dma_start3A_872 = tpu.memref_slice %arg3[%dma_start3A_871, %multiple_of3A_781] : memref<64x1000000xf32, #tpu.memory_space<hbm>> -> memref<8x128xf32, #tpu.memory_space<hbm>>
    tpu.enqueue_dma source(%dma_start3A_872 : memref<8x128xf32, #tpu.memory_space<hbm>>) target(%dma_start3A_870 : memref<8x128xf32, #tpu.memory_space<vmem>>) target_semaphore(%arg9 : memref<!tpu.dma_semaphore, #tpu.memory_space<semaphore_mem>>)
    %dma_start3A_873 = arith.constant 7 : i32
    %dma_start3A_874 = arith.constant 56 : i32
    %dma_start3A_875 = arith.constant 0 : i32
    %dma_start3A_876 = tpu.memref_slice %arg6[%dma_start3A_873, %dma_start3A_874, %dma_start3A_875] : memref<8x64x128xf32, #tpu.memory_space<vmem>> -> memref<1x8x128xf32, #tpu.memory_space<vmem>>
    %dma_start3A_877 = tpu.memref_squeeze %dma_start3A_876 : memref<1x8x128xf32, #tpu.memory_space<vmem>> -> memref<8x128xf32, #tpu.memory_space<vmem>>
    %dma_start3A_878 = arith.constant 56 : i32
    %dma_start3A_879 = tpu.memref_slice %arg3[%dma_start3A_878, %multiple_of3A_781] : memref<64x1000000xf32, #tpu.memory_space<hbm>> -> memref<8x128xf32, #tpu.memory_space<hbm>>
    %dma_start3A_880 = arith.constant 56 : i32
    %dma_start3A_881 = arith.constant 0 : i32
    %dma_start3A_882 = tpu.memref_slice %arg6[%dma_start3A_873, %dma_start3A_880, %dma_start3A_881] : memref<8x64x128xf32, #tpu.memory_space<vmem>> -> memref<1x8x128xf32, #tpu.memory_space<vmem>>
    %dma_start3A_883 = tpu.memref_squeeze %dma_start3A_882 : memref<1x8x128xf32, #tpu.memory_space<vmem>> -> memref<8x128xf32, #tpu.memory_space<vmem>>
    %dma_start3A_884 = arith.constant 56 : i32
    %dma_start3A_885 = tpu.memref_slice %arg3[%dma_start3A_884, %multiple_of3A_781] : memref<64x1000000xf32, #tpu.memory_space<hbm>> -> memref<8x128xf32, #tpu.memory_space<hbm>>
    tpu.enqueue_dma source(%dma_start3A_885 : memref<8x128xf32, #tpu.memory_space<hbm>>) target(%dma_start3A_883 : memref<8x128xf32, #tpu.memory_space<vmem>>) target_semaphore(%arg9 : memref<!tpu.dma_semaphore, #tpu.memory_space<semaphore_mem>>)
    %scan3A = arith.constant 0 : i32
    %scan3A_886 = arith.constant 0 : i32
    %scan3A_887 = arith.constant 8 : i32
    %scan3A_888 = arith.addi %scan3A_886, %scan3A_887 : i32
    %scan3A_889 = arith.constant 1 : i32
    scf.for %scan3A_891 = %scan3A_886 to %scan3A_888 step %scan3A_889  : i32 {
      %mul3A_892 = arith.constant 16 : i32
      %mul3A_893 = arith.muli %scan3A_891, %mul3A_892 : i32
      %multiple_of3A_894 = tpu.assume_multiple %mul3A_893, 16 : i32
      %get3A_895 = arith.index_cast %multiple_of3A_894 : i32 to index
      %get3A_896 = tpu.vector_load %arg5[%get3A_895] {strides = array<i32>} : memref<128xi32, #tpu.memory_space<vmem>>, vector<16xi32>,
      %add3A_897 = arith.constant 1 : i32
      %add3A_898 = arith.addi %scan3A_891, %add3A_897 : i32
      %min3A = arith.constant 7 : i32
      %min3A_899 = arith.minsi %add3A_898, %min3A : i32
      %mul3A_900 = arith.constant 16 : i32
      %mul3A_901 = arith.muli %min3A_899, %mul3A_900 : i32
      %multiple_of3A_902 = tpu.assume_multiple %mul3A_901, 16 : i32
      %get3A_903 = arith.index_cast %multiple_of3A_902 : i32 to index
      %get3A_904 = tpu.vector_load %arg5[%get3A_903] {strides = array<i32>} : memref<128xi32, #tpu.memory_space<vmem>>, vector<16xi32>,
      %lt3A = arith.constant 7 : i32
      %lt3A_905 = arith.cmpi slt, %scan3A_891, %lt3A : i32
      %dma_wait3A = arith.constant 0 : i32
      %dma_wait3A_906 = arith.constant 0 : i32
      %dma_wait3A_907 = arith.constant 0 : i32
      %dma_wait3A_908 = tpu.memref_slice %arg6[%dma_wait3A, %dma_wait3A_906, %dma_wait3A_907] : memref<8x64x128xf32, #tpu.memory_space<vmem>> -> memref<1x64x128xf32, #tpu.memory_space<vmem>>
      %dma_wait3A_909 = tpu.memref_squeeze %dma_wait3A_908 : memref<1x64x128xf32, #tpu.memory_space<vmem>> -> memref<64x128xf32, #tpu.memory_space<vmem>>
      %dma_wait3A_910 = arith.constant 0 : i32
      %dma_wait3A_911 = arith.constant 0 : i32
      %dma_wait3A_912 = tpu.memref_slice %arg3[%dma_wait3A_910, %dma_wait3A_911] : memref<64x1000000xf32, #tpu.memory_space<hbm>> -> memref<64x128xf32, #tpu.memory_space<hbm>>
      %dma_wait3A_913 = arith.constant 0 : i32
      %dma_wait3A_914 = arith.constant 0 : i32
      %dma_wait3A_915 = tpu.memref_slice %arg6[%dma_wait3A, %dma_wait3A_913, %dma_wait3A_914] : memref<8x64x128xf32, #tpu.memory_space<vmem>> -> memref<1x64x128xf32, #tpu.memory_space<vmem>>
      %dma_wait3A_916 = tpu.memref_squeeze %dma_wait3A_915 : memref<1x64x128xf32, #tpu.memory_space<vmem>> -> memref<64x128xf32, #tpu.memory_space<vmem>>
      %dma_wait3A_917 = arith.constant 0 : i32
      %dma_wait3A_918 = arith.constant 0 : i32
      %dma_wait3A_919 = tpu.memref_slice %arg3[%dma_wait3A_917, %dma_wait3A_918] : memref<64x1000000xf32, #tpu.memory_space<hbm>> -> memref<64x128xf32, #tpu.memory_space<hbm>>
      tpu.wait_dma2 semaphore(%arg8 : memref<!tpu.dma_semaphore, #tpu.memory_space<semaphore_mem>>) src(%dma_wait3A_919 : memref<64x128xf32, #tpu.memory_space<hbm>>) dst(%dma_wait3A_916 : memref<64x128xf32, #tpu.memory_space<vmem>>)
      %dma_wait3A_920 = arith.constant 0 : i32
      %dma_wait3A_921 = arith.constant 0 : i32
      %dma_wait3A_922 = arith.constant 0 : i32
      %dma_wait3A_923 = tpu.memref_slice %arg6[%dma_wait3A_920, %dma_wait3A_921, %dma_wait3A_922] : memref<8x64x128xf32, #tpu.memory_space<vmem>> -> memref<1x64x128xf32, #tpu.memory_space<vmem>>
      %dma_wait3A_924 = tpu.memref_squeeze %dma_wait3A_923 : memref<1x64x128xf32, #tpu.memory_space<vmem>> -> memref<64x128xf32, #tpu.memory_space<vmem>>
      %dma_wait3A_925 = arith.constant 0 : i32
      %dma_wait3A_926 = arith.constant 0 : i32
      %dma_wait3A_927 = tpu.memref_slice %arg3[%dma_wait3A_925, %dma_wait3A_926] : memref<64x1000000xf32, #tpu.memory_space<hbm>> -> memref<64x128xf32, #tpu.memory_space<hbm>>
      %dma_wait3A_928 = arith.constant 0 : i32
      %dma_wait3A_929 = arith.constant 0 : i32
      %dma_wait3A_930 = tpu.memref_slice %arg6[%dma_wait3A_920, %dma_wait3A_928, %dma_wait3A_929] : memref<8x64x128xf32, #tpu.memory_space<vmem>> -> memref<1x64x128xf32, #tpu.memory_space<vmem>>
      %dma_wait3A_931 = tpu.memref_squeeze %dma_wait3A_930 : memref<1x64x128xf32, #tpu.memory_space<vmem>> -> memref<64x128xf32, #tpu.memory_space<vmem>>
      %dma_wait3A_932 = arith.constant 0 : i32
      %dma_wait3A_933 = arith.constant 0 : i32
      %dma_wait3A_934 = tpu.memref_slice %arg3[%dma_wait3A_932, %dma_wait3A_933] : memref<64x1000000xf32, #tpu.memory_space<hbm>> -> memref<64x128xf32, #tpu.memory_space<hbm>>
      tpu.wait_dma2 semaphore(%arg8 : memref<!tpu.dma_semaphore, #tpu.memory_space<semaphore_mem>>) src(%dma_wait3A_934 : memref<64x128xf32, #tpu.memory_space<hbm>>) dst(%dma_wait3A_931 : memref<64x128xf32, #tpu.memory_space<vmem>>)
      %dma_wait3A_935 = arith.constant 0 : i32
      %dma_wait3A_936 = arith.constant 0 : i32
      %dma_wait3A_937 = arith.constant 0 : i32
      %dma_wait3A_938 = tpu.memref_slice %arg6[%dma_wait3A_935, %dma_wait3A_936, %dma_wait3A_937] : memref<8x64x128xf32, #tpu.memory_space<vmem>> -> memref<1x64x128xf32, #tpu.memory_space<vmem>>
      %dma_wait3A_939 = tpu.memref_squeeze %dma_wait3A_938 : memref<1x64x128xf32, #tpu.memory_space<vmem>> -> memref<64x128xf32, #tpu.memory_space<vmem>>
      %dma_wait3A_940 = arith.constant 0 : i32
      %dma_wait3A_941 = arith.constant 0 : i32
      %dma_wait3A_942 = tpu.memref_slice %arg3[%dma_wait3A_940, %dma_wait3A_941] : memref<64x1000000xf32, #tpu.memory_space<hbm>> -> memref<64x128xf32, #tpu.memory_space<hbm>>
      %dma_wait3A_943 = arith.constant 0 : i32
      %dma_wait3A_944 = arith.constant 0 : i32
      %dma_wait3A_945 = tpu.memref_slice %arg6[%dma_wait3A_935, %dma_wait3A_943, %dma_wait3A_944] : memref<8x64x128xf32, #tpu.memory_space<vmem>> -> memref<1x64x128xf32, #tpu.memory_space<vmem>>
      %dma_wait3A_946 = tpu.memref_squeeze %dma_wait3A_945 : memref<1x64x128xf32, #tpu.memory_space<vmem>> -> memref<64x128xf32, #tpu.memory_space<vmem>>
      %dma_wait3A_947 = arith.constant 0 : i32
      %dma_wait3A_948 = arith.constant 0 : i32
      %dma_wait3A_949 = tpu.memref_slice %arg3[%dma_wait3A_947, %dma_wait3A_948] : memref<64x1000000xf32, #tpu.memory_space<hbm>> -> memref<64x128xf32, #tpu.memory_space<hbm>>
      tpu.wait_dma2 semaphore(%arg8 : memref<!tpu.dma_semaphore, #tpu.memory_space<semaphore_mem>>) src(%dma_wait3A_949 : memref<64x128xf32, #tpu.memory_space<hbm>>) dst(%dma_wait3A_946 : memref<64x128xf32, #tpu.memory_space<vmem>>)
      %dma_wait3A_950 = arith.constant 0 : i32
      %dma_wait3A_951 = arith.constant 0 : i32
      %dma_wait3A_952 = arith.constant 0 : i32
      %dma_wait3A_953 = tpu.memref_slice %arg6[%dma_wait3A_950, %dma_wait3A_951, %dma_wait3A_952] : memref<8x64x128xf32, #tpu.memory_space<vmem>> -> memref<1x64x128xf32, #tpu.memory_space<vmem>>
      %dma_wait3A_954 = tpu.memref_squeeze %dma_wait3A_953 : memref<1x64x128xf32, #tpu.memory_space<vmem>> -> memref<64x128xf32, #tpu.memory_space<vmem>>
      %dma_wait3A_955 = arith.constant 0 : i32
      %dma_wait3A_956 = arith.constant 0 : i32
      %dma_wait3A_957 = tpu.memref_slice %arg3[%dma_wait3A_955, %dma_wait3A_956] : memref<64x1000000xf32, #tpu.memory_space<hbm>> -> memref<64x128xf32, #tpu.memory_space<hbm>>
      %dma_wait3A_958 = arith.constant 0 : i32
      %dma_wait3A_959 = arith.constant 0 : i32
      %dma_wait3A_960 = tpu.memref_slice %arg6[%dma_wait3A_950, %dma_wait3A_958, %dma_wait3A_959] : memref<8x64x128xf32, #tpu.memory_space<vmem>> -> memref<1x64x128xf32, #tpu.memory_space<vmem>>
      %dma_wait3A_961 = tpu.memref_squeeze %dma_wait3A_960 : memref<1x64x128xf32, #tpu.memory_space<vmem>> -> memref<64x128xf32, #tpu.memory_space<vmem>>
      %dma_wait3A_962 = arith.constant 0 : i32
      %dma_wait3A_963 = arith.constant 0 : i32
      %dma_wait3A_964 = tpu.memref_slice %arg3[%dma_wait3A_962, %dma_wait3A_963] : memref<64x1000000xf32, #tpu.memory_space<hbm>> -> memref<64x128xf32, #tpu.memory_space<hbm>>
      tpu.wait_dma2 semaphore(%arg8 : memref<!tpu.dma_semaphore, #tpu.memory_space<semaphore_mem>>) src(%dma_wait3A_964 : memref<64x128xf32, #tpu.memory_space<hbm>>) dst(%dma_wait3A_961 : memref<64x128xf32, #tpu.memory_space<vmem>>)
      %slice3A_965 = vector.extract_strided_slice %get3A_896 {offsets = [0], sizes = [1], strides = [1]} : vector<16xi32> to vector<1xi32>
      %squeeze3A_966 = vector.extract %slice3A_965[0] : i32 from vector<1xi32>
      %and3A = arith.constant 127 : i32
      %and3A_967 = arith.andi %squeeze3A_966, %and3A : i32
      %broadcast_in_dim3A = vector.broadcast %and3A_967 : i32 to vector<16xi32>
      %add3A_968 = arith.constant 0 : i32
      %add3A_969 = arith.addi %multiple_of3A_894, %add3A_968 : i32
      %add3A_970 = arith.constant 0 : i32
      %add3A_971 = arith.addi %add3A_969, %add3A_970 : i32
      %broadcast_in_dim3A_972 = vector.broadcast %add3A_971 : i32 to vector<16xi32>
      %broadcast_in_dim3A_973 = arith.constant 0 : i32
      %broadcast_in_dim3A_974 = vector.broadcast %broadcast_in_dim3A_973 : i32 to vector<16xi32>
      %add3A_975 = arith.constant 0 : i32
      %add3A_976 = vector.broadcast %add3A_975 : i32 to vector<16xi32>
      %add3A_977 = arith.addi %iota3A, %add3A_976 : vector<16xi32>
      %gather3A = tpu.vector_load_idx %arg6[%broadcast_in_dim3A_974, %add3A_977, %broadcast_in_dim3A] : memref<8x64x128xf32, #tpu.memory_space<vmem>>[vector<16xi32>, vector<16xi32>, vector<16xi32>], vector<16xf32>,
      tpu.vector_store_idx %arg7[%add3A_977, %broadcast_in_dim3A_972], %gather3A : memref<64x128xf32, #tpu.memory_space<vmem>>[vector<16xi32>, vector<16xi32>], vector<16xf32>,
      %add3A_978 = arith.constant 16 : i32
      %add3A_979 = vector.broadcast %add3A_978 : i32 to vector<16xi32>
      %add3A_980 = arith.addi %iota3A, %add3A_979 : vector<16xi32>
      %gather3A_981 = tpu.vector_load_idx %arg6[%broadcast_in_dim3A_974, %add3A_980, %broadcast_in_dim3A] : memref<8x64x128xf32, #tpu.memory_space<vmem>>[vector<16xi32>, vector<16xi32>, vector<16xi32>], vector<16xf32>,
      tpu.vector_store_idx %arg7[%add3A_980, %broadcast_in_dim3A_972], %gather3A_981 : memref<64x128xf32, #tpu.memory_space<vmem>>[vector<16xi32>, vector<16xi32>], vector<16xf32>,
      %add3A_982 = arith.constant 32 : i32
      %add3A_983 = vector.broadcast %add3A_982 : i32 to vector<16xi32>
      %add3A_984 = arith.addi %iota3A, %add3A_983 : vector<16xi32>
      %gather3A_985 = tpu.vector_load_idx %arg6[%broadcast_in_dim3A_974, %add3A_984, %broadcast_in_dim3A] : memref<8x64x128xf32, #tpu.memory_space<vmem>>[vector<16xi32>, vector<16xi32>, vector<16xi32>], vector<16xf32>,
      tpu.vector_store_idx %arg7[%add3A_984, %broadcast_in_dim3A_972], %gather3A_985 : memref<64x128xf32, #tpu.memory_space<vmem>>[vector<16xi32>, vector<16xi32>], vector<16xf32>,
      %add3A_986 = arith.constant 48 : i32
      %add3A_987 = vector.broadcast %add3A_986 : i32 to vector<16xi32>
      %add3A_988 = arith.addi %iota3A, %add3A_987 : vector<16xi32>
      %gather3A_989 = tpu.vector_load_idx %arg6[%broadcast_in_dim3A_974, %add3A_988, %broadcast_in_dim3A] : memref<8x64x128xf32, #tpu.memory_space<vmem>>[vector<16xi32>, vector<16xi32>, vector<16xi32>], vector<16xf32>,
      tpu.vector_store_idx %arg7[%add3A_988, %broadcast_in_dim3A_972], %gather3A_989 : memref<64x128xf32, #tpu.memory_space<vmem>>[vector<16xi32>, vector<16xi32>], vector<16xf32>,
      %slice3A_990 = vector.extract_strided_slice %get3A_896 {offsets = [1], sizes = [1], strides = [1]} : vector<16xi32> to vector<1xi32>
      %squeeze3A_991 = vector.extract %slice3A_990[0] : i32 from vector<1xi32>
      %and3A_992 = arith.constant 127 : i32
      %and3A_993 = arith.andi %squeeze3A_991, %and3A_992 : i32
      %broadcast_in_dim3A_994 = vector.broadcast %and3A_993 : i32 to vector<16xi32>
      %add3A_995 = arith.constant 0 : i32
      %add3A_996 = arith.addi %multiple_of3A_894, %add3A_995 : i32
      %add3A_997 = arith.constant 1 : i32
      %add3A_998 = arith.addi %add3A_996, %add3A_997 : i32
      %broadcast_in_dim3A_999 = vector.broadcast %add3A_998 : i32 to vector<16xi32>
      %broadcast_in_dim3A_1000 = arith.constant 1 : i32
      %broadcast_in_dim3A_1001 = vector.broadcast %broadcast_in_dim3A_1000 : i32 to vector<16xi32>
      %add3A_1002 = arith.constant 0 : i32
      %add3A_1003 = vector.broadcast %add3A_1002 : i32 to vector<16xi32>
      %add3A_1004 = arith.addi %iota3A, %add3A_1003 : vector<16xi32>
      %gather3A_1005 = tpu.vector_load_idx %arg6[%broadcast_in_dim3A_1001, %add3A_1004, %broadcast_in_dim3A_994] : memref<8x64x128xf32, #tpu.memory_space<vmem>>[vector<16xi32>, vector<16xi32>, vector<16xi32>], vector<16xf32>,
      tpu.vector_store_idx %arg7[%add3A_1004, %broadcast_in_dim3A_999], %gather3A_1005 : memref<64x128xf32, #tpu.memory_space<vmem>>[vector<16xi32>, vector<16xi32>], vector<16xf32>,
      %add3A_1006 = arith.constant 16 : i32
      %add3A_1007 = vector.broadcast %add3A_1006 : i32 to vector<16xi32>
      %add3A_1008 = arith.addi %iota3A, %add3A_1007 : vector<16xi32>
      %gather3A_1009 = tpu.vector_load_idx %arg6[%broadcast_in_dim3A_1001, %add3A_1008, %broadcast_in_dim3A_994] : memref<8x64x128xf32, #tpu.memory_space<vmem>>[vector<16xi32>, vector<16xi32>, vector<16xi32>], vector<16xf32>,
      tpu.vector_store_idx %arg7[%add3A_1008, %broadcast_in_dim3A_999], %gather3A_1009 : memref<64x128xf32, #tpu.memory_space<vmem>>[vector<16xi32>, vector<16xi32>], vector<16xf32>,
      %add3A_1010 = arith.constant 32 : i32
      %add3A_1011 = vector.broadcast %add3A_1010 : i32 to vector<16xi32>
      %add3A_1012 = arith.addi %iota3A, %add3A_1011 : vector<16xi32>
      %gather3A_1013 = tpu.vector_load_idx %arg6[%broadcast_in_dim3A_1001, %add3A_1012, %broadcast_in_dim3A_994] : memref<8x64x128xf32, #tpu.memory_space<vmem>>[vector<16xi32>, vector<16xi32>, vector<16xi32>], vector<16xf32>,
      tpu.vector_store_idx %arg7[%add3A_1012, %broadcast_in_dim3A_999], %gather3A_1013 : memref<64x128xf32, #tpu.memory_space<vmem>>[vector<16xi32>, vector<16xi32>], vector<16xf32>,
      %add3A_1014 = arith.constant 48 : i32
      %add3A_1015 = vector.broadcast %add3A_1014 : i32 to vector<16xi32>
      %add3A_1016 = arith.addi %iota3A, %add3A_1015 : vector<16xi32>
      %gather3A_1017 = tpu.vector_load_idx %arg6[%broadcast_in_dim3A_1001, %add3A_1016, %broadcast_in_dim3A_994] : memref<8x64x128xf32, #tpu.memory_space<vmem>>[vector<16xi32>, vector<16xi32>, vector<16xi32>], vector<16xf32>,
      tpu.vector_store_idx %arg7[%add3A_1016, %broadcast_in_dim3A_999], %gather3A_1017 : memref<64x128xf32, #tpu.memory_space<vmem>>[vector<16xi32>, vector<16xi32>], vector<16xf32>,
      %slice3A_1018 = vector.extract_strided_slice %get3A_896 {offsets = [2], sizes = [1], strides = [1]} : vector<16xi32> to vector<1xi32>
      %squeeze3A_1019 = vector.extract %slice3A_1018[0] : i32 from vector<1xi32>
      %and3A_1020 = arith.constant 127 : i32
      %and3A_1021 = arith.andi %squeeze3A_1019, %and3A_1020 : i32
      %broadcast_in_dim3A_1022 = vector.broadcast %and3A_1021 : i32 to vector<16xi32>
      %add3A_1023 = arith.constant 0 : i32
      %add3A_1024 = arith.addi %multiple_of3A_894, %add3A_1023 : i32
      %add3A_1025 = arith.constant 2 : i32
      %add3A_1026 = arith.addi %add3A_1024, %add3A_1025 : i32
      %broadcast_in_dim3A_1027 = vector.broadcast %add3A_1026 : i32 to vector<16xi32>
      %broadcast_in_dim3A_1028 = arith.constant 2 : i32
      %broadcast_in_dim3A_1029 = vector.broadcast %broadcast_in_dim3A_1028 : i32 to vector<16xi32>
      %add3A_1030 = arith.constant 0 : i32
      %add3A_1031 = vector.broadcast %add3A_1030 : i32 to vector<16xi32>
      %add3A_1032 = arith.addi %iota3A, %add3A_1031 : vector<16xi32>
      %gather3A_1033 = tpu.vector_load_idx %arg6[%broadcast_in_dim3A_1029, %add3A_1032, %broadcast_in_dim3A_1022] : memref<8x64x128xf32, #tpu.memory_space<vmem>>[vector<16xi32>, vector<16xi32>, vector<16xi32>], vector<16xf32>,
      tpu.vector_store_idx %arg7[%add3A_1032, %broadcast_in_dim3A_1027], %gather3A_1033 : memref<64x128xf32, #tpu.memory_space<vmem>>[vector<16xi32>, vector<16xi32>], vector<16xf32>,
      %add3A_1034 = arith.constant 16 : i32
      %add3A_1035 = vector.broadcast %add3A_1034 : i32 to vector<16xi32>
      %add3A_1036 = arith.addi %iota3A, %add3A_1035 : vector<16xi32>
      %gather3A_1037 = tpu.vector_load_idx %arg6[%broadcast_in_dim3A_1029, %add3A_1036, %broadcast_in_dim3A_1022] : memref<8x64x128xf32, #tpu.memory_space<vmem>>[vector<16xi32>, vector<16xi32>, vector<16xi32>], vector<16xf32>,
      tpu.vector_store_idx %arg7[%add3A_1036, %broadcast_in_dim3A_1027], %gather3A_1037 : memref<64x128xf32, #tpu.memory_space<vmem>>[vector<16xi32>, vector<16xi32>], vector<16xf32>,
      %add3A_1038 = arith.constant 32 : i32
      %add3A_1039 = vector.broadcast %add3A_1038 : i32 to vector<16xi32>
      %add3A_1040 = arith.addi %iota3A, %add3A_1039 : vector<16xi32>
      %gather3A_1041 = tpu.vector_load_idx %arg6[%broadcast_in_dim3A_1029, %add3A_1040, %broadcast_in_dim3A_1022] : memref<8x64x128xf32, #tpu.memory_space<vmem>>[vector<16xi32>, vector<16xi32>, vector<16xi32>], vector<16xf32>,
      tpu.vector_store_idx %arg7[%add3A_1040, %broadcast_in_dim3A_1027], %gather3A_1041 : memref<64x128xf32, #tpu.memory_space<vmem>>[vector<16xi32>, vector<16xi32>], vector<16xf32>,
      %add3A_1042 = arith.constant 48 : i32
      %add3A_1043 = vector.broadcast %add3A_1042 : i32 to vector<16xi32>
      %add3A_1044 = arith.addi %iota3A, %add3A_1043 : vector<16xi32>
      %gather3A_1045 = tpu.vector_load_idx %arg6[%broadcast_in_dim3A_1029, %add3A_1044, %broadcast_in_dim3A_1022] : memref<8x64x128xf32, #tpu.memory_space<vmem>>[vector<16xi32>, vector<16xi32>, vector<16xi32>], vector<16xf32>,
      tpu.vector_store_idx %arg7[%add3A_1044, %broadcast_in_dim3A_1027], %gather3A_1045 : memref<64x128xf32, #tpu.memory_space<vmem>>[vector<16xi32>, vector<16xi32>], vector<16xf32>,
      %slice3A_1046 = vector.extract_strided_slice %get3A_896 {offsets = [3], sizes = [1], strides = [1]} : vector<16xi32> to vector<1xi32>
      %squeeze3A_1047 = vector.extract %slice3A_1046[0] : i32 from vector<1xi32>
      %and3A_1048 = arith.constant 127 : i32
      %and3A_1049 = arith.andi %squeeze3A_1047, %and3A_1048 : i32
      %broadcast_in_dim3A_1050 = vector.broadcast %and3A_1049 : i32 to vector<16xi32>
      %add3A_1051 = arith.constant 0 : i32
      %add3A_1052 = arith.addi %multiple_of3A_894, %add3A_1051 : i32
      %add3A_1053 = arith.constant 3 : i32
      %add3A_1054 = arith.addi %add3A_1052, %add3A_1053 : i32
      %broadcast_in_dim3A_1055 = vector.broadcast %add3A_1054 : i32 to vector<16xi32>
      %broadcast_in_dim3A_1056 = arith.constant 3 : i32
      %broadcast_in_dim3A_1057 = vector.broadcast %broadcast_in_dim3A_1056 : i32 to vector<16xi32>
      %add3A_1058 = arith.constant 0 : i32
      %add3A_1059 = vector.broadcast %add3A_1058 : i32 to vector<16xi32>
      %add3A_1060 = arith.addi %iota3A, %add3A_1059 : vector<16xi32>
      %gather3A_1061 = tpu.vector_load_idx %arg6[%broadcast_in_dim3A_1057, %add3A_1060, %broadcast_in_dim3A_1050] : memref<8x64x128xf32, #tpu.memory_space<vmem>>[vector<16xi32>, vector<16xi32>, vector<16xi32>], vector<16xf32>,
      tpu.vector_store_idx %arg7[%add3A_1060, %broadcast_in_dim3A_1055], %gather3A_1061 : memref<64x128xf32, #tpu.memory_space<vmem>>[vector<16xi32>, vector<16xi32>], vector<16xf32>,
      %add3A_1062 = arith.constant 16 : i32
      %add3A_1063 = vector.broadcast %add3A_1062 : i32 to vector<16xi32>
      %add3A_1064 = arith.addi %iota3A, %add3A_1063 : vector<16xi32>
      %gather3A_1065 = tpu.vector_load_idx %arg6[%broadcast_in_dim3A_1057, %add3A_1064, %broadcast_in_dim3A_1050] : memref<8x64x128xf32, #tpu.memory_space<vmem>>[vector<16xi32>, vector<16xi32>, vector<16xi32>], vector<16xf32>,
      tpu.vector_store_idx %arg7[%add3A_1064, %broadcast_in_dim3A_1055], %gather3A_1065 : memref<64x128xf32, #tpu.memory_space<vmem>>[vector<16xi32>, vector<16xi32>], vector<16xf32>,
      %add3A_1066 = arith.constant 32 : i32
      %add3A_1067 = vector.broadcast %add3A_1066 : i32 to vector<16xi32>
      %add3A_1068 = arith.addi %iota3A, %add3A_1067 : vector<16xi32>
      %gather3A_1069 = tpu.vector_load_idx %arg6[%broadcast_in_dim3A_1057, %add3A_1068, %broadcast_in_dim3A_1050] : memref<8x64x128xf32, #tpu.memory_space<vmem>>[vector<16xi32>, vector<16xi32>, vector<16xi32>], vector<16xf32>,
      tpu.vector_store_idx %arg7[%add3A_1068, %broadcast_in_dim3A_1055], %gather3A_1069 : memref<64x128xf32, #tpu.memory_space<vmem>>[vector<16xi32>, vector<16xi32>], vector<16xf32>,
      %add3A_1070 = arith.constant 48 : i32
      %add3A_1071 = vector.broadcast %add3A_1070 : i32 to vector<16xi32>
      %add3A_1072 = arith.addi %iota3A, %add3A_1071 : vector<16xi32>
      %gather3A_1073 = tpu.vector_load_idx %arg6[%broadcast_in_dim3A_1057, %add3A_1072, %broadcast_in_dim3A_1050] : memref<8x64x128xf32, #tpu.memory_space<vmem>>[vector<16xi32>, vector<16xi32>, vector<16xi32>], vector<16xf32>,
      tpu.vector_store_idx %arg7[%add3A_1072, %broadcast_in_dim3A_1055], %gather3A_1073 : memref<64x128xf32, #tpu.memory_space<vmem>>[vector<16xi32>, vector<16xi32>], vector<16xf32>,
      %slice3A_1074 = vector.extract_strided_slice %get3A_896 {offsets = [8], sizes = [1], strides = [1]} : vector<16xi32> to vector<1xi32>
      %squeeze3A_1075 = vector.extract %slice3A_1074[0] : i32 from vector<1xi32>
      %shift_right_arithmetic3A_1076 = arith.constant 7 : i32
      %shift_right_arithmetic3A_1077 = arith.shrsi %squeeze3A_1075, %shift_right_arithmetic3A_1076 : i32
      %shift_left3A_1078 = arith.constant 7 : i32
      %shift_left3A_1079 = arith.shli %shift_right_arithmetic3A_1077, %shift_left3A_1078 : i32
      %multiple_of3A_1080 = tpu.assume_multiple %shift_left3A_1079, 128 : i32
      %dma_start3A_1081 = arith.constant 0 : i32
      %dma_start3A_1082 = arith.constant 0 : i32
      %dma_start3A_1083 = arith.constant 0 : i32
      %dma_start3A_1084 = tpu.memref_slice %arg6[%dma_start3A_1081, %dma_start3A_1082, %dma_start3A_1083] : memref<8x64x128xf32, #tpu.memory_space<vmem>> -> memref<1x8x128xf32, #tpu.memory_space<vmem>>
      %dma_start3A_1085 = tpu.memref_squeeze %dma_start3A_1084 : memref<1x8x128xf32, #tpu.memory_space<vmem>> -> memref<8x128xf32, #tpu.memory_space<vmem>>
      %dma_start3A_1086 = arith.constant 0 : i32
      %dma_start3A_1087 = tpu.memref_slice %arg3[%dma_start3A_1086, %multiple_of3A_1080] : memref<64x1000000xf32, #tpu.memory_space<hbm>> -> memref<8x128xf32, #tpu.memory_space<hbm>>
      %dma_start3A_1088 = arith.constant 0 : i32
      %dma_start3A_1089 = arith.constant 0 : i32
      %dma_start3A_1090 = tpu.memref_slice %arg6[%dma_start3A_1081, %dma_start3A_1088, %dma_start3A_1089] : memref<8x64x128xf32, #tpu.memory_space<vmem>> -> memref<1x8x128xf32, #tpu.memory_space<vmem>>
      %dma_start3A_1091 = tpu.memref_squeeze %dma_start3A_1090 : memref<1x8x128xf32, #tpu.memory_space<vmem>> -> memref<8x128xf32, #tpu.memory_space<vmem>>
      %dma_start3A_1092 = arith.constant 0 : i32
      %dma_start3A_1093 = tpu.memref_slice %arg3[%dma_start3A_1092, %multiple_of3A_1080] : memref<64x1000000xf32, #tpu.memory_space<hbm>> -> memref<8x128xf32, #tpu.memory_space<hbm>>
      tpu.enqueue_dma source(%dma_start3A_1093 : memref<8x128xf32, #tpu.memory_space<hbm>>) target(%dma_start3A_1091 : memref<8x128xf32, #tpu.memory_space<vmem>>) target_semaphore(%arg8 : memref<!tpu.dma_semaphore, #tpu.memory_space<semaphore_mem>>)
      %dma_start3A_1094 = arith.constant 0 : i32
      %dma_start3A_1095 = arith.constant 8 : i32
      %dma_start3A_1096 = arith.constant 0 : i32
      %dma_start3A_1097 = tpu.memref_slice %arg6[%dma_start3A_1094, %dma_start3A_1095, %dma_start3A_1096] : memref<8x64x128xf32, #tpu.memory_space<vmem>> -> memref<1x8x128xf32, #tpu.memory_space<vmem>>
      %dma_start3A_1098 = tpu.memref_squeeze %dma_start3A_1097 : memref<1x8x128xf32, #tpu.memory_space<vmem>> -> memref<8x128xf32, #tpu.memory_space<vmem>>
      %dma_start3A_1099 = arith.constant 8 : i32
      %dma_start3A_1100 = tpu.memref_slice %arg3[%dma_start3A_1099, %multiple_of3A_1080] : memref<64x1000000xf32, #tpu.memory_space<hbm>> -> memref<8x128xf32, #tpu.memory_space<hbm>>
      %dma_start3A_1101 = arith.constant 8 : i32
      %dma_start3A_1102 = arith.constant 0 : i32
      %dma_start3A_1103 = tpu.memref_slice %arg6[%dma_start3A_1094, %dma_start3A_1101, %dma_start3A_1102] : memref<8x64x128xf32, #tpu.memory_space<vmem>> -> memref<1x8x128xf32, #tpu.memory_space<vmem>>
      %dma_start3A_1104 = tpu.memref_squeeze %dma_start3A_1103 : memref<1x8x128xf32, #tpu.memory_space<vmem>> -> memref<8x128xf32, #tpu.memory_space<vmem>>
      %dma_start3A_1105 = arith.constant 8 : i32
      %dma_start3A_1106 = tpu.memref_slice %arg3[%dma_start3A_1105, %multiple_of3A_1080] : memref<64x1000000xf32, #tpu.memory_space<hbm>> -> memref<8x128xf32, #tpu.memory_space<hbm>>
      tpu.enqueue_dma source(%dma_start3A_1106 : memref<8x128xf32, #tpu.memory_space<hbm>>) target(%dma_start3A_1104 : memref<8x128xf32, #tpu.memory_space<vmem>>) target_semaphore(%arg8 : memref<!tpu.dma_semaphore, #tpu.memory_space<semaphore_mem>>)
      %dma_start3A_1107 = arith.constant 0 : i32
      %dma_start3A_1108 = arith.constant 16 : i32
      %dma_start3A_1109 = arith.constant 0 : i32
      %dma_start3A_1110 = tpu.memref_slice %arg6[%dma_start3A_1107, %dma_start3A_1108, %dma_start3A_1109] : memref<8x64x128xf32, #tpu.memory_space<vmem>> -> memref<1x8x128xf32, #tpu.memory_space<vmem>>
      %dma_start3A_1111 = tpu.memref_squeeze %dma_start3A_1110 : memref<1x8x128xf32, #tpu.memory_space<vmem>> -> memref<8x128xf32, #tpu.memory_space<vmem>>
      %dma_start3A_1112 = arith.constant 16 : i32
      %dma_start3A_1113 = tpu.memref_slice %arg3[%dma_start3A_1112, %multiple_of3A_1080] : memref<64x1000000xf32, #tpu.memory_space<hbm>> -> memref<8x128xf32, #tpu.memory_space<hbm>>
      %dma_start3A_1114 = arith.constant 16 : i32
      %dma_start3A_1115 = arith.constant 0 : i32
      %dma_start3A_1116 = tpu.memref_slice %arg6[%dma_start3A_1107, %dma_start3A_1114, %dma_start3A_1115] : memref<8x64x128xf32, #tpu.memory_space<vmem>> -> memref<1x8x128xf32, #tpu.memory_space<vmem>>
      %dma_start3A_1117 = tpu.memref_squeeze %dma_start3A_1116 : memref<1x8x128xf32, #tpu.memory_space<vmem>> -> memref<8x128xf32, #tpu.memory_space<vmem>>
      %dma_start3A_1118 = arith.constant 16 : i32
      %dma_start3A_1119 = tpu.memref_slice %arg3[%dma_start3A_1118, %multiple_of3A_1080] : memref<64x1000000xf32, #tpu.memory_space<hbm>> -> memref<8x128xf32, #tpu.memory_space<hbm>>
      tpu.enqueue_dma source(%dma_start3A_1119 : memref<8x128xf32, #tpu.memory_space<hbm>>) target(%dma_start3A_1117 : memref<8x128xf32, #tpu.memory_space<vmem>>) target_semaphore(%arg8 : memref<!tpu.dma_semaphore, #tpu.memory_space<semaphore_mem>>)
      %dma_start3A_1120 = arith.constant 0 : i32
      %dma_start3A_1121 = arith.constant 24 : i32
      %dma_start3A_1122 = arith.constant 0 : i32
      %dma_start3A_1123 = tpu.memref_slice %arg6[%dma_start3A_1120, %dma_start3A_1121, %dma_start3A_1122] : memref<8x64x128xf32, #tpu.memory_space<vmem>> -> memref<1x8x128xf32, #tpu.memory_space<vmem>>
      %dma_start3A_1124 = tpu.memref_squeeze %dma_start3A_1123 : memref<1x8x128xf32, #tpu.memory_space<vmem>> -> memref<8x128xf32, #tpu.memory_space<vmem>>
      %dma_start3A_1125 = arith.constant 24 : i32
      %dma_start3A_1126 = tpu.memref_slice %arg3[%dma_start3A_1125, %multiple_of3A_1080] : memref<64x1000000xf32, #tpu.memory_space<hbm>> -> memref<8x128xf32, #tpu.memory_space<hbm>>
      %dma_start3A_1127 = arith.constant 24 : i32
      %dma_start3A_1128 = arith.constant 0 : i32
      %dma_start3A_1129 = tpu.memref_slice %arg6[%dma_start3A_1120, %dma_start3A_1127, %dma_start3A_1128] : memref<8x64x128xf32, #tpu.memory_space<vmem>> -> memref<1x8x128xf32, #tpu.memory_space<vmem>>
      %dma_start3A_1130 = tpu.memref_squeeze %dma_start3A_1129 : memref<1x8x128xf32, #tpu.memory_space<vmem>> -> memref<8x128xf32, #tpu.memory_space<vmem>>
      %dma_start3A_1131 = arith.constant 24 : i32
      %dma_start3A_1132 = tpu.memref_slice %arg3[%dma_start3A_1131, %multiple_of3A_1080] : memref<64x1000000xf32, #tpu.memory_space<hbm>> -> memref<8x128xf32, #tpu.memory_space<hbm>>
      tpu.enqueue_dma source(%dma_start3A_1132 : memref<8x128xf32, #tpu.memory_space<hbm>>) target(%dma_start3A_1130 : memref<8x128xf32, #tpu.memory_space<vmem>>) target_semaphore(%arg8 : memref<!tpu.dma_semaphore, #tpu.memory_space<semaphore_mem>>)
      %dma_start3A_1133 = arith.constant 0 : i32
      %dma_start3A_1134 = arith.constant 32 : i32
      %dma_start3A_1135 = arith.constant 0 : i32
      %dma_start3A_1136 = tpu.memref_slice %arg6[%dma_start3A_1133, %dma_start3A_1134, %dma_start3A_1135] : memref<8x64x128xf32, #tpu.memory_space<vmem>> -> memref<1x8x128xf32, #tpu.memory_space<vmem>>
      %dma_start3A_1137 = tpu.memref_squeeze %dma_start3A_1136 : memref<1x8x128xf32, #tpu.memory_space<vmem>> -> memref<8x128xf32, #tpu.memory_space<vmem>>
      %dma_start3A_1138 = arith.constant 32 : i32
      %dma_start3A_1139 = tpu.memref_slice %arg3[%dma_start3A_1138, %multiple_of3A_1080] : memref<64x1000000xf32, #tpu.memory_space<hbm>> -> memref<8x128xf32, #tpu.memory_space<hbm>>
      %dma_start3A_1140 = arith.constant 32 : i32
      %dma_start3A_1141 = arith.constant 0 : i32
      %dma_start3A_1142 = tpu.memref_slice %arg6[%dma_start3A_1133, %dma_start3A_1140, %dma_start3A_1141] : memref<8x64x128xf32, #tpu.memory_space<vmem>> -> memref<1x8x128xf32, #tpu.memory_space<vmem>>
      %dma_start3A_1143 = tpu.memref_squeeze %dma_start3A_1142 : memref<1x8x128xf32, #tpu.memory_space<vmem>> -> memref<8x128xf32, #tpu.memory_space<vmem>>
      %dma_start3A_1144 = arith.constant 32 : i32
      %dma_start3A_1145 = tpu.memref_slice %arg3[%dma_start3A_1144, %multiple_of3A_1080] : memref<64x1000000xf32, #tpu.memory_space<hbm>> -> memref<8x128xf32, #tpu.memory_space<hbm>>
      tpu.enqueue_dma source(%dma_start3A_1145 : memref<8x128xf32, #tpu.memory_space<hbm>>) target(%dma_start3A_1143 : memref<8x128xf32, #tpu.memory_space<vmem>>) target_semaphore(%arg8 : memref<!tpu.dma_semaphore, #tpu.memory_space<semaphore_mem>>)
      %dma_start3A_1146 = arith.constant 0 : i32
      %dma_start3A_1147 = arith.constant 40 : i32
      %dma_start3A_1148 = arith.constant 0 : i32
      %dma_start3A_1149 = tpu.memref_slice %arg6[%dma_start3A_1146, %dma_start3A_1147, %dma_start3A_1148] : memref<8x64x128xf32, #tpu.memory_space<vmem>> -> memref<1x8x128xf32, #tpu.memory_space<vmem>>
      %dma_start3A_1150 = tpu.memref_squeeze %dma_start3A_1149 : memref<1x8x128xf32, #tpu.memory_space<vmem>> -> memref<8x128xf32, #tpu.memory_space<vmem>>
      %dma_start3A_1151 = arith.constant 40 : i32
      %dma_start3A_1152 = tpu.memref_slice %arg3[%dma_start3A_1151, %multiple_of3A_1080] : memref<64x1000000xf32, #tpu.memory_space<hbm>> -> memref<8x128xf32, #tpu.memory_space<hbm>>
      %dma_start3A_1153 = arith.constant 40 : i32
      %dma_start3A_1154 = arith.constant 0 : i32
      %dma_start3A_1155 = tpu.memref_slice %arg6[%dma_start3A_1146, %dma_start3A_1153, %dma_start3A_1154] : memref<8x64x128xf32, #tpu.memory_space<vmem>> -> memref<1x8x128xf32, #tpu.memory_space<vmem>>
      %dma_start3A_1156 = tpu.memref_squeeze %dma_start3A_1155 : memref<1x8x128xf32, #tpu.memory_space<vmem>> -> memref<8x128xf32, #tpu.memory_space<vmem>>
      %dma_start3A_1157 = arith.constant 40 : i32
      %dma_start3A_1158 = tpu.memref_slice %arg3[%dma_start3A_1157, %multiple_of3A_1080] : memref<64x1000000xf32, #tpu.memory_space<hbm>> -> memref<8x128xf32, #tpu.memory_space<hbm>>
      tpu.enqueue_dma source(%dma_start3A_1158 : memref<8x128xf32, #tpu.memory_space<hbm>>) target(%dma_start3A_1156 : memref<8x128xf32, #tpu.memory_space<vmem>>) target_semaphore(%arg8 : memref<!tpu.dma_semaphore, #tpu.memory_space<semaphore_mem>>)
      %dma_start3A_1159 = arith.constant 0 : i32
      %dma_start3A_1160 = arith.constant 48 : i32
      %dma_start3A_1161 = arith.constant 0 : i32
      %dma_start3A_1162 = tpu.memref_slice %arg6[%dma_start3A_1159, %dma_start3A_1160, %dma_start3A_1161] : memref<8x64x128xf32, #tpu.memory_space<vmem>> -> memref<1x8x128xf32, #tpu.memory_space<vmem>>
      %dma_start3A_1163 = tpu.memref_squeeze %dma_start3A_1162 : memref<1x8x128xf32, #tpu.memory_space<vmem>> -> memref<8x128xf32, #tpu.memory_space<vmem>>
      %dma_start3A_1164 = arith.constant 48 : i32
      %dma_start3A_1165 = tpu.memref_slice %arg3[%dma_start3A_1164, %multiple_of3A_1080] : memref<64x1000000xf32, #tpu.memory_space<hbm>> -> memref<8x128xf32, #tpu.memory_space<hbm>>
      %dma_start3A_1166 = arith.constant 48 : i32
      %dma_start3A_1167 = arith.constant 0 : i32
      %dma_start3A_1168 = tpu.memref_slice %arg6[%dma_start3A_1159, %dma_start3A_1166, %dma_start3A_1167] : memref<8x64x128xf32, #tpu.memory_space<vmem>> -> memref<1x8x128xf32, #tpu.memory_space<vmem>>
      %dma_start3A_1169 = tpu.memref_squeeze %dma_start3A_1168 : memref<1x8x128xf32, #tpu.memory_space<vmem>> -> memref<8x128xf32, #tpu.memory_space<vmem>>
      %dma_start3A_1170 = arith.constant 48 : i32
      %dma_start3A_1171 = tpu.memref_slice %arg3[%dma_start3A_1170, %multiple_of3A_1080] : memref<64x1000000xf32, #tpu.memory_space<hbm>> -> memref<8x128xf32, #tpu.memory_space<hbm>>
      tpu.enqueue_dma source(%dma_start3A_1171 : memref<8x128xf32, #tpu.memory_space<hbm>>) target(%dma_start3A_1169 : memref<8x128xf32, #tpu.memory_space<vmem>>) target_semaphore(%arg8 : memref<!tpu.dma_semaphore, #tpu.memory_space<semaphore_mem>>)
      %dma_start3A_1172 = arith.constant 0 : i32
      %dma_start3A_1173 = arith.constant 56 : i32
      %dma_start3A_1174 = arith.constant 0 : i32
      %dma_start3A_1175 = tpu.memref_slice %arg6[%dma_start3A_1172, %dma_start3A_1173, %dma_start3A_1174] : memref<8x64x128xf32, #tpu.memory_space<vmem>> -> memref<1x8x128xf32, #tpu.memory_space<vmem>>
      %dma_start3A_1176 = tpu.memref_squeeze %dma_start3A_1175 : memref<1x8x128xf32, #tpu.memory_space<vmem>> -> memref<8x128xf32, #tpu.memory_space<vmem>>
      %dma_start3A_1177 = arith.constant 56 : i32
      %dma_start3A_1178 = tpu.memref_slice %arg3[%dma_start3A_1177, %multiple_of3A_1080] : memref<64x1000000xf32, #tpu.memory_space<hbm>> -> memref<8x128xf32, #tpu.memory_space<hbm>>
      %dma_start3A_1179 = arith.constant 56 : i32
      %dma_start3A_1180 = arith.constant 0 : i32
      %dma_start3A_1181 = tpu.memref_slice %arg6[%dma_start3A_1172, %dma_start3A_1179, %dma_start3A_1180] : memref<8x64x128xf32, #tpu.memory_space<vmem>> -> memref<1x8x128xf32, #tpu.memory_space<vmem>>
      %dma_start3A_1182 = tpu.memref_squeeze %dma_start3A_1181 : memref<1x8x128xf32, #tpu.memory_space<vmem>> -> memref<8x128xf32, #tpu.memory_space<vmem>>
      %dma_start3A_1183 = arith.constant 56 : i32
      %dma_start3A_1184 = tpu.memref_slice %arg3[%dma_start3A_1183, %multiple_of3A_1080] : memref<64x1000000xf32, #tpu.memory_space<hbm>> -> memref<8x128xf32, #tpu.memory_space<hbm>>
      tpu.enqueue_dma source(%dma_start3A_1184 : memref<8x128xf32, #tpu.memory_space<hbm>>) target(%dma_start3A_1182 : memref<8x128xf32, #tpu.memory_space<vmem>>) target_semaphore(%arg8 : memref<!tpu.dma_semaphore, #tpu.memory_space<semaphore_mem>>)
      %slice3A_1185 = vector.extract_strided_slice %get3A_896 {offsets = [9], sizes = [1], strides = [1]} : vector<16xi32> to vector<1xi32>
      %squeeze3A_1186 = vector.extract %slice3A_1185[0] : i32 from vector<1xi32>
      %shift_right_arithmetic3A_1187 = arith.constant 7 : i32
      %shift_right_arithmetic3A_1188 = arith.shrsi %squeeze3A_1186, %shift_right_arithmetic3A_1187 : i32
      %shift_left3A_1189 = arith.constant 7 : i32
      %shift_left3A_1190 = arith.shli %shift_right_arithmetic3A_1188, %shift_left3A_1189 : i32
      %multiple_of3A_1191 = tpu.assume_multiple %shift_left3A_1190, 128 : i32
      %dma_start3A_1192 = arith.constant 1 : i32
      %dma_start3A_1193 = arith.constant 0 : i32
      %dma_start3A_1194 = arith.constant 0 : i32
      %dma_start3A_1195 = tpu.memref_slice %arg6[%dma_start3A_1192, %dma_start3A_1193, %dma_start3A_1194] : memref<8x64x128xf32, #tpu.memory_space<vmem>> -> memref<1x8x128xf32, #tpu.memory_space<vmem>>
      %dma_start3A_1196 = tpu.memref_squeeze %dma_start3A_1195 : memref<1x8x128xf32, #tpu.memory_space<vmem>> -> memref<8x128xf32, #tpu.memory_space<vmem>>
      %dma_start3A_1197 = arith.constant 0 : i32
      %dma_start3A_1198 = tpu.memref_slice %arg3[%dma_start3A_1197, %multiple_of3A_1191] : memref<64x1000000xf32, #tpu.memory_space<hbm>> -> memref<8x128xf32, #tpu.memory_space<hbm>>
      %dma_start3A_1199 = arith.constant 0 : i32
      %dma_start3A_1200 = arith.constant 0 : i32
      %dma_start3A_1201 = tpu.memref_slice %arg6[%dma_start3A_1192, %dma_start3A_1199, %dma_start3A_1200] : memref<8x64x128xf32, #tpu.memory_space<vmem>> -> memref<1x8x128xf32, #tpu.memory_space<vmem>>
      %dma_start3A_1202 = tpu.memref_squeeze %dma_start3A_1201 : memref<1x8x128xf32, #tpu.memory_space<vmem>> -> memref<8x128xf32, #tpu.memory_space<vmem>>
      %dma_start3A_1203 = arith.constant 0 : i32
      %dma_start3A_1204 = tpu.memref_slice %arg3[%dma_start3A_1203, %multiple_of3A_1191] : memref<64x1000000xf32, #tpu.memory_space<hbm>> -> memref<8x128xf32, #tpu.memory_space<hbm>>
      tpu.enqueue_dma source(%dma_start3A_1204 : memref<8x128xf32, #tpu.memory_space<hbm>>) target(%dma_start3A_1202 : memref<8x128xf32, #tpu.memory_space<vmem>>) target_semaphore(%arg8 : memref<!tpu.dma_semaphore, #tpu.memory_space<semaphore_mem>>)
      %dma_start3A_1205 = arith.constant 1 : i32
      %dma_start3A_1206 = arith.constant 8 : i32
      %dma_start3A_1207 = arith.constant 0 : i32
      %dma_start3A_1208 = tpu.memref_slice %arg6[%dma_start3A_1205, %dma_start3A_1206, %dma_start3A_1207] : memref<8x64x128xf32, #tpu.memory_space<vmem>> -> memref<1x8x128xf32, #tpu.memory_space<vmem>>
      %dma_start3A_1209 = tpu.memref_squeeze %dma_start3A_1208 : memref<1x8x128xf32, #tpu.memory_space<vmem>> -> memref<8x128xf32, #tpu.memory_space<vmem>>
      %dma_start3A_1210 = arith.constant 8 : i32
      %dma_start3A_1211 = tpu.memref_slice %arg3[%dma_start3A_1210, %multiple_of3A_1191] : memref<64x1000000xf32, #tpu.memory_space<hbm>> -> memref<8x128xf32, #tpu.memory_space<hbm>>
      %dma_start3A_1212 = arith.constant 8 : i32
      %dma_start3A_1213 = arith.constant 0 : i32
      %dma_start3A_1214 = tpu.memref_slice %arg6[%dma_start3A_1205, %dma_start3A_1212, %dma_start3A_1213] : memref<8x64x128xf32, #tpu.memory_space<vmem>> -> memref<1x8x128xf32, #tpu.memory_space<vmem>>
      %dma_start3A_1215 = tpu.memref_squeeze %dma_start3A_1214 : memref<1x8x128xf32, #tpu.memory_space<vmem>> -> memref<8x128xf32, #tpu.memory_space<vmem>>
      %dma_start3A_1216 = arith.constant 8 : i32
      %dma_start3A_1217 = tpu.memref_slice %arg3[%dma_start3A_1216, %multiple_of3A_1191] : memref<64x1000000xf32, #tpu.memory_space<hbm>> -> memref<8x128xf32, #tpu.memory_space<hbm>>
      tpu.enqueue_dma source(%dma_start3A_1217 : memref<8x128xf32, #tpu.memory_space<hbm>>) target(%dma_start3A_1215 : memref<8x128xf32, #tpu.memory_space<vmem>>) target_semaphore(%arg8 : memref<!tpu.dma_semaphore, #tpu.memory_space<semaphore_mem>>)
      %dma_start3A_1218 = arith.constant 1 : i32
      %dma_start3A_1219 = arith.constant 16 : i32
      %dma_start3A_1220 = arith.constant 0 : i32
      %dma_start3A_1221 = tpu.memref_slice %arg6[%dma_start3A_1218, %dma_start3A_1219, %dma_start3A_1220] : memref<8x64x128xf32, #tpu.memory_space<vmem>> -> memref<1x8x128xf32, #tpu.memory_space<vmem>>
      %dma_start3A_1222 = tpu.memref_squeeze %dma_start3A_1221 : memref<1x8x128xf32, #tpu.memory_space<vmem>> -> memref<8x128xf32, #tpu.memory_space<vmem>>
      %dma_start3A_1223 = arith.constant 16 : i32
      %dma_start3A_1224 = tpu.memref_slice %arg3[%dma_start3A_1223, %multiple_of3A_1191] : memref<64x1000000xf32, #tpu.memory_space<hbm>> -> memref<8x128xf32, #tpu.memory_space<hbm>>
      %dma_start3A_1225 = arith.constant 16 : i32
      %dma_start3A_1226 = arith.constant 0 : i32
      %dma_start3A_1227 = tpu.memref_slice %arg6[%dma_start3A_1218, %dma_start3A_1225, %dma_start3A_1226] : memref<8x64x128xf32, #tpu.memory_space<vmem>> -> memref<1x8x128xf32, #tpu.memory_space<vmem>>
      %dma_start3A_1228 = tpu.memref_squeeze %dma_start3A_1227 : memref<1x8x128xf32, #tpu.memory_space<vmem>> -> memref<8x128xf32, #tpu.memory_space<vmem>>
      %dma_start3A_1229 = arith.constant 16 : i32
      %dma_start3A_1230 = tpu.memref_slice %arg3[%dma_start3A_1229, %multiple_of3A_1191] : memref<64x1000000xf32, #tpu.memory_space<hbm>> -> memref<8x128xf32, #tpu.memory_space<hbm>>
      tpu.enqueue_dma source(%dma_start3A_1230 : memref<8x128xf32, #tpu.memory_space<hbm>>) target(%dma_start3A_1228 : memref<8x128xf32, #tpu.memory_space<vmem>>) target_semaphore(%arg8 : memref<!tpu.dma_semaphore, #tpu.memory_space<semaphore_mem>>)
      %dma_start3A_1231 = arith.constant 1 : i32
      %dma_start3A_1232 = arith.constant 24 : i32
      %dma_start3A_1233 = arith.constant 0 : i32
      %dma_start3A_1234 = tpu.memref_slice %arg6[%dma_start3A_1231, %dma_start3A_1232, %dma_start3A_1233] : memref<8x64x128xf32, #tpu.memory_space<vmem>> -> memref<1x8x128xf32, #tpu.memory_space<vmem>>
      %dma_start3A_1235 = tpu.memref_squeeze %dma_start3A_1234 : memref<1x8x128xf32, #tpu.memory_space<vmem>> -> memref<8x128xf32, #tpu.memory_space<vmem>>
      %dma_start3A_1236 = arith.constant 24 : i32
      %dma_start3A_1237 = tpu.memref_slice %arg3[%dma_start3A_1236, %multiple_of3A_1191] : memref<64x1000000xf32, #tpu.memory_space<hbm>> -> memref<8x128xf32, #tpu.memory_space<hbm>>
      %dma_start3A_1238 = arith.constant 24 : i32
      %dma_start3A_1239 = arith.constant 0 : i32
      %dma_start3A_1240 = tpu.memref_slice %arg6[%dma_start3A_1231, %dma_start3A_1238, %dma_start3A_1239] : memref<8x64x128xf32, #tpu.memory_space<vmem>> -> memref<1x8x128xf32, #tpu.memory_space<vmem>>
      %dma_start3A_1241 = tpu.memref_squeeze %dma_start3A_1240 : memref<1x8x128xf32, #tpu.memory_space<vmem>> -> memref<8x128xf32, #tpu.memory_space<vmem>>
      %dma_start3A_1242 = arith.constant 24 : i32
      %dma_start3A_1243 = tpu.memref_slice %arg3[%dma_start3A_1242, %multiple_of3A_1191] : memref<64x1000000xf32, #tpu.memory_space<hbm>> -> memref<8x128xf32, #tpu.memory_space<hbm>>
      tpu.enqueue_dma source(%dma_start3A_1243 : memref<8x128xf32, #tpu.memory_space<hbm>>) target(%dma_start3A_1241 : memref<8x128xf32, #tpu.memory_space<vmem>>) target_semaphore(%arg8 : memref<!tpu.dma_semaphore, #tpu.memory_space<semaphore_mem>>)
      %dma_start3A_1244 = arith.constant 1 : i32
      %dma_start3A_1245 = arith.constant 32 : i32
      %dma_start3A_1246 = arith.constant 0 : i32
      %dma_start3A_1247 = tpu.memref_slice %arg6[%dma_start3A_1244, %dma_start3A_1245, %dma_start3A_1246] : memref<8x64x128xf32, #tpu.memory_space<vmem>> -> memref<1x8x128xf32, #tpu.memory_space<vmem>>
      %dma_start3A_1248 = tpu.memref_squeeze %dma_start3A_1247 : memref<1x8x128xf32, #tpu.memory_space<vmem>> -> memref<8x128xf32, #tpu.memory_space<vmem>>
      %dma_start3A_1249 = arith.constant 32 : i32
      %dma_start3A_1250 = tpu.memref_slice %arg3[%dma_start3A_1249, %multiple_of3A_1191] : memref<64x1000000xf32, #tpu.memory_space<hbm>> -> memref<8x128xf32, #tpu.memory_space<hbm>>
      %dma_start3A_1251 = arith.constant 32 : i32
      %dma_start3A_1252 = arith.constant 0 : i32
      %dma_start3A_1253 = tpu.memref_slice %arg6[%dma_start3A_1244, %dma_start3A_1251, %dma_start3A_1252] : memref<8x64x128xf32, #tpu.memory_space<vmem>> -> memref<1x8x128xf32, #tpu.memory_space<vmem>>
      %dma_start3A_1254 = tpu.memref_squeeze %dma_start3A_1253 : memref<1x8x128xf32, #tpu.memory_space<vmem>> -> memref<8x128xf32, #tpu.memory_space<vmem>>
      %dma_start3A_1255 = arith.constant 32 : i32
      %dma_start3A_1256 = tpu.memref_slice %arg3[%dma_start3A_1255, %multiple_of3A_1191] : memref<64x1000000xf32, #tpu.memory_space<hbm>> -> memref<8x128xf32, #tpu.memory_space<hbm>>
      tpu.enqueue_dma source(%dma_start3A_1256 : memref<8x128xf32, #tpu.memory_space<hbm>>) target(%dma_start3A_1254 : memref<8x128xf32, #tpu.memory_space<vmem>>) target_semaphore(%arg8 : memref<!tpu.dma_semaphore, #tpu.memory_space<semaphore_mem>>)
      %dma_start3A_1257 = arith.constant 1 : i32
      %dma_start3A_1258 = arith.constant 40 : i32
      %dma_start3A_1259 = arith.constant 0 : i32
      %dma_start3A_1260 = tpu.memref_slice %arg6[%dma_start3A_1257, %dma_start3A_1258, %dma_start3A_1259] : memref<8x64x128xf32, #tpu.memory_space<vmem>> -> memref<1x8x128xf32, #tpu.memory_space<vmem>>
      %dma_start3A_1261 = tpu.memref_squeeze %dma_start3A_1260 : memref<1x8x128xf32, #tpu.memory_space<vmem>> -> memref<8x128xf32, #tpu.memory_space<vmem>>
      %dma_start3A_1262 = arith.constant 40 : i32
      %dma_start3A_1263 = tpu.memref_slice %arg3[%dma_start3A_1262, %multiple_of3A_1191] : memref<64x1000000xf32, #tpu.memory_space<hbm>> -> memref<8x128xf32, #tpu.memory_space<hbm>>
      %dma_start3A_1264 = arith.constant 40 : i32
      %dma_start3A_1265 = arith.constant 0 : i32
      %dma_start3A_1266 = tpu.memref_slice %arg6[%dma_start3A_1257, %dma_start3A_1264, %dma_start3A_1265] : memref<8x64x128xf32, #tpu.memory_space<vmem>> -> memref<1x8x128xf32, #tpu.memory_space<vmem>>
      %dma_start3A_1267 = tpu.memref_squeeze %dma_start3A_1266 : memref<1x8x128xf32, #tpu.memory_space<vmem>> -> memref<8x128xf32, #tpu.memory_space<vmem>>
      %dma_start3A_1268 = arith.constant 40 : i32
      %dma_start3A_1269 = tpu.memref_slice %arg3[%dma_start3A_1268, %multiple_of3A_1191] : memref<64x1000000xf32, #tpu.memory_space<hbm>> -> memref<8x128xf32, #tpu.memory_space<hbm>>
      tpu.enqueue_dma source(%dma_start3A_1269 : memref<8x128xf32, #tpu.memory_space<hbm>>) target(%dma_start3A_1267 : memref<8x128xf32, #tpu.memory_space<vmem>>) target_semaphore(%arg8 : memref<!tpu.dma_semaphore, #tpu.memory_space<semaphore_mem>>)
      %dma_start3A_1270 = arith.constant 1 : i32
      %dma_start3A_1271 = arith.constant 48 : i32
      %dma_start3A_1272 = arith.constant 0 : i32
      %dma_start3A_1273 = tpu.memref_slice %arg6[%dma_start3A_1270, %dma_start3A_1271, %dma_start3A_1272] : memref<8x64x128xf32, #tpu.memory_space<vmem>> -> memref<1x8x128xf32, #tpu.memory_space<vmem>>
      %dma_start3A_1274 = tpu.memref_squeeze %dma_start3A_1273 : memref<1x8x128xf32, #tpu.memory_space<vmem>> -> memref<8x128xf32, #tpu.memory_space<vmem>>
      %dma_start3A_1275 = arith.constant 48 : i32
      %dma_start3A_1276 = tpu.memref_slice %arg3[%dma_start3A_1275, %multiple_of3A_1191] : memref<64x1000000xf32, #tpu.memory_space<hbm>> -> memref<8x128xf32, #tpu.memory_space<hbm>>
      %dma_start3A_1277 = arith.constant 48 : i32
      %dma_start3A_1278 = arith.constant 0 : i32
      %dma_start3A_1279 = tpu.memref_slice %arg6[%dma_start3A_1270, %dma_start3A_1277, %dma_start3A_1278] : memref<8x64x128xf32, #tpu.memory_space<vmem>> -> memref<1x8x128xf32, #tpu.memory_space<vmem>>
      %dma_start3A_1280 = tpu.memref_squeeze %dma_start3A_1279 : memref<1x8x128xf32, #tpu.memory_space<vmem>> -> memref<8x128xf32, #tpu.memory_space<vmem>>
      %dma_start3A_1281 = arith.constant 48 : i32
      %dma_start3A_1282 = tpu.memref_slice %arg3[%dma_start3A_1281, %multiple_of3A_1191] : memref<64x1000000xf32, #tpu.memory_space<hbm>> -> memref<8x128xf32, #tpu.memory_space<hbm>>
      tpu.enqueue_dma source(%dma_start3A_1282 : memref<8x128xf32, #tpu.memory_space<hbm>>) target(%dma_start3A_1280 : memref<8x128xf32, #tpu.memory_space<vmem>>) target_semaphore(%arg8 : memref<!tpu.dma_semaphore, #tpu.memory_space<semaphore_mem>>)
      %dma_start3A_1283 = arith.constant 1 : i32
      %dma_start3A_1284 = arith.constant 56 : i32
      %dma_start3A_1285 = arith.constant 0 : i32
      %dma_start3A_1286 = tpu.memref_slice %arg6[%dma_start3A_1283, %dma_start3A_1284, %dma_start3A_1285] : memref<8x64x128xf32, #tpu.memory_space<vmem>> -> memref<1x8x128xf32, #tpu.memory_space<vmem>>
      %dma_start3A_1287 = tpu.memref_squeeze %dma_start3A_1286 : memref<1x8x128xf32, #tpu.memory_space<vmem>> -> memref<8x128xf32, #tpu.memory_space<vmem>>
      %dma_start3A_1288 = arith.constant 56 : i32
      %dma_start3A_1289 = tpu.memref_slice %arg3[%dma_start3A_1288, %multiple_of3A_1191] : memref<64x1000000xf32, #tpu.memory_space<hbm>> -> memref<8x128xf32, #tpu.memory_space<hbm>>
      %dma_start3A_1290 = arith.constant 56 : i32
      %dma_start3A_1291 = arith.constant 0 : i32
      %dma_start3A_1292 = tpu.memref_slice %arg6[%dma_start3A_1283, %dma_start3A_1290, %dma_start3A_1291] : memref<8x64x128xf32, #tpu.memory_space<vmem>> -> memref<1x8x128xf32, #tpu.memory_space<vmem>>
      %dma_start3A_1293 = tpu.memref_squeeze %dma_start3A_1292 : memref<1x8x128xf32, #tpu.memory_space<vmem>> -> memref<8x128xf32, #tpu.memory_space<vmem>>
      %dma_start3A_1294 = arith.constant 56 : i32
      %dma_start3A_1295 = tpu.memref_slice %arg3[%dma_start3A_1294, %multiple_of3A_1191] : memref<64x1000000xf32, #tpu.memory_space<hbm>> -> memref<8x128xf32, #tpu.memory_space<hbm>>
      tpu.enqueue_dma source(%dma_start3A_1295 : memref<8x128xf32, #tpu.memory_space<hbm>>) target(%dma_start3A_1293 : memref<8x128xf32, #tpu.memory_space<vmem>>) target_semaphore(%arg8 : memref<!tpu.dma_semaphore, #tpu.memory_space<semaphore_mem>>)
      %slice3A_1296 = vector.extract_strided_slice %get3A_896 {offsets = [10], sizes = [1], strides = [1]} : vector<16xi32> to vector<1xi32>
      %squeeze3A_1297 = vector.extract %slice3A_1296[0] : i32 from vector<1xi32>
      %shift_right_arithmetic3A_1298 = arith.constant 7 : i32
      %shift_right_arithmetic3A_1299 = arith.shrsi %squeeze3A_1297, %shift_right_arithmetic3A_1298 : i32
      %shift_left3A_1300 = arith.constant 7 : i32
      %shift_left3A_1301 = arith.shli %shift_right_arithmetic3A_1299, %shift_left3A_1300 : i32
      %multiple_of3A_1302 = tpu.assume_multiple %shift_left3A_1301, 128 : i32
      %dma_start3A_1303 = arith.constant 2 : i32
      %dma_start3A_1304 = arith.constant 0 : i32
      %dma_start3A_1305 = arith.constant 0 : i32
      %dma_start3A_1306 = tpu.memref_slice %arg6[%dma_start3A_1303, %dma_start3A_1304, %dma_start3A_1305] : memref<8x64x128xf32, #tpu.memory_space<vmem>> -> memref<1x8x128xf32, #tpu.memory_space<vmem>>
      %dma_start3A_1307 = tpu.memref_squeeze %dma_start3A_1306 : memref<1x8x128xf32, #tpu.memory_space<vmem>> -> memref<8x128xf32, #tpu.memory_space<vmem>>
      %dma_start3A_1308 = arith.constant 0 : i32
      %dma_start3A_1309 = tpu.memref_slice %arg3[%dma_start3A_1308, %multiple_of3A_1302] : memref<64x1000000xf32, #tpu.memory_space<hbm>> -> memref<8x128xf32, #tpu.memory_space<hbm>>
      %dma_start3A_1310 = arith.constant 0 : i32
      %dma_start3A_1311 = arith.constant 0 : i32
      %dma_start3A_1312 = tpu.memref_slice %arg6[%dma_start3A_1303, %dma_start3A_1310, %dma_start3A_1311] : memref<8x64x128xf32, #tpu.memory_space<vmem>> -> memref<1x8x128xf32, #tpu.memory_space<vmem>>
      %dma_start3A_1313 = tpu.memref_squeeze %dma_start3A_1312 : memref<1x8x128xf32, #tpu.memory_space<vmem>> -> memref<8x128xf32, #tpu.memory_space<vmem>>
      %dma_start3A_1314 = arith.constant 0 : i32
      %dma_start3A_1315 = tpu.memref_slice %arg3[%dma_start3A_1314, %multiple_of3A_1302] : memref<64x1000000xf32, #tpu.memory_space<hbm>> -> memref<8x128xf32, #tpu.memory_space<hbm>>
      tpu.enqueue_dma source(%dma_start3A_1315 : memref<8x128xf32, #tpu.memory_space<hbm>>) target(%dma_start3A_1313 : memref<8x128xf32, #tpu.memory_space<vmem>>) target_semaphore(%arg8 : memref<!tpu.dma_semaphore, #tpu.memory_space<semaphore_mem>>)
      %dma_start3A_1316 = arith.constant 2 : i32
      %dma_start3A_1317 = arith.constant 8 : i32
      %dma_start3A_1318 = arith.constant 0 : i32
      %dma_start3A_1319 = tpu.memref_slice %arg6[%dma_start3A_1316, %dma_start3A_1317, %dma_start3A_1318] : memref<8x64x128xf32, #tpu.memory_space<vmem>> -> memref<1x8x128xf32, #tpu.memory_space<vmem>>
      %dma_start3A_1320 = tpu.memref_squeeze %dma_start3A_1319 : memref<1x8x128xf32, #tpu.memory_space<vmem>> -> memref<8x128xf32, #tpu.memory_space<vmem>>
      %dma_start3A_1321 = arith.constant 8 : i32
      %dma_start3A_1322 = tpu.memref_slice %arg3[%dma_start3A_1321, %multiple_of3A_1302] : memref<64x1000000xf32, #tpu.memory_space<hbm>> -> memref<8x128xf32, #tpu.memory_space<hbm>>
      %dma_start3A_1323 = arith.constant 8 : i32
      %dma_start3A_1324 = arith.constant 0 : i32
      %dma_start3A_1325 = tpu.memref_slice %arg6[%dma_start3A_1316, %dma_start3A_1323, %dma_start3A_1324] : memref<8x64x128xf32, #tpu.memory_space<vmem>> -> memref<1x8x128xf32, #tpu.memory_space<vmem>>
      %dma_start3A_1326 = tpu.memref_squeeze %dma_start3A_1325 : memref<1x8x128xf32, #tpu.memory_space<vmem>> -> memref<8x128xf32, #tpu.memory_space<vmem>>
      %dma_start3A_1327 = arith.constant 8 : i32
      %dma_start3A_1328 = tpu.memref_slice %arg3[%dma_start3A_1327, %multiple_of3A_1302] : memref<64x1000000xf32, #tpu.memory_space<hbm>> -> memref<8x128xf32, #tpu.memory_space<hbm>>
      tpu.enqueue_dma source(%dma_start3A_1328 : memref<8x128xf32, #tpu.memory_space<hbm>>) target(%dma_start3A_1326 : memref<8x128xf32, #tpu.memory_space<vmem>>) target_semaphore(%arg8 : memref<!tpu.dma_semaphore, #tpu.memory_space<semaphore_mem>>)
      %dma_start3A_1329 = arith.constant 2 : i32
      %dma_start3A_1330 = arith.constant 16 : i32
      %dma_start3A_1331 = arith.constant 0 : i32
      %dma_start3A_1332 = tpu.memref_slice %arg6[%dma_start3A_1329, %dma_start3A_1330, %dma_start3A_1331] : memref<8x64x128xf32, #tpu.memory_space<vmem>> -> memref<1x8x128xf32, #tpu.memory_space<vmem>>
      %dma_start3A_1333 = tpu.memref_squeeze %dma_start3A_1332 : memref<1x8x128xf32, #tpu.memory_space<vmem>> -> memref<8x128xf32, #tpu.memory_space<vmem>>
      %dma_start3A_1334 = arith.constant 16 : i32
      %dma_start3A_1335 = tpu.memref_slice %arg3[%dma_start3A_1334, %multiple_of3A_1302] : memref<64x1000000xf32, #tpu.memory_space<hbm>> -> memref<8x128xf32, #tpu.memory_space<hbm>>
      %dma_start3A_1336 = arith.constant 16 : i32
      %dma_start3A_1337 = arith.constant 0 : i32
      %dma_start3A_1338 = tpu.memref_slice %arg6[%dma_start3A_1329, %dma_start3A_1336, %dma_start3A_1337] : memref<8x64x128xf32, #tpu.memory_space<vmem>> -> memref<1x8x128xf32, #tpu.memory_space<vmem>>
      %dma_start3A_1339 = tpu.memref_squeeze %dma_start3A_1338 : memref<1x8x128xf32, #tpu.memory_space<vmem>> -> memref<8x128xf32, #tpu.memory_space<vmem>>
      %dma_start3A_1340 = arith.constant 16 : i32
      %dma_start3A_1341 = tpu.memref_slice %arg3[%dma_start3A_1340, %multiple_of3A_1302] : memref<64x1000000xf32, #tpu.memory_space<hbm>> -> memref<8x128xf32, #tpu.memory_space<hbm>>
      tpu.enqueue_dma source(%dma_start3A_1341 : memref<8x128xf32, #tpu.memory_space<hbm>>) target(%dma_start3A_1339 : memref<8x128xf32, #tpu.memory_space<vmem>>) target_semaphore(%arg8 : memref<!tpu.dma_semaphore, #tpu.memory_space<semaphore_mem>>)
      %dma_start3A_1342 = arith.constant 2 : i32
      %dma_start3A_1343 = arith.constant 24 : i32
      %dma_start3A_1344 = arith.constant 0 : i32
      %dma_start3A_1345 = tpu.memref_slice %arg6[%dma_start3A_1342, %dma_start3A_1343, %dma_start3A_1344] : memref<8x64x128xf32, #tpu.memory_space<vmem>> -> memref<1x8x128xf32, #tpu.memory_space<vmem>>
      %dma_start3A_1346 = tpu.memref_squeeze %dma_start3A_1345 : memref<1x8x128xf32, #tpu.memory_space<vmem>> -> memref<8x128xf32, #tpu.memory_space<vmem>>
      %dma_start3A_1347 = arith.constant 24 : i32
      %dma_start3A_1348 = tpu.memref_slice %arg3[%dma_start3A_1347, %multiple_of3A_1302] : memref<64x1000000xf32, #tpu.memory_space<hbm>> -> memref<8x128xf32, #tpu.memory_space<hbm>>
      %dma_start3A_1349 = arith.constant 24 : i32
      %dma_start3A_1350 = arith.constant 0 : i32
      %dma_start3A_1351 = tpu.memref_slice %arg6[%dma_start3A_1342, %dma_start3A_1349, %dma_start3A_1350] : memref<8x64x128xf32, #tpu.memory_space<vmem>> -> memref<1x8x128xf32, #tpu.memory_space<vmem>>
      %dma_start3A_1352 = tpu.memref_squeeze %dma_start3A_1351 : memref<1x8x128xf32, #tpu.memory_space<vmem>> -> memref<8x128xf32, #tpu.memory_space<vmem>>
      %dma_start3A_1353 = arith.constant 24 : i32
      %dma_start3A_1354 = tpu.memref_slice %arg3[%dma_start3A_1353, %multiple_of3A_1302] : memref<64x1000000xf32, #tpu.memory_space<hbm>> -> memref<8x128xf32, #tpu.memory_space<hbm>>
      tpu.enqueue_dma source(%dma_start3A_1354 : memref<8x128xf32, #tpu.memory_space<hbm>>) target(%dma_start3A_1352 : memref<8x128xf32, #tpu.memory_space<vmem>>) target_semaphore(%arg8 : memref<!tpu.dma_semaphore, #tpu.memory_space<semaphore_mem>>)
      %dma_start3A_1355 = arith.constant 2 : i32
      %dma_start3A_1356 = arith.constant 32 : i32
      %dma_start3A_1357 = arith.constant 0 : i32
      %dma_start3A_1358 = tpu.memref_slice %arg6[%dma_start3A_1355, %dma_start3A_1356, %dma_start3A_1357] : memref<8x64x128xf32, #tpu.memory_space<vmem>> -> memref<1x8x128xf32, #tpu.memory_space<vmem>>
      %dma_start3A_1359 = tpu.memref_squeeze %dma_start3A_1358 : memref<1x8x128xf32, #tpu.memory_space<vmem>> -> memref<8x128xf32, #tpu.memory_space<vmem>>
      %dma_start3A_1360 = arith.constant 32 : i32
      %dma_start3A_1361 = tpu.memref_slice %arg3[%dma_start3A_1360, %multiple_of3A_1302] : memref<64x1000000xf32, #tpu.memory_space<hbm>> -> memref<8x128xf32, #tpu.memory_space<hbm>>
      %dma_start3A_1362 = arith.constant 32 : i32
      %dma_start3A_1363 = arith.constant 0 : i32
      %dma_start3A_1364 = tpu.memref_slice %arg6[%dma_start3A_1355, %dma_start3A_1362, %dma_start3A_1363] : memref<8x64x128xf32, #tpu.memory_space<vmem>> -> memref<1x8x128xf32, #tpu.memory_space<vmem>>
      %dma_start3A_1365 = tpu.memref_squeeze %dma_start3A_1364 : memref<1x8x128xf32, #tpu.memory_space<vmem>> -> memref<8x128xf32, #tpu.memory_space<vmem>>
      %dma_start3A_1366 = arith.constant 32 : i32
      %dma_start3A_1367 = tpu.memref_slice %arg3[%dma_start3A_1366, %multiple_of3A_1302] : memref<64x1000000xf32, #tpu.memory_space<hbm>> -> memref<8x128xf32, #tpu.memory_space<hbm>>
      tpu.enqueue_dma source(%dma_start3A_1367 : memref<8x128xf32, #tpu.memory_space<hbm>>) target(%dma_start3A_1365 : memref<8x128xf32, #tpu.memory_space<vmem>>) target_semaphore(%arg8 : memref<!tpu.dma_semaphore, #tpu.memory_space<semaphore_mem>>)
      %dma_start3A_1368 = arith.constant 2 : i32
      %dma_start3A_1369 = arith.constant 40 : i32
      %dma_start3A_1370 = arith.constant 0 : i32
      %dma_start3A_1371 = tpu.memref_slice %arg6[%dma_start3A_1368, %dma_start3A_1369, %dma_start3A_1370] : memref<8x64x128xf32, #tpu.memory_space<vmem>> -> memref<1x8x128xf32, #tpu.memory_space<vmem>>
      %dma_start3A_1372 = tpu.memref_squeeze %dma_start3A_1371 : memref<1x8x128xf32, #tpu.memory_space<vmem>> -> memref<8x128xf32, #tpu.memory_space<vmem>>
      %dma_start3A_1373 = arith.constant 40 : i32
      %dma_start3A_1374 = tpu.memref_slice %arg3[%dma_start3A_1373, %multiple_of3A_1302] : memref<64x1000000xf32, #tpu.memory_space<hbm>> -> memref<8x128xf32, #tpu.memory_space<hbm>>
      %dma_start3A_1375 = arith.constant 40 : i32
      %dma_start3A_1376 = arith.constant 0 : i32
      %dma_start3A_1377 = tpu.memref_slice %arg6[%dma_start3A_1368, %dma_start3A_1375, %dma_start3A_1376] : memref<8x64x128xf32, #tpu.memory_space<vmem>> -> memref<1x8x128xf32, #tpu.memory_space<vmem>>
      %dma_start3A_1378 = tpu.memref_squeeze %dma_start3A_1377 : memref<1x8x128xf32, #tpu.memory_space<vmem>> -> memref<8x128xf32, #tpu.memory_space<vmem>>
      %dma_start3A_1379 = arith.constant 40 : i32
      %dma_start3A_1380 = tpu.memref_slice %arg3[%dma_start3A_1379, %multiple_of3A_1302] : memref<64x1000000xf32, #tpu.memory_space<hbm>> -> memref<8x128xf32, #tpu.memory_space<hbm>>
      tpu.enqueue_dma source(%dma_start3A_1380 : memref<8x128xf32, #tpu.memory_space<hbm>>) target(%dma_start3A_1378 : memref<8x128xf32, #tpu.memory_space<vmem>>) target_semaphore(%arg8 : memref<!tpu.dma_semaphore, #tpu.memory_space<semaphore_mem>>)
      %dma_start3A_1381 = arith.constant 2 : i32
      %dma_start3A_1382 = arith.constant 48 : i32
      %dma_start3A_1383 = arith.constant 0 : i32
      %dma_start3A_1384 = tpu.memref_slice %arg6[%dma_start3A_1381, %dma_start3A_1382, %dma_start3A_1383] : memref<8x64x128xf32, #tpu.memory_space<vmem>> -> memref<1x8x128xf32, #tpu.memory_space<vmem>>
      %dma_start3A_1385 = tpu.memref_squeeze %dma_start3A_1384 : memref<1x8x128xf32, #tpu.memory_space<vmem>> -> memref<8x128xf32, #tpu.memory_space<vmem>>
      %dma_start3A_1386 = arith.constant 48 : i32
      %dma_start3A_1387 = tpu.memref_slice %arg3[%dma_start3A_1386, %multiple_of3A_1302] : memref<64x1000000xf32, #tpu.memory_space<hbm>> -> memref<8x128xf32, #tpu.memory_space<hbm>>
      %dma_start3A_1388 = arith.constant 48 : i32
      %dma_start3A_1389 = arith.constant 0 : i32
      %dma_start3A_1390 = tpu.memref_slice %arg6[%dma_start3A_1381, %dma_start3A_1388, %dma_start3A_1389] : memref<8x64x128xf32, #tpu.memory_space<vmem>> -> memref<1x8x128xf32, #tpu.memory_space<vmem>>
      %dma_start3A_1391 = tpu.memref_squeeze %dma_start3A_1390 : memref<1x8x128xf32, #tpu.memory_space<vmem>> -> memref<8x128xf32, #tpu.memory_space<vmem>>
      %dma_start3A_1392 = arith.constant 48 : i32
      %dma_start3A_1393 = tpu.memref_slice %arg3[%dma_start3A_1392, %multiple_of3A_1302] : memref<64x1000000xf32, #tpu.memory_space<hbm>> -> memref<8x128xf32, #tpu.memory_space<hbm>>
      tpu.enqueue_dma source(%dma_start3A_1393 : memref<8x128xf32, #tpu.memory_space<hbm>>) target(%dma_start3A_1391 : memref<8x128xf32, #tpu.memory_space<vmem>>) target_semaphore(%arg8 : memref<!tpu.dma_semaphore, #tpu.memory_space<semaphore_mem>>)
      %dma_start3A_1394 = arith.constant 2 : i32
      %dma_start3A_1395 = arith.constant 56 : i32
      %dma_start3A_1396 = arith.constant 0 : i32
      %dma_start3A_1397 = tpu.memref_slice %arg6[%dma_start3A_1394, %dma_start3A_1395, %dma_start3A_1396] : memref<8x64x128xf32, #tpu.memory_space<vmem>> -> memref<1x8x128xf32, #tpu.memory_space<vmem>>
      %dma_start3A_1398 = tpu.memref_squeeze %dma_start3A_1397 : memref<1x8x128xf32, #tpu.memory_space<vmem>> -> memref<8x128xf32, #tpu.memory_space<vmem>>
      %dma_start3A_1399 = arith.constant 56 : i32
      %dma_start3A_1400 = tpu.memref_slice %arg3[%dma_start3A_1399, %multiple_of3A_1302] : memref<64x1000000xf32, #tpu.memory_space<hbm>> -> memref<8x128xf32, #tpu.memory_space<hbm>>
      %dma_start3A_1401 = arith.constant 56 : i32
      %dma_start3A_1402 = arith.constant 0 : i32
      %dma_start3A_1403 = tpu.memref_slice %arg6[%dma_start3A_1394, %dma_start3A_1401, %dma_start3A_1402] : memref<8x64x128xf32, #tpu.memory_space<vmem>> -> memref<1x8x128xf32, #tpu.memory_space<vmem>>
      %dma_start3A_1404 = tpu.memref_squeeze %dma_start3A_1403 : memref<1x8x128xf32, #tpu.memory_space<vmem>> -> memref<8x128xf32, #tpu.memory_space<vmem>>
      %dma_start3A_1405 = arith.constant 56 : i32
      %dma_start3A_1406 = tpu.memref_slice %arg3[%dma_start3A_1405, %multiple_of3A_1302] : memref<64x1000000xf32, #tpu.memory_space<hbm>> -> memref<8x128xf32, #tpu.memory_space<hbm>>
      tpu.enqueue_dma source(%dma_start3A_1406 : memref<8x128xf32, #tpu.memory_space<hbm>>) target(%dma_start3A_1404 : memref<8x128xf32, #tpu.memory_space<vmem>>) target_semaphore(%arg8 : memref<!tpu.dma_semaphore, #tpu.memory_space<semaphore_mem>>)
      %slice3A_1407 = vector.extract_strided_slice %get3A_896 {offsets = [11], sizes = [1], strides = [1]} : vector<16xi32> to vector<1xi32>
      %squeeze3A_1408 = vector.extract %slice3A_1407[0] : i32 from vector<1xi32>
      %shift_right_arithmetic3A_1409 = arith.constant 7 : i32
      %shift_right_arithmetic3A_1410 = arith.shrsi %squeeze3A_1408, %shift_right_arithmetic3A_1409 : i32
      %shift_left3A_1411 = arith.constant 7 : i32
      %shift_left3A_1412 = arith.shli %shift_right_arithmetic3A_1410, %shift_left3A_1411 : i32
      %multiple_of3A_1413 = tpu.assume_multiple %shift_left3A_1412, 128 : i32
      %dma_start3A_1414 = arith.constant 3 : i32
      %dma_start3A_1415 = arith.constant 0 : i32
      %dma_start3A_1416 = arith.constant 0 : i32
      %dma_start3A_1417 = tpu.memref_slice %arg6[%dma_start3A_1414, %dma_start3A_1415, %dma_start3A_1416] : memref<8x64x128xf32, #tpu.memory_space<vmem>> -> memref<1x8x128xf32, #tpu.memory_space<vmem>>
      %dma_start3A_1418 = tpu.memref_squeeze %dma_start3A_1417 : memref<1x8x128xf32, #tpu.memory_space<vmem>> -> memref<8x128xf32, #tpu.memory_space<vmem>>
      %dma_start3A_1419 = arith.constant 0 : i32
      %dma_start3A_1420 = tpu.memref_slice %arg3[%dma_start3A_1419, %multiple_of3A_1413] : memref<64x1000000xf32, #tpu.memory_space<hbm>> -> memref<8x128xf32, #tpu.memory_space<hbm>>
      %dma_start3A_1421 = arith.constant 0 : i32
      %dma_start3A_1422 = arith.constant 0 : i32
      %dma_start3A_1423 = tpu.memref_slice %arg6[%dma_start3A_1414, %dma_start3A_1421, %dma_start3A_1422] : memref<8x64x128xf32, #tpu.memory_space<vmem>> -> memref<1x8x128xf32, #tpu.memory_space<vmem>>
      %dma_start3A_1424 = tpu.memref_squeeze %dma_start3A_1423 : memref<1x8x128xf32, #tpu.memory_space<vmem>> -> memref<8x128xf32, #tpu.memory_space<vmem>>
      %dma_start3A_1425 = arith.constant 0 : i32
      %dma_start3A_1426 = tpu.memref_slice %arg3[%dma_start3A_1425, %multiple_of3A_1413] : memref<64x1000000xf32, #tpu.memory_space<hbm>> -> memref<8x128xf32, #tpu.memory_space<hbm>>
      tpu.enqueue_dma source(%dma_start3A_1426 : memref<8x128xf32, #tpu.memory_space<hbm>>) target(%dma_start3A_1424 : memref<8x128xf32, #tpu.memory_space<vmem>>) target_semaphore(%arg8 : memref<!tpu.dma_semaphore, #tpu.memory_space<semaphore_mem>>)
      %dma_start3A_1427 = arith.constant 3 : i32
      %dma_start3A_1428 = arith.constant 8 : i32
      %dma_start3A_1429 = arith.constant 0 : i32
      %dma_start3A_1430 = tpu.memref_slice %arg6[%dma_start3A_1427, %dma_start3A_1428, %dma_start3A_1429] : memref<8x64x128xf32, #tpu.memory_space<vmem>> -> memref<1x8x128xf32, #tpu.memory_space<vmem>>
      %dma_start3A_1431 = tpu.memref_squeeze %dma_start3A_1430 : memref<1x8x128xf32, #tpu.memory_space<vmem>> -> memref<8x128xf32, #tpu.memory_space<vmem>>
      %dma_start3A_1432 = arith.constant 8 : i32
      %dma_start3A_1433 = tpu.memref_slice %arg3[%dma_start3A_1432, %multiple_of3A_1413] : memref<64x1000000xf32, #tpu.memory_space<hbm>> -> memref<8x128xf32, #tpu.memory_space<hbm>>
      %dma_start3A_1434 = arith.constant 8 : i32
      %dma_start3A_1435 = arith.constant 0 : i32
      %dma_start3A_1436 = tpu.memref_slice %arg6[%dma_start3A_1427, %dma_start3A_1434, %dma_start3A_1435] : memref<8x64x128xf32, #tpu.memory_space<vmem>> -> memref<1x8x128xf32, #tpu.memory_space<vmem>>
      %dma_start3A_1437 = tpu.memref_squeeze %dma_start3A_1436 : memref<1x8x128xf32, #tpu.memory_space<vmem>> -> memref<8x128xf32, #tpu.memory_space<vmem>>
      %dma_start3A_1438 = arith.constant 8 : i32
      %dma_start3A_1439 = tpu.memref_slice %arg3[%dma_start3A_1438, %multiple_of3A_1413] : memref<64x1000000xf32, #tpu.memory_space<hbm>> -> memref<8x128xf32, #tpu.memory_space<hbm>>
      tpu.enqueue_dma source(%dma_start3A_1439 : memref<8x128xf32, #tpu.memory_space<hbm>>) target(%dma_start3A_1437 : memref<8x128xf32, #tpu.memory_space<vmem>>) target_semaphore(%arg8 : memref<!tpu.dma_semaphore, #tpu.memory_space<semaphore_mem>>)
      %dma_start3A_1440 = arith.constant 3 : i32
      %dma_start3A_1441 = arith.constant 16 : i32
      %dma_start3A_1442 = arith.constant 0 : i32
      %dma_start3A_1443 = tpu.memref_slice %arg6[%dma_start3A_1440, %dma_start3A_1441, %dma_start3A_1442] : memref<8x64x128xf32, #tpu.memory_space<vmem>> -> memref<1x8x128xf32, #tpu.memory_space<vmem>>
      %dma_start3A_1444 = tpu.memref_squeeze %dma_start3A_1443 : memref<1x8x128xf32, #tpu.memory_space<vmem>> -> memref<8x128xf32, #tpu.memory_space<vmem>>
      %dma_start3A_1445 = arith.constant 16 : i32
      %dma_start3A_1446 = tpu.memref_slice %arg3[%dma_start3A_1445, %multiple_of3A_1413] : memref<64x1000000xf32, #tpu.memory_space<hbm>> -> memref<8x128xf32, #tpu.memory_space<hbm>>
      %dma_start3A_1447 = arith.constant 16 : i32
      %dma_start3A_1448 = arith.constant 0 : i32
      %dma_start3A_1449 = tpu.memref_slice %arg6[%dma_start3A_1440, %dma_start3A_1447, %dma_start3A_1448] : memref<8x64x128xf32, #tpu.memory_space<vmem>> -> memref<1x8x128xf32, #tpu.memory_space<vmem>>
      %dma_start3A_1450 = tpu.memref_squeeze %dma_start3A_1449 : memref<1x8x128xf32, #tpu.memory_space<vmem>> -> memref<8x128xf32, #tpu.memory_space<vmem>>
      %dma_start3A_1451 = arith.constant 16 : i32
      %dma_start3A_1452 = tpu.memref_slice %arg3[%dma_start3A_1451, %multiple_of3A_1413] : memref<64x1000000xf32, #tpu.memory_space<hbm>> -> memref<8x128xf32, #tpu.memory_space<hbm>>
      tpu.enqueue_dma source(%dma_start3A_1452 : memref<8x128xf32, #tpu.memory_space<hbm>>) target(%dma_start3A_1450 : memref<8x128xf32, #tpu.memory_space<vmem>>) target_semaphore(%arg8 : memref<!tpu.dma_semaphore, #tpu.memory_space<semaphore_mem>>)
      %dma_start3A_1453 = arith.constant 3 : i32
      %dma_start3A_1454 = arith.constant 24 : i32
      %dma_start3A_1455 = arith.constant 0 : i32
      %dma_start3A_1456 = tpu.memref_slice %arg6[%dma_start3A_1453, %dma_start3A_1454, %dma_start3A_1455] : memref<8x64x128xf32, #tpu.memory_space<vmem>> -> memref<1x8x128xf32, #tpu.memory_space<vmem>>
      %dma_start3A_1457 = tpu.memref_squeeze %dma_start3A_1456 : memref<1x8x128xf32, #tpu.memory_space<vmem>> -> memref<8x128xf32, #tpu.memory_space<vmem>>
      %dma_start3A_1458 = arith.constant 24 : i32
      %dma_start3A_1459 = tpu.memref_slice %arg3[%dma_start3A_1458, %multiple_of3A_1413] : memref<64x1000000xf32, #tpu.memory_space<hbm>> -> memref<8x128xf32, #tpu.memory_space<hbm>>
      %dma_start3A_1460 = arith.constant 24 : i32
      %dma_start3A_1461 = arith.constant 0 : i32
      %dma_start3A_1462 = tpu.memref_slice %arg6[%dma_start3A_1453, %dma_start3A_1460, %dma_start3A_1461] : memref<8x64x128xf32, #tpu.memory_space<vmem>> -> memref<1x8x128xf32, #tpu.memory_space<vmem>>
      %dma_start3A_1463 = tpu.memref_squeeze %dma_start3A_1462 : memref<1x8x128xf32, #tpu.memory_space<vmem>> -> memref<8x128xf32, #tpu.memory_space<vmem>>
      %dma_start3A_1464 = arith.constant 24 : i32
      %dma_start3A_1465 = tpu.memref_slice %arg3[%dma_start3A_1464, %multiple_of3A_1413] : memref<64x1000000xf32, #tpu.memory_space<hbm>> -> memref<8x128xf32, #tpu.memory_space<hbm>>
      tpu.enqueue_dma source(%dma_start3A_1465 : memref<8x128xf32, #tpu.memory_space<hbm>>) target(%dma_start3A_1463 : memref<8x128xf32, #tpu.memory_space<vmem>>) target_semaphore(%arg8 : memref<!tpu.dma_semaphore, #tpu.memory_space<semaphore_mem>>)
      %dma_start3A_1466 = arith.constant 3 : i32
      %dma_start3A_1467 = arith.constant 32 : i32
      %dma_start3A_1468 = arith.constant 0 : i32
      %dma_start3A_1469 = tpu.memref_slice %arg6[%dma_start3A_1466, %dma_start3A_1467, %dma_start3A_1468] : memref<8x64x128xf32, #tpu.memory_space<vmem>> -> memref<1x8x128xf32, #tpu.memory_space<vmem>>
      %dma_start3A_1470 = tpu.memref_squeeze %dma_start3A_1469 : memref<1x8x128xf32, #tpu.memory_space<vmem>> -> memref<8x128xf32, #tpu.memory_space<vmem>>
      %dma_start3A_1471 = arith.constant 32 : i32
      %dma_start3A_1472 = tpu.memref_slice %arg3[%dma_start3A_1471, %multiple_of3A_1413] : memref<64x1000000xf32, #tpu.memory_space<hbm>> -> memref<8x128xf32, #tpu.memory_space<hbm>>
      %dma_start3A_1473 = arith.constant 32 : i32
      %dma_start3A_1474 = arith.constant 0 : i32
      %dma_start3A_1475 = tpu.memref_slice %arg6[%dma_start3A_1466, %dma_start3A_1473, %dma_start3A_1474] : memref<8x64x128xf32, #tpu.memory_space<vmem>> -> memref<1x8x128xf32, #tpu.memory_space<vmem>>
      %dma_start3A_1476 = tpu.memref_squeeze %dma_start3A_1475 : memref<1x8x128xf32, #tpu.memory_space<vmem>> -> memref<8x128xf32, #tpu.memory_space<vmem>>
      %dma_start3A_1477 = arith.constant 32 : i32
      %dma_start3A_1478 = tpu.memref_slice %arg3[%dma_start3A_1477, %multiple_of3A_1413] : memref<64x1000000xf32, #tpu.memory_space<hbm>> -> memref<8x128xf32, #tpu.memory_space<hbm>>
      tpu.enqueue_dma source(%dma_start3A_1478 : memref<8x128xf32, #tpu.memory_space<hbm>>) target(%dma_start3A_1476 : memref<8x128xf32, #tpu.memory_space<vmem>>) target_semaphore(%arg8 : memref<!tpu.dma_semaphore, #tpu.memory_space<semaphore_mem>>)
      %dma_start3A_1479 = arith.constant 3 : i32
      %dma_start3A_1480 = arith.constant 40 : i32
      %dma_start3A_1481 = arith.constant 0 : i32
      %dma_start3A_1482 = tpu.memref_slice %arg6[%dma_start3A_1479, %dma_start3A_1480, %dma_start3A_1481] : memref<8x64x128xf32, #tpu.memory_space<vmem>> -> memref<1x8x128xf32, #tpu.memory_space<vmem>>
      %dma_start3A_1483 = tpu.memref_squeeze %dma_start3A_1482 : memref<1x8x128xf32, #tpu.memory_space<vmem>> -> memref<8x128xf32, #tpu.memory_space<vmem>>
      %dma_start3A_1484 = arith.constant 40 : i32
      %dma_start3A_1485 = tpu.memref_slice %arg3[%dma_start3A_1484, %multiple_of3A_1413] : memref<64x1000000xf32, #tpu.memory_space<hbm>> -> memref<8x128xf32, #tpu.memory_space<hbm>>
      %dma_start3A_1486 = arith.constant 40 : i32
      %dma_start3A_1487 = arith.constant 0 : i32
      %dma_start3A_1488 = tpu.memref_slice %arg6[%dma_start3A_1479, %dma_start3A_1486, %dma_start3A_1487] : memref<8x64x128xf32, #tpu.memory_space<vmem>> -> memref<1x8x128xf32, #tpu.memory_space<vmem>>
      %dma_start3A_1489 = tpu.memref_squeeze %dma_start3A_1488 : memref<1x8x128xf32, #tpu.memory_space<vmem>> -> memref<8x128xf32, #tpu.memory_space<vmem>>
      %dma_start3A_1490 = arith.constant 40 : i32
      %dma_start3A_1491 = tpu.memref_slice %arg3[%dma_start3A_1490, %multiple_of3A_1413] : memref<64x1000000xf32, #tpu.memory_space<hbm>> -> memref<8x128xf32, #tpu.memory_space<hbm>>
      tpu.enqueue_dma source(%dma_start3A_1491 : memref<8x128xf32, #tpu.memory_space<hbm>>) target(%dma_start3A_1489 : memref<8x128xf32, #tpu.memory_space<vmem>>) target_semaphore(%arg8 : memref<!tpu.dma_semaphore, #tpu.memory_space<semaphore_mem>>)
      %dma_start3A_1492 = arith.constant 3 : i32
      %dma_start3A_1493 = arith.constant 48 : i32
      %dma_start3A_1494 = arith.constant 0 : i32
      %dma_start3A_1495 = tpu.memref_slice %arg6[%dma_start3A_1492, %dma_start3A_1493, %dma_start3A_1494] : memref<8x64x128xf32, #tpu.memory_space<vmem>> -> memref<1x8x128xf32, #tpu.memory_space<vmem>>
      %dma_start3A_1496 = tpu.memref_squeeze %dma_start3A_1495 : memref<1x8x128xf32, #tpu.memory_space<vmem>> -> memref<8x128xf32, #tpu.memory_space<vmem>>
      %dma_start3A_1497 = arith.constant 48 : i32
      %dma_start3A_1498 = tpu.memref_slice %arg3[%dma_start3A_1497, %multiple_of3A_1413] : memref<64x1000000xf32, #tpu.memory_space<hbm>> -> memref<8x128xf32, #tpu.memory_space<hbm>>
      %dma_start3A_1499 = arith.constant 48 : i32
      %dma_start3A_1500 = arith.constant 0 : i32
      %dma_start3A_1501 = tpu.memref_slice %arg6[%dma_start3A_1492, %dma_start3A_1499, %dma_start3A_1500] : memref<8x64x128xf32, #tpu.memory_space<vmem>> -> memref<1x8x128xf32, #tpu.memory_space<vmem>>
      %dma_start3A_1502 = tpu.memref_squeeze %dma_start3A_1501 : memref<1x8x128xf32, #tpu.memory_space<vmem>> -> memref<8x128xf32, #tpu.memory_space<vmem>>
      %dma_start3A_1503 = arith.constant 48 : i32
      %dma_start3A_1504 = tpu.memref_slice %arg3[%dma_start3A_1503, %multiple_of3A_1413] : memref<64x1000000xf32, #tpu.memory_space<hbm>> -> memref<8x128xf32, #tpu.memory_space<hbm>>
      tpu.enqueue_dma source(%dma_start3A_1504 : memref<8x128xf32, #tpu.memory_space<hbm>>) target(%dma_start3A_1502 : memref<8x128xf32, #tpu.memory_space<vmem>>) target_semaphore(%arg8 : memref<!tpu.dma_semaphore, #tpu.memory_space<semaphore_mem>>)
      %dma_start3A_1505 = arith.constant 3 : i32
      %dma_start3A_1506 = arith.constant 56 : i32
      %dma_start3A_1507 = arith.constant 0 : i32
      %dma_start3A_1508 = tpu.memref_slice %arg6[%dma_start3A_1505, %dma_start3A_1506, %dma_start3A_1507] : memref<8x64x128xf32, #tpu.memory_space<vmem>> -> memref<1x8x128xf32, #tpu.memory_space<vmem>>
      %dma_start3A_1509 = tpu.memref_squeeze %dma_start3A_1508 : memref<1x8x128xf32, #tpu.memory_space<vmem>> -> memref<8x128xf32, #tpu.memory_space<vmem>>
      %dma_start3A_1510 = arith.constant 56 : i32
      %dma_start3A_1511 = tpu.memref_slice %arg3[%dma_start3A_1510, %multiple_of3A_1413] : memref<64x1000000xf32, #tpu.memory_space<hbm>> -> memref<8x128xf32, #tpu.memory_space<hbm>>
      %dma_start3A_1512 = arith.constant 56 : i32
      %dma_start3A_1513 = arith.constant 0 : i32
      %dma_start3A_1514 = tpu.memref_slice %arg6[%dma_start3A_1505, %dma_start3A_1512, %dma_start3A_1513] : memref<8x64x128xf32, #tpu.memory_space<vmem>> -> memref<1x8x128xf32, #tpu.memory_space<vmem>>
      %dma_start3A_1515 = tpu.memref_squeeze %dma_start3A_1514 : memref<1x8x128xf32, #tpu.memory_space<vmem>> -> memref<8x128xf32, #tpu.memory_space<vmem>>
      %dma_start3A_1516 = arith.constant 56 : i32
      %dma_start3A_1517 = tpu.memref_slice %arg3[%dma_start3A_1516, %multiple_of3A_1413] : memref<64x1000000xf32, #tpu.memory_space<hbm>> -> memref<8x128xf32, #tpu.memory_space<hbm>>
      tpu.enqueue_dma source(%dma_start3A_1517 : memref<8x128xf32, #tpu.memory_space<hbm>>) target(%dma_start3A_1515 : memref<8x128xf32, #tpu.memory_space<vmem>>) target_semaphore(%arg8 : memref<!tpu.dma_semaphore, #tpu.memory_space<semaphore_mem>>)
      %dma_wait3A_1518 = arith.constant 0 : i32
      %dma_wait3A_1519 = arith.constant 0 : i32
      %dma_wait3A_1520 = arith.constant 0 : i32
      %dma_wait3A_1521 = tpu.memref_slice %arg6[%dma_wait3A_1518, %dma_wait3A_1519, %dma_wait3A_1520] : memref<8x64x128xf32, #tpu.memory_space<vmem>> -> memref<1x64x128xf32, #tpu.memory_space<vmem>>
      %dma_wait3A_1522 = tpu.memref_squeeze %dma_wait3A_1521 : memref<1x64x128xf32, #tpu.memory_space<vmem>> -> memref<64x128xf32, #tpu.memory_space<vmem>>
      %dma_wait3A_1523 = arith.constant 0 : i32
      %dma_wait3A_1524 = arith.constant 0 : i32
      %dma_wait3A_1525 = tpu.memref_slice %arg3[%dma_wait3A_1523, %dma_wait3A_1524] : memref<64x1000000xf32, #tpu.memory_space<hbm>> -> memref<64x128xf32, #tpu.memory_space<hbm>>
      %dma_wait3A_1526 = arith.constant 0 : i32
      %dma_wait3A_1527 = arith.constant 0 : i32
      %dma_wait3A_1528 = tpu.memref_slice %arg6[%dma_wait3A_1518, %dma_wait3A_1526, %dma_wait3A_1527] : memref<8x64x128xf32, #tpu.memory_space<vmem>> -> memref<1x64x128xf32, #tpu.memory_space<vmem>>
      %dma_wait3A_1529 = tpu.memref_squeeze %dma_wait3A_1528 : memref<1x64x128xf32, #tpu.memory_space<vmem>> -> memref<64x128xf32, #tpu.memory_space<vmem>>
      %dma_wait3A_1530 = arith.constant 0 : i32
      %dma_wait3A_1531 = arith.constant 0 : i32
      %dma_wait3A_1532 = tpu.memref_slice %arg3[%dma_wait3A_1530, %dma_wait3A_1531] : memref<64x1000000xf32, #tpu.memory_space<hbm>> -> memref<64x128xf32, #tpu.memory_space<hbm>>
      tpu.wait_dma2 semaphore(%arg9 : memref<!tpu.dma_semaphore, #tpu.memory_space<semaphore_mem>>) src(%dma_wait3A_1532 : memref<64x128xf32, #tpu.memory_space<hbm>>) dst(%dma_wait3A_1529 : memref<64x128xf32, #tpu.memory_space<vmem>>)
      %dma_wait3A_1533 = arith.constant 0 : i32
      %dma_wait3A_1534 = arith.constant 0 : i32
      %dma_wait3A_1535 = arith.constant 0 : i32
      %dma_wait3A_1536 = tpu.memref_slice %arg6[%dma_wait3A_1533, %dma_wait3A_1534, %dma_wait3A_1535] : memref<8x64x128xf32, #tpu.memory_space<vmem>> -> memref<1x64x128xf32, #tpu.memory_space<vmem>>
      %dma_wait3A_1537 = tpu.memref_squeeze %dma_wait3A_1536 : memref<1x64x128xf32, #tpu.memory_space<vmem>> -> memref<64x128xf32, #tpu.memory_space<vmem>>
      %dma_wait3A_1538 = arith.constant 0 : i32
      %dma_wait3A_1539 = arith.constant 0 : i32
      %dma_wait3A_1540 = tpu.memref_slice %arg3[%dma_wait3A_1538, %dma_wait3A_1539] : memref<64x1000000xf32, #tpu.memory_space<hbm>> -> memref<64x128xf32, #tpu.memory_space<hbm>>
      %dma_wait3A_1541 = arith.constant 0 : i32
      %dma_wait3A_1542 = arith.constant 0 : i32
      %dma_wait3A_1543 = tpu.memref_slice %arg6[%dma_wait3A_1533, %dma_wait3A_1541, %dma_wait3A_1542] : memref<8x64x128xf32, #tpu.memory_space<vmem>> -> memref<1x64x128xf32, #tpu.memory_space<vmem>>
      %dma_wait3A_1544 = tpu.memref_squeeze %dma_wait3A_1543 : memref<1x64x128xf32, #tpu.memory_space<vmem>> -> memref<64x128xf32, #tpu.memory_space<vmem>>
      %dma_wait3A_1545 = arith.constant 0 : i32
      %dma_wait3A_1546 = arith.constant 0 : i32
      %dma_wait3A_1547 = tpu.memref_slice %arg3[%dma_wait3A_1545, %dma_wait3A_1546] : memref<64x1000000xf32, #tpu.memory_space<hbm>> -> memref<64x128xf32, #tpu.memory_space<hbm>>
      tpu.wait_dma2 semaphore(%arg9 : memref<!tpu.dma_semaphore, #tpu.memory_space<semaphore_mem>>) src(%dma_wait3A_1547 : memref<64x128xf32, #tpu.memory_space<hbm>>) dst(%dma_wait3A_1544 : memref<64x128xf32, #tpu.memory_space<vmem>>)
      %dma_wait3A_1548 = arith.constant 0 : i32
      %dma_wait3A_1549 = arith.constant 0 : i32
      %dma_wait3A_1550 = arith.constant 0 : i32
      %dma_wait3A_1551 = tpu.memref_slice %arg6[%dma_wait3A_1548, %dma_wait3A_1549, %dma_wait3A_1550] : memref<8x64x128xf32, #tpu.memory_space<vmem>> -> memref<1x64x128xf32, #tpu.memory_space<vmem>>
      %dma_wait3A_1552 = tpu.memref_squeeze %dma_wait3A_1551 : memref<1x64x128xf32, #tpu.memory_space<vmem>> -> memref<64x128xf32, #tpu.memory_space<vmem>>
      %dma_wait3A_1553 = arith.constant 0 : i32
      %dma_wait3A_1554 = arith.constant 0 : i32
      %dma_wait3A_1555 = tpu.memref_slice %arg3[%dma_wait3A_1553, %dma_wait3A_1554] : memref<64x1000000xf32, #tpu.memory_space<hbm>> -> memref<64x128xf32, #tpu.memory_space<hbm>>
      %dma_wait3A_1556 = arith.constant 0 : i32
      %dma_wait3A_1557 = arith.constant 0 : i32
      %dma_wait3A_1558 = tpu.memref_slice %arg6[%dma_wait3A_1548, %dma_wait3A_1556, %dma_wait3A_1557] : memref<8x64x128xf32, #tpu.memory_space<vmem>> -> memref<1x64x128xf32, #tpu.memory_space<vmem>>
      %dma_wait3A_1559 = tpu.memref_squeeze %dma_wait3A_1558 : memref<1x64x128xf32, #tpu.memory_space<vmem>> -> memref<64x128xf32, #tpu.memory_space<vmem>>
      %dma_wait3A_1560 = arith.constant 0 : i32
      %dma_wait3A_1561 = arith.constant 0 : i32
      %dma_wait3A_1562 = tpu.memref_slice %arg3[%dma_wait3A_1560, %dma_wait3A_1561] : memref<64x1000000xf32, #tpu.memory_space<hbm>> -> memref<64x128xf32, #tpu.memory_space<hbm>>
      tpu.wait_dma2 semaphore(%arg9 : memref<!tpu.dma_semaphore, #tpu.memory_space<semaphore_mem>>) src(%dma_wait3A_1562 : memref<64x128xf32, #tpu.memory_space<hbm>>) dst(%dma_wait3A_1559 : memref<64x128xf32, #tpu.memory_space<vmem>>)
      %dma_wait3A_1563 = arith.constant 0 : i32
      %dma_wait3A_1564 = arith.constant 0 : i32
      %dma_wait3A_1565 = arith.constant 0 : i32
      %dma_wait3A_1566 = tpu.memref_slice %arg6[%dma_wait3A_1563, %dma_wait3A_1564, %dma_wait3A_1565] : memref<8x64x128xf32, #tpu.memory_space<vmem>> -> memref<1x64x128xf32, #tpu.memory_space<vmem>>
      %dma_wait3A_1567 = tpu.memref_squeeze %dma_wait3A_1566 : memref<1x64x128xf32, #tpu.memory_space<vmem>> -> memref<64x128xf32, #tpu.memory_space<vmem>>
      %dma_wait3A_1568 = arith.constant 0 : i32
      %dma_wait3A_1569 = arith.constant 0 : i32
      %dma_wait3A_1570 = tpu.memref_slice %arg3[%dma_wait3A_1568, %dma_wait3A_1569] : memref<64x1000000xf32, #tpu.memory_space<hbm>> -> memref<64x128xf32, #tpu.memory_space<hbm>>
      %dma_wait3A_1571 = arith.constant 0 : i32
      %dma_wait3A_1572 = arith.constant 0 : i32
      %dma_wait3A_1573 = tpu.memref_slice %arg6[%dma_wait3A_1563, %dma_wait3A_1571, %dma_wait3A_1572] : memref<8x64x128xf32, #tpu.memory_space<vmem>> -> memref<1x64x128xf32, #tpu.memory_space<vmem>>
      %dma_wait3A_1574 = tpu.memref_squeeze %dma_wait3A_1573 : memref<1x64x128xf32, #tpu.memory_space<vmem>> -> memref<64x128xf32, #tpu.memory_space<vmem>>
      %dma_wait3A_1575 = arith.constant 0 : i32
      %dma_wait3A_1576 = arith.constant 0 : i32
      %dma_wait3A_1577 = tpu.memref_slice %arg3[%dma_wait3A_1575, %dma_wait3A_1576] : memref<64x1000000xf32, #tpu.memory_space<hbm>> -> memref<64x128xf32, #tpu.memory_space<hbm>>
      tpu.wait_dma2 semaphore(%arg9 : memref<!tpu.dma_semaphore, #tpu.memory_space<semaphore_mem>>) src(%dma_wait3A_1577 : memref<64x128xf32, #tpu.memory_space<hbm>>) dst(%dma_wait3A_1574 : memref<64x128xf32, #tpu.memory_space<vmem>>)
      %slice3A_1578 = vector.extract_strided_slice %get3A_896 {offsets = [4], sizes = [1], strides = [1]} : vector<16xi32> to vector<1xi32>
      %squeeze3A_1579 = vector.extract %slice3A_1578[0] : i32 from vector<1xi32>
      %and3A_1580 = arith.constant 127 : i32
      %and3A_1581 = arith.andi %squeeze3A_1579, %and3A_1580 : i32
      %broadcast_in_dim3A_1582 = vector.broadcast %and3A_1581 : i32 to vector<16xi32>
      %add3A_1583 = arith.constant 4 : i32
      %add3A_1584 = arith.addi %multiple_of3A_894, %add3A_1583 : i32
      %add3A_1585 = arith.constant 0 : i32
      %add3A_1586 = arith.addi %add3A_1584, %add3A_1585 : i32
      %broadcast_in_dim3A_1587 = vector.broadcast %add3A_1586 : i32 to vector<16xi32>
      %broadcast_in_dim3A_1588 = arith.constant 4 : i32
      %broadcast_in_dim3A_1589 = vector.broadcast %broadcast_in_dim3A_1588 : i32 to vector<16xi32>
      %add3A_1590 = arith.constant 0 : i32
      %add3A_1591 = vector.broadcast %add3A_1590 : i32 to vector<16xi32>
      %add3A_1592 = arith.addi %iota3A, %add3A_1591 : vector<16xi32>
      %gather3A_1593 = tpu.vector_load_idx %arg6[%broadcast_in_dim3A_1589, %add3A_1592, %broadcast_in_dim3A_1582] : memref<8x64x128xf32, #tpu.memory_space<vmem>>[vector<16xi32>, vector<16xi32>, vector<16xi32>], vector<16xf32>,
      tpu.vector_store_idx %arg7[%add3A_1592, %broadcast_in_dim3A_1587], %gather3A_1593 : memref<64x128xf32, #tpu.memory_space<vmem>>[vector<16xi32>, vector<16xi32>], vector<16xf32>,
      %add3A_1594 = arith.constant 16 : i32
      %add3A_1595 = vector.broadcast %add3A_1594 : i32 to vector<16xi32>
      %add3A_1596 = arith.addi %iota3A, %add3A_1595 : vector<16xi32>
      %gather3A_1597 = tpu.vector_load_idx %arg6[%broadcast_in_dim3A_1589, %add3A_1596, %broadcast_in_dim3A_1582] : memref<8x64x128xf32, #tpu.memory_space<vmem>>[vector<16xi32>, vector<16xi32>, vector<16xi32>], vector<16xf32>,
      tpu.vector_store_idx %arg7[%add3A_1596, %broadcast_in_dim3A_1587], %gather3A_1597 : memref<64x128xf32, #tpu.memory_space<vmem>>[vector<16xi32>, vector<16xi32>], vector<16xf32>,
      %add3A_1598 = arith.constant 32 : i32
      %add3A_1599 = vector.broadcast %add3A_1598 : i32 to vector<16xi32>
      %add3A_1600 = arith.addi %iota3A, %add3A_1599 : vector<16xi32>
      %gather3A_1601 = tpu.vector_load_idx %arg6[%broadcast_in_dim3A_1589, %add3A_1600, %broadcast_in_dim3A_1582] : memref<8x64x128xf32, #tpu.memory_space<vmem>>[vector<16xi32>, vector<16xi32>, vector<16xi32>], vector<16xf32>,
      tpu.vector_store_idx %arg7[%add3A_1600, %broadcast_in_dim3A_1587], %gather3A_1601 : memref<64x128xf32, #tpu.memory_space<vmem>>[vector<16xi32>, vector<16xi32>], vector<16xf32>,
      %add3A_1602 = arith.constant 48 : i32
      %add3A_1603 = vector.broadcast %add3A_1602 : i32 to vector<16xi32>
      %add3A_1604 = arith.addi %iota3A, %add3A_1603 : vector<16xi32>
      %gather3A_1605 = tpu.vector_load_idx %arg6[%broadcast_in_dim3A_1589, %add3A_1604, %broadcast_in_dim3A_1582] : memref<8x64x128xf32, #tpu.memory_space<vmem>>[vector<16xi32>, vector<16xi32>, vector<16xi32>], vector<16xf32>,
      tpu.vector_store_idx %arg7[%add3A_1604, %broadcast_in_dim3A_1587], %gather3A_1605 : memref<64x128xf32, #tpu.memory_space<vmem>>[vector<16xi32>, vector<16xi32>], vector<16xf32>,
      %slice3A_1606 = vector.extract_strided_slice %get3A_896 {offsets = [5], sizes = [1], strides = [1]} : vector<16xi32> to vector<1xi32>
      %squeeze3A_1607 = vector.extract %slice3A_1606[0] : i32 from vector<1xi32>
      %and3A_1608 = arith.constant 127 : i32
      %and3A_1609 = arith.andi %squeeze3A_1607, %and3A_1608 : i32
      %broadcast_in_dim3A_1610 = vector.broadcast %and3A_1609 : i32 to vector<16xi32>
      %add3A_1611 = arith.constant 4 : i32
      %add3A_1612 = arith.addi %multiple_of3A_894, %add3A_1611 : i32
      %add3A_1613 = arith.constant 1 : i32
      %add3A_1614 = arith.addi %add3A_1612, %add3A_1613 : i32
      %broadcast_in_dim3A_1615 = vector.broadcast %add3A_1614 : i32 to vector<16xi32>
      %broadcast_in_dim3A_1616 = arith.constant 5 : i32
      %broadcast_in_dim3A_1617 = vector.broadcast %broadcast_in_dim3A_1616 : i32 to vector<16xi32>
      %add3A_1618 = arith.constant 0 : i32
      %add3A_1619 = vector.broadcast %add3A_1618 : i32 to vector<16xi32>
      %add3A_1620 = arith.addi %iota3A, %add3A_1619 : vector<16xi32>
      %gather3A_1621 = tpu.vector_load_idx %arg6[%broadcast_in_dim3A_1617, %add3A_1620, %broadcast_in_dim3A_1610] : memref<8x64x128xf32, #tpu.memory_space<vmem>>[vector<16xi32>, vector<16xi32>, vector<16xi32>], vector<16xf32>,
      tpu.vector_store_idx %arg7[%add3A_1620, %broadcast_in_dim3A_1615], %gather3A_1621 : memref<64x128xf32, #tpu.memory_space<vmem>>[vector<16xi32>, vector<16xi32>], vector<16xf32>,
      %add3A_1622 = arith.constant 16 : i32
      %add3A_1623 = vector.broadcast %add3A_1622 : i32 to vector<16xi32>
      %add3A_1624 = arith.addi %iota3A, %add3A_1623 : vector<16xi32>
      %gather3A_1625 = tpu.vector_load_idx %arg6[%broadcast_in_dim3A_1617, %add3A_1624, %broadcast_in_dim3A_1610] : memref<8x64x128xf32, #tpu.memory_space<vmem>>[vector<16xi32>, vector<16xi32>, vector<16xi32>], vector<16xf32>,
      tpu.vector_store_idx %arg7[%add3A_1624, %broadcast_in_dim3A_1615], %gather3A_1625 : memref<64x128xf32, #tpu.memory_space<vmem>>[vector<16xi32>, vector<16xi32>], vector<16xf32>,
      %add3A_1626 = arith.constant 32 : i32
      %add3A_1627 = vector.broadcast %add3A_1626 : i32 to vector<16xi32>
      %add3A_1628 = arith.addi %iota3A, %add3A_1627 : vector<16xi32>
      %gather3A_1629 = tpu.vector_load_idx %arg6[%broadcast_in_dim3A_1617, %add3A_1628, %broadcast_in_dim3A_1610] : memref<8x64x128xf32, #tpu.memory_space<vmem>>[vector<16xi32>, vector<16xi32>, vector<16xi32>], vector<16xf32>,
      tpu.vector_store_idx %arg7[%add3A_1628, %broadcast_in_dim3A_1615], %gather3A_1629 : memref<64x128xf32, #tpu.memory_space<vmem>>[vector<16xi32>, vector<16xi32>], vector<16xf32>,
      %add3A_1630 = arith.constant 48 : i32
      %add3A_1631 = vector.broadcast %add3A_1630 : i32 to vector<16xi32>
      %add3A_1632 = arith.addi %iota3A, %add3A_1631 : vector<16xi32>
      %gather3A_1633 = tpu.vector_load_idx %arg6[%broadcast_in_dim3A_1617, %add3A_1632, %broadcast_in_dim3A_1610] : memref<8x64x128xf32, #tpu.memory_space<vmem>>[vector<16xi32>, vector<16xi32>, vector<16xi32>], vector<16xf32>,
      tpu.vector_store_idx %arg7[%add3A_1632, %broadcast_in_dim3A_1615], %gather3A_1633 : memref<64x128xf32, #tpu.memory_space<vmem>>[vector<16xi32>, vector<16xi32>], vector<16xf32>,
      %slice3A_1634 = vector.extract_strided_slice %get3A_896 {offsets = [6], sizes = [1], strides = [1]} : vector<16xi32> to vector<1xi32>
      %squeeze3A_1635 = vector.extract %slice3A_1634[0] : i32 from vector<1xi32>
      %and3A_1636 = arith.constant 127 : i32
      %and3A_1637 = arith.andi %squeeze3A_1635, %and3A_1636 : i32
      %broadcast_in_dim3A_1638 = vector.broadcast %and3A_1637 : i32 to vector<16xi32>
      %add3A_1639 = arith.constant 4 : i32
      %add3A_1640 = arith.addi %multiple_of3A_894, %add3A_1639 : i32
      %add3A_1641 = arith.constant 2 : i32
      %add3A_1642 = arith.addi %add3A_1640, %add3A_1641 : i32
      %broadcast_in_dim3A_1643 = vector.broadcast %add3A_1642 : i32 to vector<16xi32>
      %broadcast_in_dim3A_1644 = arith.constant 6 : i32
      %broadcast_in_dim3A_1645 = vector.broadcast %broadcast_in_dim3A_1644 : i32 to vector<16xi32>
      %add3A_1646 = arith.constant 0 : i32
      %add3A_1647 = vector.broadcast %add3A_1646 : i32 to vector<16xi32>
      %add3A_1648 = arith.addi %iota3A, %add3A_1647 : vector<16xi32>
      %gather3A_1649 = tpu.vector_load_idx %arg6[%broadcast_in_dim3A_1645, %add3A_1648, %broadcast_in_dim3A_1638] : memref<8x64x128xf32, #tpu.memory_space<vmem>>[vector<16xi32>, vector<16xi32>, vector<16xi32>], vector<16xf32>,
      tpu.vector_store_idx %arg7[%add3A_1648, %broadcast_in_dim3A_1643], %gather3A_1649 : memref<64x128xf32, #tpu.memory_space<vmem>>[vector<16xi32>, vector<16xi32>], vector<16xf32>,
      %add3A_1650 = arith.constant 16 : i32
      %add3A_1651 = vector.broadcast %add3A_1650 : i32 to vector<16xi32>
      %add3A_1652 = arith.addi %iota3A, %add3A_1651 : vector<16xi32>
      %gather3A_1653 = tpu.vector_load_idx %arg6[%broadcast_in_dim3A_1645, %add3A_1652, %broadcast_in_dim3A_1638] : memref<8x64x128xf32, #tpu.memory_space<vmem>>[vector<16xi32>, vector<16xi32>, vector<16xi32>], vector<16xf32>,
      tpu.vector_store_idx %arg7[%add3A_1652, %broadcast_in_dim3A_1643], %gather3A_1653 : memref<64x128xf32, #tpu.memory_space<vmem>>[vector<16xi32>, vector<16xi32>], vector<16xf32>,
      %add3A_1654 = arith.constant 32 : i32
      %add3A_1655 = vector.broadcast %add3A_1654 : i32 to vector<16xi32>
      %add3A_1656 = arith.addi %iota3A, %add3A_1655 : vector<16xi32>
      %gather3A_1657 = tpu.vector_load_idx %arg6[%broadcast_in_dim3A_1645, %add3A_1656, %broadcast_in_dim3A_1638] : memref<8x64x128xf32, #tpu.memory_space<vmem>>[vector<16xi32>, vector<16xi32>, vector<16xi32>], vector<16xf32>,
      tpu.vector_store_idx %arg7[%add3A_1656, %broadcast_in_dim3A_1643], %gather3A_1657 : memref<64x128xf32, #tpu.memory_space<vmem>>[vector<16xi32>, vector<16xi32>], vector<16xf32>,
      %add3A_1658 = arith.constant 48 : i32
      %add3A_1659 = vector.broadcast %add3A_1658 : i32 to vector<16xi32>
      %add3A_1660 = arith.addi %iota3A, %add3A_1659 : vector<16xi32>
      %gather3A_1661 = tpu.vector_load_idx %arg6[%broadcast_in_dim3A_1645, %add3A_1660, %broadcast_in_dim3A_1638] : memref<8x64x128xf32, #tpu.memory_space<vmem>>[vector<16xi32>, vector<16xi32>, vector<16xi32>], vector<16xf32>,
      tpu.vector_store_idx %arg7[%add3A_1660, %broadcast_in_dim3A_1643], %gather3A_1661 : memref<64x128xf32, #tpu.memory_space<vmem>>[vector<16xi32>, vector<16xi32>], vector<16xf32>,
      %slice3A_1662 = vector.extract_strided_slice %get3A_896 {offsets = [7], sizes = [1], strides = [1]} : vector<16xi32> to vector<1xi32>
      %squeeze3A_1663 = vector.extract %slice3A_1662[0] : i32 from vector<1xi32>
      %and3A_1664 = arith.constant 127 : i32
      %and3A_1665 = arith.andi %squeeze3A_1663, %and3A_1664 : i32
      %broadcast_in_dim3A_1666 = vector.broadcast %and3A_1665 : i32 to vector<16xi32>
      %add3A_1667 = arith.constant 4 : i32
      %add3A_1668 = arith.addi %multiple_of3A_894, %add3A_1667 : i32
      %add3A_1669 = arith.constant 3 : i32
      %add3A_1670 = arith.addi %add3A_1668, %add3A_1669 : i32
      %broadcast_in_dim3A_1671 = vector.broadcast %add3A_1670 : i32 to vector<16xi32>
      %broadcast_in_dim3A_1672 = arith.constant 7 : i32
      %broadcast_in_dim3A_1673 = vector.broadcast %broadcast_in_dim3A_1672 : i32 to vector<16xi32>
      %add3A_1674 = arith.constant 0 : i32
      %add3A_1675 = vector.broadcast %add3A_1674 : i32 to vector<16xi32>
      %add3A_1676 = arith.addi %iota3A, %add3A_1675 : vector<16xi32>
      %gather3A_1677 = tpu.vector_load_idx %arg6[%broadcast_in_dim3A_1673, %add3A_1676, %broadcast_in_dim3A_1666] : memref<8x64x128xf32, #tpu.memory_space<vmem>>[vector<16xi32>, vector<16xi32>, vector<16xi32>], vector<16xf32>,
      tpu.vector_store_idx %arg7[%add3A_1676, %broadcast_in_dim3A_1671], %gather3A_1677 : memref<64x128xf32, #tpu.memory_space<vmem>>[vector<16xi32>, vector<16xi32>], vector<16xf32>,
      %add3A_1678 = arith.constant 16 : i32
      %add3A_1679 = vector.broadcast %add3A_1678 : i32 to vector<16xi32>
      %add3A_1680 = arith.addi %iota3A, %add3A_1679 : vector<16xi32>
      %gather3A_1681 = tpu.vector_load_idx %arg6[%broadcast_in_dim3A_1673, %add3A_1680, %broadcast_in_dim3A_1666] : memref<8x64x128xf32, #tpu.memory_space<vmem>>[vector<16xi32>, vector<16xi32>, vector<16xi32>], vector<16xf32>,
      tpu.vector_store_idx %arg7[%add3A_1680, %broadcast_in_dim3A_1671], %gather3A_1681 : memref<64x128xf32, #tpu.memory_space<vmem>>[vector<16xi32>, vector<16xi32>], vector<16xf32>,
      %add3A_1682 = arith.constant 32 : i32
      %add3A_1683 = vector.broadcast %add3A_1682 : i32 to vector<16xi32>
      %add3A_1684 = arith.addi %iota3A, %add3A_1683 : vector<16xi32>
      %gather3A_1685 = tpu.vector_load_idx %arg6[%broadcast_in_dim3A_1673, %add3A_1684, %broadcast_in_dim3A_1666] : memref<8x64x128xf32, #tpu.memory_space<vmem>>[vector<16xi32>, vector<16xi32>, vector<16xi32>], vector<16xf32>,
      tpu.vector_store_idx %arg7[%add3A_1684, %broadcast_in_dim3A_1671], %gather3A_1685 : memref<64x128xf32, #tpu.memory_space<vmem>>[vector<16xi32>, vector<16xi32>], vector<16xf32>,
      %add3A_1686 = arith.constant 48 : i32
      %add3A_1687 = vector.broadcast %add3A_1686 : i32 to vector<16xi32>
      %add3A_1688 = arith.addi %iota3A, %add3A_1687 : vector<16xi32>
      %gather3A_1689 = tpu.vector_load_idx %arg6[%broadcast_in_dim3A_1673, %add3A_1688, %broadcast_in_dim3A_1666] : memref<8x64x128xf32, #tpu.memory_space<vmem>>[vector<16xi32>, vector<16xi32>, vector<16xi32>], vector<16xf32>,
      tpu.vector_store_idx %arg7[%add3A_1688, %broadcast_in_dim3A_1671], %gather3A_1689 : memref<64x128xf32, #tpu.memory_space<vmem>>[vector<16xi32>, vector<16xi32>], vector<16xf32>,
      %slice3A_1690 = vector.extract_strided_slice %get3A_896 {offsets = [12], sizes = [1], strides = [1]} : vector<16xi32> to vector<1xi32>
      %squeeze3A_1691 = vector.extract %slice3A_1690[0] : i32 from vector<1xi32>
      %shift_right_arithmetic3A_1692 = arith.constant 7 : i32
      %shift_right_arithmetic3A_1693 = arith.shrsi %squeeze3A_1691, %shift_right_arithmetic3A_1692 : i32
      %shift_left3A_1694 = arith.constant 7 : i32
      %shift_left3A_1695 = arith.shli %shift_right_arithmetic3A_1693, %shift_left3A_1694 : i32
      %multiple_of3A_1696 = tpu.assume_multiple %shift_left3A_1695, 128 : i32
      %dma_start3A_1697 = arith.constant 4 : i32
      %dma_start3A_1698 = arith.constant 0 : i32
      %dma_start3A_1699 = arith.constant 0 : i32
      %dma_start3A_1700 = tpu.memref_slice %arg6[%dma_start3A_1697, %dma_start3A_1698, %dma_start3A_1699] : memref<8x64x128xf32, #tpu.memory_space<vmem>> -> memref<1x8x128xf32, #tpu.memory_space<vmem>>
      %dma_start3A_1701 = tpu.memref_squeeze %dma_start3A_1700 : memref<1x8x128xf32, #tpu.memory_space<vmem>> -> memref<8x128xf32, #tpu.memory_space<vmem>>
      %dma_start3A_1702 = arith.constant 0 : i32
      %dma_start3A_1703 = tpu.memref_slice %arg3[%dma_start3A_1702, %multiple_of3A_1696] : memref<64x1000000xf32, #tpu.memory_space<hbm>> -> memref<8x128xf32, #tpu.memory_space<hbm>>
      %dma_start3A_1704 = arith.constant 0 : i32
      %dma_start3A_1705 = arith.constant 0 : i32
      %dma_start3A_1706 = tpu.memref_slice %arg6[%dma_start3A_1697, %dma_start3A_1704, %dma_start3A_1705] : memref<8x64x128xf32, #tpu.memory_space<vmem>> -> memref<1x8x128xf32, #tpu.memory_space<vmem>>
      %dma_start3A_1707 = tpu.memref_squeeze %dma_start3A_1706 : memref<1x8x128xf32, #tpu.memory_space<vmem>> -> memref<8x128xf32, #tpu.memory_space<vmem>>
      %dma_start3A_1708 = arith.constant 0 : i32
      %dma_start3A_1709 = tpu.memref_slice %arg3[%dma_start3A_1708, %multiple_of3A_1696] : memref<64x1000000xf32, #tpu.memory_space<hbm>> -> memref<8x128xf32, #tpu.memory_space<hbm>>
      tpu.enqueue_dma source(%dma_start3A_1709 : memref<8x128xf32, #tpu.memory_space<hbm>>) target(%dma_start3A_1707 : memref<8x128xf32, #tpu.memory_space<vmem>>) target_semaphore(%arg9 : memref<!tpu.dma_semaphore, #tpu.memory_space<semaphore_mem>>)
      %dma_start3A_1710 = arith.constant 4 : i32
      %dma_start3A_1711 = arith.constant 8 : i32
      %dma_start3A_1712 = arith.constant 0 : i32
      %dma_start3A_1713 = tpu.memref_slice %arg6[%dma_start3A_1710, %dma_start3A_1711, %dma_start3A_1712] : memref<8x64x128xf32, #tpu.memory_space<vmem>> -> memref<1x8x128xf32, #tpu.memory_space<vmem>>
      %dma_start3A_1714 = tpu.memref_squeeze %dma_start3A_1713 : memref<1x8x128xf32, #tpu.memory_space<vmem>> -> memref<8x128xf32, #tpu.memory_space<vmem>>
      %dma_start3A_1715 = arith.constant 8 : i32
      %dma_start3A_1716 = tpu.memref_slice %arg3[%dma_start3A_1715, %multiple_of3A_1696] : memref<64x1000000xf32, #tpu.memory_space<hbm>> -> memref<8x128xf32, #tpu.memory_space<hbm>>
      %dma_start3A_1717 = arith.constant 8 : i32
      %dma_start3A_1718 = arith.constant 0 : i32
      %dma_start3A_1719 = tpu.memref_slice %arg6[%dma_start3A_1710, %dma_start3A_1717, %dma_start3A_1718] : memref<8x64x128xf32, #tpu.memory_space<vmem>> -> memref<1x8x128xf32, #tpu.memory_space<vmem>>
      %dma_start3A_1720 = tpu.memref_squeeze %dma_start3A_1719 : memref<1x8x128xf32, #tpu.memory_space<vmem>> -> memref<8x128xf32, #tpu.memory_space<vmem>>
      %dma_start3A_1721 = arith.constant 8 : i32
      %dma_start3A_1722 = tpu.memref_slice %arg3[%dma_start3A_1721, %multiple_of3A_1696] : memref<64x1000000xf32, #tpu.memory_space<hbm>> -> memref<8x128xf32, #tpu.memory_space<hbm>>
      tpu.enqueue_dma source(%dma_start3A_1722 : memref<8x128xf32, #tpu.memory_space<hbm>>) target(%dma_start3A_1720 : memref<8x128xf32, #tpu.memory_space<vmem>>) target_semaphore(%arg9 : memref<!tpu.dma_semaphore, #tpu.memory_space<semaphore_mem>>)
      %dma_start3A_1723 = arith.constant 4 : i32
      %dma_start3A_1724 = arith.constant 16 : i32
      %dma_start3A_1725 = arith.constant 0 : i32
      %dma_start3A_1726 = tpu.memref_slice %arg6[%dma_start3A_1723, %dma_start3A_1724, %dma_start3A_1725] : memref<8x64x128xf32, #tpu.memory_space<vmem>> -> memref<1x8x128xf32, #tpu.memory_space<vmem>>
      %dma_start3A_1727 = tpu.memref_squeeze %dma_start3A_1726 : memref<1x8x128xf32, #tpu.memory_space<vmem>> -> memref<8x128xf32, #tpu.memory_space<vmem>>
      %dma_start3A_1728 = arith.constant 16 : i32
      %dma_start3A_1729 = tpu.memref_slice %arg3[%dma_start3A_1728, %multiple_of3A_1696] : memref<64x1000000xf32, #tpu.memory_space<hbm>> -> memref<8x128xf32, #tpu.memory_space<hbm>>
      %dma_start3A_1730 = arith.constant 16 : i32
      %dma_start3A_1731 = arith.constant 0 : i32
      %dma_start3A_1732 = tpu.memref_slice %arg6[%dma_start3A_1723, %dma_start3A_1730, %dma_start3A_1731] : memref<8x64x128xf32, #tpu.memory_space<vmem>> -> memref<1x8x128xf32, #tpu.memory_space<vmem>>
      %dma_start3A_1733 = tpu.memref_squeeze %dma_start3A_1732 : memref<1x8x128xf32, #tpu.memory_space<vmem>> -> memref<8x128xf32, #tpu.memory_space<vmem>>
      %dma_start3A_1734 = arith.constant 16 : i32
      %dma_start3A_1735 = tpu.memref_slice %arg3[%dma_start3A_1734, %multiple_of3A_1696] : memref<64x1000000xf32, #tpu.memory_space<hbm>> -> memref<8x128xf32, #tpu.memory_space<hbm>>
      tpu.enqueue_dma source(%dma_start3A_1735 : memref<8x128xf32, #tpu.memory_space<hbm>>) target(%dma_start3A_1733 : memref<8x128xf32, #tpu.memory_space<vmem>>) target_semaphore(%arg9 : memref<!tpu.dma_semaphore, #tpu.memory_space<semaphore_mem>>)
      %dma_start3A_1736 = arith.constant 4 : i32
      %dma_start3A_1737 = arith.constant 24 : i32
      %dma_start3A_1738 = arith.constant 0 : i32
      %dma_start3A_1739 = tpu.memref_slice %arg6[%dma_start3A_1736, %dma_start3A_1737, %dma_start3A_1738] : memref<8x64x128xf32, #tpu.memory_space<vmem>> -> memref<1x8x128xf32, #tpu.memory_space<vmem>>
      %dma_start3A_1740 = tpu.memref_squeeze %dma_start3A_1739 : memref<1x8x128xf32, #tpu.memory_space<vmem>> -> memref<8x128xf32, #tpu.memory_space<vmem>>
      %dma_start3A_1741 = arith.constant 24 : i32
      %dma_start3A_1742 = tpu.memref_slice %arg3[%dma_start3A_1741, %multiple_of3A_1696] : memref<64x1000000xf32, #tpu.memory_space<hbm>> -> memref<8x128xf32, #tpu.memory_space<hbm>>
      %dma_start3A_1743 = arith.constant 24 : i32
      %dma_start3A_1744 = arith.constant 0 : i32
      %dma_start3A_1745 = tpu.memref_slice %arg6[%dma_start3A_1736, %dma_start3A_1743, %dma_start3A_1744] : memref<8x64x128xf32, #tpu.memory_space<vmem>> -> memref<1x8x128xf32, #tpu.memory_space<vmem>>
      %dma_start3A_1746 = tpu.memref_squeeze %dma_start3A_1745 : memref<1x8x128xf32, #tpu.memory_space<vmem>> -> memref<8x128xf32, #tpu.memory_space<vmem>>
      %dma_start3A_1747 = arith.constant 24 : i32
      %dma_start3A_1748 = tpu.memref_slice %arg3[%dma_start3A_1747, %multiple_of3A_1696] : memref<64x1000000xf32, #tpu.memory_space<hbm>> -> memref<8x128xf32, #tpu.memory_space<hbm>>
      tpu.enqueue_dma source(%dma_start3A_1748 : memref<8x128xf32, #tpu.memory_space<hbm>>) target(%dma_start3A_1746 : memref<8x128xf32, #tpu.memory_space<vmem>>) target_semaphore(%arg9 : memref<!tpu.dma_semaphore, #tpu.memory_space<semaphore_mem>>)
      %dma_start3A_1749 = arith.constant 4 : i32
      %dma_start3A_1750 = arith.constant 32 : i32
      %dma_start3A_1751 = arith.constant 0 : i32
      %dma_start3A_1752 = tpu.memref_slice %arg6[%dma_start3A_1749, %dma_start3A_1750, %dma_start3A_1751] : memref<8x64x128xf32, #tpu.memory_space<vmem>> -> memref<1x8x128xf32, #tpu.memory_space<vmem>>
      %dma_start3A_1753 = tpu.memref_squeeze %dma_start3A_1752 : memref<1x8x128xf32, #tpu.memory_space<vmem>> -> memref<8x128xf32, #tpu.memory_space<vmem>>
      %dma_start3A_1754 = arith.constant 32 : i32
      %dma_start3A_1755 = tpu.memref_slice %arg3[%dma_start3A_1754, %multiple_of3A_1696] : memref<64x1000000xf32, #tpu.memory_space<hbm>> -> memref<8x128xf32, #tpu.memory_space<hbm>>
      %dma_start3A_1756 = arith.constant 32 : i32
      %dma_start3A_1757 = arith.constant 0 : i32
      %dma_start3A_1758 = tpu.memref_slice %arg6[%dma_start3A_1749, %dma_start3A_1756, %dma_start3A_1757] : memref<8x64x128xf32, #tpu.memory_space<vmem>> -> memref<1x8x128xf32, #tpu.memory_space<vmem>>
      %dma_start3A_1759 = tpu.memref_squeeze %dma_start3A_1758 : memref<1x8x128xf32, #tpu.memory_space<vmem>> -> memref<8x128xf32, #tpu.memory_space<vmem>>
      %dma_start3A_1760 = arith.constant 32 : i32
      %dma_start3A_1761 = tpu.memref_slice %arg3[%dma_start3A_1760, %multiple_of3A_1696] : memref<64x1000000xf32, #tpu.memory_space<hbm>> -> memref<8x128xf32, #tpu.memory_space<hbm>>
      tpu.enqueue_dma source(%dma_start3A_1761 : memref<8x128xf32, #tpu.memory_space<hbm>>) target(%dma_start3A_1759 : memref<8x128xf32, #tpu.memory_space<vmem>>) target_semaphore(%arg9 : memref<!tpu.dma_semaphore, #tpu.memory_space<semaphore_mem>>)
      %dma_start3A_1762 = arith.constant 4 : i32
      %dma_start3A_1763 = arith.constant 40 : i32
      %dma_start3A_1764 = arith.constant 0 : i32
      %dma_start3A_1765 = tpu.memref_slice %arg6[%dma_start3A_1762, %dma_start3A_1763, %dma_start3A_1764] : memref<8x64x128xf32, #tpu.memory_space<vmem>> -> memref<1x8x128xf32, #tpu.memory_space<vmem>>
      %dma_start3A_1766 = tpu.memref_squeeze %dma_start3A_1765 : memref<1x8x128xf32, #tpu.memory_space<vmem>> -> memref<8x128xf32, #tpu.memory_space<vmem>>
      %dma_start3A_1767 = arith.constant 40 : i32
      %dma_start3A_1768 = tpu.memref_slice %arg3[%dma_start3A_1767, %multiple_of3A_1696] : memref<64x1000000xf32, #tpu.memory_space<hbm>> -> memref<8x128xf32, #tpu.memory_space<hbm>>
      %dma_start3A_1769 = arith.constant 40 : i32
      %dma_start3A_1770 = arith.constant 0 : i32
      %dma_start3A_1771 = tpu.memref_slice %arg6[%dma_start3A_1762, %dma_start3A_1769, %dma_start3A_1770] : memref<8x64x128xf32, #tpu.memory_space<vmem>> -> memref<1x8x128xf32, #tpu.memory_space<vmem>>
      %dma_start3A_1772 = tpu.memref_squeeze %dma_start3A_1771 : memref<1x8x128xf32, #tpu.memory_space<vmem>> -> memref<8x128xf32, #tpu.memory_space<vmem>>
      %dma_start3A_1773 = arith.constant 40 : i32
      %dma_start3A_1774 = tpu.memref_slice %arg3[%dma_start3A_1773, %multiple_of3A_1696] : memref<64x1000000xf32, #tpu.memory_space<hbm>> -> memref<8x128xf32, #tpu.memory_space<hbm>>
      tpu.enqueue_dma source(%dma_start3A_1774 : memref<8x128xf32, #tpu.memory_space<hbm>>) target(%dma_start3A_1772 : memref<8x128xf32, #tpu.memory_space<vmem>>) target_semaphore(%arg9 : memref<!tpu.dma_semaphore, #tpu.memory_space<semaphore_mem>>)
      %dma_start3A_1775 = arith.constant 4 : i32
      %dma_start3A_1776 = arith.constant 48 : i32
      %dma_start3A_1777 = arith.constant 0 : i32
      %dma_start3A_1778 = tpu.memref_slice %arg6[%dma_start3A_1775, %dma_start3A_1776, %dma_start3A_1777] : memref<8x64x128xf32, #tpu.memory_space<vmem>> -> memref<1x8x128xf32, #tpu.memory_space<vmem>>
      %dma_start3A_1779 = tpu.memref_squeeze %dma_start3A_1778 : memref<1x8x128xf32, #tpu.memory_space<vmem>> -> memref<8x128xf32, #tpu.memory_space<vmem>>
      %dma_start3A_1780 = arith.constant 48 : i32
      %dma_start3A_1781 = tpu.memref_slice %arg3[%dma_start3A_1780, %multiple_of3A_1696] : memref<64x1000000xf32, #tpu.memory_space<hbm>> -> memref<8x128xf32, #tpu.memory_space<hbm>>
      %dma_start3A_1782 = arith.constant 48 : i32
      %dma_start3A_1783 = arith.constant 0 : i32
      %dma_start3A_1784 = tpu.memref_slice %arg6[%dma_start3A_1775, %dma_start3A_1782, %dma_start3A_1783] : memref<8x64x128xf32, #tpu.memory_space<vmem>> -> memref<1x8x128xf32, #tpu.memory_space<vmem>>
      %dma_start3A_1785 = tpu.memref_squeeze %dma_start3A_1784 : memref<1x8x128xf32, #tpu.memory_space<vmem>> -> memref<8x128xf32, #tpu.memory_space<vmem>>
      %dma_start3A_1786 = arith.constant 48 : i32
      %dma_start3A_1787 = tpu.memref_slice %arg3[%dma_start3A_1786, %multiple_of3A_1696] : memref<64x1000000xf32, #tpu.memory_space<hbm>> -> memref<8x128xf32, #tpu.memory_space<hbm>>
      tpu.enqueue_dma source(%dma_start3A_1787 : memref<8x128xf32, #tpu.memory_space<hbm>>) target(%dma_start3A_1785 : memref<8x128xf32, #tpu.memory_space<vmem>>) target_semaphore(%arg9 : memref<!tpu.dma_semaphore, #tpu.memory_space<semaphore_mem>>)
      %dma_start3A_1788 = arith.constant 4 : i32
      %dma_start3A_1789 = arith.constant 56 : i32
      %dma_start3A_1790 = arith.constant 0 : i32
      %dma_start3A_1791 = tpu.memref_slice %arg6[%dma_start3A_1788, %dma_start3A_1789, %dma_start3A_1790] : memref<8x64x128xf32, #tpu.memory_space<vmem>> -> memref<1x8x128xf32, #tpu.memory_space<vmem>>
      %dma_start3A_1792 = tpu.memref_squeeze %dma_start3A_1791 : memref<1x8x128xf32, #tpu.memory_space<vmem>> -> memref<8x128xf32, #tpu.memory_space<vmem>>
      %dma_start3A_1793 = arith.constant 56 : i32
      %dma_start3A_1794 = tpu.memref_slice %arg3[%dma_start3A_1793, %multiple_of3A_1696] : memref<64x1000000xf32, #tpu.memory_space<hbm>> -> memref<8x128xf32, #tpu.memory_space<hbm>>
      %dma_start3A_1795 = arith.constant 56 : i32
      %dma_start3A_1796 = arith.constant 0 : i32
      %dma_start3A_1797 = tpu.memref_slice %arg6[%dma_start3A_1788, %dma_start3A_1795, %dma_start3A_1796] : memref<8x64x128xf32, #tpu.memory_space<vmem>> -> memref<1x8x128xf32, #tpu.memory_space<vmem>>
      %dma_start3A_1798 = tpu.memref_squeeze %dma_start3A_1797 : memref<1x8x128xf32, #tpu.memory_space<vmem>> -> memref<8x128xf32, #tpu.memory_space<vmem>>
      %dma_start3A_1799 = arith.constant 56 : i32
      %dma_start3A_1800 = tpu.memref_slice %arg3[%dma_start3A_1799, %multiple_of3A_1696] : memref<64x1000000xf32, #tpu.memory_space<hbm>> -> memref<8x128xf32, #tpu.memory_space<hbm>>
      tpu.enqueue_dma source(%dma_start3A_1800 : memref<8x128xf32, #tpu.memory_space<hbm>>) target(%dma_start3A_1798 : memref<8x128xf32, #tpu.memory_space<vmem>>) target_semaphore(%arg9 : memref<!tpu.dma_semaphore, #tpu.memory_space<semaphore_mem>>)
      %slice3A_1801 = vector.extract_strided_slice %get3A_896 {offsets = [13], sizes = [1], strides = [1]} : vector<16xi32> to vector<1xi32>
      %squeeze3A_1802 = vector.extract %slice3A_1801[0] : i32 from vector<1xi32>
      %shift_right_arithmetic3A_1803 = arith.constant 7 : i32
      %shift_right_arithmetic3A_1804 = arith.shrsi %squeeze3A_1802, %shift_right_arithmetic3A_1803 : i32
      %shift_left3A_1805 = arith.constant 7 : i32
      %shift_left3A_1806 = arith.shli %shift_right_arithmetic3A_1804, %shift_left3A_1805 : i32
      %multiple_of3A_1807 = tpu.assume_multiple %shift_left3A_1806, 128 : i32
      %dma_start3A_1808 = arith.constant 5 : i32
      %dma_start3A_1809 = arith.constant 0 : i32
      %dma_start3A_1810 = arith.constant 0 : i32
      %dma_start3A_1811 = tpu.memref_slice %arg6[%dma_start3A_1808, %dma_start3A_1809, %dma_start3A_1810] : memref<8x64x128xf32, #tpu.memory_space<vmem>> -> memref<1x8x128xf32, #tpu.memory_space<vmem>>
      %dma_start3A_1812 = tpu.memref_squeeze %dma_start3A_1811 : memref<1x8x128xf32, #tpu.memory_space<vmem>> -> memref<8x128xf32, #tpu.memory_space<vmem>>
      %dma_start3A_1813 = arith.constant 0 : i32
      %dma_start3A_1814 = tpu.memref_slice %arg3[%dma_start3A_1813, %multiple_of3A_1807] : memref<64x1000000xf32, #tpu.memory_space<hbm>> -> memref<8x128xf32, #tpu.memory_space<hbm>>
      %dma_start3A_1815 = arith.constant 0 : i32
      %dma_start3A_1816 = arith.constant 0 : i32
      %dma_start3A_1817 = tpu.memref_slice %arg6[%dma_start3A_1808, %dma_start3A_1815, %dma_start3A_1816] : memref<8x64x128xf32, #tpu.memory_space<vmem>> -> memref<1x8x128xf32, #tpu.memory_space<vmem>>
      %dma_start3A_1818 = tpu.memref_squeeze %dma_start3A_1817 : memref<1x8x128xf32, #tpu.memory_space<vmem>> -> memref<8x128xf32, #tpu.memory_space<vmem>>
      %dma_start3A_1819 = arith.constant 0 : i32
      %dma_start3A_1820 = tpu.memref_slice %arg3[%dma_start3A_1819, %multiple_of3A_1807] : memref<64x1000000xf32, #tpu.memory_space<hbm>> -> memref<8x128xf32, #tpu.memory_space<hbm>>
      tpu.enqueue_dma source(%dma_start3A_1820 : memref<8x128xf32, #tpu.memory_space<hbm>>) target(%dma_start3A_1818 : memref<8x128xf32, #tpu.memory_space<vmem>>) target_semaphore(%arg9 : memref<!tpu.dma_semaphore, #tpu.memory_space<semaphore_mem>>)
      %dma_start3A_1821 = arith.constant 5 : i32
      %dma_start3A_1822 = arith.constant 8 : i32
      %dma_start3A_1823 = arith.constant 0 : i32
      %dma_start3A_1824 = tpu.memref_slice %arg6[%dma_start3A_1821, %dma_start3A_1822, %dma_start3A_1823] : memref<8x64x128xf32, #tpu.memory_space<vmem>> -> memref<1x8x128xf32, #tpu.memory_space<vmem>>
      %dma_start3A_1825 = tpu.memref_squeeze %dma_start3A_1824 : memref<1x8x128xf32, #tpu.memory_space<vmem>> -> memref<8x128xf32, #tpu.memory_space<vmem>>
      %dma_start3A_1826 = arith.constant 8 : i32
      %dma_start3A_1827 = tpu.memref_slice %arg3[%dma_start3A_1826, %multiple_of3A_1807] : memref<64x1000000xf32, #tpu.memory_space<hbm>> -> memref<8x128xf32, #tpu.memory_space<hbm>>
      %dma_start3A_1828 = arith.constant 8 : i32
      %dma_start3A_1829 = arith.constant 0 : i32
      %dma_start3A_1830 = tpu.memref_slice %arg6[%dma_start3A_1821, %dma_start3A_1828, %dma_start3A_1829] : memref<8x64x128xf32, #tpu.memory_space<vmem>> -> memref<1x8x128xf32, #tpu.memory_space<vmem>>
      %dma_start3A_1831 = tpu.memref_squeeze %dma_start3A_1830 : memref<1x8x128xf32, #tpu.memory_space<vmem>> -> memref<8x128xf32, #tpu.memory_space<vmem>>
      %dma_start3A_1832 = arith.constant 8 : i32
      %dma_start3A_1833 = tpu.memref_slice %arg3[%dma_start3A_1832, %multiple_of3A_1807] : memref<64x1000000xf32, #tpu.memory_space<hbm>> -> memref<8x128xf32, #tpu.memory_space<hbm>>
      tpu.enqueue_dma source(%dma_start3A_1833 : memref<8x128xf32, #tpu.memory_space<hbm>>) target(%dma_start3A_1831 : memref<8x128xf32, #tpu.memory_space<vmem>>) target_semaphore(%arg9 : memref<!tpu.dma_semaphore, #tpu.memory_space<semaphore_mem>>)
      %dma_start3A_1834 = arith.constant 5 : i32
      %dma_start3A_1835 = arith.constant 16 : i32
      %dma_start3A_1836 = arith.constant 0 : i32
      %dma_start3A_1837 = tpu.memref_slice %arg6[%dma_start3A_1834, %dma_start3A_1835, %dma_start3A_1836] : memref<8x64x128xf32, #tpu.memory_space<vmem>> -> memref<1x8x128xf32, #tpu.memory_space<vmem>>
      %dma_start3A_1838 = tpu.memref_squeeze %dma_start3A_1837 : memref<1x8x128xf32, #tpu.memory_space<vmem>> -> memref<8x128xf32, #tpu.memory_space<vmem>>
      %dma_start3A_1839 = arith.constant 16 : i32
      %dma_start3A_1840 = tpu.memref_slice %arg3[%dma_start3A_1839, %multiple_of3A_1807] : memref<64x1000000xf32, #tpu.memory_space<hbm>> -> memref<8x128xf32, #tpu.memory_space<hbm>>
      %dma_start3A_1841 = arith.constant 16 : i32
      %dma_start3A_1842 = arith.constant 0 : i32
      %dma_start3A_1843 = tpu.memref_slice %arg6[%dma_start3A_1834, %dma_start3A_1841, %dma_start3A_1842] : memref<8x64x128xf32, #tpu.memory_space<vmem>> -> memref<1x8x128xf32, #tpu.memory_space<vmem>>
      %dma_start3A_1844 = tpu.memref_squeeze %dma_start3A_1843 : memref<1x8x128xf32, #tpu.memory_space<vmem>> -> memref<8x128xf32, #tpu.memory_space<vmem>>
      %dma_start3A_1845 = arith.constant 16 : i32
      %dma_start3A_1846 = tpu.memref_slice %arg3[%dma_start3A_1845, %multiple_of3A_1807] : memref<64x1000000xf32, #tpu.memory_space<hbm>> -> memref<8x128xf32, #tpu.memory_space<hbm>>
      tpu.enqueue_dma source(%dma_start3A_1846 : memref<8x128xf32, #tpu.memory_space<hbm>>) target(%dma_start3A_1844 : memref<8x128xf32, #tpu.memory_space<vmem>>) target_semaphore(%arg9 : memref<!tpu.dma_semaphore, #tpu.memory_space<semaphore_mem>>)
      %dma_start3A_1847 = arith.constant 5 : i32
      %dma_start3A_1848 = arith.constant 24 : i32
      %dma_start3A_1849 = arith.constant 0 : i32
      %dma_start3A_1850 = tpu.memref_slice %arg6[%dma_start3A_1847, %dma_start3A_1848, %dma_start3A_1849] : memref<8x64x128xf32, #tpu.memory_space<vmem>> -> memref<1x8x128xf32, #tpu.memory_space<vmem>>
      %dma_start3A_1851 = tpu.memref_squeeze %dma_start3A_1850 : memref<1x8x128xf32, #tpu.memory_space<vmem>> -> memref<8x128xf32, #tpu.memory_space<vmem>>
      %dma_start3A_1852 = arith.constant 24 : i32
      %dma_start3A_1853 = tpu.memref_slice %arg3[%dma_start3A_1852, %multiple_of3A_1807] : memref<64x1000000xf32, #tpu.memory_space<hbm>> -> memref<8x128xf32, #tpu.memory_space<hbm>>
      %dma_start3A_1854 = arith.constant 24 : i32
      %dma_start3A_1855 = arith.constant 0 : i32
      %dma_start3A_1856 = tpu.memref_slice %arg6[%dma_start3A_1847, %dma_start3A_1854, %dma_start3A_1855] : memref<8x64x128xf32, #tpu.memory_space<vmem>> -> memref<1x8x128xf32, #tpu.memory_space<vmem>>
      %dma_start3A_1857 = tpu.memref_squeeze %dma_start3A_1856 : memref<1x8x128xf32, #tpu.memory_space<vmem>> -> memref<8x128xf32, #tpu.memory_space<vmem>>
      %dma_start3A_1858 = arith.constant 24 : i32
      %dma_start3A_1859 = tpu.memref_slice %arg3[%dma_start3A_1858, %multiple_of3A_1807] : memref<64x1000000xf32, #tpu.memory_space<hbm>> -> memref<8x128xf32, #tpu.memory_space<hbm>>
      tpu.enqueue_dma source(%dma_start3A_1859 : memref<8x128xf32, #tpu.memory_space<hbm>>) target(%dma_start3A_1857 : memref<8x128xf32, #tpu.memory_space<vmem>>) target_semaphore(%arg9 : memref<!tpu.dma_semaphore, #tpu.memory_space<semaphore_mem>>)
      %dma_start3A_1860 = arith.constant 5 : i32
      %dma_start3A_1861 = arith.constant 32 : i32
      %dma_start3A_1862 = arith.constant 0 : i32
      %dma_start3A_1863 = tpu.memref_slice %arg6[%dma_start3A_1860, %dma_start3A_1861, %dma_start3A_1862] : memref<8x64x128xf32, #tpu.memory_space<vmem>> -> memref<1x8x128xf32, #tpu.memory_space<vmem>>
      %dma_start3A_1864 = tpu.memref_squeeze %dma_start3A_1863 : memref<1x8x128xf32, #tpu.memory_space<vmem>> -> memref<8x128xf32, #tpu.memory_space<vmem>>
      %dma_start3A_1865 = arith.constant 32 : i32
      %dma_start3A_1866 = tpu.memref_slice %arg3[%dma_start3A_1865, %multiple_of3A_1807] : memref<64x1000000xf32, #tpu.memory_space<hbm>> -> memref<8x128xf32, #tpu.memory_space<hbm>>
      %dma_start3A_1867 = arith.constant 32 : i32
      %dma_start3A_1868 = arith.constant 0 : i32
      %dma_start3A_1869 = tpu.memref_slice %arg6[%dma_start3A_1860, %dma_start3A_1867, %dma_start3A_1868] : memref<8x64x128xf32, #tpu.memory_space<vmem>> -> memref<1x8x128xf32, #tpu.memory_space<vmem>>
      %dma_start3A_1870 = tpu.memref_squeeze %dma_start3A_1869 : memref<1x8x128xf32, #tpu.memory_space<vmem>> -> memref<8x128xf32, #tpu.memory_space<vmem>>
      %dma_start3A_1871 = arith.constant 32 : i32
      %dma_start3A_1872 = tpu.memref_slice %arg3[%dma_start3A_1871, %multiple_of3A_1807] : memref<64x1000000xf32, #tpu.memory_space<hbm>> -> memref<8x128xf32, #tpu.memory_space<hbm>>
      tpu.enqueue_dma source(%dma_start3A_1872 : memref<8x128xf32, #tpu.memory_space<hbm>>) target(%dma_start3A_1870 : memref<8x128xf32, #tpu.memory_space<vmem>>) target_semaphore(%arg9 : memref<!tpu.dma_semaphore, #tpu.memory_space<semaphore_mem>>)
      %dma_start3A_1873 = arith.constant 5 : i32
      %dma_start3A_1874 = arith.constant 40 : i32
      %dma_start3A_1875 = arith.constant 0 : i32
      %dma_start3A_1876 = tpu.memref_slice %arg6[%dma_start3A_1873, %dma_start3A_1874, %dma_start3A_1875] : memref<8x64x128xf32, #tpu.memory_space<vmem>> -> memref<1x8x128xf32, #tpu.memory_space<vmem>>
      %dma_start3A_1877 = tpu.memref_squeeze %dma_start3A_1876 : memref<1x8x128xf32, #tpu.memory_space<vmem>> -> memref<8x128xf32, #tpu.memory_space<vmem>>
      %dma_start3A_1878 = arith.constant 40 : i32
      %dma_start3A_1879 = tpu.memref_slice %arg3[%dma_start3A_1878, %multiple_of3A_1807] : memref<64x1000000xf32, #tpu.memory_space<hbm>> -> memref<8x128xf32, #tpu.memory_space<hbm>>
      %dma_start3A_1880 = arith.constant 40 : i32
      %dma_start3A_1881 = arith.constant 0 : i32
      %dma_start3A_1882 = tpu.memref_slice %arg6[%dma_start3A_1873, %dma_start3A_1880, %dma_start3A_1881] : memref<8x64x128xf32, #tpu.memory_space<vmem>> -> memref<1x8x128xf32, #tpu.memory_space<vmem>>
      %dma_start3A_1883 = tpu.memref_squeeze %dma_start3A_1882 : memref<1x8x128xf32, #tpu.memory_space<vmem>> -> memref<8x128xf32, #tpu.memory_space<vmem>>
      %dma_start3A_1884 = arith.constant 40 : i32
      %dma_start3A_1885 = tpu.memref_slice %arg3[%dma_start3A_1884, %multiple_of3A_1807] : memref<64x1000000xf32, #tpu.memory_space<hbm>> -> memref<8x128xf32, #tpu.memory_space<hbm>>
      tpu.enqueue_dma source(%dma_start3A_1885 : memref<8x128xf32, #tpu.memory_space<hbm>>) target(%dma_start3A_1883 : memref<8x128xf32, #tpu.memory_space<vmem>>) target_semaphore(%arg9 : memref<!tpu.dma_semaphore, #tpu.memory_space<semaphore_mem>>)
      %dma_start3A_1886 = arith.constant 5 : i32
      %dma_start3A_1887 = arith.constant 48 : i32
      %dma_start3A_1888 = arith.constant 0 : i32
      %dma_start3A_1889 = tpu.memref_slice %arg6[%dma_start3A_1886, %dma_start3A_1887, %dma_start3A_1888] : memref<8x64x128xf32, #tpu.memory_space<vmem>> -> memref<1x8x128xf32, #tpu.memory_space<vmem>>
      %dma_start3A_1890 = tpu.memref_squeeze %dma_start3A_1889 : memref<1x8x128xf32, #tpu.memory_space<vmem>> -> memref<8x128xf32, #tpu.memory_space<vmem>>
      %dma_start3A_1891 = arith.constant 48 : i32
      %dma_start3A_1892 = tpu.memref_slice %arg3[%dma_start3A_1891, %multiple_of3A_1807] : memref<64x1000000xf32, #tpu.memory_space<hbm>> -> memref<8x128xf32, #tpu.memory_space<hbm>>
      %dma_start3A_1893 = arith.constant 48 : i32
      %dma_start3A_1894 = arith.constant 0 : i32
      %dma_start3A_1895 = tpu.memref_slice %arg6[%dma_start3A_1886, %dma_start3A_1893, %dma_start3A_1894] : memref<8x64x128xf32, #tpu.memory_space<vmem>> -> memref<1x8x128xf32, #tpu.memory_space<vmem>>
      %dma_start3A_1896 = tpu.memref_squeeze %dma_start3A_1895 : memref<1x8x128xf32, #tpu.memory_space<vmem>> -> memref<8x128xf32, #tpu.memory_space<vmem>>
      %dma_start3A_1897 = arith.constant 48 : i32
      %dma_start3A_1898 = tpu.memref_slice %arg3[%dma_start3A_1897, %multiple_of3A_1807] : memref<64x1000000xf32, #tpu.memory_space<hbm>> -> memref<8x128xf32, #tpu.memory_space<hbm>>
      tpu.enqueue_dma source(%dma_start3A_1898 : memref<8x128xf32, #tpu.memory_space<hbm>>) target(%dma_start3A_1896 : memref<8x128xf32, #tpu.memory_space<vmem>>) target_semaphore(%arg9 : memref<!tpu.dma_semaphore, #tpu.memory_space<semaphore_mem>>)
      %dma_start3A_1899 = arith.constant 5 : i32
      %dma_start3A_1900 = arith.constant 56 : i32
      %dma_start3A_1901 = arith.constant 0 : i32
      %dma_start3A_1902 = tpu.memref_slice %arg6[%dma_start3A_1899, %dma_start3A_1900, %dma_start3A_1901] : memref<8x64x128xf32, #tpu.memory_space<vmem>> -> memref<1x8x128xf32, #tpu.memory_space<vmem>>
      %dma_start3A_1903 = tpu.memref_squeeze %dma_start3A_1902 : memref<1x8x128xf32, #tpu.memory_space<vmem>> -> memref<8x128xf32, #tpu.memory_space<vmem>>
      %dma_start3A_1904 = arith.constant 56 : i32
      %dma_start3A_1905 = tpu.memref_slice %arg3[%dma_start3A_1904, %multiple_of3A_1807] : memref<64x1000000xf32, #tpu.memory_space<hbm>> -> memref<8x128xf32, #tpu.memory_space<hbm>>
      %dma_start3A_1906 = arith.constant 56 : i32
      %dma_start3A_1907 = arith.constant 0 : i32
      %dma_start3A_1908 = tpu.memref_slice %arg6[%dma_start3A_1899, %dma_start3A_1906, %dma_start3A_1907] : memref<8x64x128xf32, #tpu.memory_space<vmem>> -> memref<1x8x128xf32, #tpu.memory_space<vmem>>
      %dma_start3A_1909 = tpu.memref_squeeze %dma_start3A_1908 : memref<1x8x128xf32, #tpu.memory_space<vmem>> -> memref<8x128xf32, #tpu.memory_space<vmem>>
      %dma_start3A_1910 = arith.constant 56 : i32
      %dma_start3A_1911 = tpu.memref_slice %arg3[%dma_start3A_1910, %multiple_of3A_1807] : memref<64x1000000xf32, #tpu.memory_space<hbm>> -> memref<8x128xf32, #tpu.memory_space<hbm>>
      tpu.enqueue_dma source(%dma_start3A_1911 : memref<8x128xf32, #tpu.memory_space<hbm>>) target(%dma_start3A_1909 : memref<8x128xf32, #tpu.memory_space<vmem>>) target_semaphore(%arg9 : memref<!tpu.dma_semaphore, #tpu.memory_space<semaphore_mem>>)
      %slice3A_1912 = vector.extract_strided_slice %get3A_896 {offsets = [14], sizes = [1], strides = [1]} : vector<16xi32> to vector<1xi32>
      %squeeze3A_1913 = vector.extract %slice3A_1912[0] : i32 from vector<1xi32>
      %shift_right_arithmetic3A_1914 = arith.constant 7 : i32
      %shift_right_arithmetic3A_1915 = arith.shrsi %squeeze3A_1913, %shift_right_arithmetic3A_1914 : i32
      %shift_left3A_1916 = arith.constant 7 : i32
      %shift_left3A_1917 = arith.shli %shift_right_arithmetic3A_1915, %shift_left3A_1916 : i32
      %multiple_of3A_1918 = tpu.assume_multiple %shift_left3A_1917, 128 : i32
      %dma_start3A_1919 = arith.constant 6 : i32
      %dma_start3A_1920 = arith.constant 0 : i32
      %dma_start3A_1921 = arith.constant 0 : i32
      %dma_start3A_1922 = tpu.memref_slice %arg6[%dma_start3A_1919, %dma_start3A_1920, %dma_start3A_1921] : memref<8x64x128xf32, #tpu.memory_space<vmem>> -> memref<1x8x128xf32, #tpu.memory_space<vmem>>
      %dma_start3A_1923 = tpu.memref_squeeze %dma_start3A_1922 : memref<1x8x128xf32, #tpu.memory_space<vmem>> -> memref<8x128xf32, #tpu.memory_space<vmem>>
      %dma_start3A_1924 = arith.constant 0 : i32
      %dma_start3A_1925 = tpu.memref_slice %arg3[%dma_start3A_1924, %multiple_of3A_1918] : memref<64x1000000xf32, #tpu.memory_space<hbm>> -> memref<8x128xf32, #tpu.memory_space<hbm>>
      %dma_start3A_1926 = arith.constant 0 : i32
      %dma_start3A_1927 = arith.constant 0 : i32
      %dma_start3A_1928 = tpu.memref_slice %arg6[%dma_start3A_1919, %dma_start3A_1926, %dma_start3A_1927] : memref<8x64x128xf32, #tpu.memory_space<vmem>> -> memref<1x8x128xf32, #tpu.memory_space<vmem>>
      %dma_start3A_1929 = tpu.memref_squeeze %dma_start3A_1928 : memref<1x8x128xf32, #tpu.memory_space<vmem>> -> memref<8x128xf32, #tpu.memory_space<vmem>>
      %dma_start3A_1930 = arith.constant 0 : i32
      %dma_start3A_1931 = tpu.memref_slice %arg3[%dma_start3A_1930, %multiple_of3A_1918] : memref<64x1000000xf32, #tpu.memory_space<hbm>> -> memref<8x128xf32, #tpu.memory_space<hbm>>
      tpu.enqueue_dma source(%dma_start3A_1931 : memref<8x128xf32, #tpu.memory_space<hbm>>) target(%dma_start3A_1929 : memref<8x128xf32, #tpu.memory_space<vmem>>) target_semaphore(%arg9 : memref<!tpu.dma_semaphore, #tpu.memory_space<semaphore_mem>>)
      %dma_start3A_1932 = arith.constant 6 : i32
      %dma_start3A_1933 = arith.constant 8 : i32
      %dma_start3A_1934 = arith.constant 0 : i32
      %dma_start3A_1935 = tpu.memref_slice %arg6[%dma_start3A_1932, %dma_start3A_1933, %dma_start3A_1934] : memref<8x64x128xf32, #tpu.memory_space<vmem>> -> memref<1x8x128xf32, #tpu.memory_space<vmem>>
      %dma_start3A_1936 = tpu.memref_squeeze %dma_start3A_1935 : memref<1x8x128xf32, #tpu.memory_space<vmem>> -> memref<8x128xf32, #tpu.memory_space<vmem>>
      %dma_start3A_1937 = arith.constant 8 : i32
      %dma_start3A_1938 = tpu.memref_slice %arg3[%dma_start3A_1937, %multiple_of3A_1918] : memref<64x1000000xf32, #tpu.memory_space<hbm>> -> memref<8x128xf32, #tpu.memory_space<hbm>>
      %dma_start3A_1939 = arith.constant 8 : i32
      %dma_start3A_1940 = arith.constant 0 : i32
      %dma_start3A_1941 = tpu.memref_slice %arg6[%dma_start3A_1932, %dma_start3A_1939, %dma_start3A_1940] : memref<8x64x128xf32, #tpu.memory_space<vmem>> -> memref<1x8x128xf32, #tpu.memory_space<vmem>>
      %dma_start3A_1942 = tpu.memref_squeeze %dma_start3A_1941 : memref<1x8x128xf32, #tpu.memory_space<vmem>> -> memref<8x128xf32, #tpu.memory_space<vmem>>
      %dma_start3A_1943 = arith.constant 8 : i32
      %dma_start3A_1944 = tpu.memref_slice %arg3[%dma_start3A_1943, %multiple_of3A_1918] : memref<64x1000000xf32, #tpu.memory_space<hbm>> -> memref<8x128xf32, #tpu.memory_space<hbm>>
      tpu.enqueue_dma source(%dma_start3A_1944 : memref<8x128xf32, #tpu.memory_space<hbm>>) target(%dma_start3A_1942 : memref<8x128xf32, #tpu.memory_space<vmem>>) target_semaphore(%arg9 : memref<!tpu.dma_semaphore, #tpu.memory_space<semaphore_mem>>)
      %dma_start3A_1945 = arith.constant 6 : i32
      %dma_start3A_1946 = arith.constant 16 : i32
      %dma_start3A_1947 = arith.constant 0 : i32
      %dma_start3A_1948 = tpu.memref_slice %arg6[%dma_start3A_1945, %dma_start3A_1946, %dma_start3A_1947] : memref<8x64x128xf32, #tpu.memory_space<vmem>> -> memref<1x8x128xf32, #tpu.memory_space<vmem>>
      %dma_start3A_1949 = tpu.memref_squeeze %dma_start3A_1948 : memref<1x8x128xf32, #tpu.memory_space<vmem>> -> memref<8x128xf32, #tpu.memory_space<vmem>>
      %dma_start3A_1950 = arith.constant 16 : i32
      %dma_start3A_1951 = tpu.memref_slice %arg3[%dma_start3A_1950, %multiple_of3A_1918] : memref<64x1000000xf32, #tpu.memory_space<hbm>> -> memref<8x128xf32, #tpu.memory_space<hbm>>
      %dma_start3A_1952 = arith.constant 16 : i32
      %dma_start3A_1953 = arith.constant 0 : i32
      %dma_start3A_1954 = tpu.memref_slice %arg6[%dma_start3A_1945, %dma_start3A_1952, %dma_start3A_1953] : memref<8x64x128xf32, #tpu.memory_space<vmem>> -> memref<1x8x128xf32, #tpu.memory_space<vmem>>
      %dma_start3A_1955 = tpu.memref_squeeze %dma_start3A_1954 : memref<1x8x128xf32, #tpu.memory_space<vmem>> -> memref<8x128xf32, #tpu.memory_space<vmem>>
      %dma_start3A_1956 = arith.constant 16 : i32
      %dma_start3A_1957 = tpu.memref_slice %arg3[%dma_start3A_1956, %multiple_of3A_1918] : memref<64x1000000xf32, #tpu.memory_space<hbm>> -> memref<8x128xf32, #tpu.memory_space<hbm>>
      tpu.enqueue_dma source(%dma_start3A_1957 : memref<8x128xf32, #tpu.memory_space<hbm>>) target(%dma_start3A_1955 : memref<8x128xf32, #tpu.memory_space<vmem>>) target_semaphore(%arg9 : memref<!tpu.dma_semaphore, #tpu.memory_space<semaphore_mem>>)
      %dma_start3A_1958 = arith.constant 6 : i32
      %dma_start3A_1959 = arith.constant 24 : i32
      %dma_start3A_1960 = arith.constant 0 : i32
      %dma_start3A_1961 = tpu.memref_slice %arg6[%dma_start3A_1958, %dma_start3A_1959, %dma_start3A_1960] : memref<8x64x128xf32, #tpu.memory_space<vmem>> -> memref<1x8x128xf32, #tpu.memory_space<vmem>>
      %dma_start3A_1962 = tpu.memref_squeeze %dma_start3A_1961 : memref<1x8x128xf32, #tpu.memory_space<vmem>> -> memref<8x128xf32, #tpu.memory_space<vmem>>
      %dma_start3A_1963 = arith.constant 24 : i32
      %dma_start3A_1964 = tpu.memref_slice %arg3[%dma_start3A_1963, %multiple_of3A_1918] : memref<64x1000000xf32, #tpu.memory_space<hbm>> -> memref<8x128xf32, #tpu.memory_space<hbm>>
      %dma_start3A_1965 = arith.constant 24 : i32
      %dma_start3A_1966 = arith.constant 0 : i32
      %dma_start3A_1967 = tpu.memref_slice %arg6[%dma_start3A_1958, %dma_start3A_1965, %dma_start3A_1966] : memref<8x64x128xf32, #tpu.memory_space<vmem>> -> memref<1x8x128xf32, #tpu.memory_space<vmem>>
      %dma_start3A_1968 = tpu.memref_squeeze %dma_start3A_1967 : memref<1x8x128xf32, #tpu.memory_space<vmem>> -> memref<8x128xf32, #tpu.memory_space<vmem>>
      %dma_start3A_1969 = arith.constant 24 : i32
      %dma_start3A_1970 = tpu.memref_slice %arg3[%dma_start3A_1969, %multiple_of3A_1918] : memref<64x1000000xf32, #tpu.memory_space<hbm>> -> memref<8x128xf32, #tpu.memory_space<hbm>>
      tpu.enqueue_dma source(%dma_start3A_1970 : memref<8x128xf32, #tpu.memory_space<hbm>>) target(%dma_start3A_1968 : memref<8x128xf32, #tpu.memory_space<vmem>>) target_semaphore(%arg9 : memref<!tpu.dma_semaphore, #tpu.memory_space<semaphore_mem>>)
      %dma_start3A_1971 = arith.constant 6 : i32
      %dma_start3A_1972 = arith.constant 32 : i32
      %dma_start3A_1973 = arith.constant 0 : i32
      %dma_start3A_1974 = tpu.memref_slice %arg6[%dma_start3A_1971, %dma_start3A_1972, %dma_start3A_1973] : memref<8x64x128xf32, #tpu.memory_space<vmem>> -> memref<1x8x128xf32, #tpu.memory_space<vmem>>
      %dma_start3A_1975 = tpu.memref_squeeze %dma_start3A_1974 : memref<1x8x128xf32, #tpu.memory_space<vmem>> -> memref<8x128xf32, #tpu.memory_space<vmem>>
      %dma_start3A_1976 = arith.constant 32 : i32
      %dma_start3A_1977 = tpu.memref_slice %arg3[%dma_start3A_1976, %multiple_of3A_1918] : memref<64x1000000xf32, #tpu.memory_space<hbm>> -> memref<8x128xf32, #tpu.memory_space<hbm>>
      %dma_start3A_1978 = arith.constant 32 : i32
      %dma_start3A_1979 = arith.constant 0 : i32
      %dma_start3A_1980 = tpu.memref_slice %arg6[%dma_start3A_1971, %dma_start3A_1978, %dma_start3A_1979] : memref<8x64x128xf32, #tpu.memory_space<vmem>> -> memref<1x8x128xf32, #tpu.memory_space<vmem>>
      %dma_start3A_1981 = tpu.memref_squeeze %dma_start3A_1980 : memref<1x8x128xf32, #tpu.memory_space<vmem>> -> memref<8x128xf32, #tpu.memory_space<vmem>>
      %dma_start3A_1982 = arith.constant 32 : i32
      %dma_start3A_1983 = tpu.memref_slice %arg3[%dma_start3A_1982, %multiple_of3A_1918] : memref<64x1000000xf32, #tpu.memory_space<hbm>> -> memref<8x128xf32, #tpu.memory_space<hbm>>
      tpu.enqueue_dma source(%dma_start3A_1983 : memref<8x128xf32, #tpu.memory_space<hbm>>) target(%dma_start3A_1981 : memref<8x128xf32, #tpu.memory_space<vmem>>) target_semaphore(%arg9 : memref<!tpu.dma_semaphore, #tpu.memory_space<semaphore_mem>>)
      %dma_start3A_1984 = arith.constant 6 : i32
      %dma_start3A_1985 = arith.constant 40 : i32
      %dma_start3A_1986 = arith.constant 0 : i32
      %dma_start3A_1987 = tpu.memref_slice %arg6[%dma_start3A_1984, %dma_start3A_1985, %dma_start3A_1986] : memref<8x64x128xf32, #tpu.memory_space<vmem>> -> memref<1x8x128xf32, #tpu.memory_space<vmem>>
      %dma_start3A_1988 = tpu.memref_squeeze %dma_start3A_1987 : memref<1x8x128xf32, #tpu.memory_space<vmem>> -> memref<8x128xf32, #tpu.memory_space<vmem>>
      %dma_start3A_1989 = arith.constant 40 : i32
      %dma_start3A_1990 = tpu.memref_slice %arg3[%dma_start3A_1989, %multiple_of3A_1918] : memref<64x1000000xf32, #tpu.memory_space<hbm>> -> memref<8x128xf32, #tpu.memory_space<hbm>>
      %dma_start3A_1991 = arith.constant 40 : i32
      %dma_start3A_1992 = arith.constant 0 : i32
      %dma_start3A_1993 = tpu.memref_slice %arg6[%dma_start3A_1984, %dma_start3A_1991, %dma_start3A_1992] : memref<8x64x128xf32, #tpu.memory_space<vmem>> -> memref<1x8x128xf32, #tpu.memory_space<vmem>>
      %dma_start3A_1994 = tpu.memref_squeeze %dma_start3A_1993 : memref<1x8x128xf32, #tpu.memory_space<vmem>> -> memref<8x128xf32, #tpu.memory_space<vmem>>
      %dma_start3A_1995 = arith.constant 40 : i32
      %dma_start3A_1996 = tpu.memref_slice %arg3[%dma_start3A_1995, %multiple_of3A_1918] : memref<64x1000000xf32, #tpu.memory_space<hbm>> -> memref<8x128xf32, #tpu.memory_space<hbm>>
      tpu.enqueue_dma source(%dma_start3A_1996 : memref<8x128xf32, #tpu.memory_space<hbm>>) target(%dma_start3A_1994 : memref<8x128xf32, #tpu.memory_space<vmem>>) target_semaphore(%arg9 : memref<!tpu.dma_semaphore, #tpu.memory_space<semaphore_mem>>)
      %dma_start3A_1997 = arith.constant 6 : i32
      %dma_start3A_1998 = arith.constant 48 : i32
      %dma_start3A_1999 = arith.constant 0 : i32
      %dma_start3A_2000 = tpu.memref_slice %arg6[%dma_start3A_1997, %dma_start3A_1998, %dma_start3A_1999] : memref<8x64x128xf32, #tpu.memory_space<vmem>> -> memref<1x8x128xf32, #tpu.memory_space<vmem>>
      %dma_start3A_2001 = tpu.memref_squeeze %dma_start3A_2000 : memref<1x8x128xf32, #tpu.memory_space<vmem>> -> memref<8x128xf32, #tpu.memory_space<vmem>>
      %dma_start3A_2002 = arith.constant 48 : i32
      %dma_start3A_2003 = tpu.memref_slice %arg3[%dma_start3A_2002, %multiple_of3A_1918] : memref<64x1000000xf32, #tpu.memory_space<hbm>> -> memref<8x128xf32, #tpu.memory_space<hbm>>
      %dma_start3A_2004 = arith.constant 48 : i32
      %dma_start3A_2005 = arith.constant 0 : i32
      %dma_start3A_2006 = tpu.memref_slice %arg6[%dma_start3A_1997, %dma_start3A_2004, %dma_start3A_2005] : memref<8x64x128xf32, #tpu.memory_space<vmem>> -> memref<1x8x128xf32, #tpu.memory_space<vmem>>
      %dma_start3A_2007 = tpu.memref_squeeze %dma_start3A_2006 : memref<1x8x128xf32, #tpu.memory_space<vmem>> -> memref<8x128xf32, #tpu.memory_space<vmem>>
      %dma_start3A_2008 = arith.constant 48 : i32
      %dma_start3A_2009 = tpu.memref_slice %arg3[%dma_start3A_2008, %multiple_of3A_1918] : memref<64x1000000xf32, #tpu.memory_space<hbm>> -> memref<8x128xf32, #tpu.memory_space<hbm>>
      tpu.enqueue_dma source(%dma_start3A_2009 : memref<8x128xf32, #tpu.memory_space<hbm>>) target(%dma_start3A_2007 : memref<8x128xf32, #tpu.memory_space<vmem>>) target_semaphore(%arg9 : memref<!tpu.dma_semaphore, #tpu.memory_space<semaphore_mem>>)
      %dma_start3A_2010 = arith.constant 6 : i32
      %dma_start3A_2011 = arith.constant 56 : i32
      %dma_start3A_2012 = arith.constant 0 : i32
      %dma_start3A_2013 = tpu.memref_slice %arg6[%dma_start3A_2010, %dma_start3A_2011, %dma_start3A_2012] : memref<8x64x128xf32, #tpu.memory_space<vmem>> -> memref<1x8x128xf32, #tpu.memory_space<vmem>>
      %dma_start3A_2014 = tpu.memref_squeeze %dma_start3A_2013 : memref<1x8x128xf32, #tpu.memory_space<vmem>> -> memref<8x128xf32, #tpu.memory_space<vmem>>
      %dma_start3A_2015 = arith.constant 56 : i32
      %dma_start3A_2016 = tpu.memref_slice %arg3[%dma_start3A_2015, %multiple_of3A_1918] : memref<64x1000000xf32, #tpu.memory_space<hbm>> -> memref<8x128xf32, #tpu.memory_space<hbm>>
      %dma_start3A_2017 = arith.constant 56 : i32
      %dma_start3A_2018 = arith.constant 0 : i32
      %dma_start3A_2019 = tpu.memref_slice %arg6[%dma_start3A_2010, %dma_start3A_2017, %dma_start3A_2018] : memref<8x64x128xf32, #tpu.memory_space<vmem>> -> memref<1x8x128xf32, #tpu.memory_space<vmem>>
      %dma_start3A_2020 = tpu.memref_squeeze %dma_start3A_2019 : memref<1x8x128xf32, #tpu.memory_space<vmem>> -> memref<8x128xf32, #tpu.memory_space<vmem>>
      %dma_start3A_2021 = arith.constant 56 : i32
      %dma_start3A_2022 = tpu.memref_slice %arg3[%dma_start3A_2021, %multiple_of3A_1918] : memref<64x1000000xf32, #tpu.memory_space<hbm>> -> memref<8x128xf32, #tpu.memory_space<hbm>>
      tpu.enqueue_dma source(%dma_start3A_2022 : memref<8x128xf32, #tpu.memory_space<hbm>>) target(%dma_start3A_2020 : memref<8x128xf32, #tpu.memory_space<vmem>>) target_semaphore(%arg9 : memref<!tpu.dma_semaphore, #tpu.memory_space<semaphore_mem>>)
      %slice3A_2023 = vector.extract_strided_slice %get3A_896 {offsets = [15], sizes = [1], strides = [1]} : vector<16xi32> to vector<1xi32>
      %squeeze3A_2024 = vector.extract %slice3A_2023[0] : i32 from vector<1xi32>
      %shift_right_arithmetic3A_2025 = arith.constant 7 : i32
      %shift_right_arithmetic3A_2026 = arith.shrsi %squeeze3A_2024, %shift_right_arithmetic3A_2025 : i32
      %shift_left3A_2027 = arith.constant 7 : i32
      %shift_left3A_2028 = arith.shli %shift_right_arithmetic3A_2026, %shift_left3A_2027 : i32
      %multiple_of3A_2029 = tpu.assume_multiple %shift_left3A_2028, 128 : i32
      %dma_start3A_2030 = arith.constant 7 : i32
      %dma_start3A_2031 = arith.constant 0 : i32
      %dma_start3A_2032 = arith.constant 0 : i32
      %dma_start3A_2033 = tpu.memref_slice %arg6[%dma_start3A_2030, %dma_start3A_2031, %dma_start3A_2032] : memref<8x64x128xf32, #tpu.memory_space<vmem>> -> memref<1x8x128xf32, #tpu.memory_space<vmem>>
      %dma_start3A_2034 = tpu.memref_squeeze %dma_start3A_2033 : memref<1x8x128xf32, #tpu.memory_space<vmem>> -> memref<8x128xf32, #tpu.memory_space<vmem>>
      %dma_start3A_2035 = arith.constant 0 : i32
      %dma_start3A_2036 = tpu.memref_slice %arg3[%dma_start3A_2035, %multiple_of3A_2029] : memref<64x1000000xf32, #tpu.memory_space<hbm>> -> memref<8x128xf32, #tpu.memory_space<hbm>>
      %dma_start3A_2037 = arith.constant 0 : i32
      %dma_start3A_2038 = arith.constant 0 : i32
      %dma_start3A_2039 = tpu.memref_slice %arg6[%dma_start3A_2030, %dma_start3A_2037, %dma_start3A_2038] : memref<8x64x128xf32, #tpu.memory_space<vmem>> -> memref<1x8x128xf32, #tpu.memory_space<vmem>>
      %dma_start3A_2040 = tpu.memref_squeeze %dma_start3A_2039 : memref<1x8x128xf32, #tpu.memory_space<vmem>> -> memref<8x128xf32, #tpu.memory_space<vmem>>
      %dma_start3A_2041 = arith.constant 0 : i32
      %dma_start3A_2042 = tpu.memref_slice %arg3[%dma_start3A_2041, %multiple_of3A_2029] : memref<64x1000000xf32, #tpu.memory_space<hbm>> -> memref<8x128xf32, #tpu.memory_space<hbm>>
      tpu.enqueue_dma source(%dma_start3A_2042 : memref<8x128xf32, #tpu.memory_space<hbm>>) target(%dma_start3A_2040 : memref<8x128xf32, #tpu.memory_space<vmem>>) target_semaphore(%arg9 : memref<!tpu.dma_semaphore, #tpu.memory_space<semaphore_mem>>)
      %dma_start3A_2043 = arith.constant 7 : i32
      %dma_start3A_2044 = arith.constant 8 : i32
      %dma_start3A_2045 = arith.constant 0 : i32
      %dma_start3A_2046 = tpu.memref_slice %arg6[%dma_start3A_2043, %dma_start3A_2044, %dma_start3A_2045] : memref<8x64x128xf32, #tpu.memory_space<vmem>> -> memref<1x8x128xf32, #tpu.memory_space<vmem>>
      %dma_start3A_2047 = tpu.memref_squeeze %dma_start3A_2046 : memref<1x8x128xf32, #tpu.memory_space<vmem>> -> memref<8x128xf32, #tpu.memory_space<vmem>>
      %dma_start3A_2048 = arith.constant 8 : i32
      %dma_start3A_2049 = tpu.memref_slice %arg3[%dma_start3A_2048, %multiple_of3A_2029] : memref<64x1000000xf32, #tpu.memory_space<hbm>> -> memref<8x128xf32, #tpu.memory_space<hbm>>
      %dma_start3A_2050 = arith.constant 8 : i32
      %dma_start3A_2051 = arith.constant 0 : i32
      %dma_start3A_2052 = tpu.memref_slice %arg6[%dma_start3A_2043, %dma_start3A_2050, %dma_start3A_2051] : memref<8x64x128xf32, #tpu.memory_space<vmem>> -> memref<1x8x128xf32, #tpu.memory_space<vmem>>
      %dma_start3A_2053 = tpu.memref_squeeze %dma_start3A_2052 : memref<1x8x128xf32, #tpu.memory_space<vmem>> -> memref<8x128xf32, #tpu.memory_space<vmem>>
      %dma_start3A_2054 = arith.constant 8 : i32
      %dma_start3A_2055 = tpu.memref_slice %arg3[%dma_start3A_2054, %multiple_of3A_2029] : memref<64x1000000xf32, #tpu.memory_space<hbm>> -> memref<8x128xf32, #tpu.memory_space<hbm>>
      tpu.enqueue_dma source(%dma_start3A_2055 : memref<8x128xf32, #tpu.memory_space<hbm>>) target(%dma_start3A_2053 : memref<8x128xf32, #tpu.memory_space<vmem>>) target_semaphore(%arg9 : memref<!tpu.dma_semaphore, #tpu.memory_space<semaphore_mem>>)
      %dma_start3A_2056 = arith.constant 7 : i32
      %dma_start3A_2057 = arith.constant 16 : i32
      %dma_start3A_2058 = arith.constant 0 : i32
      %dma_start3A_2059 = tpu.memref_slice %arg6[%dma_start3A_2056, %dma_start3A_2057, %dma_start3A_2058] : memref<8x64x128xf32, #tpu.memory_space<vmem>> -> memref<1x8x128xf32, #tpu.memory_space<vmem>>
      %dma_start3A_2060 = tpu.memref_squeeze %dma_start3A_2059 : memref<1x8x128xf32, #tpu.memory_space<vmem>> -> memref<8x128xf32, #tpu.memory_space<vmem>>
      %dma_start3A_2061 = arith.constant 16 : i32
      %dma_start3A_2062 = tpu.memref_slice %arg3[%dma_start3A_2061, %multiple_of3A_2029] : memref<64x1000000xf32, #tpu.memory_space<hbm>> -> memref<8x128xf32, #tpu.memory_space<hbm>>
      %dma_start3A_2063 = arith.constant 16 : i32
      %dma_start3A_2064 = arith.constant 0 : i32
      %dma_start3A_2065 = tpu.memref_slice %arg6[%dma_start3A_2056, %dma_start3A_2063, %dma_start3A_2064] : memref<8x64x128xf32, #tpu.memory_space<vmem>> -> memref<1x8x128xf32, #tpu.memory_space<vmem>>
      %dma_start3A_2066 = tpu.memref_squeeze %dma_start3A_2065 : memref<1x8x128xf32, #tpu.memory_space<vmem>> -> memref<8x128xf32, #tpu.memory_space<vmem>>
      %dma_start3A_2067 = arith.constant 16 : i32
      %dma_start3A_2068 = tpu.memref_slice %arg3[%dma_start3A_2067, %multiple_of3A_2029] : memref<64x1000000xf32, #tpu.memory_space<hbm>> -> memref<8x128xf32, #tpu.memory_space<hbm>>
      tpu.enqueue_dma source(%dma_start3A_2068 : memref<8x128xf32, #tpu.memory_space<hbm>>) target(%dma_start3A_2066 : memref<8x128xf32, #tpu.memory_space<vmem>>) target_semaphore(%arg9 : memref<!tpu.dma_semaphore, #tpu.memory_space<semaphore_mem>>)
      %dma_start3A_2069 = arith.constant 7 : i32
      %dma_start3A_2070 = arith.constant 24 : i32
      %dma_start3A_2071 = arith.constant 0 : i32
      %dma_start3A_2072 = tpu.memref_slice %arg6[%dma_start3A_2069, %dma_start3A_2070, %dma_start3A_2071] : memref<8x64x128xf32, #tpu.memory_space<vmem>> -> memref<1x8x128xf32, #tpu.memory_space<vmem>>
      %dma_start3A_2073 = tpu.memref_squeeze %dma_start3A_2072 : memref<1x8x128xf32, #tpu.memory_space<vmem>> -> memref<8x128xf32, #tpu.memory_space<vmem>>
      %dma_start3A_2074 = arith.constant 24 : i32
      %dma_start3A_2075 = tpu.memref_slice %arg3[%dma_start3A_2074, %multiple_of3A_2029] : memref<64x1000000xf32, #tpu.memory_space<hbm>> -> memref<8x128xf32, #tpu.memory_space<hbm>>
      %dma_start3A_2076 = arith.constant 24 : i32
      %dma_start3A_2077 = arith.constant 0 : i32
      %dma_start3A_2078 = tpu.memref_slice %arg6[%dma_start3A_2069, %dma_start3A_2076, %dma_start3A_2077] : memref<8x64x128xf32, #tpu.memory_space<vmem>> -> memref<1x8x128xf32, #tpu.memory_space<vmem>>
      %dma_start3A_2079 = tpu.memref_squeeze %dma_start3A_2078 : memref<1x8x128xf32, #tpu.memory_space<vmem>> -> memref<8x128xf32, #tpu.memory_space<vmem>>
      %dma_start3A_2080 = arith.constant 24 : i32
      %dma_start3A_2081 = tpu.memref_slice %arg3[%dma_start3A_2080, %multiple_of3A_2029] : memref<64x1000000xf32, #tpu.memory_space<hbm>> -> memref<8x128xf32, #tpu.memory_space<hbm>>
      tpu.enqueue_dma source(%dma_start3A_2081 : memref<8x128xf32, #tpu.memory_space<hbm>>) target(%dma_start3A_2079 : memref<8x128xf32, #tpu.memory_space<vmem>>) target_semaphore(%arg9 : memref<!tpu.dma_semaphore, #tpu.memory_space<semaphore_mem>>)
      %dma_start3A_2082 = arith.constant 7 : i32
      %dma_start3A_2083 = arith.constant 32 : i32
      %dma_start3A_2084 = arith.constant 0 : i32
      %dma_start3A_2085 = tpu.memref_slice %arg6[%dma_start3A_2082, %dma_start3A_2083, %dma_start3A_2084] : memref<8x64x128xf32, #tpu.memory_space<vmem>> -> memref<1x8x128xf32, #tpu.memory_space<vmem>>
      %dma_start3A_2086 = tpu.memref_squeeze %dma_start3A_2085 : memref<1x8x128xf32, #tpu.memory_space<vmem>> -> memref<8x128xf32, #tpu.memory_space<vmem>>
      %dma_start3A_2087 = arith.constant 32 : i32
      %dma_start3A_2088 = tpu.memref_slice %arg3[%dma_start3A_2087, %multiple_of3A_2029] : memref<64x1000000xf32, #tpu.memory_space<hbm>> -> memref<8x128xf32, #tpu.memory_space<hbm>>
      %dma_start3A_2089 = arith.constant 32 : i32
      %dma_start3A_2090 = arith.constant 0 : i32
      %dma_start3A_2091 = tpu.memref_slice %arg6[%dma_start3A_2082, %dma_start3A_2089, %dma_start3A_2090] : memref<8x64x128xf32, #tpu.memory_space<vmem>> -> memref<1x8x128xf32, #tpu.memory_space<vmem>>
      %dma_start3A_2092 = tpu.memref_squeeze %dma_start3A_2091 : memref<1x8x128xf32, #tpu.memory_space<vmem>> -> memref<8x128xf32, #tpu.memory_space<vmem>>
      %dma_start3A_2093 = arith.constant 32 : i32
      %dma_start3A_2094 = tpu.memref_slice %arg3[%dma_start3A_2093, %multiple_of3A_2029] : memref<64x1000000xf32, #tpu.memory_space<hbm>> -> memref<8x128xf32, #tpu.memory_space<hbm>>
      tpu.enqueue_dma source(%dma_start3A_2094 : memref<8x128xf32, #tpu.memory_space<hbm>>) target(%dma_start3A_2092 : memref<8x128xf32, #tpu.memory_space<vmem>>) target_semaphore(%arg9 : memref<!tpu.dma_semaphore, #tpu.memory_space<semaphore_mem>>)
      %dma_start3A_2095 = arith.constant 7 : i32
      %dma_start3A_2096 = arith.constant 40 : i32
      %dma_start3A_2097 = arith.constant 0 : i32
      %dma_start3A_2098 = tpu.memref_slice %arg6[%dma_start3A_2095, %dma_start3A_2096, %dma_start3A_2097] : memref<8x64x128xf32, #tpu.memory_space<vmem>> -> memref<1x8x128xf32, #tpu.memory_space<vmem>>
      %dma_start3A_2099 = tpu.memref_squeeze %dma_start3A_2098 : memref<1x8x128xf32, #tpu.memory_space<vmem>> -> memref<8x128xf32, #tpu.memory_space<vmem>>
      %dma_start3A_2100 = arith.constant 40 : i32
      %dma_start3A_2101 = tpu.memref_slice %arg3[%dma_start3A_2100, %multiple_of3A_2029] : memref<64x1000000xf32, #tpu.memory_space<hbm>> -> memref<8x128xf32, #tpu.memory_space<hbm>>
      %dma_start3A_2102 = arith.constant 40 : i32
      %dma_start3A_2103 = arith.constant 0 : i32
      %dma_start3A_2104 = tpu.memref_slice %arg6[%dma_start3A_2095, %dma_start3A_2102, %dma_start3A_2103] : memref<8x64x128xf32, #tpu.memory_space<vmem>> -> memref<1x8x128xf32, #tpu.memory_space<vmem>>
      %dma_start3A_2105 = tpu.memref_squeeze %dma_start3A_2104 : memref<1x8x128xf32, #tpu.memory_space<vmem>> -> memref<8x128xf32, #tpu.memory_space<vmem>>
      %dma_start3A_2106 = arith.constant 40 : i32
      %dma_start3A_2107 = tpu.memref_slice %arg3[%dma_start3A_2106, %multiple_of3A_2029] : memref<64x1000000xf32, #tpu.memory_space<hbm>> -> memref<8x128xf32, #tpu.memory_space<hbm>>
      tpu.enqueue_dma source(%dma_start3A_2107 : memref<8x128xf32, #tpu.memory_space<hbm>>) target(%dma_start3A_2105 : memref<8x128xf32, #tpu.memory_space<vmem>>) target_semaphore(%arg9 : memref<!tpu.dma_semaphore, #tpu.memory_space<semaphore_mem>>)
      %dma_start3A_2108 = arith.constant 7 : i32
      %dma_start3A_2109 = arith.constant 48 : i32
      %dma_start3A_2110 = arith.constant 0 : i32
      %dma_start3A_2111 = tpu.memref_slice %arg6[%dma_start3A_2108, %dma_start3A_2109, %dma_start3A_2110] : memref<8x64x128xf32, #tpu.memory_space<vmem>> -> memref<1x8x128xf32, #tpu.memory_space<vmem>>
      %dma_start3A_2112 = tpu.memref_squeeze %dma_start3A_2111 : memref<1x8x128xf32, #tpu.memory_space<vmem>> -> memref<8x128xf32, #tpu.memory_space<vmem>>
      %dma_start3A_2113 = arith.constant 48 : i32
      %dma_start3A_2114 = tpu.memref_slice %arg3[%dma_start3A_2113, %multiple_of3A_2029] : memref<64x1000000xf32, #tpu.memory_space<hbm>> -> memref<8x128xf32, #tpu.memory_space<hbm>>
      %dma_start3A_2115 = arith.constant 48 : i32
      %dma_start3A_2116 = arith.constant 0 : i32
      %dma_start3A_2117 = tpu.memref_slice %arg6[%dma_start3A_2108, %dma_start3A_2115, %dma_start3A_2116] : memref<8x64x128xf32, #tpu.memory_space<vmem>> -> memref<1x8x128xf32, #tpu.memory_space<vmem>>
      %dma_start3A_2118 = tpu.memref_squeeze %dma_start3A_2117 : memref<1x8x128xf32, #tpu.memory_space<vmem>> -> memref<8x128xf32, #tpu.memory_space<vmem>>
      %dma_start3A_2119 = arith.constant 48 : i32
      %dma_start3A_2120 = tpu.memref_slice %arg3[%dma_start3A_2119, %multiple_of3A_2029] : memref<64x1000000xf32, #tpu.memory_space<hbm>> -> memref<8x128xf32, #tpu.memory_space<hbm>>
      tpu.enqueue_dma source(%dma_start3A_2120 : memref<8x128xf32, #tpu.memory_space<hbm>>) target(%dma_start3A_2118 : memref<8x128xf32, #tpu.memory_space<vmem>>) target_semaphore(%arg9 : memref<!tpu.dma_semaphore, #tpu.memory_space<semaphore_mem>>)
      %dma_start3A_2121 = arith.constant 7 : i32
      %dma_start3A_2122 = arith.constant 56 : i32
      %dma_start3A_2123 = arith.constant 0 : i32
      %dma_start3A_2124 = tpu.memref_slice %arg6[%dma_start3A_2121, %dma_start3A_2122, %dma_start3A_2123] : memref<8x64x128xf32, #tpu.memory_space<vmem>> -> memref<1x8x128xf32, #tpu.memory_space<vmem>>
      %dma_start3A_2125 = tpu.memref_squeeze %dma_start3A_2124 : memref<1x8x128xf32, #tpu.memory_space<vmem>> -> memref<8x128xf32, #tpu.memory_space<vmem>>
      %dma_start3A_2126 = arith.constant 56 : i32
      %dma_start3A_2127 = tpu.memref_slice %arg3[%dma_start3A_2126, %multiple_of3A_2029] : memref<64x1000000xf32, #tpu.memory_space<hbm>> -> memref<8x128xf32, #tpu.memory_space<hbm>>
      %dma_start3A_2128 = arith.constant 56 : i32
      %dma_start3A_2129 = arith.constant 0 : i32
      %dma_start3A_2130 = tpu.memref_slice %arg6[%dma_start3A_2121, %dma_start3A_2128, %dma_start3A_2129] : memref<8x64x128xf32, #tpu.memory_space<vmem>> -> memref<1x8x128xf32, #tpu.memory_space<vmem>>
      %dma_start3A_2131 = tpu.memref_squeeze %dma_start3A_2130 : memref<1x8x128xf32, #tpu.memory_space<vmem>> -> memref<8x128xf32, #tpu.memory_space<vmem>>
      %dma_start3A_2132 = arith.constant 56 : i32
      %dma_start3A_2133 = tpu.memref_slice %arg3[%dma_start3A_2132, %multiple_of3A_2029] : memref<64x1000000xf32, #tpu.memory_space<hbm>> -> memref<8x128xf32, #tpu.memory_space<hbm>>
      tpu.enqueue_dma source(%dma_start3A_2133 : memref<8x128xf32, #tpu.memory_space<hbm>>) target(%dma_start3A_2131 : memref<8x128xf32, #tpu.memory_space<vmem>>) target_semaphore(%arg9 : memref<!tpu.dma_semaphore, #tpu.memory_space<semaphore_mem>>)
      %dma_wait3A_2134 = arith.constant 0 : i32
      %dma_wait3A_2135 = arith.constant 0 : i32
      %dma_wait3A_2136 = arith.constant 0 : i32
      %dma_wait3A_2137 = tpu.memref_slice %arg6[%dma_wait3A_2134, %dma_wait3A_2135, %dma_wait3A_2136] : memref<8x64x128xf32, #tpu.memory_space<vmem>> -> memref<1x64x128xf32, #tpu.memory_space<vmem>>
      %dma_wait3A_2138 = tpu.memref_squeeze %dma_wait3A_2137 : memref<1x64x128xf32, #tpu.memory_space<vmem>> -> memref<64x128xf32, #tpu.memory_space<vmem>>
      %dma_wait3A_2139 = arith.constant 0 : i32
      %dma_wait3A_2140 = arith.constant 0 : i32
      %dma_wait3A_2141 = tpu.memref_slice %arg3[%dma_wait3A_2139, %dma_wait3A_2140] : memref<64x1000000xf32, #tpu.memory_space<hbm>> -> memref<64x128xf32, #tpu.memory_space<hbm>>
      %dma_wait3A_2142 = arith.constant 0 : i32
      %dma_wait3A_2143 = arith.constant 0 : i32
      %dma_wait3A_2144 = tpu.memref_slice %arg6[%dma_wait3A_2134, %dma_wait3A_2142, %dma_wait3A_2143] : memref<8x64x128xf32, #tpu.memory_space<vmem>> -> memref<1x64x128xf32, #tpu.memory_space<vmem>>
      %dma_wait3A_2145 = tpu.memref_squeeze %dma_wait3A_2144 : memref<1x64x128xf32, #tpu.memory_space<vmem>> -> memref<64x128xf32, #tpu.memory_space<vmem>>
      %dma_wait3A_2146 = arith.constant 0 : i32
      %dma_wait3A_2147 = arith.constant 0 : i32
      %dma_wait3A_2148 = tpu.memref_slice %arg3[%dma_wait3A_2146, %dma_wait3A_2147] : memref<64x1000000xf32, #tpu.memory_space<hbm>> -> memref<64x128xf32, #tpu.memory_space<hbm>>
      tpu.wait_dma2 semaphore(%arg8 : memref<!tpu.dma_semaphore, #tpu.memory_space<semaphore_mem>>) src(%dma_wait3A_2148 : memref<64x128xf32, #tpu.memory_space<hbm>>) dst(%dma_wait3A_2145 : memref<64x128xf32, #tpu.memory_space<vmem>>)
      %dma_wait3A_2149 = arith.constant 0 : i32
      %dma_wait3A_2150 = arith.constant 0 : i32
      %dma_wait3A_2151 = arith.constant 0 : i32
      %dma_wait3A_2152 = tpu.memref_slice %arg6[%dma_wait3A_2149, %dma_wait3A_2150, %dma_wait3A_2151] : memref<8x64x128xf32, #tpu.memory_space<vmem>> -> memref<1x64x128xf32, #tpu.memory_space<vmem>>
      %dma_wait3A_2153 = tpu.memref_squeeze %dma_wait3A_2152 : memref<1x64x128xf32, #tpu.memory_space<vmem>> -> memref<64x128xf32, #tpu.memory_space<vmem>>
      %dma_wait3A_2154 = arith.constant 0 : i32
      %dma_wait3A_2155 = arith.constant 0 : i32
      %dma_wait3A_2156 = tpu.memref_slice %arg3[%dma_wait3A_2154, %dma_wait3A_2155] : memref<64x1000000xf32, #tpu.memory_space<hbm>> -> memref<64x128xf32, #tpu.memory_space<hbm>>
      %dma_wait3A_2157 = arith.constant 0 : i32
      %dma_wait3A_2158 = arith.constant 0 : i32
      %dma_wait3A_2159 = tpu.memref_slice %arg6[%dma_wait3A_2149, %dma_wait3A_2157, %dma_wait3A_2158] : memref<8x64x128xf32, #tpu.memory_space<vmem>> -> memref<1x64x128xf32, #tpu.memory_space<vmem>>
      %dma_wait3A_2160 = tpu.memref_squeeze %dma_wait3A_2159 : memref<1x64x128xf32, #tpu.memory_space<vmem>> -> memref<64x128xf32, #tpu.memory_space<vmem>>
      %dma_wait3A_2161 = arith.constant 0 : i32
      %dma_wait3A_2162 = arith.constant 0 : i32
      %dma_wait3A_2163 = tpu.memref_slice %arg3[%dma_wait3A_2161, %dma_wait3A_2162] : memref<64x1000000xf32, #tpu.memory_space<hbm>> -> memref<64x128xf32, #tpu.memory_space<hbm>>
      tpu.wait_dma2 semaphore(%arg8 : memref<!tpu.dma_semaphore, #tpu.memory_space<semaphore_mem>>) src(%dma_wait3A_2163 : memref<64x128xf32, #tpu.memory_space<hbm>>) dst(%dma_wait3A_2160 : memref<64x128xf32, #tpu.memory_space<vmem>>)
      %dma_wait3A_2164 = arith.constant 0 : i32
      %dma_wait3A_2165 = arith.constant 0 : i32
      %dma_wait3A_2166 = arith.constant 0 : i32
      %dma_wait3A_2167 = tpu.memref_slice %arg6[%dma_wait3A_2164, %dma_wait3A_2165, %dma_wait3A_2166] : memref<8x64x128xf32, #tpu.memory_space<vmem>> -> memref<1x64x128xf32, #tpu.memory_space<vmem>>
      %dma_wait3A_2168 = tpu.memref_squeeze %dma_wait3A_2167 : memref<1x64x128xf32, #tpu.memory_space<vmem>> -> memref<64x128xf32, #tpu.memory_space<vmem>>
      %dma_wait3A_2169 = arith.constant 0 : i32
      %dma_wait3A_2170 = arith.constant 0 : i32
      %dma_wait3A_2171 = tpu.memref_slice %arg3[%dma_wait3A_2169, %dma_wait3A_2170] : memref<64x1000000xf32, #tpu.memory_space<hbm>> -> memref<64x128xf32, #tpu.memory_space<hbm>>
      %dma_wait3A_2172 = arith.constant 0 : i32
      %dma_wait3A_2173 = arith.constant 0 : i32
      %dma_wait3A_2174 = tpu.memref_slice %arg6[%dma_wait3A_2164, %dma_wait3A_2172, %dma_wait3A_2173] : memref<8x64x128xf32, #tpu.memory_space<vmem>> -> memref<1x64x128xf32, #tpu.memory_space<vmem>>
      %dma_wait3A_2175 = tpu.memref_squeeze %dma_wait3A_2174 : memref<1x64x128xf32, #tpu.memory_space<vmem>> -> memref<64x128xf32, #tpu.memory_space<vmem>>
      %dma_wait3A_2176 = arith.constant 0 : i32
      %dma_wait3A_2177 = arith.constant 0 : i32
      %dma_wait3A_2178 = tpu.memref_slice %arg3[%dma_wait3A_2176, %dma_wait3A_2177] : memref<64x1000000xf32, #tpu.memory_space<hbm>> -> memref<64x128xf32, #tpu.memory_space<hbm>>
      tpu.wait_dma2 semaphore(%arg8 : memref<!tpu.dma_semaphore, #tpu.memory_space<semaphore_mem>>) src(%dma_wait3A_2178 : memref<64x128xf32, #tpu.memory_space<hbm>>) dst(%dma_wait3A_2175 : memref<64x128xf32, #tpu.memory_space<vmem>>)
      %dma_wait3A_2179 = arith.constant 0 : i32
      %dma_wait3A_2180 = arith.constant 0 : i32
      %dma_wait3A_2181 = arith.constant 0 : i32
      %dma_wait3A_2182 = tpu.memref_slice %arg6[%dma_wait3A_2179, %dma_wait3A_2180, %dma_wait3A_2181] : memref<8x64x128xf32, #tpu.memory_space<vmem>> -> memref<1x64x128xf32, #tpu.memory_space<vmem>>
      %dma_wait3A_2183 = tpu.memref_squeeze %dma_wait3A_2182 : memref<1x64x128xf32, #tpu.memory_space<vmem>> -> memref<64x128xf32, #tpu.memory_space<vmem>>
      %dma_wait3A_2184 = arith.constant 0 : i32
      %dma_wait3A_2185 = arith.constant 0 : i32
      %dma_wait3A_2186 = tpu.memref_slice %arg3[%dma_wait3A_2184, %dma_wait3A_2185] : memref<64x1000000xf32, #tpu.memory_space<hbm>> -> memref<64x128xf32, #tpu.memory_space<hbm>>
      %dma_wait3A_2187 = arith.constant 0 : i32
      %dma_wait3A_2188 = arith.constant 0 : i32
      %dma_wait3A_2189 = tpu.memref_slice %arg6[%dma_wait3A_2179, %dma_wait3A_2187, %dma_wait3A_2188] : memref<8x64x128xf32, #tpu.memory_space<vmem>> -> memref<1x64x128xf32, #tpu.memory_space<vmem>>
      %dma_wait3A_2190 = tpu.memref_squeeze %dma_wait3A_2189 : memref<1x64x128xf32, #tpu.memory_space<vmem>> -> memref<64x128xf32, #tpu.memory_space<vmem>>
      %dma_wait3A_2191 = arith.constant 0 : i32
      %dma_wait3A_2192 = arith.constant 0 : i32
      %dma_wait3A_2193 = tpu.memref_slice %arg3[%dma_wait3A_2191, %dma_wait3A_2192] : memref<64x1000000xf32, #tpu.memory_space<hbm>> -> memref<64x128xf32, #tpu.memory_space<hbm>>
      tpu.wait_dma2 semaphore(%arg8 : memref<!tpu.dma_semaphore, #tpu.memory_space<semaphore_mem>>) src(%dma_wait3A_2193 : memref<64x128xf32, #tpu.memory_space<hbm>>) dst(%dma_wait3A_2190 : memref<64x128xf32, #tpu.memory_space<vmem>>)
      %slice3A_2194 = vector.extract_strided_slice %get3A_896 {offsets = [8], sizes = [1], strides = [1]} : vector<16xi32> to vector<1xi32>
      %squeeze3A_2195 = vector.extract %slice3A_2194[0] : i32 from vector<1xi32>
      %and3A_2196 = arith.constant 127 : i32
      %and3A_2197 = arith.andi %squeeze3A_2195, %and3A_2196 : i32
      %broadcast_in_dim3A_2198 = vector.broadcast %and3A_2197 : i32 to vector<16xi32>
      %add3A_2199 = arith.constant 8 : i32
      %add3A_2200 = arith.addi %multiple_of3A_894, %add3A_2199 : i32
      %add3A_2201 = arith.constant 0 : i32
      %add3A_2202 = arith.addi %add3A_2200, %add3A_2201 : i32
      %broadcast_in_dim3A_2203 = vector.broadcast %add3A_2202 : i32 to vector<16xi32>
      %broadcast_in_dim3A_2204 = arith.constant 0 : i32
      %broadcast_in_dim3A_2205 = vector.broadcast %broadcast_in_dim3A_2204 : i32 to vector<16xi32>
      %add3A_2206 = arith.constant 0 : i32
      %add3A_2207 = vector.broadcast %add3A_2206 : i32 to vector<16xi32>
      %add3A_2208 = arith.addi %iota3A, %add3A_2207 : vector<16xi32>
      %gather3A_2209 = tpu.vector_load_idx %arg6[%broadcast_in_dim3A_2205, %add3A_2208, %broadcast_in_dim3A_2198] : memref<8x64x128xf32, #tpu.memory_space<vmem>>[vector<16xi32>, vector<16xi32>, vector<16xi32>], vector<16xf32>,
      tpu.vector_store_idx %arg7[%add3A_2208, %broadcast_in_dim3A_2203], %gather3A_2209 : memref<64x128xf32, #tpu.memory_space<vmem>>[vector<16xi32>, vector<16xi32>], vector<16xf32>,
      %add3A_2210 = arith.constant 16 : i32
      %add3A_2211 = vector.broadcast %add3A_2210 : i32 to vector<16xi32>
      %add3A_2212 = arith.addi %iota3A, %add3A_2211 : vector<16xi32>
      %gather3A_2213 = tpu.vector_load_idx %arg6[%broadcast_in_dim3A_2205, %add3A_2212, %broadcast_in_dim3A_2198] : memref<8x64x128xf32, #tpu.memory_space<vmem>>[vector<16xi32>, vector<16xi32>, vector<16xi32>], vector<16xf32>,
      tpu.vector_store_idx %arg7[%add3A_2212, %broadcast_in_dim3A_2203], %gather3A_2213 : memref<64x128xf32, #tpu.memory_space<vmem>>[vector<16xi32>, vector<16xi32>], vector<16xf32>,
      %add3A_2214 = arith.constant 32 : i32
      %add3A_2215 = vector.broadcast %add3A_2214 : i32 to vector<16xi32>
      %add3A_2216 = arith.addi %iota3A, %add3A_2215 : vector<16xi32>
      %gather3A_2217 = tpu.vector_load_idx %arg6[%broadcast_in_dim3A_2205, %add3A_2216, %broadcast_in_dim3A_2198] : memref<8x64x128xf32, #tpu.memory_space<vmem>>[vector<16xi32>, vector<16xi32>, vector<16xi32>], vector<16xf32>,
      tpu.vector_store_idx %arg7[%add3A_2216, %broadcast_in_dim3A_2203], %gather3A_2217 : memref<64x128xf32, #tpu.memory_space<vmem>>[vector<16xi32>, vector<16xi32>], vector<16xf32>,
      %add3A_2218 = arith.constant 48 : i32
      %add3A_2219 = vector.broadcast %add3A_2218 : i32 to vector<16xi32>
      %add3A_2220 = arith.addi %iota3A, %add3A_2219 : vector<16xi32>
      %gather3A_2221 = tpu.vector_load_idx %arg6[%broadcast_in_dim3A_2205, %add3A_2220, %broadcast_in_dim3A_2198] : memref<8x64x128xf32, #tpu.memory_space<vmem>>[vector<16xi32>, vector<16xi32>, vector<16xi32>], vector<16xf32>,
      tpu.vector_store_idx %arg7[%add3A_2220, %broadcast_in_dim3A_2203], %gather3A_2221 : memref<64x128xf32, #tpu.memory_space<vmem>>[vector<16xi32>, vector<16xi32>], vector<16xf32>,
      %slice3A_2222 = vector.extract_strided_slice %get3A_896 {offsets = [9], sizes = [1], strides = [1]} : vector<16xi32> to vector<1xi32>
      %squeeze3A_2223 = vector.extract %slice3A_2222[0] : i32 from vector<1xi32>
      %and3A_2224 = arith.constant 127 : i32
      %and3A_2225 = arith.andi %squeeze3A_2223, %and3A_2224 : i32
      %broadcast_in_dim3A_2226 = vector.broadcast %and3A_2225 : i32 to vector<16xi32>
      %add3A_2227 = arith.constant 8 : i32
      %add3A_2228 = arith.addi %multiple_of3A_894, %add3A_2227 : i32
      %add3A_2229 = arith.constant 1 : i32
      %add3A_2230 = arith.addi %add3A_2228, %add3A_2229 : i32
      %broadcast_in_dim3A_2231 = vector.broadcast %add3A_2230 : i32 to vector<16xi32>
      %broadcast_in_dim3A_2232 = arith.constant 1 : i32
      %broadcast_in_dim3A_2233 = vector.broadcast %broadcast_in_dim3A_2232 : i32 to vector<16xi32>
      %add3A_2234 = arith.constant 0 : i32
      %add3A_2235 = vector.broadcast %add3A_2234 : i32 to vector<16xi32>
      %add3A_2236 = arith.addi %iota3A, %add3A_2235 : vector<16xi32>
      %gather3A_2237 = tpu.vector_load_idx %arg6[%broadcast_in_dim3A_2233, %add3A_2236, %broadcast_in_dim3A_2226] : memref<8x64x128xf32, #tpu.memory_space<vmem>>[vector<16xi32>, vector<16xi32>, vector<16xi32>], vector<16xf32>,
      tpu.vector_store_idx %arg7[%add3A_2236, %broadcast_in_dim3A_2231], %gather3A_2237 : memref<64x128xf32, #tpu.memory_space<vmem>>[vector<16xi32>, vector<16xi32>], vector<16xf32>,
      %add3A_2238 = arith.constant 16 : i32
      %add3A_2239 = vector.broadcast %add3A_2238 : i32 to vector<16xi32>
      %add3A_2240 = arith.addi %iota3A, %add3A_2239 : vector<16xi32>
      %gather3A_2241 = tpu.vector_load_idx %arg6[%broadcast_in_dim3A_2233, %add3A_2240, %broadcast_in_dim3A_2226] : memref<8x64x128xf32, #tpu.memory_space<vmem>>[vector<16xi32>, vector<16xi32>, vector<16xi32>], vector<16xf32>,
      tpu.vector_store_idx %arg7[%add3A_2240, %broadcast_in_dim3A_2231], %gather3A_2241 : memref<64x128xf32, #tpu.memory_space<vmem>>[vector<16xi32>, vector<16xi32>], vector<16xf32>,
      %add3A_2242 = arith.constant 32 : i32
      %add3A_2243 = vector.broadcast %add3A_2242 : i32 to vector<16xi32>
      %add3A_2244 = arith.addi %iota3A, %add3A_2243 : vector<16xi32>
      %gather3A_2245 = tpu.vector_load_idx %arg6[%broadcast_in_dim3A_2233, %add3A_2244, %broadcast_in_dim3A_2226] : memref<8x64x128xf32, #tpu.memory_space<vmem>>[vector<16xi32>, vector<16xi32>, vector<16xi32>], vector<16xf32>,
      tpu.vector_store_idx %arg7[%add3A_2244, %broadcast_in_dim3A_2231], %gather3A_2245 : memref<64x128xf32, #tpu.memory_space<vmem>>[vector<16xi32>, vector<16xi32>], vector<16xf32>,
      %add3A_2246 = arith.constant 48 : i32
      %add3A_2247 = vector.broadcast %add3A_2246 : i32 to vector<16xi32>
      %add3A_2248 = arith.addi %iota3A, %add3A_2247 : vector<16xi32>
      %gather3A_2249 = tpu.vector_load_idx %arg6[%broadcast_in_dim3A_2233, %add3A_2248, %broadcast_in_dim3A_2226] : memref<8x64x128xf32, #tpu.memory_space<vmem>>[vector<16xi32>, vector<16xi32>, vector<16xi32>], vector<16xf32>,
      tpu.vector_store_idx %arg7[%add3A_2248, %broadcast_in_dim3A_2231], %gather3A_2249 : memref<64x128xf32, #tpu.memory_space<vmem>>[vector<16xi32>, vector<16xi32>], vector<16xf32>,
      %slice3A_2250 = vector.extract_strided_slice %get3A_896 {offsets = [10], sizes = [1], strides = [1]} : vector<16xi32> to vector<1xi32>
      %squeeze3A_2251 = vector.extract %slice3A_2250[0] : i32 from vector<1xi32>
      %and3A_2252 = arith.constant 127 : i32
      %and3A_2253 = arith.andi %squeeze3A_2251, %and3A_2252 : i32
      %broadcast_in_dim3A_2254 = vector.broadcast %and3A_2253 : i32 to vector<16xi32>
      %add3A_2255 = arith.constant 8 : i32
      %add3A_2256 = arith.addi %multiple_of3A_894, %add3A_2255 : i32
      %add3A_2257 = arith.constant 2 : i32
      %add3A_2258 = arith.addi %add3A_2256, %add3A_2257 : i32
      %broadcast_in_dim3A_2259 = vector.broadcast %add3A_2258 : i32 to vector<16xi32>
      %broadcast_in_dim3A_2260 = arith.constant 2 : i32
      %broadcast_in_dim3A_2261 = vector.broadcast %broadcast_in_dim3A_2260 : i32 to vector<16xi32>
      %add3A_2262 = arith.constant 0 : i32
      %add3A_2263 = vector.broadcast %add3A_2262 : i32 to vector<16xi32>
      %add3A_2264 = arith.addi %iota3A, %add3A_2263 : vector<16xi32>
      %gather3A_2265 = tpu.vector_load_idx %arg6[%broadcast_in_dim3A_2261, %add3A_2264, %broadcast_in_dim3A_2254] : memref<8x64x128xf32, #tpu.memory_space<vmem>>[vector<16xi32>, vector<16xi32>, vector<16xi32>], vector<16xf32>,
      tpu.vector_store_idx %arg7[%add3A_2264, %broadcast_in_dim3A_2259], %gather3A_2265 : memref<64x128xf32, #tpu.memory_space<vmem>>[vector<16xi32>, vector<16xi32>], vector<16xf32>,
      %add3A_2266 = arith.constant 16 : i32
      %add3A_2267 = vector.broadcast %add3A_2266 : i32 to vector<16xi32>
      %add3A_2268 = arith.addi %iota3A, %add3A_2267 : vector<16xi32>
      %gather3A_2269 = tpu.vector_load_idx %arg6[%broadcast_in_dim3A_2261, %add3A_2268, %broadcast_in_dim3A_2254] : memref<8x64x128xf32, #tpu.memory_space<vmem>>[vector<16xi32>, vector<16xi32>, vector<16xi32>], vector<16xf32>,
      tpu.vector_store_idx %arg7[%add3A_2268, %broadcast_in_dim3A_2259], %gather3A_2269 : memref<64x128xf32, #tpu.memory_space<vmem>>[vector<16xi32>, vector<16xi32>], vector<16xf32>,
      %add3A_2270 = arith.constant 32 : i32
      %add3A_2271 = vector.broadcast %add3A_2270 : i32 to vector<16xi32>
      %add3A_2272 = arith.addi %iota3A, %add3A_2271 : vector<16xi32>
      %gather3A_2273 = tpu.vector_load_idx %arg6[%broadcast_in_dim3A_2261, %add3A_2272, %broadcast_in_dim3A_2254] : memref<8x64x128xf32, #tpu.memory_space<vmem>>[vector<16xi32>, vector<16xi32>, vector<16xi32>], vector<16xf32>,
      tpu.vector_store_idx %arg7[%add3A_2272, %broadcast_in_dim3A_2259], %gather3A_2273 : memref<64x128xf32, #tpu.memory_space<vmem>>[vector<16xi32>, vector<16xi32>], vector<16xf32>,
      %add3A_2274 = arith.constant 48 : i32
      %add3A_2275 = vector.broadcast %add3A_2274 : i32 to vector<16xi32>
      %add3A_2276 = arith.addi %iota3A, %add3A_2275 : vector<16xi32>
      %gather3A_2277 = tpu.vector_load_idx %arg6[%broadcast_in_dim3A_2261, %add3A_2276, %broadcast_in_dim3A_2254] : memref<8x64x128xf32, #tpu.memory_space<vmem>>[vector<16xi32>, vector<16xi32>, vector<16xi32>], vector<16xf32>,
      tpu.vector_store_idx %arg7[%add3A_2276, %broadcast_in_dim3A_2259], %gather3A_2277 : memref<64x128xf32, #tpu.memory_space<vmem>>[vector<16xi32>, vector<16xi32>], vector<16xf32>,
      %slice3A_2278 = vector.extract_strided_slice %get3A_896 {offsets = [11], sizes = [1], strides = [1]} : vector<16xi32> to vector<1xi32>
      %squeeze3A_2279 = vector.extract %slice3A_2278[0] : i32 from vector<1xi32>
      %and3A_2280 = arith.constant 127 : i32
      %and3A_2281 = arith.andi %squeeze3A_2279, %and3A_2280 : i32
      %broadcast_in_dim3A_2282 = vector.broadcast %and3A_2281 : i32 to vector<16xi32>
      %add3A_2283 = arith.constant 8 : i32
      %add3A_2284 = arith.addi %multiple_of3A_894, %add3A_2283 : i32
      %add3A_2285 = arith.constant 3 : i32
      %add3A_2286 = arith.addi %add3A_2284, %add3A_2285 : i32
      %broadcast_in_dim3A_2287 = vector.broadcast %add3A_2286 : i32 to vector<16xi32>
      %broadcast_in_dim3A_2288 = arith.constant 3 : i32
      %broadcast_in_dim3A_2289 = vector.broadcast %broadcast_in_dim3A_2288 : i32 to vector<16xi32>
      %add3A_2290 = arith.constant 0 : i32
      %add3A_2291 = vector.broadcast %add3A_2290 : i32 to vector<16xi32>
      %add3A_2292 = arith.addi %iota3A, %add3A_2291 : vector<16xi32>
      %gather3A_2293 = tpu.vector_load_idx %arg6[%broadcast_in_dim3A_2289, %add3A_2292, %broadcast_in_dim3A_2282] : memref<8x64x128xf32, #tpu.memory_space<vmem>>[vector<16xi32>, vector<16xi32>, vector<16xi32>], vector<16xf32>,
      tpu.vector_store_idx %arg7[%add3A_2292, %broadcast_in_dim3A_2287], %gather3A_2293 : memref<64x128xf32, #tpu.memory_space<vmem>>[vector<16xi32>, vector<16xi32>], vector<16xf32>,
      %add3A_2294 = arith.constant 16 : i32
      %add3A_2295 = vector.broadcast %add3A_2294 : i32 to vector<16xi32>
      %add3A_2296 = arith.addi %iota3A, %add3A_2295 : vector<16xi32>
      %gather3A_2297 = tpu.vector_load_idx %arg6[%broadcast_in_dim3A_2289, %add3A_2296, %broadcast_in_dim3A_2282] : memref<8x64x128xf32, #tpu.memory_space<vmem>>[vector<16xi32>, vector<16xi32>, vector<16xi32>], vector<16xf32>,
      tpu.vector_store_idx %arg7[%add3A_2296, %broadcast_in_dim3A_2287], %gather3A_2297 : memref<64x128xf32, #tpu.memory_space<vmem>>[vector<16xi32>, vector<16xi32>], vector<16xf32>,
      %add3A_2298 = arith.constant 32 : i32
      %add3A_2299 = vector.broadcast %add3A_2298 : i32 to vector<16xi32>
      %add3A_2300 = arith.addi %iota3A, %add3A_2299 : vector<16xi32>
      %gather3A_2301 = tpu.vector_load_idx %arg6[%broadcast_in_dim3A_2289, %add3A_2300, %broadcast_in_dim3A_2282] : memref<8x64x128xf32, #tpu.memory_space<vmem>>[vector<16xi32>, vector<16xi32>, vector<16xi32>], vector<16xf32>,
      tpu.vector_store_idx %arg7[%add3A_2300, %broadcast_in_dim3A_2287], %gather3A_2301 : memref<64x128xf32, #tpu.memory_space<vmem>>[vector<16xi32>, vector<16xi32>], vector<16xf32>,
      %add3A_2302 = arith.constant 48 : i32
      %add3A_2303 = vector.broadcast %add3A_2302 : i32 to vector<16xi32>
      %add3A_2304 = arith.addi %iota3A, %add3A_2303 : vector<16xi32>
      %gather3A_2305 = tpu.vector_load_idx %arg6[%broadcast_in_dim3A_2289, %add3A_2304, %broadcast_in_dim3A_2282] : memref<8x64x128xf32, #tpu.memory_space<vmem>>[vector<16xi32>, vector<16xi32>, vector<16xi32>], vector<16xf32>,
      tpu.vector_store_idx %arg7[%add3A_2304, %broadcast_in_dim3A_2287], %gather3A_2305 : memref<64x128xf32, #tpu.memory_space<vmem>>[vector<16xi32>, vector<16xi32>], vector<16xf32>,
      %convert_element_type3A = arith.extui %lt3A_905 : i1 to i32
      %cond3A = arith.constant 0 : i32
      %cond3A_2306 = arith.cmpi ne, %convert_element_type3A, %cond3A : i32
      scf.if %cond3A_2306 {
        %slice3A_2482 = vector.extract_strided_slice %get3A_904 {offsets = [0], sizes = [1], strides = [1]} : vector<16xi32> to vector<1xi32>
        %squeeze3A_2483 = vector.extract %slice3A_2482[0] : i32 from vector<1xi32>
        %shift_right_arithmetic3A_2484 = arith.constant 7 : i32
        %shift_right_arithmetic3A_2485 = arith.shrsi %squeeze3A_2483, %shift_right_arithmetic3A_2484 : i32
        %shift_left3A_2486 = arith.constant 7 : i32
        %shift_left3A_2487 = arith.shli %shift_right_arithmetic3A_2485, %shift_left3A_2486 : i32
        %multiple_of3A_2488 = tpu.assume_multiple %shift_left3A_2487, 128 : i32
        %dma_start3A_2489 = arith.constant 0 : i32
        %dma_start3A_2490 = arith.constant 0 : i32
        %dma_start3A_2491 = arith.constant 0 : i32
        %dma_start3A_2492 = tpu.memref_slice %arg6[%dma_start3A_2489, %dma_start3A_2490, %dma_start3A_2491] : memref<8x64x128xf32, #tpu.memory_space<vmem>> -> memref<1x8x128xf32, #tpu.memory_space<vmem>>
        %dma_start3A_2493 = tpu.memref_squeeze %dma_start3A_2492 : memref<1x8x128xf32, #tpu.memory_space<vmem>> -> memref<8x128xf32, #tpu.memory_space<vmem>>
        %dma_start3A_2494 = arith.constant 0 : i32
        %dma_start3A_2495 = tpu.memref_slice %arg3[%dma_start3A_2494, %multiple_of3A_2488] : memref<64x1000000xf32, #tpu.memory_space<hbm>> -> memref<8x128xf32, #tpu.memory_space<hbm>>
        %dma_start3A_2496 = arith.constant 0 : i32
        %dma_start3A_2497 = arith.constant 0 : i32
        %dma_start3A_2498 = tpu.memref_slice %arg6[%dma_start3A_2489, %dma_start3A_2496, %dma_start3A_2497] : memref<8x64x128xf32, #tpu.memory_space<vmem>> -> memref<1x8x128xf32, #tpu.memory_space<vmem>>
        %dma_start3A_2499 = tpu.memref_squeeze %dma_start3A_2498 : memref<1x8x128xf32, #tpu.memory_space<vmem>> -> memref<8x128xf32, #tpu.memory_space<vmem>>
        %dma_start3A_2500 = arith.constant 0 : i32
        %dma_start3A_2501 = tpu.memref_slice %arg3[%dma_start3A_2500, %multiple_of3A_2488] : memref<64x1000000xf32, #tpu.memory_space<hbm>> -> memref<8x128xf32, #tpu.memory_space<hbm>>
        tpu.enqueue_dma source(%dma_start3A_2501 : memref<8x128xf32, #tpu.memory_space<hbm>>) target(%dma_start3A_2499 : memref<8x128xf32, #tpu.memory_space<vmem>>) target_semaphore(%arg8 : memref<!tpu.dma_semaphore, #tpu.memory_space<semaphore_mem>>)
        %dma_start3A_2502 = arith.constant 0 : i32
        %dma_start3A_2503 = arith.constant 8 : i32
        %dma_start3A_2504 = arith.constant 0 : i32
        %dma_start3A_2505 = tpu.memref_slice %arg6[%dma_start3A_2502, %dma_start3A_2503, %dma_start3A_2504] : memref<8x64x128xf32, #tpu.memory_space<vmem>> -> memref<1x8x128xf32, #tpu.memory_space<vmem>>
        %dma_start3A_2506 = tpu.memref_squeeze %dma_start3A_2505 : memref<1x8x128xf32, #tpu.memory_space<vmem>> -> memref<8x128xf32, #tpu.memory_space<vmem>>
        %dma_start3A_2507 = arith.constant 8 : i32
        %dma_start3A_2508 = tpu.memref_slice %arg3[%dma_start3A_2507, %multiple_of3A_2488] : memref<64x1000000xf32, #tpu.memory_space<hbm>> -> memref<8x128xf32, #tpu.memory_space<hbm>>
        %dma_start3A_2509 = arith.constant 8 : i32
        %dma_start3A_2510 = arith.constant 0 : i32
        %dma_start3A_2511 = tpu.memref_slice %arg6[%dma_start3A_2502, %dma_start3A_2509, %dma_start3A_2510] : memref<8x64x128xf32, #tpu.memory_space<vmem>> -> memref<1x8x128xf32, #tpu.memory_space<vmem>>
        %dma_start3A_2512 = tpu.memref_squeeze %dma_start3A_2511 : memref<1x8x128xf32, #tpu.memory_space<vmem>> -> memref<8x128xf32, #tpu.memory_space<vmem>>
        %dma_start3A_2513 = arith.constant 8 : i32
        %dma_start3A_2514 = tpu.memref_slice %arg3[%dma_start3A_2513, %multiple_of3A_2488] : memref<64x1000000xf32, #tpu.memory_space<hbm>> -> memref<8x128xf32, #tpu.memory_space<hbm>>
        tpu.enqueue_dma source(%dma_start3A_2514 : memref<8x128xf32, #tpu.memory_space<hbm>>) target(%dma_start3A_2512 : memref<8x128xf32, #tpu.memory_space<vmem>>) target_semaphore(%arg8 : memref<!tpu.dma_semaphore, #tpu.memory_space<semaphore_mem>>)
        %dma_start3A_2515 = arith.constant 0 : i32
        %dma_start3A_2516 = arith.constant 16 : i32
        %dma_start3A_2517 = arith.constant 0 : i32
        %dma_start3A_2518 = tpu.memref_slice %arg6[%dma_start3A_2515, %dma_start3A_2516, %dma_start3A_2517] : memref<8x64x128xf32, #tpu.memory_space<vmem>> -> memref<1x8x128xf32, #tpu.memory_space<vmem>>
        %dma_start3A_2519 = tpu.memref_squeeze %dma_start3A_2518 : memref<1x8x128xf32, #tpu.memory_space<vmem>> -> memref<8x128xf32, #tpu.memory_space<vmem>>
        %dma_start3A_2520 = arith.constant 16 : i32
        %dma_start3A_2521 = tpu.memref_slice %arg3[%dma_start3A_2520, %multiple_of3A_2488] : memref<64x1000000xf32, #tpu.memory_space<hbm>> -> memref<8x128xf32, #tpu.memory_space<hbm>>
        %dma_start3A_2522 = arith.constant 16 : i32
        %dma_start3A_2523 = arith.constant 0 : i32
        %dma_start3A_2524 = tpu.memref_slice %arg6[%dma_start3A_2515, %dma_start3A_2522, %dma_start3A_2523] : memref<8x64x128xf32, #tpu.memory_space<vmem>> -> memref<1x8x128xf32, #tpu.memory_space<vmem>>
        %dma_start3A_2525 = tpu.memref_squeeze %dma_start3A_2524 : memref<1x8x128xf32, #tpu.memory_space<vmem>> -> memref<8x128xf32, #tpu.memory_space<vmem>>
        %dma_start3A_2526 = arith.constant 16 : i32
        %dma_start3A_2527 = tpu.memref_slice %arg3[%dma_start3A_2526, %multiple_of3A_2488] : memref<64x1000000xf32, #tpu.memory_space<hbm>> -> memref<8x128xf32, #tpu.memory_space<hbm>>
        tpu.enqueue_dma source(%dma_start3A_2527 : memref<8x128xf32, #tpu.memory_space<hbm>>) target(%dma_start3A_2525 : memref<8x128xf32, #tpu.memory_space<vmem>>) target_semaphore(%arg8 : memref<!tpu.dma_semaphore, #tpu.memory_space<semaphore_mem>>)
        %dma_start3A_2528 = arith.constant 0 : i32
        %dma_start3A_2529 = arith.constant 24 : i32
        %dma_start3A_2530 = arith.constant 0 : i32
        %dma_start3A_2531 = tpu.memref_slice %arg6[%dma_start3A_2528, %dma_start3A_2529, %dma_start3A_2530] : memref<8x64x128xf32, #tpu.memory_space<vmem>> -> memref<1x8x128xf32, #tpu.memory_space<vmem>>
        %dma_start3A_2532 = tpu.memref_squeeze %dma_start3A_2531 : memref<1x8x128xf32, #tpu.memory_space<vmem>> -> memref<8x128xf32, #tpu.memory_space<vmem>>
        %dma_start3A_2533 = arith.constant 24 : i32
        %dma_start3A_2534 = tpu.memref_slice %arg3[%dma_start3A_2533, %multiple_of3A_2488] : memref<64x1000000xf32, #tpu.memory_space<hbm>> -> memref<8x128xf32, #tpu.memory_space<hbm>>
        %dma_start3A_2535 = arith.constant 24 : i32
        %dma_start3A_2536 = arith.constant 0 : i32
        %dma_start3A_2537 = tpu.memref_slice %arg6[%dma_start3A_2528, %dma_start3A_2535, %dma_start3A_2536] : memref<8x64x128xf32, #tpu.memory_space<vmem>> -> memref<1x8x128xf32, #tpu.memory_space<vmem>>
        %dma_start3A_2538 = tpu.memref_squeeze %dma_start3A_2537 : memref<1x8x128xf32, #tpu.memory_space<vmem>> -> memref<8x128xf32, #tpu.memory_space<vmem>>
        %dma_start3A_2539 = arith.constant 24 : i32
        %dma_start3A_2540 = tpu.memref_slice %arg3[%dma_start3A_2539, %multiple_of3A_2488] : memref<64x1000000xf32, #tpu.memory_space<hbm>> -> memref<8x128xf32, #tpu.memory_space<hbm>>
        tpu.enqueue_dma source(%dma_start3A_2540 : memref<8x128xf32, #tpu.memory_space<hbm>>) target(%dma_start3A_2538 : memref<8x128xf32, #tpu.memory_space<vmem>>) target_semaphore(%arg8 : memref<!tpu.dma_semaphore, #tpu.memory_space<semaphore_mem>>)
        %dma_start3A_2541 = arith.constant 0 : i32
        %dma_start3A_2542 = arith.constant 32 : i32
        %dma_start3A_2543 = arith.constant 0 : i32
        %dma_start3A_2544 = tpu.memref_slice %arg6[%dma_start3A_2541, %dma_start3A_2542, %dma_start3A_2543] : memref<8x64x128xf32, #tpu.memory_space<vmem>> -> memref<1x8x128xf32, #tpu.memory_space<vmem>>
        %dma_start3A_2545 = tpu.memref_squeeze %dma_start3A_2544 : memref<1x8x128xf32, #tpu.memory_space<vmem>> -> memref<8x128xf32, #tpu.memory_space<vmem>>
        %dma_start3A_2546 = arith.constant 32 : i32
        %dma_start3A_2547 = tpu.memref_slice %arg3[%dma_start3A_2546, %multiple_of3A_2488] : memref<64x1000000xf32, #tpu.memory_space<hbm>> -> memref<8x128xf32, #tpu.memory_space<hbm>>
        %dma_start3A_2548 = arith.constant 32 : i32
        %dma_start3A_2549 = arith.constant 0 : i32
        %dma_start3A_2550 = tpu.memref_slice %arg6[%dma_start3A_2541, %dma_start3A_2548, %dma_start3A_2549] : memref<8x64x128xf32, #tpu.memory_space<vmem>> -> memref<1x8x128xf32, #tpu.memory_space<vmem>>
        %dma_start3A_2551 = tpu.memref_squeeze %dma_start3A_2550 : memref<1x8x128xf32, #tpu.memory_space<vmem>> -> memref<8x128xf32, #tpu.memory_space<vmem>>
        %dma_start3A_2552 = arith.constant 32 : i32
        %dma_start3A_2553 = tpu.memref_slice %arg3[%dma_start3A_2552, %multiple_of3A_2488] : memref<64x1000000xf32, #tpu.memory_space<hbm>> -> memref<8x128xf32, #tpu.memory_space<hbm>>
        tpu.enqueue_dma source(%dma_start3A_2553 : memref<8x128xf32, #tpu.memory_space<hbm>>) target(%dma_start3A_2551 : memref<8x128xf32, #tpu.memory_space<vmem>>) target_semaphore(%arg8 : memref<!tpu.dma_semaphore, #tpu.memory_space<semaphore_mem>>)
        %dma_start3A_2554 = arith.constant 0 : i32
        %dma_start3A_2555 = arith.constant 40 : i32
        %dma_start3A_2556 = arith.constant 0 : i32
        %dma_start3A_2557 = tpu.memref_slice %arg6[%dma_start3A_2554, %dma_start3A_2555, %dma_start3A_2556] : memref<8x64x128xf32, #tpu.memory_space<vmem>> -> memref<1x8x128xf32, #tpu.memory_space<vmem>>
        %dma_start3A_2558 = tpu.memref_squeeze %dma_start3A_2557 : memref<1x8x128xf32, #tpu.memory_space<vmem>> -> memref<8x128xf32, #tpu.memory_space<vmem>>
        %dma_start3A_2559 = arith.constant 40 : i32
        %dma_start3A_2560 = tpu.memref_slice %arg3[%dma_start3A_2559, %multiple_of3A_2488] : memref<64x1000000xf32, #tpu.memory_space<hbm>> -> memref<8x128xf32, #tpu.memory_space<hbm>>
        %dma_start3A_2561 = arith.constant 40 : i32
        %dma_start3A_2562 = arith.constant 0 : i32
        %dma_start3A_2563 = tpu.memref_slice %arg6[%dma_start3A_2554, %dma_start3A_2561, %dma_start3A_2562] : memref<8x64x128xf32, #tpu.memory_space<vmem>> -> memref<1x8x128xf32, #tpu.memory_space<vmem>>
        %dma_start3A_2564 = tpu.memref_squeeze %dma_start3A_2563 : memref<1x8x128xf32, #tpu.memory_space<vmem>> -> memref<8x128xf32, #tpu.memory_space<vmem>>
        %dma_start3A_2565 = arith.constant 40 : i32
        %dma_start3A_2566 = tpu.memref_slice %arg3[%dma_start3A_2565, %multiple_of3A_2488] : memref<64x1000000xf32, #tpu.memory_space<hbm>> -> memref<8x128xf32, #tpu.memory_space<hbm>>
        tpu.enqueue_dma source(%dma_start3A_2566 : memref<8x128xf32, #tpu.memory_space<hbm>>) target(%dma_start3A_2564 : memref<8x128xf32, #tpu.memory_space<vmem>>) target_semaphore(%arg8 : memref<!tpu.dma_semaphore, #tpu.memory_space<semaphore_mem>>)
        %dma_start3A_2567 = arith.constant 0 : i32
        %dma_start3A_2568 = arith.constant 48 : i32
        %dma_start3A_2569 = arith.constant 0 : i32
        %dma_start3A_2570 = tpu.memref_slice %arg6[%dma_start3A_2567, %dma_start3A_2568, %dma_start3A_2569] : memref<8x64x128xf32, #tpu.memory_space<vmem>> -> memref<1x8x128xf32, #tpu.memory_space<vmem>>
        %dma_start3A_2571 = tpu.memref_squeeze %dma_start3A_2570 : memref<1x8x128xf32, #tpu.memory_space<vmem>> -> memref<8x128xf32, #tpu.memory_space<vmem>>
        %dma_start3A_2572 = arith.constant 48 : i32
        %dma_start3A_2573 = tpu.memref_slice %arg3[%dma_start3A_2572, %multiple_of3A_2488] : memref<64x1000000xf32, #tpu.memory_space<hbm>> -> memref<8x128xf32, #tpu.memory_space<hbm>>
        %dma_start3A_2574 = arith.constant 48 : i32
        %dma_start3A_2575 = arith.constant 0 : i32
        %dma_start3A_2576 = tpu.memref_slice %arg6[%dma_start3A_2567, %dma_start3A_2574, %dma_start3A_2575] : memref<8x64x128xf32, #tpu.memory_space<vmem>> -> memref<1x8x128xf32, #tpu.memory_space<vmem>>
        %dma_start3A_2577 = tpu.memref_squeeze %dma_start3A_2576 : memref<1x8x128xf32, #tpu.memory_space<vmem>> -> memref<8x128xf32, #tpu.memory_space<vmem>>
        %dma_start3A_2578 = arith.constant 48 : i32
        %dma_start3A_2579 = tpu.memref_slice %arg3[%dma_start3A_2578, %multiple_of3A_2488] : memref<64x1000000xf32, #tpu.memory_space<hbm>> -> memref<8x128xf32, #tpu.memory_space<hbm>>
        tpu.enqueue_dma source(%dma_start3A_2579 : memref<8x128xf32, #tpu.memory_space<hbm>>) target(%dma_start3A_2577 : memref<8x128xf32, #tpu.memory_space<vmem>>) target_semaphore(%arg8 : memref<!tpu.dma_semaphore, #tpu.memory_space<semaphore_mem>>)
        %dma_start3A_2580 = arith.constant 0 : i32
        %dma_start3A_2581 = arith.constant 56 : i32
        %dma_start3A_2582 = arith.constant 0 : i32
        %dma_start3A_2583 = tpu.memref_slice %arg6[%dma_start3A_2580, %dma_start3A_2581, %dma_start3A_2582] : memref<8x64x128xf32, #tpu.memory_space<vmem>> -> memref<1x8x128xf32, #tpu.memory_space<vmem>>
        %dma_start3A_2584 = tpu.memref_squeeze %dma_start3A_2583 : memref<1x8x128xf32, #tpu.memory_space<vmem>> -> memref<8x128xf32, #tpu.memory_space<vmem>>
        %dma_start3A_2585 = arith.constant 56 : i32
        %dma_start3A_2586 = tpu.memref_slice %arg3[%dma_start3A_2585, %multiple_of3A_2488] : memref<64x1000000xf32, #tpu.memory_space<hbm>> -> memref<8x128xf32, #tpu.memory_space<hbm>>
        %dma_start3A_2587 = arith.constant 56 : i32
        %dma_start3A_2588 = arith.constant 0 : i32
        %dma_start3A_2589 = tpu.memref_slice %arg6[%dma_start3A_2580, %dma_start3A_2587, %dma_start3A_2588] : memref<8x64x128xf32, #tpu.memory_space<vmem>> -> memref<1x8x128xf32, #tpu.memory_space<vmem>>
        %dma_start3A_2590 = tpu.memref_squeeze %dma_start3A_2589 : memref<1x8x128xf32, #tpu.memory_space<vmem>> -> memref<8x128xf32, #tpu.memory_space<vmem>>
        %dma_start3A_2591 = arith.constant 56 : i32
        %dma_start3A_2592 = tpu.memref_slice %arg3[%dma_start3A_2591, %multiple_of3A_2488] : memref<64x1000000xf32, #tpu.memory_space<hbm>> -> memref<8x128xf32, #tpu.memory_space<hbm>>
        tpu.enqueue_dma source(%dma_start3A_2592 : memref<8x128xf32, #tpu.memory_space<hbm>>) target(%dma_start3A_2590 : memref<8x128xf32, #tpu.memory_space<vmem>>) target_semaphore(%arg8 : memref<!tpu.dma_semaphore, #tpu.memory_space<semaphore_mem>>)
        %slice3A_2593 = vector.extract_strided_slice %get3A_904 {offsets = [1], sizes = [1], strides = [1]} : vector<16xi32> to vector<1xi32>
        %squeeze3A_2594 = vector.extract %slice3A_2593[0] : i32 from vector<1xi32>
        %shift_right_arithmetic3A_2595 = arith.constant 7 : i32
        %shift_right_arithmetic3A_2596 = arith.shrsi %squeeze3A_2594, %shift_right_arithmetic3A_2595 : i32
        %shift_left3A_2597 = arith.constant 7 : i32
        %shift_left3A_2598 = arith.shli %shift_right_arithmetic3A_2596, %shift_left3A_2597 : i32
        %multiple_of3A_2599 = tpu.assume_multiple %shift_left3A_2598, 128 : i32
        %dma_start3A_2600 = arith.constant 1 : i32
        %dma_start3A_2601 = arith.constant 0 : i32
        %dma_start3A_2602 = arith.constant 0 : i32
        %dma_start3A_2603 = tpu.memref_slice %arg6[%dma_start3A_2600, %dma_start3A_2601, %dma_start3A_2602] : memref<8x64x128xf32, #tpu.memory_space<vmem>> -> memref<1x8x128xf32, #tpu.memory_space<vmem>>
        %dma_start3A_2604 = tpu.memref_squeeze %dma_start3A_2603 : memref<1x8x128xf32, #tpu.memory_space<vmem>> -> memref<8x128xf32, #tpu.memory_space<vmem>>
        %dma_start3A_2605 = arith.constant 0 : i32
        %dma_start3A_2606 = tpu.memref_slice %arg3[%dma_start3A_2605, %multiple_of3A_2599] : memref<64x1000000xf32, #tpu.memory_space<hbm>> -> memref<8x128xf32, #tpu.memory_space<hbm>>
        %dma_start3A_2607 = arith.constant 0 : i32
        %dma_start3A_2608 = arith.constant 0 : i32
        %dma_start3A_2609 = tpu.memref_slice %arg6[%dma_start3A_2600, %dma_start3A_2607, %dma_start3A_2608] : memref<8x64x128xf32, #tpu.memory_space<vmem>> -> memref<1x8x128xf32, #tpu.memory_space<vmem>>
        %dma_start3A_2610 = tpu.memref_squeeze %dma_start3A_2609 : memref<1x8x128xf32, #tpu.memory_space<vmem>> -> memref<8x128xf32, #tpu.memory_space<vmem>>
        %dma_start3A_2611 = arith.constant 0 : i32
        %dma_start3A_2612 = tpu.memref_slice %arg3[%dma_start3A_2611, %multiple_of3A_2599] : memref<64x1000000xf32, #tpu.memory_space<hbm>> -> memref<8x128xf32, #tpu.memory_space<hbm>>
        tpu.enqueue_dma source(%dma_start3A_2612 : memref<8x128xf32, #tpu.memory_space<hbm>>) target(%dma_start3A_2610 : memref<8x128xf32, #tpu.memory_space<vmem>>) target_semaphore(%arg8 : memref<!tpu.dma_semaphore, #tpu.memory_space<semaphore_mem>>)
        %dma_start3A_2613 = arith.constant 1 : i32
        %dma_start3A_2614 = arith.constant 8 : i32
        %dma_start3A_2615 = arith.constant 0 : i32
        %dma_start3A_2616 = tpu.memref_slice %arg6[%dma_start3A_2613, %dma_start3A_2614, %dma_start3A_2615] : memref<8x64x128xf32, #tpu.memory_space<vmem>> -> memref<1x8x128xf32, #tpu.memory_space<vmem>>
        %dma_start3A_2617 = tpu.memref_squeeze %dma_start3A_2616 : memref<1x8x128xf32, #tpu.memory_space<vmem>> -> memref<8x128xf32, #tpu.memory_space<vmem>>
        %dma_start3A_2618 = arith.constant 8 : i32
        %dma_start3A_2619 = tpu.memref_slice %arg3[%dma_start3A_2618, %multiple_of3A_2599] : memref<64x1000000xf32, #tpu.memory_space<hbm>> -> memref<8x128xf32, #tpu.memory_space<hbm>>
        %dma_start3A_2620 = arith.constant 8 : i32
        %dma_start3A_2621 = arith.constant 0 : i32
        %dma_start3A_2622 = tpu.memref_slice %arg6[%dma_start3A_2613, %dma_start3A_2620, %dma_start3A_2621] : memref<8x64x128xf32, #tpu.memory_space<vmem>> -> memref<1x8x128xf32, #tpu.memory_space<vmem>>
        %dma_start3A_2623 = tpu.memref_squeeze %dma_start3A_2622 : memref<1x8x128xf32, #tpu.memory_space<vmem>> -> memref<8x128xf32, #tpu.memory_space<vmem>>
        %dma_start3A_2624 = arith.constant 8 : i32
        %dma_start3A_2625 = tpu.memref_slice %arg3[%dma_start3A_2624, %multiple_of3A_2599] : memref<64x1000000xf32, #tpu.memory_space<hbm>> -> memref<8x128xf32, #tpu.memory_space<hbm>>
        tpu.enqueue_dma source(%dma_start3A_2625 : memref<8x128xf32, #tpu.memory_space<hbm>>) target(%dma_start3A_2623 : memref<8x128xf32, #tpu.memory_space<vmem>>) target_semaphore(%arg8 : memref<!tpu.dma_semaphore, #tpu.memory_space<semaphore_mem>>)
        %dma_start3A_2626 = arith.constant 1 : i32
        %dma_start3A_2627 = arith.constant 16 : i32
        %dma_start3A_2628 = arith.constant 0 : i32
        %dma_start3A_2629 = tpu.memref_slice %arg6[%dma_start3A_2626, %dma_start3A_2627, %dma_start3A_2628] : memref<8x64x128xf32, #tpu.memory_space<vmem>> -> memref<1x8x128xf32, #tpu.memory_space<vmem>>
        %dma_start3A_2630 = tpu.memref_squeeze %dma_start3A_2629 : memref<1x8x128xf32, #tpu.memory_space<vmem>> -> memref<8x128xf32, #tpu.memory_space<vmem>>
        %dma_start3A_2631 = arith.constant 16 : i32
        %dma_start3A_2632 = tpu.memref_slice %arg3[%dma_start3A_2631, %multiple_of3A_2599] : memref<64x1000000xf32, #tpu.memory_space<hbm>> -> memref<8x128xf32, #tpu.memory_space<hbm>>
        %dma_start3A_2633 = arith.constant 16 : i32
        %dma_start3A_2634 = arith.constant 0 : i32
        %dma_start3A_2635 = tpu.memref_slice %arg6[%dma_start3A_2626, %dma_start3A_2633, %dma_start3A_2634] : memref<8x64x128xf32, #tpu.memory_space<vmem>> -> memref<1x8x128xf32, #tpu.memory_space<vmem>>
        %dma_start3A_2636 = tpu.memref_squeeze %dma_start3A_2635 : memref<1x8x128xf32, #tpu.memory_space<vmem>> -> memref<8x128xf32, #tpu.memory_space<vmem>>
        %dma_start3A_2637 = arith.constant 16 : i32
        %dma_start3A_2638 = tpu.memref_slice %arg3[%dma_start3A_2637, %multiple_of3A_2599] : memref<64x1000000xf32, #tpu.memory_space<hbm>> -> memref<8x128xf32, #tpu.memory_space<hbm>>
        tpu.enqueue_dma source(%dma_start3A_2638 : memref<8x128xf32, #tpu.memory_space<hbm>>) target(%dma_start3A_2636 : memref<8x128xf32, #tpu.memory_space<vmem>>) target_semaphore(%arg8 : memref<!tpu.dma_semaphore, #tpu.memory_space<semaphore_mem>>)
        %dma_start3A_2639 = arith.constant 1 : i32
        %dma_start3A_2640 = arith.constant 24 : i32
        %dma_start3A_2641 = arith.constant 0 : i32
        %dma_start3A_2642 = tpu.memref_slice %arg6[%dma_start3A_2639, %dma_start3A_2640, %dma_start3A_2641] : memref<8x64x128xf32, #tpu.memory_space<vmem>> -> memref<1x8x128xf32, #tpu.memory_space<vmem>>
        %dma_start3A_2643 = tpu.memref_squeeze %dma_start3A_2642 : memref<1x8x128xf32, #tpu.memory_space<vmem>> -> memref<8x128xf32, #tpu.memory_space<vmem>>
        %dma_start3A_2644 = arith.constant 24 : i32
        %dma_start3A_2645 = tpu.memref_slice %arg3[%dma_start3A_2644, %multiple_of3A_2599] : memref<64x1000000xf32, #tpu.memory_space<hbm>> -> memref<8x128xf32, #tpu.memory_space<hbm>>
        %dma_start3A_2646 = arith.constant 24 : i32
        %dma_start3A_2647 = arith.constant 0 : i32
        %dma_start3A_2648 = tpu.memref_slice %arg6[%dma_start3A_2639, %dma_start3A_2646, %dma_start3A_2647] : memref<8x64x128xf32, #tpu.memory_space<vmem>> -> memref<1x8x128xf32, #tpu.memory_space<vmem>>
        %dma_start3A_2649 = tpu.memref_squeeze %dma_start3A_2648 : memref<1x8x128xf32, #tpu.memory_space<vmem>> -> memref<8x128xf32, #tpu.memory_space<vmem>>
        %dma_start3A_2650 = arith.constant 24 : i32
        %dma_start3A_2651 = tpu.memref_slice %arg3[%dma_start3A_2650, %multiple_of3A_2599] : memref<64x1000000xf32, #tpu.memory_space<hbm>> -> memref<8x128xf32, #tpu.memory_space<hbm>>
        tpu.enqueue_dma source(%dma_start3A_2651 : memref<8x128xf32, #tpu.memory_space<hbm>>) target(%dma_start3A_2649 : memref<8x128xf32, #tpu.memory_space<vmem>>) target_semaphore(%arg8 : memref<!tpu.dma_semaphore, #tpu.memory_space<semaphore_mem>>)
        %dma_start3A_2652 = arith.constant 1 : i32
        %dma_start3A_2653 = arith.constant 32 : i32
        %dma_start3A_2654 = arith.constant 0 : i32
        %dma_start3A_2655 = tpu.memref_slice %arg6[%dma_start3A_2652, %dma_start3A_2653, %dma_start3A_2654] : memref<8x64x128xf32, #tpu.memory_space<vmem>> -> memref<1x8x128xf32, #tpu.memory_space<vmem>>
        %dma_start3A_2656 = tpu.memref_squeeze %dma_start3A_2655 : memref<1x8x128xf32, #tpu.memory_space<vmem>> -> memref<8x128xf32, #tpu.memory_space<vmem>>
        %dma_start3A_2657 = arith.constant 32 : i32
        %dma_start3A_2658 = tpu.memref_slice %arg3[%dma_start3A_2657, %multiple_of3A_2599] : memref<64x1000000xf32, #tpu.memory_space<hbm>> -> memref<8x128xf32, #tpu.memory_space<hbm>>
        %dma_start3A_2659 = arith.constant 32 : i32
        %dma_start3A_2660 = arith.constant 0 : i32
        %dma_start3A_2661 = tpu.memref_slice %arg6[%dma_start3A_2652, %dma_start3A_2659, %dma_start3A_2660] : memref<8x64x128xf32, #tpu.memory_space<vmem>> -> memref<1x8x128xf32, #tpu.memory_space<vmem>>
        %dma_start3A_2662 = tpu.memref_squeeze %dma_start3A_2661 : memref<1x8x128xf32, #tpu.memory_space<vmem>> -> memref<8x128xf32, #tpu.memory_space<vmem>>
        %dma_start3A_2663 = arith.constant 32 : i32
        %dma_start3A_2664 = tpu.memref_slice %arg3[%dma_start3A_2663, %multiple_of3A_2599] : memref<64x1000000xf32, #tpu.memory_space<hbm>> -> memref<8x128xf32, #tpu.memory_space<hbm>>
        tpu.enqueue_dma source(%dma_start3A_2664 : memref<8x128xf32, #tpu.memory_space<hbm>>) target(%dma_start3A_2662 : memref<8x128xf32, #tpu.memory_space<vmem>>) target_semaphore(%arg8 : memref<!tpu.dma_semaphore, #tpu.memory_space<semaphore_mem>>)
        %dma_start3A_2665 = arith.constant 1 : i32
        %dma_start3A_2666 = arith.constant 40 : i32
        %dma_start3A_2667 = arith.constant 0 : i32
        %dma_start3A_2668 = tpu.memref_slice %arg6[%dma_start3A_2665, %dma_start3A_2666, %dma_start3A_2667] : memref<8x64x128xf32, #tpu.memory_space<vmem>> -> memref<1x8x128xf32, #tpu.memory_space<vmem>>
        %dma_start3A_2669 = tpu.memref_squeeze %dma_start3A_2668 : memref<1x8x128xf32, #tpu.memory_space<vmem>> -> memref<8x128xf32, #tpu.memory_space<vmem>>
        %dma_start3A_2670 = arith.constant 40 : i32
        %dma_start3A_2671 = tpu.memref_slice %arg3[%dma_start3A_2670, %multiple_of3A_2599] : memref<64x1000000xf32, #tpu.memory_space<hbm>> -> memref<8x128xf32, #tpu.memory_space<hbm>>
        %dma_start3A_2672 = arith.constant 40 : i32
        %dma_start3A_2673 = arith.constant 0 : i32
        %dma_start3A_2674 = tpu.memref_slice %arg6[%dma_start3A_2665, %dma_start3A_2672, %dma_start3A_2673] : memref<8x64x128xf32, #tpu.memory_space<vmem>> -> memref<1x8x128xf32, #tpu.memory_space<vmem>>
        %dma_start3A_2675 = tpu.memref_squeeze %dma_start3A_2674 : memref<1x8x128xf32, #tpu.memory_space<vmem>> -> memref<8x128xf32, #tpu.memory_space<vmem>>
        %dma_start3A_2676 = arith.constant 40 : i32
        %dma_start3A_2677 = tpu.memref_slice %arg3[%dma_start3A_2676, %multiple_of3A_2599] : memref<64x1000000xf32, #tpu.memory_space<hbm>> -> memref<8x128xf32, #tpu.memory_space<hbm>>
        tpu.enqueue_dma source(%dma_start3A_2677 : memref<8x128xf32, #tpu.memory_space<hbm>>) target(%dma_start3A_2675 : memref<8x128xf32, #tpu.memory_space<vmem>>) target_semaphore(%arg8 : memref<!tpu.dma_semaphore, #tpu.memory_space<semaphore_mem>>)
        %dma_start3A_2678 = arith.constant 1 : i32
        %dma_start3A_2679 = arith.constant 48 : i32
        %dma_start3A_2680 = arith.constant 0 : i32
        %dma_start3A_2681 = tpu.memref_slice %arg6[%dma_start3A_2678, %dma_start3A_2679, %dma_start3A_2680] : memref<8x64x128xf32, #tpu.memory_space<vmem>> -> memref<1x8x128xf32, #tpu.memory_space<vmem>>
        %dma_start3A_2682 = tpu.memref_squeeze %dma_start3A_2681 : memref<1x8x128xf32, #tpu.memory_space<vmem>> -> memref<8x128xf32, #tpu.memory_space<vmem>>
        %dma_start3A_2683 = arith.constant 48 : i32
        %dma_start3A_2684 = tpu.memref_slice %arg3[%dma_start3A_2683, %multiple_of3A_2599] : memref<64x1000000xf32, #tpu.memory_space<hbm>> -> memref<8x128xf32, #tpu.memory_space<hbm>>
        %dma_start3A_2685 = arith.constant 48 : i32
        %dma_start3A_2686 = arith.constant 0 : i32
        %dma_start3A_2687 = tpu.memref_slice %arg6[%dma_start3A_2678, %dma_start3A_2685, %dma_start3A_2686] : memref<8x64x128xf32, #tpu.memory_space<vmem>> -> memref<1x8x128xf32, #tpu.memory_space<vmem>>
        %dma_start3A_2688 = tpu.memref_squeeze %dma_start3A_2687 : memref<1x8x128xf32, #tpu.memory_space<vmem>> -> memref<8x128xf32, #tpu.memory_space<vmem>>
        %dma_start3A_2689 = arith.constant 48 : i32
        %dma_start3A_2690 = tpu.memref_slice %arg3[%dma_start3A_2689, %multiple_of3A_2599] : memref<64x1000000xf32, #tpu.memory_space<hbm>> -> memref<8x128xf32, #tpu.memory_space<hbm>>
        tpu.enqueue_dma source(%dma_start3A_2690 : memref<8x128xf32, #tpu.memory_space<hbm>>) target(%dma_start3A_2688 : memref<8x128xf32, #tpu.memory_space<vmem>>) target_semaphore(%arg8 : memref<!tpu.dma_semaphore, #tpu.memory_space<semaphore_mem>>)
        %dma_start3A_2691 = arith.constant 1 : i32
        %dma_start3A_2692 = arith.constant 56 : i32
        %dma_start3A_2693 = arith.constant 0 : i32
        %dma_start3A_2694 = tpu.memref_slice %arg6[%dma_start3A_2691, %dma_start3A_2692, %dma_start3A_2693] : memref<8x64x128xf32, #tpu.memory_space<vmem>> -> memref<1x8x128xf32, #tpu.memory_space<vmem>>
        %dma_start3A_2695 = tpu.memref_squeeze %dma_start3A_2694 : memref<1x8x128xf32, #tpu.memory_space<vmem>> -> memref<8x128xf32, #tpu.memory_space<vmem>>
        %dma_start3A_2696 = arith.constant 56 : i32
        %dma_start3A_2697 = tpu.memref_slice %arg3[%dma_start3A_2696, %multiple_of3A_2599] : memref<64x1000000xf32, #tpu.memory_space<hbm>> -> memref<8x128xf32, #tpu.memory_space<hbm>>
        %dma_start3A_2698 = arith.constant 56 : i32
        %dma_start3A_2699 = arith.constant 0 : i32
        %dma_start3A_2700 = tpu.memref_slice %arg6[%dma_start3A_2691, %dma_start3A_2698, %dma_start3A_2699] : memref<8x64x128xf32, #tpu.memory_space<vmem>> -> memref<1x8x128xf32, #tpu.memory_space<vmem>>
        %dma_start3A_2701 = tpu.memref_squeeze %dma_start3A_2700 : memref<1x8x128xf32, #tpu.memory_space<vmem>> -> memref<8x128xf32, #tpu.memory_space<vmem>>
        %dma_start3A_2702 = arith.constant 56 : i32
        %dma_start3A_2703 = tpu.memref_slice %arg3[%dma_start3A_2702, %multiple_of3A_2599] : memref<64x1000000xf32, #tpu.memory_space<hbm>> -> memref<8x128xf32, #tpu.memory_space<hbm>>
        tpu.enqueue_dma source(%dma_start3A_2703 : memref<8x128xf32, #tpu.memory_space<hbm>>) target(%dma_start3A_2701 : memref<8x128xf32, #tpu.memory_space<vmem>>) target_semaphore(%arg8 : memref<!tpu.dma_semaphore, #tpu.memory_space<semaphore_mem>>)
        %slice3A_2704 = vector.extract_strided_slice %get3A_904 {offsets = [2], sizes = [1], strides = [1]} : vector<16xi32> to vector<1xi32>
        %squeeze3A_2705 = vector.extract %slice3A_2704[0] : i32 from vector<1xi32>
        %shift_right_arithmetic3A_2706 = arith.constant 7 : i32
        %shift_right_arithmetic3A_2707 = arith.shrsi %squeeze3A_2705, %shift_right_arithmetic3A_2706 : i32
        %shift_left3A_2708 = arith.constant 7 : i32
        %shift_left3A_2709 = arith.shli %shift_right_arithmetic3A_2707, %shift_left3A_2708 : i32
        %multiple_of3A_2710 = tpu.assume_multiple %shift_left3A_2709, 128 : i32
        %dma_start3A_2711 = arith.constant 2 : i32
        %dma_start3A_2712 = arith.constant 0 : i32
        %dma_start3A_2713 = arith.constant 0 : i32
        %dma_start3A_2714 = tpu.memref_slice %arg6[%dma_start3A_2711, %dma_start3A_2712, %dma_start3A_2713] : memref<8x64x128xf32, #tpu.memory_space<vmem>> -> memref<1x8x128xf32, #tpu.memory_space<vmem>>
        %dma_start3A_2715 = tpu.memref_squeeze %dma_start3A_2714 : memref<1x8x128xf32, #tpu.memory_space<vmem>> -> memref<8x128xf32, #tpu.memory_space<vmem>>
        %dma_start3A_2716 = arith.constant 0 : i32
        %dma_start3A_2717 = tpu.memref_slice %arg3[%dma_start3A_2716, %multiple_of3A_2710] : memref<64x1000000xf32, #tpu.memory_space<hbm>> -> memref<8x128xf32, #tpu.memory_space<hbm>>
        %dma_start3A_2718 = arith.constant 0 : i32
        %dma_start3A_2719 = arith.constant 0 : i32
        %dma_start3A_2720 = tpu.memref_slice %arg6[%dma_start3A_2711, %dma_start3A_2718, %dma_start3A_2719] : memref<8x64x128xf32, #tpu.memory_space<vmem>> -> memref<1x8x128xf32, #tpu.memory_space<vmem>>
        %dma_start3A_2721 = tpu.memref_squeeze %dma_start3A_2720 : memref<1x8x128xf32, #tpu.memory_space<vmem>> -> memref<8x128xf32, #tpu.memory_space<vmem>>
        %dma_start3A_2722 = arith.constant 0 : i32
        %dma_start3A_2723 = tpu.memref_slice %arg3[%dma_start3A_2722, %multiple_of3A_2710] : memref<64x1000000xf32, #tpu.memory_space<hbm>> -> memref<8x128xf32, #tpu.memory_space<hbm>>
        tpu.enqueue_dma source(%dma_start3A_2723 : memref<8x128xf32, #tpu.memory_space<hbm>>) target(%dma_start3A_2721 : memref<8x128xf32, #tpu.memory_space<vmem>>) target_semaphore(%arg8 : memref<!tpu.dma_semaphore, #tpu.memory_space<semaphore_mem>>)
        %dma_start3A_2724 = arith.constant 2 : i32
        %dma_start3A_2725 = arith.constant 8 : i32
        %dma_start3A_2726 = arith.constant 0 : i32
        %dma_start3A_2727 = tpu.memref_slice %arg6[%dma_start3A_2724, %dma_start3A_2725, %dma_start3A_2726] : memref<8x64x128xf32, #tpu.memory_space<vmem>> -> memref<1x8x128xf32, #tpu.memory_space<vmem>>
        %dma_start3A_2728 = tpu.memref_squeeze %dma_start3A_2727 : memref<1x8x128xf32, #tpu.memory_space<vmem>> -> memref<8x128xf32, #tpu.memory_space<vmem>>
        %dma_start3A_2729 = arith.constant 8 : i32
        %dma_start3A_2730 = tpu.memref_slice %arg3[%dma_start3A_2729, %multiple_of3A_2710] : memref<64x1000000xf32, #tpu.memory_space<hbm>> -> memref<8x128xf32, #tpu.memory_space<hbm>>
        %dma_start3A_2731 = arith.constant 8 : i32
        %dma_start3A_2732 = arith.constant 0 : i32
        %dma_start3A_2733 = tpu.memref_slice %arg6[%dma_start3A_2724, %dma_start3A_2731, %dma_start3A_2732] : memref<8x64x128xf32, #tpu.memory_space<vmem>> -> memref<1x8x128xf32, #tpu.memory_space<vmem>>
        %dma_start3A_2734 = tpu.memref_squeeze %dma_start3A_2733 : memref<1x8x128xf32, #tpu.memory_space<vmem>> -> memref<8x128xf32, #tpu.memory_space<vmem>>
        %dma_start3A_2735 = arith.constant 8 : i32
        %dma_start3A_2736 = tpu.memref_slice %arg3[%dma_start3A_2735, %multiple_of3A_2710] : memref<64x1000000xf32, #tpu.memory_space<hbm>> -> memref<8x128xf32, #tpu.memory_space<hbm>>
        tpu.enqueue_dma source(%dma_start3A_2736 : memref<8x128xf32, #tpu.memory_space<hbm>>) target(%dma_start3A_2734 : memref<8x128xf32, #tpu.memory_space<vmem>>) target_semaphore(%arg8 : memref<!tpu.dma_semaphore, #tpu.memory_space<semaphore_mem>>)
        %dma_start3A_2737 = arith.constant 2 : i32
        %dma_start3A_2738 = arith.constant 16 : i32
        %dma_start3A_2739 = arith.constant 0 : i32
        %dma_start3A_2740 = tpu.memref_slice %arg6[%dma_start3A_2737, %dma_start3A_2738, %dma_start3A_2739] : memref<8x64x128xf32, #tpu.memory_space<vmem>> -> memref<1x8x128xf32, #tpu.memory_space<vmem>>
        %dma_start3A_2741 = tpu.memref_squeeze %dma_start3A_2740 : memref<1x8x128xf32, #tpu.memory_space<vmem>> -> memref<8x128xf32, #tpu.memory_space<vmem>>
        %dma_start3A_2742 = arith.constant 16 : i32
        %dma_start3A_2743 = tpu.memref_slice %arg3[%dma_start3A_2742, %multiple_of3A_2710] : memref<64x1000000xf32, #tpu.memory_space<hbm>> -> memref<8x128xf32, #tpu.memory_space<hbm>>
        %dma_start3A_2744 = arith.constant 16 : i32
        %dma_start3A_2745 = arith.constant 0 : i32
        %dma_start3A_2746 = tpu.memref_slice %arg6[%dma_start3A_2737, %dma_start3A_2744, %dma_start3A_2745] : memref<8x64x128xf32, #tpu.memory_space<vmem>> -> memref<1x8x128xf32, #tpu.memory_space<vmem>>
        %dma_start3A_2747 = tpu.memref_squeeze %dma_start3A_2746 : memref<1x8x128xf32, #tpu.memory_space<vmem>> -> memref<8x128xf32, #tpu.memory_space<vmem>>
        %dma_start3A_2748 = arith.constant 16 : i32
        %dma_start3A_2749 = tpu.memref_slice %arg3[%dma_start3A_2748, %multiple_of3A_2710] : memref<64x1000000xf32, #tpu.memory_space<hbm>> -> memref<8x128xf32, #tpu.memory_space<hbm>>
        tpu.enqueue_dma source(%dma_start3A_2749 : memref<8x128xf32, #tpu.memory_space<hbm>>) target(%dma_start3A_2747 : memref<8x128xf32, #tpu.memory_space<vmem>>) target_semaphore(%arg8 : memref<!tpu.dma_semaphore, #tpu.memory_space<semaphore_mem>>)
        %dma_start3A_2750 = arith.constant 2 : i32
        %dma_start3A_2751 = arith.constant 24 : i32
        %dma_start3A_2752 = arith.constant 0 : i32
        %dma_start3A_2753 = tpu.memref_slice %arg6[%dma_start3A_2750, %dma_start3A_2751, %dma_start3A_2752] : memref<8x64x128xf32, #tpu.memory_space<vmem>> -> memref<1x8x128xf32, #tpu.memory_space<vmem>>
        %dma_start3A_2754 = tpu.memref_squeeze %dma_start3A_2753 : memref<1x8x128xf32, #tpu.memory_space<vmem>> -> memref<8x128xf32, #tpu.memory_space<vmem>>
        %dma_start3A_2755 = arith.constant 24 : i32
        %dma_start3A_2756 = tpu.memref_slice %arg3[%dma_start3A_2755, %multiple_of3A_2710] : memref<64x1000000xf32, #tpu.memory_space<hbm>> -> memref<8x128xf32, #tpu.memory_space<hbm>>
        %dma_start3A_2757 = arith.constant 24 : i32
        %dma_start3A_2758 = arith.constant 0 : i32
        %dma_start3A_2759 = tpu.memref_slice %arg6[%dma_start3A_2750, %dma_start3A_2757, %dma_start3A_2758] : memref<8x64x128xf32, #tpu.memory_space<vmem>> -> memref<1x8x128xf32, #tpu.memory_space<vmem>>
        %dma_start3A_2760 = tpu.memref_squeeze %dma_start3A_2759 : memref<1x8x128xf32, #tpu.memory_space<vmem>> -> memref<8x128xf32, #tpu.memory_space<vmem>>
        %dma_start3A_2761 = arith.constant 24 : i32
        %dma_start3A_2762 = tpu.memref_slice %arg3[%dma_start3A_2761, %multiple_of3A_2710] : memref<64x1000000xf32, #tpu.memory_space<hbm>> -> memref<8x128xf32, #tpu.memory_space<hbm>>
        tpu.enqueue_dma source(%dma_start3A_2762 : memref<8x128xf32, #tpu.memory_space<hbm>>) target(%dma_start3A_2760 : memref<8x128xf32, #tpu.memory_space<vmem>>) target_semaphore(%arg8 : memref<!tpu.dma_semaphore, #tpu.memory_space<semaphore_mem>>)
        %dma_start3A_2763 = arith.constant 2 : i32
        %dma_start3A_2764 = arith.constant 32 : i32
        %dma_start3A_2765 = arith.constant 0 : i32
        %dma_start3A_2766 = tpu.memref_slice %arg6[%dma_start3A_2763, %dma_start3A_2764, %dma_start3A_2765] : memref<8x64x128xf32, #tpu.memory_space<vmem>> -> memref<1x8x128xf32, #tpu.memory_space<vmem>>
        %dma_start3A_2767 = tpu.memref_squeeze %dma_start3A_2766 : memref<1x8x128xf32, #tpu.memory_space<vmem>> -> memref<8x128xf32, #tpu.memory_space<vmem>>
        %dma_start3A_2768 = arith.constant 32 : i32
        %dma_start3A_2769 = tpu.memref_slice %arg3[%dma_start3A_2768, %multiple_of3A_2710] : memref<64x1000000xf32, #tpu.memory_space<hbm>> -> memref<8x128xf32, #tpu.memory_space<hbm>>
        %dma_start3A_2770 = arith.constant 32 : i32
        %dma_start3A_2771 = arith.constant 0 : i32
        %dma_start3A_2772 = tpu.memref_slice %arg6[%dma_start3A_2763, %dma_start3A_2770, %dma_start3A_2771] : memref<8x64x128xf32, #tpu.memory_space<vmem>> -> memref<1x8x128xf32, #tpu.memory_space<vmem>>
        %dma_start3A_2773 = tpu.memref_squeeze %dma_start3A_2772 : memref<1x8x128xf32, #tpu.memory_space<vmem>> -> memref<8x128xf32, #tpu.memory_space<vmem>>
        %dma_start3A_2774 = arith.constant 32 : i32
        %dma_start3A_2775 = tpu.memref_slice %arg3[%dma_start3A_2774, %multiple_of3A_2710] : memref<64x1000000xf32, #tpu.memory_space<hbm>> -> memref<8x128xf32, #tpu.memory_space<hbm>>
        tpu.enqueue_dma source(%dma_start3A_2775 : memref<8x128xf32, #tpu.memory_space<hbm>>) target(%dma_start3A_2773 : memref<8x128xf32, #tpu.memory_space<vmem>>) target_semaphore(%arg8 : memref<!tpu.dma_semaphore, #tpu.memory_space<semaphore_mem>>)
        %dma_start3A_2776 = arith.constant 2 : i32
        %dma_start3A_2777 = arith.constant 40 : i32
        %dma_start3A_2778 = arith.constant 0 : i32
        %dma_start3A_2779 = tpu.memref_slice %arg6[%dma_start3A_2776, %dma_start3A_2777, %dma_start3A_2778] : memref<8x64x128xf32, #tpu.memory_space<vmem>> -> memref<1x8x128xf32, #tpu.memory_space<vmem>>
        %dma_start3A_2780 = tpu.memref_squeeze %dma_start3A_2779 : memref<1x8x128xf32, #tpu.memory_space<vmem>> -> memref<8x128xf32, #tpu.memory_space<vmem>>
        %dma_start3A_2781 = arith.constant 40 : i32
        %dma_start3A_2782 = tpu.memref_slice %arg3[%dma_start3A_2781, %multiple_of3A_2710] : memref<64x1000000xf32, #tpu.memory_space<hbm>> -> memref<8x128xf32, #tpu.memory_space<hbm>>
        %dma_start3A_2783 = arith.constant 40 : i32
        %dma_start3A_2784 = arith.constant 0 : i32
        %dma_start3A_2785 = tpu.memref_slice %arg6[%dma_start3A_2776, %dma_start3A_2783, %dma_start3A_2784] : memref<8x64x128xf32, #tpu.memory_space<vmem>> -> memref<1x8x128xf32, #tpu.memory_space<vmem>>
        %dma_start3A_2786 = tpu.memref_squeeze %dma_start3A_2785 : memref<1x8x128xf32, #tpu.memory_space<vmem>> -> memref<8x128xf32, #tpu.memory_space<vmem>>
        %dma_start3A_2787 = arith.constant 40 : i32
        %dma_start3A_2788 = tpu.memref_slice %arg3[%dma_start3A_2787, %multiple_of3A_2710] : memref<64x1000000xf32, #tpu.memory_space<hbm>> -> memref<8x128xf32, #tpu.memory_space<hbm>>
        tpu.enqueue_dma source(%dma_start3A_2788 : memref<8x128xf32, #tpu.memory_space<hbm>>) target(%dma_start3A_2786 : memref<8x128xf32, #tpu.memory_space<vmem>>) target_semaphore(%arg8 : memref<!tpu.dma_semaphore, #tpu.memory_space<semaphore_mem>>)
        %dma_start3A_2789 = arith.constant 2 : i32
        %dma_start3A_2790 = arith.constant 48 : i32
        %dma_start3A_2791 = arith.constant 0 : i32
        %dma_start3A_2792 = tpu.memref_slice %arg6[%dma_start3A_2789, %dma_start3A_2790, %dma_start3A_2791] : memref<8x64x128xf32, #tpu.memory_space<vmem>> -> memref<1x8x128xf32, #tpu.memory_space<vmem>>
        %dma_start3A_2793 = tpu.memref_squeeze %dma_start3A_2792 : memref<1x8x128xf32, #tpu.memory_space<vmem>> -> memref<8x128xf32, #tpu.memory_space<vmem>>
        %dma_start3A_2794 = arith.constant 48 : i32
        %dma_start3A_2795 = tpu.memref_slice %arg3[%dma_start3A_2794, %multiple_of3A_2710] : memref<64x1000000xf32, #tpu.memory_space<hbm>> -> memref<8x128xf32, #tpu.memory_space<hbm>>
        %dma_start3A_2796 = arith.constant 48 : i32
        %dma_start3A_2797 = arith.constant 0 : i32
        %dma_start3A_2798 = tpu.memref_slice %arg6[%dma_start3A_2789, %dma_start3A_2796, %dma_start3A_2797] : memref<8x64x128xf32, #tpu.memory_space<vmem>> -> memref<1x8x128xf32, #tpu.memory_space<vmem>>
        %dma_start3A_2799 = tpu.memref_squeeze %dma_start3A_2798 : memref<1x8x128xf32, #tpu.memory_space<vmem>> -> memref<8x128xf32, #tpu.memory_space<vmem>>
        %dma_start3A_2800 = arith.constant 48 : i32
        %dma_start3A_2801 = tpu.memref_slice %arg3[%dma_start3A_2800, %multiple_of3A_2710] : memref<64x1000000xf32, #tpu.memory_space<hbm>> -> memref<8x128xf32, #tpu.memory_space<hbm>>
        tpu.enqueue_dma source(%dma_start3A_2801 : memref<8x128xf32, #tpu.memory_space<hbm>>) target(%dma_start3A_2799 : memref<8x128xf32, #tpu.memory_space<vmem>>) target_semaphore(%arg8 : memref<!tpu.dma_semaphore, #tpu.memory_space<semaphore_mem>>)
        %dma_start3A_2802 = arith.constant 2 : i32
        %dma_start3A_2803 = arith.constant 56 : i32
        %dma_start3A_2804 = arith.constant 0 : i32
        %dma_start3A_2805 = tpu.memref_slice %arg6[%dma_start3A_2802, %dma_start3A_2803, %dma_start3A_2804] : memref<8x64x128xf32, #tpu.memory_space<vmem>> -> memref<1x8x128xf32, #tpu.memory_space<vmem>>
        %dma_start3A_2806 = tpu.memref_squeeze %dma_start3A_2805 : memref<1x8x128xf32, #tpu.memory_space<vmem>> -> memref<8x128xf32, #tpu.memory_space<vmem>>
        %dma_start3A_2807 = arith.constant 56 : i32
        %dma_start3A_2808 = tpu.memref_slice %arg3[%dma_start3A_2807, %multiple_of3A_2710] : memref<64x1000000xf32, #tpu.memory_space<hbm>> -> memref<8x128xf32, #tpu.memory_space<hbm>>
        %dma_start3A_2809 = arith.constant 56 : i32
        %dma_start3A_2810 = arith.constant 0 : i32
        %dma_start3A_2811 = tpu.memref_slice %arg6[%dma_start3A_2802, %dma_start3A_2809, %dma_start3A_2810] : memref<8x64x128xf32, #tpu.memory_space<vmem>> -> memref<1x8x128xf32, #tpu.memory_space<vmem>>
        %dma_start3A_2812 = tpu.memref_squeeze %dma_start3A_2811 : memref<1x8x128xf32, #tpu.memory_space<vmem>> -> memref<8x128xf32, #tpu.memory_space<vmem>>
        %dma_start3A_2813 = arith.constant 56 : i32
        %dma_start3A_2814 = tpu.memref_slice %arg3[%dma_start3A_2813, %multiple_of3A_2710] : memref<64x1000000xf32, #tpu.memory_space<hbm>> -> memref<8x128xf32, #tpu.memory_space<hbm>>
        tpu.enqueue_dma source(%dma_start3A_2814 : memref<8x128xf32, #tpu.memory_space<hbm>>) target(%dma_start3A_2812 : memref<8x128xf32, #tpu.memory_space<vmem>>) target_semaphore(%arg8 : memref<!tpu.dma_semaphore, #tpu.memory_space<semaphore_mem>>)
        %slice3A_2815 = vector.extract_strided_slice %get3A_904 {offsets = [3], sizes = [1], strides = [1]} : vector<16xi32> to vector<1xi32>
        %squeeze3A_2816 = vector.extract %slice3A_2815[0] : i32 from vector<1xi32>
        %shift_right_arithmetic3A_2817 = arith.constant 7 : i32
        %shift_right_arithmetic3A_2818 = arith.shrsi %squeeze3A_2816, %shift_right_arithmetic3A_2817 : i32
        %shift_left3A_2819 = arith.constant 7 : i32
        %shift_left3A_2820 = arith.shli %shift_right_arithmetic3A_2818, %shift_left3A_2819 : i32
        %multiple_of3A_2821 = tpu.assume_multiple %shift_left3A_2820, 128 : i32
        %dma_start3A_2822 = arith.constant 3 : i32
        %dma_start3A_2823 = arith.constant 0 : i32
        %dma_start3A_2824 = arith.constant 0 : i32
        %dma_start3A_2825 = tpu.memref_slice %arg6[%dma_start3A_2822, %dma_start3A_2823, %dma_start3A_2824] : memref<8x64x128xf32, #tpu.memory_space<vmem>> -> memref<1x8x128xf32, #tpu.memory_space<vmem>>
        %dma_start3A_2826 = tpu.memref_squeeze %dma_start3A_2825 : memref<1x8x128xf32, #tpu.memory_space<vmem>> -> memref<8x128xf32, #tpu.memory_space<vmem>>
        %dma_start3A_2827 = arith.constant 0 : i32
        %dma_start3A_2828 = tpu.memref_slice %arg3[%dma_start3A_2827, %multiple_of3A_2821] : memref<64x1000000xf32, #tpu.memory_space<hbm>> -> memref<8x128xf32, #tpu.memory_space<hbm>>
        %dma_start3A_2829 = arith.constant 0 : i32
        %dma_start3A_2830 = arith.constant 0 : i32
        %dma_start3A_2831 = tpu.memref_slice %arg6[%dma_start3A_2822, %dma_start3A_2829, %dma_start3A_2830] : memref<8x64x128xf32, #tpu.memory_space<vmem>> -> memref<1x8x128xf32, #tpu.memory_space<vmem>>
        %dma_start3A_2832 = tpu.memref_squeeze %dma_start3A_2831 : memref<1x8x128xf32, #tpu.memory_space<vmem>> -> memref<8x128xf32, #tpu.memory_space<vmem>>
        %dma_start3A_2833 = arith.constant 0 : i32
        %dma_start3A_2834 = tpu.memref_slice %arg3[%dma_start3A_2833, %multiple_of3A_2821] : memref<64x1000000xf32, #tpu.memory_space<hbm>> -> memref<8x128xf32, #tpu.memory_space<hbm>>
        tpu.enqueue_dma source(%dma_start3A_2834 : memref<8x128xf32, #tpu.memory_space<hbm>>) target(%dma_start3A_2832 : memref<8x128xf32, #tpu.memory_space<vmem>>) target_semaphore(%arg8 : memref<!tpu.dma_semaphore, #tpu.memory_space<semaphore_mem>>)
        %dma_start3A_2835 = arith.constant 3 : i32
        %dma_start3A_2836 = arith.constant 8 : i32
        %dma_start3A_2837 = arith.constant 0 : i32
        %dma_start3A_2838 = tpu.memref_slice %arg6[%dma_start3A_2835, %dma_start3A_2836, %dma_start3A_2837] : memref<8x64x128xf32, #tpu.memory_space<vmem>> -> memref<1x8x128xf32, #tpu.memory_space<vmem>>
        %dma_start3A_2839 = tpu.memref_squeeze %dma_start3A_2838 : memref<1x8x128xf32, #tpu.memory_space<vmem>> -> memref<8x128xf32, #tpu.memory_space<vmem>>
        %dma_start3A_2840 = arith.constant 8 : i32
        %dma_start3A_2841 = tpu.memref_slice %arg3[%dma_start3A_2840, %multiple_of3A_2821] : memref<64x1000000xf32, #tpu.memory_space<hbm>> -> memref<8x128xf32, #tpu.memory_space<hbm>>
        %dma_start3A_2842 = arith.constant 8 : i32
        %dma_start3A_2843 = arith.constant 0 : i32
        %dma_start3A_2844 = tpu.memref_slice %arg6[%dma_start3A_2835, %dma_start3A_2842, %dma_start3A_2843] : memref<8x64x128xf32, #tpu.memory_space<vmem>> -> memref<1x8x128xf32, #tpu.memory_space<vmem>>
        %dma_start3A_2845 = tpu.memref_squeeze %dma_start3A_2844 : memref<1x8x128xf32, #tpu.memory_space<vmem>> -> memref<8x128xf32, #tpu.memory_space<vmem>>
        %dma_start3A_2846 = arith.constant 8 : i32
        %dma_start3A_2847 = tpu.memref_slice %arg3[%dma_start3A_2846, %multiple_of3A_2821] : memref<64x1000000xf32, #tpu.memory_space<hbm>> -> memref<8x128xf32, #tpu.memory_space<hbm>>
        tpu.enqueue_dma source(%dma_start3A_2847 : memref<8x128xf32, #tpu.memory_space<hbm>>) target(%dma_start3A_2845 : memref<8x128xf32, #tpu.memory_space<vmem>>) target_semaphore(%arg8 : memref<!tpu.dma_semaphore, #tpu.memory_space<semaphore_mem>>)
        %dma_start3A_2848 = arith.constant 3 : i32
        %dma_start3A_2849 = arith.constant 16 : i32
        %dma_start3A_2850 = arith.constant 0 : i32
        %dma_start3A_2851 = tpu.memref_slice %arg6[%dma_start3A_2848, %dma_start3A_2849, %dma_start3A_2850] : memref<8x64x128xf32, #tpu.memory_space<vmem>> -> memref<1x8x128xf32, #tpu.memory_space<vmem>>
        %dma_start3A_2852 = tpu.memref_squeeze %dma_start3A_2851 : memref<1x8x128xf32, #tpu.memory_space<vmem>> -> memref<8x128xf32, #tpu.memory_space<vmem>>
        %dma_start3A_2853 = arith.constant 16 : i32
        %dma_start3A_2854 = tpu.memref_slice %arg3[%dma_start3A_2853, %multiple_of3A_2821] : memref<64x1000000xf32, #tpu.memory_space<hbm>> -> memref<8x128xf32, #tpu.memory_space<hbm>>
        %dma_start3A_2855 = arith.constant 16 : i32
        %dma_start3A_2856 = arith.constant 0 : i32
        %dma_start3A_2857 = tpu.memref_slice %arg6[%dma_start3A_2848, %dma_start3A_2855, %dma_start3A_2856] : memref<8x64x128xf32, #tpu.memory_space<vmem>> -> memref<1x8x128xf32, #tpu.memory_space<vmem>>
        %dma_start3A_2858 = tpu.memref_squeeze %dma_start3A_2857 : memref<1x8x128xf32, #tpu.memory_space<vmem>> -> memref<8x128xf32, #tpu.memory_space<vmem>>
        %dma_start3A_2859 = arith.constant 16 : i32
        %dma_start3A_2860 = tpu.memref_slice %arg3[%dma_start3A_2859, %multiple_of3A_2821] : memref<64x1000000xf32, #tpu.memory_space<hbm>> -> memref<8x128xf32, #tpu.memory_space<hbm>>
        tpu.enqueue_dma source(%dma_start3A_2860 : memref<8x128xf32, #tpu.memory_space<hbm>>) target(%dma_start3A_2858 : memref<8x128xf32, #tpu.memory_space<vmem>>) target_semaphore(%arg8 : memref<!tpu.dma_semaphore, #tpu.memory_space<semaphore_mem>>)
        %dma_start3A_2861 = arith.constant 3 : i32
        %dma_start3A_2862 = arith.constant 24 : i32
        %dma_start3A_2863 = arith.constant 0 : i32
        %dma_start3A_2864 = tpu.memref_slice %arg6[%dma_start3A_2861, %dma_start3A_2862, %dma_start3A_2863] : memref<8x64x128xf32, #tpu.memory_space<vmem>> -> memref<1x8x128xf32, #tpu.memory_space<vmem>>
        %dma_start3A_2865 = tpu.memref_squeeze %dma_start3A_2864 : memref<1x8x128xf32, #tpu.memory_space<vmem>> -> memref<8x128xf32, #tpu.memory_space<vmem>>
        %dma_start3A_2866 = arith.constant 24 : i32
        %dma_start3A_2867 = tpu.memref_slice %arg3[%dma_start3A_2866, %multiple_of3A_2821] : memref<64x1000000xf32, #tpu.memory_space<hbm>> -> memref<8x128xf32, #tpu.memory_space<hbm>>
        %dma_start3A_2868 = arith.constant 24 : i32
        %dma_start3A_2869 = arith.constant 0 : i32
        %dma_start3A_2870 = tpu.memref_slice %arg6[%dma_start3A_2861, %dma_start3A_2868, %dma_start3A_2869] : memref<8x64x128xf32, #tpu.memory_space<vmem>> -> memref<1x8x128xf32, #tpu.memory_space<vmem>>
        %dma_start3A_2871 = tpu.memref_squeeze %dma_start3A_2870 : memref<1x8x128xf32, #tpu.memory_space<vmem>> -> memref<8x128xf32, #tpu.memory_space<vmem>>
        %dma_start3A_2872 = arith.constant 24 : i32
        %dma_start3A_2873 = tpu.memref_slice %arg3[%dma_start3A_2872, %multiple_of3A_2821] : memref<64x1000000xf32, #tpu.memory_space<hbm>> -> memref<8x128xf32, #tpu.memory_space<hbm>>
        tpu.enqueue_dma source(%dma_start3A_2873 : memref<8x128xf32, #tpu.memory_space<hbm>>) target(%dma_start3A_2871 : memref<8x128xf32, #tpu.memory_space<vmem>>) target_semaphore(%arg8 : memref<!tpu.dma_semaphore, #tpu.memory_space<semaphore_mem>>)
        %dma_start3A_2874 = arith.constant 3 : i32
        %dma_start3A_2875 = arith.constant 32 : i32
        %dma_start3A_2876 = arith.constant 0 : i32
        %dma_start3A_2877 = tpu.memref_slice %arg6[%dma_start3A_2874, %dma_start3A_2875, %dma_start3A_2876] : memref<8x64x128xf32, #tpu.memory_space<vmem>> -> memref<1x8x128xf32, #tpu.memory_space<vmem>>
        %dma_start3A_2878 = tpu.memref_squeeze %dma_start3A_2877 : memref<1x8x128xf32, #tpu.memory_space<vmem>> -> memref<8x128xf32, #tpu.memory_space<vmem>>
        %dma_start3A_2879 = arith.constant 32 : i32
        %dma_start3A_2880 = tpu.memref_slice %arg3[%dma_start3A_2879, %multiple_of3A_2821] : memref<64x1000000xf32, #tpu.memory_space<hbm>> -> memref<8x128xf32, #tpu.memory_space<hbm>>
        %dma_start3A_2881 = arith.constant 32 : i32
        %dma_start3A_2882 = arith.constant 0 : i32
        %dma_start3A_2883 = tpu.memref_slice %arg6[%dma_start3A_2874, %dma_start3A_2881, %dma_start3A_2882] : memref<8x64x128xf32, #tpu.memory_space<vmem>> -> memref<1x8x128xf32, #tpu.memory_space<vmem>>
        %dma_start3A_2884 = tpu.memref_squeeze %dma_start3A_2883 : memref<1x8x128xf32, #tpu.memory_space<vmem>> -> memref<8x128xf32, #tpu.memory_space<vmem>>
        %dma_start3A_2885 = arith.constant 32 : i32
        %dma_start3A_2886 = tpu.memref_slice %arg3[%dma_start3A_2885, %multiple_of3A_2821] : memref<64x1000000xf32, #tpu.memory_space<hbm>> -> memref<8x128xf32, #tpu.memory_space<hbm>>
        tpu.enqueue_dma source(%dma_start3A_2886 : memref<8x128xf32, #tpu.memory_space<hbm>>) target(%dma_start3A_2884 : memref<8x128xf32, #tpu.memory_space<vmem>>) target_semaphore(%arg8 : memref<!tpu.dma_semaphore, #tpu.memory_space<semaphore_mem>>)
        %dma_start3A_2887 = arith.constant 3 : i32
        %dma_start3A_2888 = arith.constant 40 : i32
        %dma_start3A_2889 = arith.constant 0 : i32
        %dma_start3A_2890 = tpu.memref_slice %arg6[%dma_start3A_2887, %dma_start3A_2888, %dma_start3A_2889] : memref<8x64x128xf32, #tpu.memory_space<vmem>> -> memref<1x8x128xf32, #tpu.memory_space<vmem>>
        %dma_start3A_2891 = tpu.memref_squeeze %dma_start3A_2890 : memref<1x8x128xf32, #tpu.memory_space<vmem>> -> memref<8x128xf32, #tpu.memory_space<vmem>>
        %dma_start3A_2892 = arith.constant 40 : i32
        %dma_start3A_2893 = tpu.memref_slice %arg3[%dma_start3A_2892, %multiple_of3A_2821] : memref<64x1000000xf32, #tpu.memory_space<hbm>> -> memref<8x128xf32, #tpu.memory_space<hbm>>
        %dma_start3A_2894 = arith.constant 40 : i32
        %dma_start3A_2895 = arith.constant 0 : i32
        %dma_start3A_2896 = tpu.memref_slice %arg6[%dma_start3A_2887, %dma_start3A_2894, %dma_start3A_2895] : memref<8x64x128xf32, #tpu.memory_space<vmem>> -> memref<1x8x128xf32, #tpu.memory_space<vmem>>
        %dma_start3A_2897 = tpu.memref_squeeze %dma_start3A_2896 : memref<1x8x128xf32, #tpu.memory_space<vmem>> -> memref<8x128xf32, #tpu.memory_space<vmem>>
        %dma_start3A_2898 = arith.constant 40 : i32
        %dma_start3A_2899 = tpu.memref_slice %arg3[%dma_start3A_2898, %multiple_of3A_2821] : memref<64x1000000xf32, #tpu.memory_space<hbm>> -> memref<8x128xf32, #tpu.memory_space<hbm>>
        tpu.enqueue_dma source(%dma_start3A_2899 : memref<8x128xf32, #tpu.memory_space<hbm>>) target(%dma_start3A_2897 : memref<8x128xf32, #tpu.memory_space<vmem>>) target_semaphore(%arg8 : memref<!tpu.dma_semaphore, #tpu.memory_space<semaphore_mem>>)
        %dma_start3A_2900 = arith.constant 3 : i32
        %dma_start3A_2901 = arith.constant 48 : i32
        %dma_start3A_2902 = arith.constant 0 : i32
        %dma_start3A_2903 = tpu.memref_slice %arg6[%dma_start3A_2900, %dma_start3A_2901, %dma_start3A_2902] : memref<8x64x128xf32, #tpu.memory_space<vmem>> -> memref<1x8x128xf32, #tpu.memory_space<vmem>>
        %dma_start3A_2904 = tpu.memref_squeeze %dma_start3A_2903 : memref<1x8x128xf32, #tpu.memory_space<vmem>> -> memref<8x128xf32, #tpu.memory_space<vmem>>
        %dma_start3A_2905 = arith.constant 48 : i32
        %dma_start3A_2906 = tpu.memref_slice %arg3[%dma_start3A_2905, %multiple_of3A_2821] : memref<64x1000000xf32, #tpu.memory_space<hbm>> -> memref<8x128xf32, #tpu.memory_space<hbm>>
        %dma_start3A_2907 = arith.constant 48 : i32
        %dma_start3A_2908 = arith.constant 0 : i32
        %dma_start3A_2909 = tpu.memref_slice %arg6[%dma_start3A_2900, %dma_start3A_2907, %dma_start3A_2908] : memref<8x64x128xf32, #tpu.memory_space<vmem>> -> memref<1x8x128xf32, #tpu.memory_space<vmem>>
        %dma_start3A_2910 = tpu.memref_squeeze %dma_start3A_2909 : memref<1x8x128xf32, #tpu.memory_space<vmem>> -> memref<8x128xf32, #tpu.memory_space<vmem>>
        %dma_start3A_2911 = arith.constant 48 : i32
        %dma_start3A_2912 = tpu.memref_slice %arg3[%dma_start3A_2911, %multiple_of3A_2821] : memref<64x1000000xf32, #tpu.memory_space<hbm>> -> memref<8x128xf32, #tpu.memory_space<hbm>>
        tpu.enqueue_dma source(%dma_start3A_2912 : memref<8x128xf32, #tpu.memory_space<hbm>>) target(%dma_start3A_2910 : memref<8x128xf32, #tpu.memory_space<vmem>>) target_semaphore(%arg8 : memref<!tpu.dma_semaphore, #tpu.memory_space<semaphore_mem>>)
        %dma_start3A_2913 = arith.constant 3 : i32
        %dma_start3A_2914 = arith.constant 56 : i32
        %dma_start3A_2915 = arith.constant 0 : i32
        %dma_start3A_2916 = tpu.memref_slice %arg6[%dma_start3A_2913, %dma_start3A_2914, %dma_start3A_2915] : memref<8x64x128xf32, #tpu.memory_space<vmem>> -> memref<1x8x128xf32, #tpu.memory_space<vmem>>
        %dma_start3A_2917 = tpu.memref_squeeze %dma_start3A_2916 : memref<1x8x128xf32, #tpu.memory_space<vmem>> -> memref<8x128xf32, #tpu.memory_space<vmem>>
        %dma_start3A_2918 = arith.constant 56 : i32
        %dma_start3A_2919 = tpu.memref_slice %arg3[%dma_start3A_2918, %multiple_of3A_2821] : memref<64x1000000xf32, #tpu.memory_space<hbm>> -> memref<8x128xf32, #tpu.memory_space<hbm>>
        %dma_start3A_2920 = arith.constant 56 : i32
        %dma_start3A_2921 = arith.constant 0 : i32
        %dma_start3A_2922 = tpu.memref_slice %arg6[%dma_start3A_2913, %dma_start3A_2920, %dma_start3A_2921] : memref<8x64x128xf32, #tpu.memory_space<vmem>> -> memref<1x8x128xf32, #tpu.memory_space<vmem>>
        %dma_start3A_2923 = tpu.memref_squeeze %dma_start3A_2922 : memref<1x8x128xf32, #tpu.memory_space<vmem>> -> memref<8x128xf32, #tpu.memory_space<vmem>>
        %dma_start3A_2924 = arith.constant 56 : i32
        %dma_start3A_2925 = tpu.memref_slice %arg3[%dma_start3A_2924, %multiple_of3A_2821] : memref<64x1000000xf32, #tpu.memory_space<hbm>> -> memref<8x128xf32, #tpu.memory_space<hbm>>
        tpu.enqueue_dma source(%dma_start3A_2925 : memref<8x128xf32, #tpu.memory_space<hbm>>) target(%dma_start3A_2923 : memref<8x128xf32, #tpu.memory_space<vmem>>) target_semaphore(%arg8 : memref<!tpu.dma_semaphore, #tpu.memory_space<semaphore_mem>>)
      } else {
      }
      %dma_wait3A_2307 = arith.constant 0 : i32
      %dma_wait3A_2308 = arith.constant 0 : i32
      %dma_wait3A_2309 = arith.constant 0 : i32
      %dma_wait3A_2310 = tpu.memref_slice %arg6[%dma_wait3A_2307, %dma_wait3A_2308, %dma_wait3A_2309] : memref<8x64x128xf32, #tpu.memory_space<vmem>> -> memref<1x64x128xf32, #tpu.memory_space<vmem>>
      %dma_wait3A_2311 = tpu.memref_squeeze %dma_wait3A_2310 : memref<1x64x128xf32, #tpu.memory_space<vmem>> -> memref<64x128xf32, #tpu.memory_space<vmem>>
      %dma_wait3A_2312 = arith.constant 0 : i32
      %dma_wait3A_2313 = arith.constant 0 : i32
      %dma_wait3A_2314 = tpu.memref_slice %arg3[%dma_wait3A_2312, %dma_wait3A_2313] : memref<64x1000000xf32, #tpu.memory_space<hbm>> -> memref<64x128xf32, #tpu.memory_space<hbm>>
      %dma_wait3A_2315 = arith.constant 0 : i32
      %dma_wait3A_2316 = arith.constant 0 : i32
      %dma_wait3A_2317 = tpu.memref_slice %arg6[%dma_wait3A_2307, %dma_wait3A_2315, %dma_wait3A_2316] : memref<8x64x128xf32, #tpu.memory_space<vmem>> -> memref<1x64x128xf32, #tpu.memory_space<vmem>>
      %dma_wait3A_2318 = tpu.memref_squeeze %dma_wait3A_2317 : memref<1x64x128xf32, #tpu.memory_space<vmem>> -> memref<64x128xf32, #tpu.memory_space<vmem>>
      %dma_wait3A_2319 = arith.constant 0 : i32
      %dma_wait3A_2320 = arith.constant 0 : i32
      %dma_wait3A_2321 = tpu.memref_slice %arg3[%dma_wait3A_2319, %dma_wait3A_2320] : memref<64x1000000xf32, #tpu.memory_space<hbm>> -> memref<64x128xf32, #tpu.memory_space<hbm>>
      tpu.wait_dma2 semaphore(%arg9 : memref<!tpu.dma_semaphore, #tpu.memory_space<semaphore_mem>>) src(%dma_wait3A_2321 : memref<64x128xf32, #tpu.memory_space<hbm>>) dst(%dma_wait3A_2318 : memref<64x128xf32, #tpu.memory_space<vmem>>)
      %dma_wait3A_2322 = arith.constant 0 : i32
      %dma_wait3A_2323 = arith.constant 0 : i32
      %dma_wait3A_2324 = arith.constant 0 : i32
      %dma_wait3A_2325 = tpu.memref_slice %arg6[%dma_wait3A_2322, %dma_wait3A_2323, %dma_wait3A_2324] : memref<8x64x128xf32, #tpu.memory_space<vmem>> -> memref<1x64x128xf32, #tpu.memory_space<vmem>>
      %dma_wait3A_2326 = tpu.memref_squeeze %dma_wait3A_2325 : memref<1x64x128xf32, #tpu.memory_space<vmem>> -> memref<64x128xf32, #tpu.memory_space<vmem>>
      %dma_wait3A_2327 = arith.constant 0 : i32
      %dma_wait3A_2328 = arith.constant 0 : i32
      %dma_wait3A_2329 = tpu.memref_slice %arg3[%dma_wait3A_2327, %dma_wait3A_2328] : memref<64x1000000xf32, #tpu.memory_space<hbm>> -> memref<64x128xf32, #tpu.memory_space<hbm>>
      %dma_wait3A_2330 = arith.constant 0 : i32
      %dma_wait3A_2331 = arith.constant 0 : i32
      %dma_wait3A_2332 = tpu.memref_slice %arg6[%dma_wait3A_2322, %dma_wait3A_2330, %dma_wait3A_2331] : memref<8x64x128xf32, #tpu.memory_space<vmem>> -> memref<1x64x128xf32, #tpu.memory_space<vmem>>
      %dma_wait3A_2333 = tpu.memref_squeeze %dma_wait3A_2332 : memref<1x64x128xf32, #tpu.memory_space<vmem>> -> memref<64x128xf32, #tpu.memory_space<vmem>>
      %dma_wait3A_2334 = arith.constant 0 : i32
      %dma_wait3A_2335 = arith.constant 0 : i32
      %dma_wait3A_2336 = tpu.memref_slice %arg3[%dma_wait3A_2334, %dma_wait3A_2335] : memref<64x1000000xf32, #tpu.memory_space<hbm>> -> memref<64x128xf32, #tpu.memory_space<hbm>>
      tpu.wait_dma2 semaphore(%arg9 : memref<!tpu.dma_semaphore, #tpu.memory_space<semaphore_mem>>) src(%dma_wait3A_2336 : memref<64x128xf32, #tpu.memory_space<hbm>>) dst(%dma_wait3A_2333 : memref<64x128xf32, #tpu.memory_space<vmem>>)
      %dma_wait3A_2337 = arith.constant 0 : i32
      %dma_wait3A_2338 = arith.constant 0 : i32
      %dma_wait3A_2339 = arith.constant 0 : i32
      %dma_wait3A_2340 = tpu.memref_slice %arg6[%dma_wait3A_2337, %dma_wait3A_2338, %dma_wait3A_2339] : memref<8x64x128xf32, #tpu.memory_space<vmem>> -> memref<1x64x128xf32, #tpu.memory_space<vmem>>
      %dma_wait3A_2341 = tpu.memref_squeeze %dma_wait3A_2340 : memref<1x64x128xf32, #tpu.memory_space<vmem>> -> memref<64x128xf32, #tpu.memory_space<vmem>>
      %dma_wait3A_2342 = arith.constant 0 : i32
      %dma_wait3A_2343 = arith.constant 0 : i32
      %dma_wait3A_2344 = tpu.memref_slice %arg3[%dma_wait3A_2342, %dma_wait3A_2343] : memref<64x1000000xf32, #tpu.memory_space<hbm>> -> memref<64x128xf32, #tpu.memory_space<hbm>>
      %dma_wait3A_2345 = arith.constant 0 : i32
      %dma_wait3A_2346 = arith.constant 0 : i32
      %dma_wait3A_2347 = tpu.memref_slice %arg6[%dma_wait3A_2337, %dma_wait3A_2345, %dma_wait3A_2346] : memref<8x64x128xf32, #tpu.memory_space<vmem>> -> memref<1x64x128xf32, #tpu.memory_space<vmem>>
      %dma_wait3A_2348 = tpu.memref_squeeze %dma_wait3A_2347 : memref<1x64x128xf32, #tpu.memory_space<vmem>> -> memref<64x128xf32, #tpu.memory_space<vmem>>
      %dma_wait3A_2349 = arith.constant 0 : i32
      %dma_wait3A_2350 = arith.constant 0 : i32
      %dma_wait3A_2351 = tpu.memref_slice %arg3[%dma_wait3A_2349, %dma_wait3A_2350] : memref<64x1000000xf32, #tpu.memory_space<hbm>> -> memref<64x128xf32, #tpu.memory_space<hbm>>
      tpu.wait_dma2 semaphore(%arg9 : memref<!tpu.dma_semaphore, #tpu.memory_space<semaphore_mem>>) src(%dma_wait3A_2351 : memref<64x128xf32, #tpu.memory_space<hbm>>) dst(%dma_wait3A_2348 : memref<64x128xf32, #tpu.memory_space<vmem>>)
      %dma_wait3A_2352 = arith.constant 0 : i32
      %dma_wait3A_2353 = arith.constant 0 : i32
      %dma_wait3A_2354 = arith.constant 0 : i32
      %dma_wait3A_2355 = tpu.memref_slice %arg6[%dma_wait3A_2352, %dma_wait3A_2353, %dma_wait3A_2354] : memref<8x64x128xf32, #tpu.memory_space<vmem>> -> memref<1x64x128xf32, #tpu.memory_space<vmem>>
      %dma_wait3A_2356 = tpu.memref_squeeze %dma_wait3A_2355 : memref<1x64x128xf32, #tpu.memory_space<vmem>> -> memref<64x128xf32, #tpu.memory_space<vmem>>
      %dma_wait3A_2357 = arith.constant 0 : i32
      %dma_wait3A_2358 = arith.constant 0 : i32
      %dma_wait3A_2359 = tpu.memref_slice %arg3[%dma_wait3A_2357, %dma_wait3A_2358] : memref<64x1000000xf32, #tpu.memory_space<hbm>> -> memref<64x128xf32, #tpu.memory_space<hbm>>
      %dma_wait3A_2360 = arith.constant 0 : i32
      %dma_wait3A_2361 = arith.constant 0 : i32
      %dma_wait3A_2362 = tpu.memref_slice %arg6[%dma_wait3A_2352, %dma_wait3A_2360, %dma_wait3A_2361] : memref<8x64x128xf32, #tpu.memory_space<vmem>> -> memref<1x64x128xf32, #tpu.memory_space<vmem>>
      %dma_wait3A_2363 = tpu.memref_squeeze %dma_wait3A_2362 : memref<1x64x128xf32, #tpu.memory_space<vmem>> -> memref<64x128xf32, #tpu.memory_space<vmem>>
      %dma_wait3A_2364 = arith.constant 0 : i32
      %dma_wait3A_2365 = arith.constant 0 : i32
      %dma_wait3A_2366 = tpu.memref_slice %arg3[%dma_wait3A_2364, %dma_wait3A_2365] : memref<64x1000000xf32, #tpu.memory_space<hbm>> -> memref<64x128xf32, #tpu.memory_space<hbm>>
      tpu.wait_dma2 semaphore(%arg9 : memref<!tpu.dma_semaphore, #tpu.memory_space<semaphore_mem>>) src(%dma_wait3A_2366 : memref<64x128xf32, #tpu.memory_space<hbm>>) dst(%dma_wait3A_2363 : memref<64x128xf32, #tpu.memory_space<vmem>>)
      %slice3A_2367 = vector.extract_strided_slice %get3A_896 {offsets = [12], sizes = [1], strides = [1]} : vector<16xi32> to vector<1xi32>
      %squeeze3A_2368 = vector.extract %slice3A_2367[0] : i32 from vector<1xi32>
      %and3A_2369 = arith.constant 127 : i32
      %and3A_2370 = arith.andi %squeeze3A_2368, %and3A_2369 : i32
      %broadcast_in_dim3A_2371 = vector.broadcast %and3A_2370 : i32 to vector<16xi32>
      %add3A_2372 = arith.constant 12 : i32
      %add3A_2373 = arith.addi %multiple_of3A_894, %add3A_2372 : i32
      %add3A_2374 = arith.constant 0 : i32
      %add3A_2375 = arith.addi %add3A_2373, %add3A_2374 : i32
      %broadcast_in_dim3A_2376 = vector.broadcast %add3A_2375 : i32 to vector<16xi32>
      %broadcast_in_dim3A_2377 = arith.constant 4 : i32
      %broadcast_in_dim3A_2378 = vector.broadcast %broadcast_in_dim3A_2377 : i32 to vector<16xi32>
      %add3A_2379 = arith.constant 0 : i32
      %add3A_2380 = vector.broadcast %add3A_2379 : i32 to vector<16xi32>
      %add3A_2381 = arith.addi %iota3A, %add3A_2380 : vector<16xi32>
      %gather3A_2382 = tpu.vector_load_idx %arg6[%broadcast_in_dim3A_2378, %add3A_2381, %broadcast_in_dim3A_2371] : memref<8x64x128xf32, #tpu.memory_space<vmem>>[vector<16xi32>, vector<16xi32>, vector<16xi32>], vector<16xf32>,
      tpu.vector_store_idx %arg7[%add3A_2381, %broadcast_in_dim3A_2376], %gather3A_2382 : memref<64x128xf32, #tpu.memory_space<vmem>>[vector<16xi32>, vector<16xi32>], vector<16xf32>,
      %add3A_2383 = arith.constant 16 : i32
      %add3A_2384 = vector.broadcast %add3A_2383 : i32 to vector<16xi32>
      %add3A_2385 = arith.addi %iota3A, %add3A_2384 : vector<16xi32>
      %gather3A_2386 = tpu.vector_load_idx %arg6[%broadcast_in_dim3A_2378, %add3A_2385, %broadcast_in_dim3A_2371] : memref<8x64x128xf32, #tpu.memory_space<vmem>>[vector<16xi32>, vector<16xi32>, vector<16xi32>], vector<16xf32>,
      tpu.vector_store_idx %arg7[%add3A_2385, %broadcast_in_dim3A_2376], %gather3A_2386 : memref<64x128xf32, #tpu.memory_space<vmem>>[vector<16xi32>, vector<16xi32>], vector<16xf32>,
      %add3A_2387 = arith.constant 32 : i32
      %add3A_2388 = vector.broadcast %add3A_2387 : i32 to vector<16xi32>
      %add3A_2389 = arith.addi %iota3A, %add3A_2388 : vector<16xi32>
      %gather3A_2390 = tpu.vector_load_idx %arg6[%broadcast_in_dim3A_2378, %add3A_2389, %broadcast_in_dim3A_2371] : memref<8x64x128xf32, #tpu.memory_space<vmem>>[vector<16xi32>, vector<16xi32>, vector<16xi32>], vector<16xf32>,
      tpu.vector_store_idx %arg7[%add3A_2389, %broadcast_in_dim3A_2376], %gather3A_2390 : memref<64x128xf32, #tpu.memory_space<vmem>>[vector<16xi32>, vector<16xi32>], vector<16xf32>,
      %add3A_2391 = arith.constant 48 : i32
      %add3A_2392 = vector.broadcast %add3A_2391 : i32 to vector<16xi32>
      %add3A_2393 = arith.addi %iota3A, %add3A_2392 : vector<16xi32>
      %gather3A_2394 = tpu.vector_load_idx %arg6[%broadcast_in_dim3A_2378, %add3A_2393, %broadcast_in_dim3A_2371] : memref<8x64x128xf32, #tpu.memory_space<vmem>>[vector<16xi32>, vector<16xi32>, vector<16xi32>], vector<16xf32>,
      tpu.vector_store_idx %arg7[%add3A_2393, %broadcast_in_dim3A_2376], %gather3A_2394 : memref<64x128xf32, #tpu.memory_space<vmem>>[vector<16xi32>, vector<16xi32>], vector<16xf32>,
      %slice3A_2395 = vector.extract_strided_slice %get3A_896 {offsets = [13], sizes = [1], strides = [1]} : vector<16xi32> to vector<1xi32>
      %squeeze3A_2396 = vector.extract %slice3A_2395[0] : i32 from vector<1xi32>
      %and3A_2397 = arith.constant 127 : i32
      %and3A_2398 = arith.andi %squeeze3A_2396, %and3A_2397 : i32
      %broadcast_in_dim3A_2399 = vector.broadcast %and3A_2398 : i32 to vector<16xi32>
      %add3A_2400 = arith.constant 12 : i32
      %add3A_2401 = arith.addi %multiple_of3A_894, %add3A_2400 : i32
      %add3A_2402 = arith.constant 1 : i32
      %add3A_2403 = arith.addi %add3A_2401, %add3A_2402 : i32
      %broadcast_in_dim3A_2404 = vector.broadcast %add3A_2403 : i32 to vector<16xi32>
      %broadcast_in_dim3A_2405 = arith.constant 5 : i32
      %broadcast_in_dim3A_2406 = vector.broadcast %broadcast_in_dim3A_2405 : i32 to vector<16xi32>
      %add3A_2407 = arith.constant 0 : i32
      %add3A_2408 = vector.broadcast %add3A_2407 : i32 to vector<16xi32>
      %add3A_2409 = arith.addi %iota3A, %add3A_2408 : vector<16xi32>
      %gather3A_2410 = tpu.vector_load_idx %arg6[%broadcast_in_dim3A_2406, %add3A_2409, %broadcast_in_dim3A_2399] : memref<8x64x128xf32, #tpu.memory_space<vmem>>[vector<16xi32>, vector<16xi32>, vector<16xi32>], vector<16xf32>,
      tpu.vector_store_idx %arg7[%add3A_2409, %broadcast_in_dim3A_2404], %gather3A_2410 : memref<64x128xf32, #tpu.memory_space<vmem>>[vector<16xi32>, vector<16xi32>], vector<16xf32>,
      %add3A_2411 = arith.constant 16 : i32
      %add3A_2412 = vector.broadcast %add3A_2411 : i32 to vector<16xi32>
      %add3A_2413 = arith.addi %iota3A, %add3A_2412 : vector<16xi32>
      %gather3A_2414 = tpu.vector_load_idx %arg6[%broadcast_in_dim3A_2406, %add3A_2413, %broadcast_in_dim3A_2399] : memref<8x64x128xf32, #tpu.memory_space<vmem>>[vector<16xi32>, vector<16xi32>, vector<16xi32>], vector<16xf32>,
      tpu.vector_store_idx %arg7[%add3A_2413, %broadcast_in_dim3A_2404], %gather3A_2414 : memref<64x128xf32, #tpu.memory_space<vmem>>[vector<16xi32>, vector<16xi32>], vector<16xf32>,
      %add3A_2415 = arith.constant 32 : i32
      %add3A_2416 = vector.broadcast %add3A_2415 : i32 to vector<16xi32>
      %add3A_2417 = arith.addi %iota3A, %add3A_2416 : vector<16xi32>
      %gather3A_2418 = tpu.vector_load_idx %arg6[%broadcast_in_dim3A_2406, %add3A_2417, %broadcast_in_dim3A_2399] : memref<8x64x128xf32, #tpu.memory_space<vmem>>[vector<16xi32>, vector<16xi32>, vector<16xi32>], vector<16xf32>,
      tpu.vector_store_idx %arg7[%add3A_2417, %broadcast_in_dim3A_2404], %gather3A_2418 : memref<64x128xf32, #tpu.memory_space<vmem>>[vector<16xi32>, vector<16xi32>], vector<16xf32>,
      %add3A_2419 = arith.constant 48 : i32
      %add3A_2420 = vector.broadcast %add3A_2419 : i32 to vector<16xi32>
      %add3A_2421 = arith.addi %iota3A, %add3A_2420 : vector<16xi32>
      %gather3A_2422 = tpu.vector_load_idx %arg6[%broadcast_in_dim3A_2406, %add3A_2421, %broadcast_in_dim3A_2399] : memref<8x64x128xf32, #tpu.memory_space<vmem>>[vector<16xi32>, vector<16xi32>, vector<16xi32>], vector<16xf32>,
      tpu.vector_store_idx %arg7[%add3A_2421, %broadcast_in_dim3A_2404], %gather3A_2422 : memref<64x128xf32, #tpu.memory_space<vmem>>[vector<16xi32>, vector<16xi32>], vector<16xf32>,
      %slice3A_2423 = vector.extract_strided_slice %get3A_896 {offsets = [14], sizes = [1], strides = [1]} : vector<16xi32> to vector<1xi32>
      %squeeze3A_2424 = vector.extract %slice3A_2423[0] : i32 from vector<1xi32>
      %and3A_2425 = arith.constant 127 : i32
      %and3A_2426 = arith.andi %squeeze3A_2424, %and3A_2425 : i32
      %broadcast_in_dim3A_2427 = vector.broadcast %and3A_2426 : i32 to vector<16xi32>
      %add3A_2428 = arith.constant 12 : i32
      %add3A_2429 = arith.addi %multiple_of3A_894, %add3A_2428 : i32
      %add3A_2430 = arith.constant 2 : i32
      %add3A_2431 = arith.addi %add3A_2429, %add3A_2430 : i32
      %broadcast_in_dim3A_2432 = vector.broadcast %add3A_2431 : i32 to vector<16xi32>
      %broadcast_in_dim3A_2433 = arith.constant 6 : i32
      %broadcast_in_dim3A_2434 = vector.broadcast %broadcast_in_dim3A_2433 : i32 to vector<16xi32>
      %add3A_2435 = arith.constant 0 : i32
      %add3A_2436 = vector.broadcast %add3A_2435 : i32 to vector<16xi32>
      %add3A_2437 = arith.addi %iota3A, %add3A_2436 : vector<16xi32>
      %gather3A_2438 = tpu.vector_load_idx %arg6[%broadcast_in_dim3A_2434, %add3A_2437, %broadcast_in_dim3A_2427] : memref<8x64x128xf32, #tpu.memory_space<vmem>>[vector<16xi32>, vector<16xi32>, vector<16xi32>], vector<16xf32>,
      tpu.vector_store_idx %arg7[%add3A_2437, %broadcast_in_dim3A_2432], %gather3A_2438 : memref<64x128xf32, #tpu.memory_space<vmem>>[vector<16xi32>, vector<16xi32>], vector<16xf32>,
      %add3A_2439 = arith.constant 16 : i32
      %add3A_2440 = vector.broadcast %add3A_2439 : i32 to vector<16xi32>
      %add3A_2441 = arith.addi %iota3A, %add3A_2440 : vector<16xi32>
      %gather3A_2442 = tpu.vector_load_idx %arg6[%broadcast_in_dim3A_2434, %add3A_2441, %broadcast_in_dim3A_2427] : memref<8x64x128xf32, #tpu.memory_space<vmem>>[vector<16xi32>, vector<16xi32>, vector<16xi32>], vector<16xf32>,
      tpu.vector_store_idx %arg7[%add3A_2441, %broadcast_in_dim3A_2432], %gather3A_2442 : memref<64x128xf32, #tpu.memory_space<vmem>>[vector<16xi32>, vector<16xi32>], vector<16xf32>,
      %add3A_2443 = arith.constant 32 : i32
      %add3A_2444 = vector.broadcast %add3A_2443 : i32 to vector<16xi32>
      %add3A_2445 = arith.addi %iota3A, %add3A_2444 : vector<16xi32>
      %gather3A_2446 = tpu.vector_load_idx %arg6[%broadcast_in_dim3A_2434, %add3A_2445, %broadcast_in_dim3A_2427] : memref<8x64x128xf32, #tpu.memory_space<vmem>>[vector<16xi32>, vector<16xi32>, vector<16xi32>], vector<16xf32>,
      tpu.vector_store_idx %arg7[%add3A_2445, %broadcast_in_dim3A_2432], %gather3A_2446 : memref<64x128xf32, #tpu.memory_space<vmem>>[vector<16xi32>, vector<16xi32>], vector<16xf32>,
      %add3A_2447 = arith.constant 48 : i32
      %add3A_2448 = vector.broadcast %add3A_2447 : i32 to vector<16xi32>
      %add3A_2449 = arith.addi %iota3A, %add3A_2448 : vector<16xi32>
      %gather3A_2450 = tpu.vector_load_idx %arg6[%broadcast_in_dim3A_2434, %add3A_2449, %broadcast_in_dim3A_2427] : memref<8x64x128xf32, #tpu.memory_space<vmem>>[vector<16xi32>, vector<16xi32>, vector<16xi32>], vector<16xf32>,
      tpu.vector_store_idx %arg7[%add3A_2449, %broadcast_in_dim3A_2432], %gather3A_2450 : memref<64x128xf32, #tpu.memory_space<vmem>>[vector<16xi32>, vector<16xi32>], vector<16xf32>,
      %slice3A_2451 = vector.extract_strided_slice %get3A_896 {offsets = [15], sizes = [1], strides = [1]} : vector<16xi32> to vector<1xi32>
      %squeeze3A_2452 = vector.extract %slice3A_2451[0] : i32 from vector<1xi32>
      %and3A_2453 = arith.constant 127 : i32
      %and3A_2454 = arith.andi %squeeze3A_2452, %and3A_2453 : i32
      %broadcast_in_dim3A_2455 = vector.broadcast %and3A_2454 : i32 to vector<16xi32>
      %add3A_2456 = arith.constant 12 : i32
      %add3A_2457 = arith.addi %multiple_of3A_894, %add3A_2456 : i32
      %add3A_2458 = arith.constant 3 : i32
      %add3A_2459 = arith.addi %add3A_2457, %add3A_2458 : i32
      %broadcast_in_dim3A_2460 = vector.broadcast %add3A_2459 : i32 to vector<16xi32>
      %broadcast_in_dim3A_2461 = arith.constant 7 : i32
      %broadcast_in_dim3A_2462 = vector.broadcast %broadcast_in_dim3A_2461 : i32 to vector<16xi32>
      %add3A_2463 = arith.constant 0 : i32
      %add3A_2464 = vector.broadcast %add3A_2463 : i32 to vector<16xi32>
      %add3A_2465 = arith.addi %iota3A, %add3A_2464 : vector<16xi32>
      %gather3A_2466 = tpu.vector_load_idx %arg6[%broadcast_in_dim3A_2462, %add3A_2465, %broadcast_in_dim3A_2455] : memref<8x64x128xf32, #tpu.memory_space<vmem>>[vector<16xi32>, vector<16xi32>, vector<16xi32>], vector<16xf32>,
      tpu.vector_store_idx %arg7[%add3A_2465, %broadcast_in_dim3A_2460], %gather3A_2466 : memref<64x128xf32, #tpu.memory_space<vmem>>[vector<16xi32>, vector<16xi32>], vector<16xf32>,
      %add3A_2467 = arith.constant 16 : i32
      %add3A_2468 = vector.broadcast %add3A_2467 : i32 to vector<16xi32>
      %add3A_2469 = arith.addi %iota3A, %add3A_2468 : vector<16xi32>
      %gather3A_2470 = tpu.vector_load_idx %arg6[%broadcast_in_dim3A_2462, %add3A_2469, %broadcast_in_dim3A_2455] : memref<8x64x128xf32, #tpu.memory_space<vmem>>[vector<16xi32>, vector<16xi32>, vector<16xi32>], vector<16xf32>,
      tpu.vector_store_idx %arg7[%add3A_2469, %broadcast_in_dim3A_2460], %gather3A_2470 : memref<64x128xf32, #tpu.memory_space<vmem>>[vector<16xi32>, vector<16xi32>], vector<16xf32>,
      %add3A_2471 = arith.constant 32 : i32
      %add3A_2472 = vector.broadcast %add3A_2471 : i32 to vector<16xi32>
      %add3A_2473 = arith.addi %iota3A, %add3A_2472 : vector<16xi32>
      %gather3A_2474 = tpu.vector_load_idx %arg6[%broadcast_in_dim3A_2462, %add3A_2473, %broadcast_in_dim3A_2455] : memref<8x64x128xf32, #tpu.memory_space<vmem>>[vector<16xi32>, vector<16xi32>, vector<16xi32>], vector<16xf32>,
      tpu.vector_store_idx %arg7[%add3A_2473, %broadcast_in_dim3A_2460], %gather3A_2474 : memref<64x128xf32, #tpu.memory_space<vmem>>[vector<16xi32>, vector<16xi32>], vector<16xf32>,
      %add3A_2475 = arith.constant 48 : i32
      %add3A_2476 = vector.broadcast %add3A_2475 : i32 to vector<16xi32>
      %add3A_2477 = arith.addi %iota3A, %add3A_2476 : vector<16xi32>
      %gather3A_2478 = tpu.vector_load_idx %arg6[%broadcast_in_dim3A_2462, %add3A_2477, %broadcast_in_dim3A_2455] : memref<8x64x128xf32, #tpu.memory_space<vmem>>[vector<16xi32>, vector<16xi32>, vector<16xi32>], vector<16xf32>,
      tpu.vector_store_idx %arg7[%add3A_2477, %broadcast_in_dim3A_2460], %gather3A_2478 : memref<64x128xf32, #tpu.memory_space<vmem>>[vector<16xi32>, vector<16xi32>], vector<16xf32>,
      %convert_element_type3A_2479 = arith.extui %lt3A_905 : i1 to i32
      %cond3A_2480 = arith.constant 0 : i32
      %cond3A_2481 = arith.cmpi ne, %convert_element_type3A_2479, %cond3A_2480 : i32
      scf.if %cond3A_2481 {
        %slice3A_2482 = vector.extract_strided_slice %get3A_904 {offsets = [4], sizes = [1], strides = [1]} : vector<16xi32> to vector<1xi32>
        %squeeze3A_2483 = vector.extract %slice3A_2482[0] : i32 from vector<1xi32>
        %shift_right_arithmetic3A_2484 = arith.constant 7 : i32
        %shift_right_arithmetic3A_2485 = arith.shrsi %squeeze3A_2483, %shift_right_arithmetic3A_2484 : i32
        %shift_left3A_2486 = arith.constant 7 : i32
        %shift_left3A_2487 = arith.shli %shift_right_arithmetic3A_2485, %shift_left3A_2486 : i32
        %multiple_of3A_2488 = tpu.assume_multiple %shift_left3A_2487, 128 : i32
        %dma_start3A_2489 = arith.constant 4 : i32
        %dma_start3A_2490 = arith.constant 0 : i32
        %dma_start3A_2491 = arith.constant 0 : i32
        %dma_start3A_2492 = tpu.memref_slice %arg6[%dma_start3A_2489, %dma_start3A_2490, %dma_start3A_2491] : memref<8x64x128xf32, #tpu.memory_space<vmem>> -> memref<1x8x128xf32, #tpu.memory_space<vmem>>
        %dma_start3A_2493 = tpu.memref_squeeze %dma_start3A_2492 : memref<1x8x128xf32, #tpu.memory_space<vmem>> -> memref<8x128xf32, #tpu.memory_space<vmem>>
        %dma_start3A_2494 = arith.constant 0 : i32
        %dma_start3A_2495 = tpu.memref_slice %arg3[%dma_start3A_2494, %multiple_of3A_2488] : memref<64x1000000xf32, #tpu.memory_space<hbm>> -> memref<8x128xf32, #tpu.memory_space<hbm>>
        %dma_start3A_2496 = arith.constant 0 : i32
        %dma_start3A_2497 = arith.constant 0 : i32
        %dma_start3A_2498 = tpu.memref_slice %arg6[%dma_start3A_2489, %dma_start3A_2496, %dma_start3A_2497] : memref<8x64x128xf32, #tpu.memory_space<vmem>> -> memref<1x8x128xf32, #tpu.memory_space<vmem>>
        %dma_start3A_2499 = tpu.memref_squeeze %dma_start3A_2498 : memref<1x8x128xf32, #tpu.memory_space<vmem>> -> memref<8x128xf32, #tpu.memory_space<vmem>>
        %dma_start3A_2500 = arith.constant 0 : i32
        %dma_start3A_2501 = tpu.memref_slice %arg3[%dma_start3A_2500, %multiple_of3A_2488] : memref<64x1000000xf32, #tpu.memory_space<hbm>> -> memref<8x128xf32, #tpu.memory_space<hbm>>
        tpu.enqueue_dma source(%dma_start3A_2501 : memref<8x128xf32, #tpu.memory_space<hbm>>) target(%dma_start3A_2499 : memref<8x128xf32, #tpu.memory_space<vmem>>) target_semaphore(%arg9 : memref<!tpu.dma_semaphore, #tpu.memory_space<semaphore_mem>>)
        %dma_start3A_2502 = arith.constant 4 : i32
        %dma_start3A_2503 = arith.constant 8 : i32
        %dma_start3A_2504 = arith.constant 0 : i32
        %dma_start3A_2505 = tpu.memref_slice %arg6[%dma_start3A_2502, %dma_start3A_2503, %dma_start3A_2504] : memref<8x64x128xf32, #tpu.memory_space<vmem>> -> memref<1x8x128xf32, #tpu.memory_space<vmem>>
        %dma_start3A_2506 = tpu.memref_squeeze %dma_start3A_2505 : memref<1x8x128xf32, #tpu.memory_space<vmem>> -> memref<8x128xf32, #tpu.memory_space<vmem>>
        %dma_start3A_2507 = arith.constant 8 : i32
        %dma_start3A_2508 = tpu.memref_slice %arg3[%dma_start3A_2507, %multiple_of3A_2488] : memref<64x1000000xf32, #tpu.memory_space<hbm>> -> memref<8x128xf32, #tpu.memory_space<hbm>>
        %dma_start3A_2509 = arith.constant 8 : i32
        %dma_start3A_2510 = arith.constant 0 : i32
        %dma_start3A_2511 = tpu.memref_slice %arg6[%dma_start3A_2502, %dma_start3A_2509, %dma_start3A_2510] : memref<8x64x128xf32, #tpu.memory_space<vmem>> -> memref<1x8x128xf32, #tpu.memory_space<vmem>>
        %dma_start3A_2512 = tpu.memref_squeeze %dma_start3A_2511 : memref<1x8x128xf32, #tpu.memory_space<vmem>> -> memref<8x128xf32, #tpu.memory_space<vmem>>
        %dma_start3A_2513 = arith.constant 8 : i32
        %dma_start3A_2514 = tpu.memref_slice %arg3[%dma_start3A_2513, %multiple_of3A_2488] : memref<64x1000000xf32, #tpu.memory_space<hbm>> -> memref<8x128xf32, #tpu.memory_space<hbm>>
        tpu.enqueue_dma source(%dma_start3A_2514 : memref<8x128xf32, #tpu.memory_space<hbm>>) target(%dma_start3A_2512 : memref<8x128xf32, #tpu.memory_space<vmem>>) target_semaphore(%arg9 : memref<!tpu.dma_semaphore, #tpu.memory_space<semaphore_mem>>)
        %dma_start3A_2515 = arith.constant 4 : i32
        %dma_start3A_2516 = arith.constant 16 : i32
        %dma_start3A_2517 = arith.constant 0 : i32
        %dma_start3A_2518 = tpu.memref_slice %arg6[%dma_start3A_2515, %dma_start3A_2516, %dma_start3A_2517] : memref<8x64x128xf32, #tpu.memory_space<vmem>> -> memref<1x8x128xf32, #tpu.memory_space<vmem>>
        %dma_start3A_2519 = tpu.memref_squeeze %dma_start3A_2518 : memref<1x8x128xf32, #tpu.memory_space<vmem>> -> memref<8x128xf32, #tpu.memory_space<vmem>>
        %dma_start3A_2520 = arith.constant 16 : i32
        %dma_start3A_2521 = tpu.memref_slice %arg3[%dma_start3A_2520, %multiple_of3A_2488] : memref<64x1000000xf32, #tpu.memory_space<hbm>> -> memref<8x128xf32, #tpu.memory_space<hbm>>
        %dma_start3A_2522 = arith.constant 16 : i32
        %dma_start3A_2523 = arith.constant 0 : i32
        %dma_start3A_2524 = tpu.memref_slice %arg6[%dma_start3A_2515, %dma_start3A_2522, %dma_start3A_2523] : memref<8x64x128xf32, #tpu.memory_space<vmem>> -> memref<1x8x128xf32, #tpu.memory_space<vmem>>
        %dma_start3A_2525 = tpu.memref_squeeze %dma_start3A_2524 : memref<1x8x128xf32, #tpu.memory_space<vmem>> -> memref<8x128xf32, #tpu.memory_space<vmem>>
        %dma_start3A_2526 = arith.constant 16 : i32
        %dma_start3A_2527 = tpu.memref_slice %arg3[%dma_start3A_2526, %multiple_of3A_2488] : memref<64x1000000xf32, #tpu.memory_space<hbm>> -> memref<8x128xf32, #tpu.memory_space<hbm>>
        tpu.enqueue_dma source(%dma_start3A_2527 : memref<8x128xf32, #tpu.memory_space<hbm>>) target(%dma_start3A_2525 : memref<8x128xf32, #tpu.memory_space<vmem>>) target_semaphore(%arg9 : memref<!tpu.dma_semaphore, #tpu.memory_space<semaphore_mem>>)
        %dma_start3A_2528 = arith.constant 4 : i32
        %dma_start3A_2529 = arith.constant 24 : i32
        %dma_start3A_2530 = arith.constant 0 : i32
        %dma_start3A_2531 = tpu.memref_slice %arg6[%dma_start3A_2528, %dma_start3A_2529, %dma_start3A_2530] : memref<8x64x128xf32, #tpu.memory_space<vmem>> -> memref<1x8x128xf32, #tpu.memory_space<vmem>>
        %dma_start3A_2532 = tpu.memref_squeeze %dma_start3A_2531 : memref<1x8x128xf32, #tpu.memory_space<vmem>> -> memref<8x128xf32, #tpu.memory_space<vmem>>
        %dma_start3A_2533 = arith.constant 24 : i32
        %dma_start3A_2534 = tpu.memref_slice %arg3[%dma_start3A_2533, %multiple_of3A_2488] : memref<64x1000000xf32, #tpu.memory_space<hbm>> -> memref<8x128xf32, #tpu.memory_space<hbm>>
        %dma_start3A_2535 = arith.constant 24 : i32
        %dma_start3A_2536 = arith.constant 0 : i32
        %dma_start3A_2537 = tpu.memref_slice %arg6[%dma_start3A_2528, %dma_start3A_2535, %dma_start3A_2536] : memref<8x64x128xf32, #tpu.memory_space<vmem>> -> memref<1x8x128xf32, #tpu.memory_space<vmem>>
        %dma_start3A_2538 = tpu.memref_squeeze %dma_start3A_2537 : memref<1x8x128xf32, #tpu.memory_space<vmem>> -> memref<8x128xf32, #tpu.memory_space<vmem>>
        %dma_start3A_2539 = arith.constant 24 : i32
        %dma_start3A_2540 = tpu.memref_slice %arg3[%dma_start3A_2539, %multiple_of3A_2488] : memref<64x1000000xf32, #tpu.memory_space<hbm>> -> memref<8x128xf32, #tpu.memory_space<hbm>>
        tpu.enqueue_dma source(%dma_start3A_2540 : memref<8x128xf32, #tpu.memory_space<hbm>>) target(%dma_start3A_2538 : memref<8x128xf32, #tpu.memory_space<vmem>>) target_semaphore(%arg9 : memref<!tpu.dma_semaphore, #tpu.memory_space<semaphore_mem>>)
        %dma_start3A_2541 = arith.constant 4 : i32
        %dma_start3A_2542 = arith.constant 32 : i32
        %dma_start3A_2543 = arith.constant 0 : i32
        %dma_start3A_2544 = tpu.memref_slice %arg6[%dma_start3A_2541, %dma_start3A_2542, %dma_start3A_2543] : memref<8x64x128xf32, #tpu.memory_space<vmem>> -> memref<1x8x128xf32, #tpu.memory_space<vmem>>
        %dma_start3A_2545 = tpu.memref_squeeze %dma_start3A_2544 : memref<1x8x128xf32, #tpu.memory_space<vmem>> -> memref<8x128xf32, #tpu.memory_space<vmem>>
        %dma_start3A_2546 = arith.constant 32 : i32
        %dma_start3A_2547 = tpu.memref_slice %arg3[%dma_start3A_2546, %multiple_of3A_2488] : memref<64x1000000xf32, #tpu.memory_space<hbm>> -> memref<8x128xf32, #tpu.memory_space<hbm>>
        %dma_start3A_2548 = arith.constant 32 : i32
        %dma_start3A_2549 = arith.constant 0 : i32
        %dma_start3A_2550 = tpu.memref_slice %arg6[%dma_start3A_2541, %dma_start3A_2548, %dma_start3A_2549] : memref<8x64x128xf32, #tpu.memory_space<vmem>> -> memref<1x8x128xf32, #tpu.memory_space<vmem>>
        %dma_start3A_2551 = tpu.memref_squeeze %dma_start3A_2550 : memref<1x8x128xf32, #tpu.memory_space<vmem>> -> memref<8x128xf32, #tpu.memory_space<vmem>>
        %dma_start3A_2552 = arith.constant 32 : i32
        %dma_start3A_2553 = tpu.memref_slice %arg3[%dma_start3A_2552, %multiple_of3A_2488] : memref<64x1000000xf32, #tpu.memory_space<hbm>> -> memref<8x128xf32, #tpu.memory_space<hbm>>
        tpu.enqueue_dma source(%dma_start3A_2553 : memref<8x128xf32, #tpu.memory_space<hbm>>) target(%dma_start3A_2551 : memref<8x128xf32, #tpu.memory_space<vmem>>) target_semaphore(%arg9 : memref<!tpu.dma_semaphore, #tpu.memory_space<semaphore_mem>>)
        %dma_start3A_2554 = arith.constant 4 : i32
        %dma_start3A_2555 = arith.constant 40 : i32
        %dma_start3A_2556 = arith.constant 0 : i32
        %dma_start3A_2557 = tpu.memref_slice %arg6[%dma_start3A_2554, %dma_start3A_2555, %dma_start3A_2556] : memref<8x64x128xf32, #tpu.memory_space<vmem>> -> memref<1x8x128xf32, #tpu.memory_space<vmem>>
        %dma_start3A_2558 = tpu.memref_squeeze %dma_start3A_2557 : memref<1x8x128xf32, #tpu.memory_space<vmem>> -> memref<8x128xf32, #tpu.memory_space<vmem>>
        %dma_start3A_2559 = arith.constant 40 : i32
        %dma_start3A_2560 = tpu.memref_slice %arg3[%dma_start3A_2559, %multiple_of3A_2488] : memref<64x1000000xf32, #tpu.memory_space<hbm>> -> memref<8x128xf32, #tpu.memory_space<hbm>>
        %dma_start3A_2561 = arith.constant 40 : i32
        %dma_start3A_2562 = arith.constant 0 : i32
        %dma_start3A_2563 = tpu.memref_slice %arg6[%dma_start3A_2554, %dma_start3A_2561, %dma_start3A_2562] : memref<8x64x128xf32, #tpu.memory_space<vmem>> -> memref<1x8x128xf32, #tpu.memory_space<vmem>>
        %dma_start3A_2564 = tpu.memref_squeeze %dma_start3A_2563 : memref<1x8x128xf32, #tpu.memory_space<vmem>> -> memref<8x128xf32, #tpu.memory_space<vmem>>
        %dma_start3A_2565 = arith.constant 40 : i32
        %dma_start3A_2566 = tpu.memref_slice %arg3[%dma_start3A_2565, %multiple_of3A_2488] : memref<64x1000000xf32, #tpu.memory_space<hbm>> -> memref<8x128xf32, #tpu.memory_space<hbm>>
        tpu.enqueue_dma source(%dma_start3A_2566 : memref<8x128xf32, #tpu.memory_space<hbm>>) target(%dma_start3A_2564 : memref<8x128xf32, #tpu.memory_space<vmem>>) target_semaphore(%arg9 : memref<!tpu.dma_semaphore, #tpu.memory_space<semaphore_mem>>)
        %dma_start3A_2567 = arith.constant 4 : i32
        %dma_start3A_2568 = arith.constant 48 : i32
        %dma_start3A_2569 = arith.constant 0 : i32
        %dma_start3A_2570 = tpu.memref_slice %arg6[%dma_start3A_2567, %dma_start3A_2568, %dma_start3A_2569] : memref<8x64x128xf32, #tpu.memory_space<vmem>> -> memref<1x8x128xf32, #tpu.memory_space<vmem>>
        %dma_start3A_2571 = tpu.memref_squeeze %dma_start3A_2570 : memref<1x8x128xf32, #tpu.memory_space<vmem>> -> memref<8x128xf32, #tpu.memory_space<vmem>>
        %dma_start3A_2572 = arith.constant 48 : i32
        %dma_start3A_2573 = tpu.memref_slice %arg3[%dma_start3A_2572, %multiple_of3A_2488] : memref<64x1000000xf32, #tpu.memory_space<hbm>> -> memref<8x128xf32, #tpu.memory_space<hbm>>
        %dma_start3A_2574 = arith.constant 48 : i32
        %dma_start3A_2575 = arith.constant 0 : i32
        %dma_start3A_2576 = tpu.memref_slice %arg6[%dma_start3A_2567, %dma_start3A_2574, %dma_start3A_2575] : memref<8x64x128xf32, #tpu.memory_space<vmem>> -> memref<1x8x128xf32, #tpu.memory_space<vmem>>
        %dma_start3A_2577 = tpu.memref_squeeze %dma_start3A_2576 : memref<1x8x128xf32, #tpu.memory_space<vmem>> -> memref<8x128xf32, #tpu.memory_space<vmem>>
        %dma_start3A_2578 = arith.constant 48 : i32
        %dma_start3A_2579 = tpu.memref_slice %arg3[%dma_start3A_2578, %multiple_of3A_2488] : memref<64x1000000xf32, #tpu.memory_space<hbm>> -> memref<8x128xf32, #tpu.memory_space<hbm>>
        tpu.enqueue_dma source(%dma_start3A_2579 : memref<8x128xf32, #tpu.memory_space<hbm>>) target(%dma_start3A_2577 : memref<8x128xf32, #tpu.memory_space<vmem>>) target_semaphore(%arg9 : memref<!tpu.dma_semaphore, #tpu.memory_space<semaphore_mem>>)
        %dma_start3A_2580 = arith.constant 4 : i32
        %dma_start3A_2581 = arith.constant 56 : i32
        %dma_start3A_2582 = arith.constant 0 : i32
        %dma_start3A_2583 = tpu.memref_slice %arg6[%dma_start3A_2580, %dma_start3A_2581, %dma_start3A_2582] : memref<8x64x128xf32, #tpu.memory_space<vmem>> -> memref<1x8x128xf32, #tpu.memory_space<vmem>>
        %dma_start3A_2584 = tpu.memref_squeeze %dma_start3A_2583 : memref<1x8x128xf32, #tpu.memory_space<vmem>> -> memref<8x128xf32, #tpu.memory_space<vmem>>
        %dma_start3A_2585 = arith.constant 56 : i32
        %dma_start3A_2586 = tpu.memref_slice %arg3[%dma_start3A_2585, %multiple_of3A_2488] : memref<64x1000000xf32, #tpu.memory_space<hbm>> -> memref<8x128xf32, #tpu.memory_space<hbm>>
        %dma_start3A_2587 = arith.constant 56 : i32
        %dma_start3A_2588 = arith.constant 0 : i32
        %dma_start3A_2589 = tpu.memref_slice %arg6[%dma_start3A_2580, %dma_start3A_2587, %dma_start3A_2588] : memref<8x64x128xf32, #tpu.memory_space<vmem>> -> memref<1x8x128xf32, #tpu.memory_space<vmem>>
        %dma_start3A_2590 = tpu.memref_squeeze %dma_start3A_2589 : memref<1x8x128xf32, #tpu.memory_space<vmem>> -> memref<8x128xf32, #tpu.memory_space<vmem>>
        %dma_start3A_2591 = arith.constant 56 : i32
        %dma_start3A_2592 = tpu.memref_slice %arg3[%dma_start3A_2591, %multiple_of3A_2488] : memref<64x1000000xf32, #tpu.memory_space<hbm>> -> memref<8x128xf32, #tpu.memory_space<hbm>>
        tpu.enqueue_dma source(%dma_start3A_2592 : memref<8x128xf32, #tpu.memory_space<hbm>>) target(%dma_start3A_2590 : memref<8x128xf32, #tpu.memory_space<vmem>>) target_semaphore(%arg9 : memref<!tpu.dma_semaphore, #tpu.memory_space<semaphore_mem>>)
        %slice3A_2593 = vector.extract_strided_slice %get3A_904 {offsets = [5], sizes = [1], strides = [1]} : vector<16xi32> to vector<1xi32>
        %squeeze3A_2594 = vector.extract %slice3A_2593[0] : i32 from vector<1xi32>
        %shift_right_arithmetic3A_2595 = arith.constant 7 : i32
        %shift_right_arithmetic3A_2596 = arith.shrsi %squeeze3A_2594, %shift_right_arithmetic3A_2595 : i32
        %shift_left3A_2597 = arith.constant 7 : i32
        %shift_left3A_2598 = arith.shli %shift_right_arithmetic3A_2596, %shift_left3A_2597 : i32
        %multiple_of3A_2599 = tpu.assume_multiple %shift_left3A_2598, 128 : i32
        %dma_start3A_2600 = arith.constant 5 : i32
        %dma_start3A_2601 = arith.constant 0 : i32
        %dma_start3A_2602 = arith.constant 0 : i32
        %dma_start3A_2603 = tpu.memref_slice %arg6[%dma_start3A_2600, %dma_start3A_2601, %dma_start3A_2602] : memref<8x64x128xf32, #tpu.memory_space<vmem>> -> memref<1x8x128xf32, #tpu.memory_space<vmem>>
        %dma_start3A_2604 = tpu.memref_squeeze %dma_start3A_2603 : memref<1x8x128xf32, #tpu.memory_space<vmem>> -> memref<8x128xf32, #tpu.memory_space<vmem>>
        %dma_start3A_2605 = arith.constant 0 : i32
        %dma_start3A_2606 = tpu.memref_slice %arg3[%dma_start3A_2605, %multiple_of3A_2599] : memref<64x1000000xf32, #tpu.memory_space<hbm>> -> memref<8x128xf32, #tpu.memory_space<hbm>>
        %dma_start3A_2607 = arith.constant 0 : i32
        %dma_start3A_2608 = arith.constant 0 : i32
        %dma_start3A_2609 = tpu.memref_slice %arg6[%dma_start3A_2600, %dma_start3A_2607, %dma_start3A_2608] : memref<8x64x128xf32, #tpu.memory_space<vmem>> -> memref<1x8x128xf32, #tpu.memory_space<vmem>>
        %dma_start3A_2610 = tpu.memref_squeeze %dma_start3A_2609 : memref<1x8x128xf32, #tpu.memory_space<vmem>> -> memref<8x128xf32, #tpu.memory_space<vmem>>
        %dma_start3A_2611 = arith.constant 0 : i32
        %dma_start3A_2612 = tpu.memref_slice %arg3[%dma_start3A_2611, %multiple_of3A_2599] : memref<64x1000000xf32, #tpu.memory_space<hbm>> -> memref<8x128xf32, #tpu.memory_space<hbm>>
        tpu.enqueue_dma source(%dma_start3A_2612 : memref<8x128xf32, #tpu.memory_space<hbm>>) target(%dma_start3A_2610 : memref<8x128xf32, #tpu.memory_space<vmem>>) target_semaphore(%arg9 : memref<!tpu.dma_semaphore, #tpu.memory_space<semaphore_mem>>)
        %dma_start3A_2613 = arith.constant 5 : i32
        %dma_start3A_2614 = arith.constant 8 : i32
        %dma_start3A_2615 = arith.constant 0 : i32
        %dma_start3A_2616 = tpu.memref_slice %arg6[%dma_start3A_2613, %dma_start3A_2614, %dma_start3A_2615] : memref<8x64x128xf32, #tpu.memory_space<vmem>> -> memref<1x8x128xf32, #tpu.memory_space<vmem>>
        %dma_start3A_2617 = tpu.memref_squeeze %dma_start3A_2616 : memref<1x8x128xf32, #tpu.memory_space<vmem>> -> memref<8x128xf32, #tpu.memory_space<vmem>>
        %dma_start3A_2618 = arith.constant 8 : i32
        %dma_start3A_2619 = tpu.memref_slice %arg3[%dma_start3A_2618, %multiple_of3A_2599] : memref<64x1000000xf32, #tpu.memory_space<hbm>> -> memref<8x128xf32, #tpu.memory_space<hbm>>
        %dma_start3A_2620 = arith.constant 8 : i32
        %dma_start3A_2621 = arith.constant 0 : i32
        %dma_start3A_2622 = tpu.memref_slice %arg6[%dma_start3A_2613, %dma_start3A_2620, %dma_start3A_2621] : memref<8x64x128xf32, #tpu.memory_space<vmem>> -> memref<1x8x128xf32, #tpu.memory_space<vmem>>
        %dma_start3A_2623 = tpu.memref_squeeze %dma_start3A_2622 : memref<1x8x128xf32, #tpu.memory_space<vmem>> -> memref<8x128xf32, #tpu.memory_space<vmem>>
        %dma_start3A_2624 = arith.constant 8 : i32
        %dma_start3A_2625 = tpu.memref_slice %arg3[%dma_start3A_2624, %multiple_of3A_2599] : memref<64x1000000xf32, #tpu.memory_space<hbm>> -> memref<8x128xf32, #tpu.memory_space<hbm>>
        tpu.enqueue_dma source(%dma_start3A_2625 : memref<8x128xf32, #tpu.memory_space<hbm>>) target(%dma_start3A_2623 : memref<8x128xf32, #tpu.memory_space<vmem>>) target_semaphore(%arg9 : memref<!tpu.dma_semaphore, #tpu.memory_space<semaphore_mem>>)
        %dma_start3A_2626 = arith.constant 5 : i32
        %dma_start3A_2627 = arith.constant 16 : i32
        %dma_start3A_2628 = arith.constant 0 : i32
        %dma_start3A_2629 = tpu.memref_slice %arg6[%dma_start3A_2626, %dma_start3A_2627, %dma_start3A_2628] : memref<8x64x128xf32, #tpu.memory_space<vmem>> -> memref<1x8x128xf32, #tpu.memory_space<vmem>>
        %dma_start3A_2630 = tpu.memref_squeeze %dma_start3A_2629 : memref<1x8x128xf32, #tpu.memory_space<vmem>> -> memref<8x128xf32, #tpu.memory_space<vmem>>
        %dma_start3A_2631 = arith.constant 16 : i32
        %dma_start3A_2632 = tpu.memref_slice %arg3[%dma_start3A_2631, %multiple_of3A_2599] : memref<64x1000000xf32, #tpu.memory_space<hbm>> -> memref<8x128xf32, #tpu.memory_space<hbm>>
        %dma_start3A_2633 = arith.constant 16 : i32
        %dma_start3A_2634 = arith.constant 0 : i32
        %dma_start3A_2635 = tpu.memref_slice %arg6[%dma_start3A_2626, %dma_start3A_2633, %dma_start3A_2634] : memref<8x64x128xf32, #tpu.memory_space<vmem>> -> memref<1x8x128xf32, #tpu.memory_space<vmem>>
        %dma_start3A_2636 = tpu.memref_squeeze %dma_start3A_2635 : memref<1x8x128xf32, #tpu.memory_space<vmem>> -> memref<8x128xf32, #tpu.memory_space<vmem>>
        %dma_start3A_2637 = arith.constant 16 : i32
        %dma_start3A_2638 = tpu.memref_slice %arg3[%dma_start3A_2637, %multiple_of3A_2599] : memref<64x1000000xf32, #tpu.memory_space<hbm>> -> memref<8x128xf32, #tpu.memory_space<hbm>>
        tpu.enqueue_dma source(%dma_start3A_2638 : memref<8x128xf32, #tpu.memory_space<hbm>>) target(%dma_start3A_2636 : memref<8x128xf32, #tpu.memory_space<vmem>>) target_semaphore(%arg9 : memref<!tpu.dma_semaphore, #tpu.memory_space<semaphore_mem>>)
        %dma_start3A_2639 = arith.constant 5 : i32
        %dma_start3A_2640 = arith.constant 24 : i32
        %dma_start3A_2641 = arith.constant 0 : i32
        %dma_start3A_2642 = tpu.memref_slice %arg6[%dma_start3A_2639, %dma_start3A_2640, %dma_start3A_2641] : memref<8x64x128xf32, #tpu.memory_space<vmem>> -> memref<1x8x128xf32, #tpu.memory_space<vmem>>
        %dma_start3A_2643 = tpu.memref_squeeze %dma_start3A_2642 : memref<1x8x128xf32, #tpu.memory_space<vmem>> -> memref<8x128xf32, #tpu.memory_space<vmem>>
        %dma_start3A_2644 = arith.constant 24 : i32
        %dma_start3A_2645 = tpu.memref_slice %arg3[%dma_start3A_2644, %multiple_of3A_2599] : memref<64x1000000xf32, #tpu.memory_space<hbm>> -> memref<8x128xf32, #tpu.memory_space<hbm>>
        %dma_start3A_2646 = arith.constant 24 : i32
        %dma_start3A_2647 = arith.constant 0 : i32
        %dma_start3A_2648 = tpu.memref_slice %arg6[%dma_start3A_2639, %dma_start3A_2646, %dma_start3A_2647] : memref<8x64x128xf32, #tpu.memory_space<vmem>> -> memref<1x8x128xf32, #tpu.memory_space<vmem>>
        %dma_start3A_2649 = tpu.memref_squeeze %dma_start3A_2648 : memref<1x8x128xf32, #tpu.memory_space<vmem>> -> memref<8x128xf32, #tpu.memory_space<vmem>>
        %dma_start3A_2650 = arith.constant 24 : i32
        %dma_start3A_2651 = tpu.memref_slice %arg3[%dma_start3A_2650, %multiple_of3A_2599] : memref<64x1000000xf32, #tpu.memory_space<hbm>> -> memref<8x128xf32, #tpu.memory_space<hbm>>
        tpu.enqueue_dma source(%dma_start3A_2651 : memref<8x128xf32, #tpu.memory_space<hbm>>) target(%dma_start3A_2649 : memref<8x128xf32, #tpu.memory_space<vmem>>) target_semaphore(%arg9 : memref<!tpu.dma_semaphore, #tpu.memory_space<semaphore_mem>>)
        %dma_start3A_2652 = arith.constant 5 : i32
        %dma_start3A_2653 = arith.constant 32 : i32
        %dma_start3A_2654 = arith.constant 0 : i32
        %dma_start3A_2655 = tpu.memref_slice %arg6[%dma_start3A_2652, %dma_start3A_2653, %dma_start3A_2654] : memref<8x64x128xf32, #tpu.memory_space<vmem>> -> memref<1x8x128xf32, #tpu.memory_space<vmem>>
        %dma_start3A_2656 = tpu.memref_squeeze %dma_start3A_2655 : memref<1x8x128xf32, #tpu.memory_space<vmem>> -> memref<8x128xf32, #tpu.memory_space<vmem>>
        %dma_start3A_2657 = arith.constant 32 : i32
        %dma_start3A_2658 = tpu.memref_slice %arg3[%dma_start3A_2657, %multiple_of3A_2599] : memref<64x1000000xf32, #tpu.memory_space<hbm>> -> memref<8x128xf32, #tpu.memory_space<hbm>>
        %dma_start3A_2659 = arith.constant 32 : i32
        %dma_start3A_2660 = arith.constant 0 : i32
        %dma_start3A_2661 = tpu.memref_slice %arg6[%dma_start3A_2652, %dma_start3A_2659, %dma_start3A_2660] : memref<8x64x128xf32, #tpu.memory_space<vmem>> -> memref<1x8x128xf32, #tpu.memory_space<vmem>>
        %dma_start3A_2662 = tpu.memref_squeeze %dma_start3A_2661 : memref<1x8x128xf32, #tpu.memory_space<vmem>> -> memref<8x128xf32, #tpu.memory_space<vmem>>
        %dma_start3A_2663 = arith.constant 32 : i32
        %dma_start3A_2664 = tpu.memref_slice %arg3[%dma_start3A_2663, %multiple_of3A_2599] : memref<64x1000000xf32, #tpu.memory_space<hbm>> -> memref<8x128xf32, #tpu.memory_space<hbm>>
        tpu.enqueue_dma source(%dma_start3A_2664 : memref<8x128xf32, #tpu.memory_space<hbm>>) target(%dma_start3A_2662 : memref<8x128xf32, #tpu.memory_space<vmem>>) target_semaphore(%arg9 : memref<!tpu.dma_semaphore, #tpu.memory_space<semaphore_mem>>)
        %dma_start3A_2665 = arith.constant 5 : i32
        %dma_start3A_2666 = arith.constant 40 : i32
        %dma_start3A_2667 = arith.constant 0 : i32
        %dma_start3A_2668 = tpu.memref_slice %arg6[%dma_start3A_2665, %dma_start3A_2666, %dma_start3A_2667] : memref<8x64x128xf32, #tpu.memory_space<vmem>> -> memref<1x8x128xf32, #tpu.memory_space<vmem>>
        %dma_start3A_2669 = tpu.memref_squeeze %dma_start3A_2668 : memref<1x8x128xf32, #tpu.memory_space<vmem>> -> memref<8x128xf32, #tpu.memory_space<vmem>>
        %dma_start3A_2670 = arith.constant 40 : i32
        %dma_start3A_2671 = tpu.memref_slice %arg3[%dma_start3A_2670, %multiple_of3A_2599] : memref<64x1000000xf32, #tpu.memory_space<hbm>> -> memref<8x128xf32, #tpu.memory_space<hbm>>
        %dma_start3A_2672 = arith.constant 40 : i32
        %dma_start3A_2673 = arith.constant 0 : i32
        %dma_start3A_2674 = tpu.memref_slice %arg6[%dma_start3A_2665, %dma_start3A_2672, %dma_start3A_2673] : memref<8x64x128xf32, #tpu.memory_space<vmem>> -> memref<1x8x128xf32, #tpu.memory_space<vmem>>
        %dma_start3A_2675 = tpu.memref_squeeze %dma_start3A_2674 : memref<1x8x128xf32, #tpu.memory_space<vmem>> -> memref<8x128xf32, #tpu.memory_space<vmem>>
        %dma_start3A_2676 = arith.constant 40 : i32
        %dma_start3A_2677 = tpu.memref_slice %arg3[%dma_start3A_2676, %multiple_of3A_2599] : memref<64x1000000xf32, #tpu.memory_space<hbm>> -> memref<8x128xf32, #tpu.memory_space<hbm>>
        tpu.enqueue_dma source(%dma_start3A_2677 : memref<8x128xf32, #tpu.memory_space<hbm>>) target(%dma_start3A_2675 : memref<8x128xf32, #tpu.memory_space<vmem>>) target_semaphore(%arg9 : memref<!tpu.dma_semaphore, #tpu.memory_space<semaphore_mem>>)
        %dma_start3A_2678 = arith.constant 5 : i32
        %dma_start3A_2679 = arith.constant 48 : i32
        %dma_start3A_2680 = arith.constant 0 : i32
        %dma_start3A_2681 = tpu.memref_slice %arg6[%dma_start3A_2678, %dma_start3A_2679, %dma_start3A_2680] : memref<8x64x128xf32, #tpu.memory_space<vmem>> -> memref<1x8x128xf32, #tpu.memory_space<vmem>>
        %dma_start3A_2682 = tpu.memref_squeeze %dma_start3A_2681 : memref<1x8x128xf32, #tpu.memory_space<vmem>> -> memref<8x128xf32, #tpu.memory_space<vmem>>
        %dma_start3A_2683 = arith.constant 48 : i32
        %dma_start3A_2684 = tpu.memref_slice %arg3[%dma_start3A_2683, %multiple_of3A_2599] : memref<64x1000000xf32, #tpu.memory_space<hbm>> -> memref<8x128xf32, #tpu.memory_space<hbm>>
        %dma_start3A_2685 = arith.constant 48 : i32
        %dma_start3A_2686 = arith.constant 0 : i32
        %dma_start3A_2687 = tpu.memref_slice %arg6[%dma_start3A_2678, %dma_start3A_2685, %dma_start3A_2686] : memref<8x64x128xf32, #tpu.memory_space<vmem>> -> memref<1x8x128xf32, #tpu.memory_space<vmem>>
        %dma_start3A_2688 = tpu.memref_squeeze %dma_start3A_2687 : memref<1x8x128xf32, #tpu.memory_space<vmem>> -> memref<8x128xf32, #tpu.memory_space<vmem>>
        %dma_start3A_2689 = arith.constant 48 : i32
        %dma_start3A_2690 = tpu.memref_slice %arg3[%dma_start3A_2689, %multiple_of3A_2599] : memref<64x1000000xf32, #tpu.memory_space<hbm>> -> memref<8x128xf32, #tpu.memory_space<hbm>>
        tpu.enqueue_dma source(%dma_start3A_2690 : memref<8x128xf32, #tpu.memory_space<hbm>>) target(%dma_start3A_2688 : memref<8x128xf32, #tpu.memory_space<vmem>>) target_semaphore(%arg9 : memref<!tpu.dma_semaphore, #tpu.memory_space<semaphore_mem>>)
        %dma_start3A_2691 = arith.constant 5 : i32
        %dma_start3A_2692 = arith.constant 56 : i32
        %dma_start3A_2693 = arith.constant 0 : i32
        %dma_start3A_2694 = tpu.memref_slice %arg6[%dma_start3A_2691, %dma_start3A_2692, %dma_start3A_2693] : memref<8x64x128xf32, #tpu.memory_space<vmem>> -> memref<1x8x128xf32, #tpu.memory_space<vmem>>
        %dma_start3A_2695 = tpu.memref_squeeze %dma_start3A_2694 : memref<1x8x128xf32, #tpu.memory_space<vmem>> -> memref<8x128xf32, #tpu.memory_space<vmem>>
        %dma_start3A_2696 = arith.constant 56 : i32
        %dma_start3A_2697 = tpu.memref_slice %arg3[%dma_start3A_2696, %multiple_of3A_2599] : memref<64x1000000xf32, #tpu.memory_space<hbm>> -> memref<8x128xf32, #tpu.memory_space<hbm>>
        %dma_start3A_2698 = arith.constant 56 : i32
        %dma_start3A_2699 = arith.constant 0 : i32
        %dma_start3A_2700 = tpu.memref_slice %arg6[%dma_start3A_2691, %dma_start3A_2698, %dma_start3A_2699] : memref<8x64x128xf32, #tpu.memory_space<vmem>> -> memref<1x8x128xf32, #tpu.memory_space<vmem>>
        %dma_start3A_2701 = tpu.memref_squeeze %dma_start3A_2700 : memref<1x8x128xf32, #tpu.memory_space<vmem>> -> memref<8x128xf32, #tpu.memory_space<vmem>>
        %dma_start3A_2702 = arith.constant 56 : i32
        %dma_start3A_2703 = tpu.memref_slice %arg3[%dma_start3A_2702, %multiple_of3A_2599] : memref<64x1000000xf32, #tpu.memory_space<hbm>> -> memref<8x128xf32, #tpu.memory_space<hbm>>
        tpu.enqueue_dma source(%dma_start3A_2703 : memref<8x128xf32, #tpu.memory_space<hbm>>) target(%dma_start3A_2701 : memref<8x128xf32, #tpu.memory_space<vmem>>) target_semaphore(%arg9 : memref<!tpu.dma_semaphore, #tpu.memory_space<semaphore_mem>>)
        %slice3A_2704 = vector.extract_strided_slice %get3A_904 {offsets = [6], sizes = [1], strides = [1]} : vector<16xi32> to vector<1xi32>
        %squeeze3A_2705 = vector.extract %slice3A_2704[0] : i32 from vector<1xi32>
        %shift_right_arithmetic3A_2706 = arith.constant 7 : i32
        %shift_right_arithmetic3A_2707 = arith.shrsi %squeeze3A_2705, %shift_right_arithmetic3A_2706 : i32
        %shift_left3A_2708 = arith.constant 7 : i32
        %shift_left3A_2709 = arith.shli %shift_right_arithmetic3A_2707, %shift_left3A_2708 : i32
        %multiple_of3A_2710 = tpu.assume_multiple %shift_left3A_2709, 128 : i32
        %dma_start3A_2711 = arith.constant 6 : i32
        %dma_start3A_2712 = arith.constant 0 : i32
        %dma_start3A_2713 = arith.constant 0 : i32
        %dma_start3A_2714 = tpu.memref_slice %arg6[%dma_start3A_2711, %dma_start3A_2712, %dma_start3A_2713] : memref<8x64x128xf32, #tpu.memory_space<vmem>> -> memref<1x8x128xf32, #tpu.memory_space<vmem>>
        %dma_start3A_2715 = tpu.memref_squeeze %dma_start3A_2714 : memref<1x8x128xf32, #tpu.memory_space<vmem>> -> memref<8x128xf32, #tpu.memory_space<vmem>>
        %dma_start3A_2716 = arith.constant 0 : i32
        %dma_start3A_2717 = tpu.memref_slice %arg3[%dma_start3A_2716, %multiple_of3A_2710] : memref<64x1000000xf32, #tpu.memory_space<hbm>> -> memref<8x128xf32, #tpu.memory_space<hbm>>
        %dma_start3A_2718 = arith.constant 0 : i32
        %dma_start3A_2719 = arith.constant 0 : i32
        %dma_start3A_2720 = tpu.memref_slice %arg6[%dma_start3A_2711, %dma_start3A_2718, %dma_start3A_2719] : memref<8x64x128xf32, #tpu.memory_space<vmem>> -> memref<1x8x128xf32, #tpu.memory_space<vmem>>
        %dma_start3A_2721 = tpu.memref_squeeze %dma_start3A_2720 : memref<1x8x128xf32, #tpu.memory_space<vmem>> -> memref<8x128xf32, #tpu.memory_space<vmem>>
        %dma_start3A_2722 = arith.constant 0 : i32
        %dma_start3A_2723 = tpu.memref_slice %arg3[%dma_start3A_2722, %multiple_of3A_2710] : memref<64x1000000xf32, #tpu.memory_space<hbm>> -> memref<8x128xf32, #tpu.memory_space<hbm>>
        tpu.enqueue_dma source(%dma_start3A_2723 : memref<8x128xf32, #tpu.memory_space<hbm>>) target(%dma_start3A_2721 : memref<8x128xf32, #tpu.memory_space<vmem>>) target_semaphore(%arg9 : memref<!tpu.dma_semaphore, #tpu.memory_space<semaphore_mem>>)
        %dma_start3A_2724 = arith.constant 6 : i32
        %dma_start3A_2725 = arith.constant 8 : i32
        %dma_start3A_2726 = arith.constant 0 : i32
        %dma_start3A_2727 = tpu.memref_slice %arg6[%dma_start3A_2724, %dma_start3A_2725, %dma_start3A_2726] : memref<8x64x128xf32, #tpu.memory_space<vmem>> -> memref<1x8x128xf32, #tpu.memory_space<vmem>>
        %dma_start3A_2728 = tpu.memref_squeeze %dma_start3A_2727 : memref<1x8x128xf32, #tpu.memory_space<vmem>> -> memref<8x128xf32, #tpu.memory_space<vmem>>
        %dma_start3A_2729 = arith.constant 8 : i32
        %dma_start3A_2730 = tpu.memref_slice %arg3[%dma_start3A_2729, %multiple_of3A_2710] : memref<64x1000000xf32, #tpu.memory_space<hbm>> -> memref<8x128xf32, #tpu.memory_space<hbm>>
        %dma_start3A_2731 = arith.constant 8 : i32
        %dma_start3A_2732 = arith.constant 0 : i32
        %dma_start3A_2733 = tpu.memref_slice %arg6[%dma_start3A_2724, %dma_start3A_2731, %dma_start3A_2732] : memref<8x64x128xf32, #tpu.memory_space<vmem>> -> memref<1x8x128xf32, #tpu.memory_space<vmem>>
        %dma_start3A_2734 = tpu.memref_squeeze %dma_start3A_2733 : memref<1x8x128xf32, #tpu.memory_space<vmem>> -> memref<8x128xf32, #tpu.memory_space<vmem>>
        %dma_start3A_2735 = arith.constant 8 : i32
        %dma_start3A_2736 = tpu.memref_slice %arg3[%dma_start3A_2735, %multiple_of3A_2710] : memref<64x1000000xf32, #tpu.memory_space<hbm>> -> memref<8x128xf32, #tpu.memory_space<hbm>>
        tpu.enqueue_dma source(%dma_start3A_2736 : memref<8x128xf32, #tpu.memory_space<hbm>>) target(%dma_start3A_2734 : memref<8x128xf32, #tpu.memory_space<vmem>>) target_semaphore(%arg9 : memref<!tpu.dma_semaphore, #tpu.memory_space<semaphore_mem>>)
        %dma_start3A_2737 = arith.constant 6 : i32
        %dma_start3A_2738 = arith.constant 16 : i32
        %dma_start3A_2739 = arith.constant 0 : i32
        %dma_start3A_2740 = tpu.memref_slice %arg6[%dma_start3A_2737, %dma_start3A_2738, %dma_start3A_2739] : memref<8x64x128xf32, #tpu.memory_space<vmem>> -> memref<1x8x128xf32, #tpu.memory_space<vmem>>
        %dma_start3A_2741 = tpu.memref_squeeze %dma_start3A_2740 : memref<1x8x128xf32, #tpu.memory_space<vmem>> -> memref<8x128xf32, #tpu.memory_space<vmem>>
        %dma_start3A_2742 = arith.constant 16 : i32
        %dma_start3A_2743 = tpu.memref_slice %arg3[%dma_start3A_2742, %multiple_of3A_2710] : memref<64x1000000xf32, #tpu.memory_space<hbm>> -> memref<8x128xf32, #tpu.memory_space<hbm>>
        %dma_start3A_2744 = arith.constant 16 : i32
        %dma_start3A_2745 = arith.constant 0 : i32
        %dma_start3A_2746 = tpu.memref_slice %arg6[%dma_start3A_2737, %dma_start3A_2744, %dma_start3A_2745] : memref<8x64x128xf32, #tpu.memory_space<vmem>> -> memref<1x8x128xf32, #tpu.memory_space<vmem>>
        %dma_start3A_2747 = tpu.memref_squeeze %dma_start3A_2746 : memref<1x8x128xf32, #tpu.memory_space<vmem>> -> memref<8x128xf32, #tpu.memory_space<vmem>>
        %dma_start3A_2748 = arith.constant 16 : i32
        %dma_start3A_2749 = tpu.memref_slice %arg3[%dma_start3A_2748, %multiple_of3A_2710] : memref<64x1000000xf32, #tpu.memory_space<hbm>> -> memref<8x128xf32, #tpu.memory_space<hbm>>
        tpu.enqueue_dma source(%dma_start3A_2749 : memref<8x128xf32, #tpu.memory_space<hbm>>) target(%dma_start3A_2747 : memref<8x128xf32, #tpu.memory_space<vmem>>) target_semaphore(%arg9 : memref<!tpu.dma_semaphore, #tpu.memory_space<semaphore_mem>>)
        %dma_start3A_2750 = arith.constant 6 : i32
        %dma_start3A_2751 = arith.constant 24 : i32
        %dma_start3A_2752 = arith.constant 0 : i32
        %dma_start3A_2753 = tpu.memref_slice %arg6[%dma_start3A_2750, %dma_start3A_2751, %dma_start3A_2752] : memref<8x64x128xf32, #tpu.memory_space<vmem>> -> memref<1x8x128xf32, #tpu.memory_space<vmem>>
        %dma_start3A_2754 = tpu.memref_squeeze %dma_start3A_2753 : memref<1x8x128xf32, #tpu.memory_space<vmem>> -> memref<8x128xf32, #tpu.memory_space<vmem>>
        %dma_start3A_2755 = arith.constant 24 : i32
        %dma_start3A_2756 = tpu.memref_slice %arg3[%dma_start3A_2755, %multiple_of3A_2710] : memref<64x1000000xf32, #tpu.memory_space<hbm>> -> memref<8x128xf32, #tpu.memory_space<hbm>>
        %dma_start3A_2757 = arith.constant 24 : i32
        %dma_start3A_2758 = arith.constant 0 : i32
        %dma_start3A_2759 = tpu.memref_slice %arg6[%dma_start3A_2750, %dma_start3A_2757, %dma_start3A_2758] : memref<8x64x128xf32, #tpu.memory_space<vmem>> -> memref<1x8x128xf32, #tpu.memory_space<vmem>>
        %dma_start3A_2760 = tpu.memref_squeeze %dma_start3A_2759 : memref<1x8x128xf32, #tpu.memory_space<vmem>> -> memref<8x128xf32, #tpu.memory_space<vmem>>
        %dma_start3A_2761 = arith.constant 24 : i32
        %dma_start3A_2762 = tpu.memref_slice %arg3[%dma_start3A_2761, %multiple_of3A_2710] : memref<64x1000000xf32, #tpu.memory_space<hbm>> -> memref<8x128xf32, #tpu.memory_space<hbm>>
        tpu.enqueue_dma source(%dma_start3A_2762 : memref<8x128xf32, #tpu.memory_space<hbm>>) target(%dma_start3A_2760 : memref<8x128xf32, #tpu.memory_space<vmem>>) target_semaphore(%arg9 : memref<!tpu.dma_semaphore, #tpu.memory_space<semaphore_mem>>)
        %dma_start3A_2763 = arith.constant 6 : i32
        %dma_start3A_2764 = arith.constant 32 : i32
        %dma_start3A_2765 = arith.constant 0 : i32
        %dma_start3A_2766 = tpu.memref_slice %arg6[%dma_start3A_2763, %dma_start3A_2764, %dma_start3A_2765] : memref<8x64x128xf32, #tpu.memory_space<vmem>> -> memref<1x8x128xf32, #tpu.memory_space<vmem>>
        %dma_start3A_2767 = tpu.memref_squeeze %dma_start3A_2766 : memref<1x8x128xf32, #tpu.memory_space<vmem>> -> memref<8x128xf32, #tpu.memory_space<vmem>>
        %dma_start3A_2768 = arith.constant 32 : i32
        %dma_start3A_2769 = tpu.memref_slice %arg3[%dma_start3A_2768, %multiple_of3A_2710] : memref<64x1000000xf32, #tpu.memory_space<hbm>> -> memref<8x128xf32, #tpu.memory_space<hbm>>
        %dma_start3A_2770 = arith.constant 32 : i32
        %dma_start3A_2771 = arith.constant 0 : i32
        %dma_start3A_2772 = tpu.memref_slice %arg6[%dma_start3A_2763, %dma_start3A_2770, %dma_start3A_2771] : memref<8x64x128xf32, #tpu.memory_space<vmem>> -> memref<1x8x128xf32, #tpu.memory_space<vmem>>
        %dma_start3A_2773 = tpu.memref_squeeze %dma_start3A_2772 : memref<1x8x128xf32, #tpu.memory_space<vmem>> -> memref<8x128xf32, #tpu.memory_space<vmem>>
        %dma_start3A_2774 = arith.constant 32 : i32
        %dma_start3A_2775 = tpu.memref_slice %arg3[%dma_start3A_2774, %multiple_of3A_2710] : memref<64x1000000xf32, #tpu.memory_space<hbm>> -> memref<8x128xf32, #tpu.memory_space<hbm>>
        tpu.enqueue_dma source(%dma_start3A_2775 : memref<8x128xf32, #tpu.memory_space<hbm>>) target(%dma_start3A_2773 : memref<8x128xf32, #tpu.memory_space<vmem>>) target_semaphore(%arg9 : memref<!tpu.dma_semaphore, #tpu.memory_space<semaphore_mem>>)
        %dma_start3A_2776 = arith.constant 6 : i32
        %dma_start3A_2777 = arith.constant 40 : i32
        %dma_start3A_2778 = arith.constant 0 : i32
        %dma_start3A_2779 = tpu.memref_slice %arg6[%dma_start3A_2776, %dma_start3A_2777, %dma_start3A_2778] : memref<8x64x128xf32, #tpu.memory_space<vmem>> -> memref<1x8x128xf32, #tpu.memory_space<vmem>>
        %dma_start3A_2780 = tpu.memref_squeeze %dma_start3A_2779 : memref<1x8x128xf32, #tpu.memory_space<vmem>> -> memref<8x128xf32, #tpu.memory_space<vmem>>
        %dma_start3A_2781 = arith.constant 40 : i32
        %dma_start3A_2782 = tpu.memref_slice %arg3[%dma_start3A_2781, %multiple_of3A_2710] : memref<64x1000000xf32, #tpu.memory_space<hbm>> -> memref<8x128xf32, #tpu.memory_space<hbm>>
        %dma_start3A_2783 = arith.constant 40 : i32
        %dma_start3A_2784 = arith.constant 0 : i32
        %dma_start3A_2785 = tpu.memref_slice %arg6[%dma_start3A_2776, %dma_start3A_2783, %dma_start3A_2784] : memref<8x64x128xf32, #tpu.memory_space<vmem>> -> memref<1x8x128xf32, #tpu.memory_space<vmem>>
        %dma_start3A_2786 = tpu.memref_squeeze %dma_start3A_2785 : memref<1x8x128xf32, #tpu.memory_space<vmem>> -> memref<8x128xf32, #tpu.memory_space<vmem>>
        %dma_start3A_2787 = arith.constant 40 : i32
        %dma_start3A_2788 = tpu.memref_slice %arg3[%dma_start3A_2787, %multiple_of3A_2710] : memref<64x1000000xf32, #tpu.memory_space<hbm>> -> memref<8x128xf32, #tpu.memory_space<hbm>>
        tpu.enqueue_dma source(%dma_start3A_2788 : memref<8x128xf32, #tpu.memory_space<hbm>>) target(%dma_start3A_2786 : memref<8x128xf32, #tpu.memory_space<vmem>>) target_semaphore(%arg9 : memref<!tpu.dma_semaphore, #tpu.memory_space<semaphore_mem>>)
        %dma_start3A_2789 = arith.constant 6 : i32
        %dma_start3A_2790 = arith.constant 48 : i32
        %dma_start3A_2791 = arith.constant 0 : i32
        %dma_start3A_2792 = tpu.memref_slice %arg6[%dma_start3A_2789, %dma_start3A_2790, %dma_start3A_2791] : memref<8x64x128xf32, #tpu.memory_space<vmem>> -> memref<1x8x128xf32, #tpu.memory_space<vmem>>
        %dma_start3A_2793 = tpu.memref_squeeze %dma_start3A_2792 : memref<1x8x128xf32, #tpu.memory_space<vmem>> -> memref<8x128xf32, #tpu.memory_space<vmem>>
        %dma_start3A_2794 = arith.constant 48 : i32
        %dma_start3A_2795 = tpu.memref_slice %arg3[%dma_start3A_2794, %multiple_of3A_2710] : memref<64x1000000xf32, #tpu.memory_space<hbm>> -> memref<8x128xf32, #tpu.memory_space<hbm>>
        %dma_start3A_2796 = arith.constant 48 : i32
        %dma_start3A_2797 = arith.constant 0 : i32
        %dma_start3A_2798 = tpu.memref_slice %arg6[%dma_start3A_2789, %dma_start3A_2796, %dma_start3A_2797] : memref<8x64x128xf32, #tpu.memory_space<vmem>> -> memref<1x8x128xf32, #tpu.memory_space<vmem>>
        %dma_start3A_2799 = tpu.memref_squeeze %dma_start3A_2798 : memref<1x8x128xf32, #tpu.memory_space<vmem>> -> memref<8x128xf32, #tpu.memory_space<vmem>>
        %dma_start3A_2800 = arith.constant 48 : i32
        %dma_start3A_2801 = tpu.memref_slice %arg3[%dma_start3A_2800, %multiple_of3A_2710] : memref<64x1000000xf32, #tpu.memory_space<hbm>> -> memref<8x128xf32, #tpu.memory_space<hbm>>
        tpu.enqueue_dma source(%dma_start3A_2801 : memref<8x128xf32, #tpu.memory_space<hbm>>) target(%dma_start3A_2799 : memref<8x128xf32, #tpu.memory_space<vmem>>) target_semaphore(%arg9 : memref<!tpu.dma_semaphore, #tpu.memory_space<semaphore_mem>>)
        %dma_start3A_2802 = arith.constant 6 : i32
        %dma_start3A_2803 = arith.constant 56 : i32
        %dma_start3A_2804 = arith.constant 0 : i32
        %dma_start3A_2805 = tpu.memref_slice %arg6[%dma_start3A_2802, %dma_start3A_2803, %dma_start3A_2804] : memref<8x64x128xf32, #tpu.memory_space<vmem>> -> memref<1x8x128xf32, #tpu.memory_space<vmem>>
        %dma_start3A_2806 = tpu.memref_squeeze %dma_start3A_2805 : memref<1x8x128xf32, #tpu.memory_space<vmem>> -> memref<8x128xf32, #tpu.memory_space<vmem>>
        %dma_start3A_2807 = arith.constant 56 : i32
        %dma_start3A_2808 = tpu.memref_slice %arg3[%dma_start3A_2807, %multiple_of3A_2710] : memref<64x1000000xf32, #tpu.memory_space<hbm>> -> memref<8x128xf32, #tpu.memory_space<hbm>>
        %dma_start3A_2809 = arith.constant 56 : i32
        %dma_start3A_2810 = arith.constant 0 : i32
        %dma_start3A_2811 = tpu.memref_slice %arg6[%dma_start3A_2802, %dma_start3A_2809, %dma_start3A_2810] : memref<8x64x128xf32, #tpu.memory_space<vmem>> -> memref<1x8x128xf32, #tpu.memory_space<vmem>>
        %dma_start3A_2812 = tpu.memref_squeeze %dma_start3A_2811 : memref<1x8x128xf32, #tpu.memory_space<vmem>> -> memref<8x128xf32, #tpu.memory_space<vmem>>
        %dma_start3A_2813 = arith.constant 56 : i32
        %dma_start3A_2814 = tpu.memref_slice %arg3[%dma_start3A_2813, %multiple_of3A_2710] : memref<64x1000000xf32, #tpu.memory_space<hbm>> -> memref<8x128xf32, #tpu.memory_space<hbm>>
        tpu.enqueue_dma source(%dma_start3A_2814 : memref<8x128xf32, #tpu.memory_space<hbm>>) target(%dma_start3A_2812 : memref<8x128xf32, #tpu.memory_space<vmem>>) target_semaphore(%arg9 : memref<!tpu.dma_semaphore, #tpu.memory_space<semaphore_mem>>)
        %slice3A_2815 = vector.extract_strided_slice %get3A_904 {offsets = [7], sizes = [1], strides = [1]} : vector<16xi32> to vector<1xi32>
        %squeeze3A_2816 = vector.extract %slice3A_2815[0] : i32 from vector<1xi32>
        %shift_right_arithmetic3A_2817 = arith.constant 7 : i32
        %shift_right_arithmetic3A_2818 = arith.shrsi %squeeze3A_2816, %shift_right_arithmetic3A_2817 : i32
        %shift_left3A_2819 = arith.constant 7 : i32
        %shift_left3A_2820 = arith.shli %shift_right_arithmetic3A_2818, %shift_left3A_2819 : i32
        %multiple_of3A_2821 = tpu.assume_multiple %shift_left3A_2820, 128 : i32
        %dma_start3A_2822 = arith.constant 7 : i32
        %dma_start3A_2823 = arith.constant 0 : i32
        %dma_start3A_2824 = arith.constant 0 : i32
        %dma_start3A_2825 = tpu.memref_slice %arg6[%dma_start3A_2822, %dma_start3A_2823, %dma_start3A_2824] : memref<8x64x128xf32, #tpu.memory_space<vmem>> -> memref<1x8x128xf32, #tpu.memory_space<vmem>>
        %dma_start3A_2826 = tpu.memref_squeeze %dma_start3A_2825 : memref<1x8x128xf32, #tpu.memory_space<vmem>> -> memref<8x128xf32, #tpu.memory_space<vmem>>
        %dma_start3A_2827 = arith.constant 0 : i32
        %dma_start3A_2828 = tpu.memref_slice %arg3[%dma_start3A_2827, %multiple_of3A_2821] : memref<64x1000000xf32, #tpu.memory_space<hbm>> -> memref<8x128xf32, #tpu.memory_space<hbm>>
        %dma_start3A_2829 = arith.constant 0 : i32
        %dma_start3A_2830 = arith.constant 0 : i32
        %dma_start3A_2831 = tpu.memref_slice %arg6[%dma_start3A_2822, %dma_start3A_2829, %dma_start3A_2830] : memref<8x64x128xf32, #tpu.memory_space<vmem>> -> memref<1x8x128xf32, #tpu.memory_space<vmem>>
        %dma_start3A_2832 = tpu.memref_squeeze %dma_start3A_2831 : memref<1x8x128xf32, #tpu.memory_space<vmem>> -> memref<8x128xf32, #tpu.memory_space<vmem>>
        %dma_start3A_2833 = arith.constant 0 : i32
        %dma_start3A_2834 = tpu.memref_slice %arg3[%dma_start3A_2833, %multiple_of3A_2821] : memref<64x1000000xf32, #tpu.memory_space<hbm>> -> memref<8x128xf32, #tpu.memory_space<hbm>>
        tpu.enqueue_dma source(%dma_start3A_2834 : memref<8x128xf32, #tpu.memory_space<hbm>>) target(%dma_start3A_2832 : memref<8x128xf32, #tpu.memory_space<vmem>>) target_semaphore(%arg9 : memref<!tpu.dma_semaphore, #tpu.memory_space<semaphore_mem>>)
        %dma_start3A_2835 = arith.constant 7 : i32
        %dma_start3A_2836 = arith.constant 8 : i32
        %dma_start3A_2837 = arith.constant 0 : i32
        %dma_start3A_2838 = tpu.memref_slice %arg6[%dma_start3A_2835, %dma_start3A_2836, %dma_start3A_2837] : memref<8x64x128xf32, #tpu.memory_space<vmem>> -> memref<1x8x128xf32, #tpu.memory_space<vmem>>
        %dma_start3A_2839 = tpu.memref_squeeze %dma_start3A_2838 : memref<1x8x128xf32, #tpu.memory_space<vmem>> -> memref<8x128xf32, #tpu.memory_space<vmem>>
        %dma_start3A_2840 = arith.constant 8 : i32
        %dma_start3A_2841 = tpu.memref_slice %arg3[%dma_start3A_2840, %multiple_of3A_2821] : memref<64x1000000xf32, #tpu.memory_space<hbm>> -> memref<8x128xf32, #tpu.memory_space<hbm>>
        %dma_start3A_2842 = arith.constant 8 : i32
        %dma_start3A_2843 = arith.constant 0 : i32
        %dma_start3A_2844 = tpu.memref_slice %arg6[%dma_start3A_2835, %dma_start3A_2842, %dma_start3A_2843] : memref<8x64x128xf32, #tpu.memory_space<vmem>> -> memref<1x8x128xf32, #tpu.memory_space<vmem>>
        %dma_start3A_2845 = tpu.memref_squeeze %dma_start3A_2844 : memref<1x8x128xf32, #tpu.memory_space<vmem>> -> memref<8x128xf32, #tpu.memory_space<vmem>>
        %dma_start3A_2846 = arith.constant 8 : i32
        %dma_start3A_2847 = tpu.memref_slice %arg3[%dma_start3A_2846, %multiple_of3A_2821] : memref<64x1000000xf32, #tpu.memory_space<hbm>> -> memref<8x128xf32, #tpu.memory_space<hbm>>
        tpu.enqueue_dma source(%dma_start3A_2847 : memref<8x128xf32, #tpu.memory_space<hbm>>) target(%dma_start3A_2845 : memref<8x128xf32, #tpu.memory_space<vmem>>) target_semaphore(%arg9 : memref<!tpu.dma_semaphore, #tpu.memory_space<semaphore_mem>>)
        %dma_start3A_2848 = arith.constant 7 : i32
        %dma_start3A_2849 = arith.constant 16 : i32
        %dma_start3A_2850 = arith.constant 0 : i32
        %dma_start3A_2851 = tpu.memref_slice %arg6[%dma_start3A_2848, %dma_start3A_2849, %dma_start3A_2850] : memref<8x64x128xf32, #tpu.memory_space<vmem>> -> memref<1x8x128xf32, #tpu.memory_space<vmem>>
        %dma_start3A_2852 = tpu.memref_squeeze %dma_start3A_2851 : memref<1x8x128xf32, #tpu.memory_space<vmem>> -> memref<8x128xf32, #tpu.memory_space<vmem>>
        %dma_start3A_2853 = arith.constant 16 : i32
        %dma_start3A_2854 = tpu.memref_slice %arg3[%dma_start3A_2853, %multiple_of3A_2821] : memref<64x1000000xf32, #tpu.memory_space<hbm>> -> memref<8x128xf32, #tpu.memory_space<hbm>>
        %dma_start3A_2855 = arith.constant 16 : i32
        %dma_start3A_2856 = arith.constant 0 : i32
        %dma_start3A_2857 = tpu.memref_slice %arg6[%dma_start3A_2848, %dma_start3A_2855, %dma_start3A_2856] : memref<8x64x128xf32, #tpu.memory_space<vmem>> -> memref<1x8x128xf32, #tpu.memory_space<vmem>>
        %dma_start3A_2858 = tpu.memref_squeeze %dma_start3A_2857 : memref<1x8x128xf32, #tpu.memory_space<vmem>> -> memref<8x128xf32, #tpu.memory_space<vmem>>
        %dma_start3A_2859 = arith.constant 16 : i32
        %dma_start3A_2860 = tpu.memref_slice %arg3[%dma_start3A_2859, %multiple_of3A_2821] : memref<64x1000000xf32, #tpu.memory_space<hbm>> -> memref<8x128xf32, #tpu.memory_space<hbm>>
        tpu.enqueue_dma source(%dma_start3A_2860 : memref<8x128xf32, #tpu.memory_space<hbm>>) target(%dma_start3A_2858 : memref<8x128xf32, #tpu.memory_space<vmem>>) target_semaphore(%arg9 : memref<!tpu.dma_semaphore, #tpu.memory_space<semaphore_mem>>)
        %dma_start3A_2861 = arith.constant 7 : i32
        %dma_start3A_2862 = arith.constant 24 : i32
        %dma_start3A_2863 = arith.constant 0 : i32
        %dma_start3A_2864 = tpu.memref_slice %arg6[%dma_start3A_2861, %dma_start3A_2862, %dma_start3A_2863] : memref<8x64x128xf32, #tpu.memory_space<vmem>> -> memref<1x8x128xf32, #tpu.memory_space<vmem>>
        %dma_start3A_2865 = tpu.memref_squeeze %dma_start3A_2864 : memref<1x8x128xf32, #tpu.memory_space<vmem>> -> memref<8x128xf32, #tpu.memory_space<vmem>>
        %dma_start3A_2866 = arith.constant 24 : i32
        %dma_start3A_2867 = tpu.memref_slice %arg3[%dma_start3A_2866, %multiple_of3A_2821] : memref<64x1000000xf32, #tpu.memory_space<hbm>> -> memref<8x128xf32, #tpu.memory_space<hbm>>
        %dma_start3A_2868 = arith.constant 24 : i32
        %dma_start3A_2869 = arith.constant 0 : i32
        %dma_start3A_2870 = tpu.memref_slice %arg6[%dma_start3A_2861, %dma_start3A_2868, %dma_start3A_2869] : memref<8x64x128xf32, #tpu.memory_space<vmem>> -> memref<1x8x128xf32, #tpu.memory_space<vmem>>
        %dma_start3A_2871 = tpu.memref_squeeze %dma_start3A_2870 : memref<1x8x128xf32, #tpu.memory_space<vmem>> -> memref<8x128xf32, #tpu.memory_space<vmem>>
        %dma_start3A_2872 = arith.constant 24 : i32
        %dma_start3A_2873 = tpu.memref_slice %arg3[%dma_start3A_2872, %multiple_of3A_2821] : memref<64x1000000xf32, #tpu.memory_space<hbm>> -> memref<8x128xf32, #tpu.memory_space<hbm>>
        tpu.enqueue_dma source(%dma_start3A_2873 : memref<8x128xf32, #tpu.memory_space<hbm>>) target(%dma_start3A_2871 : memref<8x128xf32, #tpu.memory_space<vmem>>) target_semaphore(%arg9 : memref<!tpu.dma_semaphore, #tpu.memory_space<semaphore_mem>>)
        %dma_start3A_2874 = arith.constant 7 : i32
        %dma_start3A_2875 = arith.constant 32 : i32
        %dma_start3A_2876 = arith.constant 0 : i32
        %dma_start3A_2877 = tpu.memref_slice %arg6[%dma_start3A_2874, %dma_start3A_2875, %dma_start3A_2876] : memref<8x64x128xf32, #tpu.memory_space<vmem>> -> memref<1x8x128xf32, #tpu.memory_space<vmem>>
        %dma_start3A_2878 = tpu.memref_squeeze %dma_start3A_2877 : memref<1x8x128xf32, #tpu.memory_space<vmem>> -> memref<8x128xf32, #tpu.memory_space<vmem>>
        %dma_start3A_2879 = arith.constant 32 : i32
        %dma_start3A_2880 = tpu.memref_slice %arg3[%dma_start3A_2879, %multiple_of3A_2821] : memref<64x1000000xf32, #tpu.memory_space<hbm>> -> memref<8x128xf32, #tpu.memory_space<hbm>>
        %dma_start3A_2881 = arith.constant 32 : i32
        %dma_start3A_2882 = arith.constant 0 : i32
        %dma_start3A_2883 = tpu.memref_slice %arg6[%dma_start3A_2874, %dma_start3A_2881, %dma_start3A_2882] : memref<8x64x128xf32, #tpu.memory_space<vmem>> -> memref<1x8x128xf32, #tpu.memory_space<vmem>>
        %dma_start3A_2884 = tpu.memref_squeeze %dma_start3A_2883 : memref<1x8x128xf32, #tpu.memory_space<vmem>> -> memref<8x128xf32, #tpu.memory_space<vmem>>
        %dma_start3A_2885 = arith.constant 32 : i32
        %dma_start3A_2886 = tpu.memref_slice %arg3[%dma_start3A_2885, %multiple_of3A_2821] : memref<64x1000000xf32, #tpu.memory_space<hbm>> -> memref<8x128xf32, #tpu.memory_space<hbm>>
        tpu.enqueue_dma source(%dma_start3A_2886 : memref<8x128xf32, #tpu.memory_space<hbm>>) target(%dma_start3A_2884 : memref<8x128xf32, #tpu.memory_space<vmem>>) target_semaphore(%arg9 : memref<!tpu.dma_semaphore, #tpu.memory_space<semaphore_mem>>)
        %dma_start3A_2887 = arith.constant 7 : i32
        %dma_start3A_2888 = arith.constant 40 : i32
        %dma_start3A_2889 = arith.constant 0 : i32
        %dma_start3A_2890 = tpu.memref_slice %arg6[%dma_start3A_2887, %dma_start3A_2888, %dma_start3A_2889] : memref<8x64x128xf32, #tpu.memory_space<vmem>> -> memref<1x8x128xf32, #tpu.memory_space<vmem>>
        %dma_start3A_2891 = tpu.memref_squeeze %dma_start3A_2890 : memref<1x8x128xf32, #tpu.memory_space<vmem>> -> memref<8x128xf32, #tpu.memory_space<vmem>>
        %dma_start3A_2892 = arith.constant 40 : i32
        %dma_start3A_2893 = tpu.memref_slice %arg3[%dma_start3A_2892, %multiple_of3A_2821] : memref<64x1000000xf32, #tpu.memory_space<hbm>> -> memref<8x128xf32, #tpu.memory_space<hbm>>
        %dma_start3A_2894 = arith.constant 40 : i32
        %dma_start3A_2895 = arith.constant 0 : i32
        %dma_start3A_2896 = tpu.memref_slice %arg6[%dma_start3A_2887, %dma_start3A_2894, %dma_start3A_2895] : memref<8x64x128xf32, #tpu.memory_space<vmem>> -> memref<1x8x128xf32, #tpu.memory_space<vmem>>
        %dma_start3A_2897 = tpu.memref_squeeze %dma_start3A_2896 : memref<1x8x128xf32, #tpu.memory_space<vmem>> -> memref<8x128xf32, #tpu.memory_space<vmem>>
        %dma_start3A_2898 = arith.constant 40 : i32
        %dma_start3A_2899 = tpu.memref_slice %arg3[%dma_start3A_2898, %multiple_of3A_2821] : memref<64x1000000xf32, #tpu.memory_space<hbm>> -> memref<8x128xf32, #tpu.memory_space<hbm>>
        tpu.enqueue_dma source(%dma_start3A_2899 : memref<8x128xf32, #tpu.memory_space<hbm>>) target(%dma_start3A_2897 : memref<8x128xf32, #tpu.memory_space<vmem>>) target_semaphore(%arg9 : memref<!tpu.dma_semaphore, #tpu.memory_space<semaphore_mem>>)
        %dma_start3A_2900 = arith.constant 7 : i32
        %dma_start3A_2901 = arith.constant 48 : i32
        %dma_start3A_2902 = arith.constant 0 : i32
        %dma_start3A_2903 = tpu.memref_slice %arg6[%dma_start3A_2900, %dma_start3A_2901, %dma_start3A_2902] : memref<8x64x128xf32, #tpu.memory_space<vmem>> -> memref<1x8x128xf32, #tpu.memory_space<vmem>>
        %dma_start3A_2904 = tpu.memref_squeeze %dma_start3A_2903 : memref<1x8x128xf32, #tpu.memory_space<vmem>> -> memref<8x128xf32, #tpu.memory_space<vmem>>
        %dma_start3A_2905 = arith.constant 48 : i32
        %dma_start3A_2906 = tpu.memref_slice %arg3[%dma_start3A_2905, %multiple_of3A_2821] : memref<64x1000000xf32, #tpu.memory_space<hbm>> -> memref<8x128xf32, #tpu.memory_space<hbm>>
        %dma_start3A_2907 = arith.constant 48 : i32
        %dma_start3A_2908 = arith.constant 0 : i32
        %dma_start3A_2909 = tpu.memref_slice %arg6[%dma_start3A_2900, %dma_start3A_2907, %dma_start3A_2908] : memref<8x64x128xf32, #tpu.memory_space<vmem>> -> memref<1x8x128xf32, #tpu.memory_space<vmem>>
        %dma_start3A_2910 = tpu.memref_squeeze %dma_start3A_2909 : memref<1x8x128xf32, #tpu.memory_space<vmem>> -> memref<8x128xf32, #tpu.memory_space<vmem>>
        %dma_start3A_2911 = arith.constant 48 : i32
        %dma_start3A_2912 = tpu.memref_slice %arg3[%dma_start3A_2911, %multiple_of3A_2821] : memref<64x1000000xf32, #tpu.memory_space<hbm>> -> memref<8x128xf32, #tpu.memory_space<hbm>>
        tpu.enqueue_dma source(%dma_start3A_2912 : memref<8x128xf32, #tpu.memory_space<hbm>>) target(%dma_start3A_2910 : memref<8x128xf32, #tpu.memory_space<vmem>>) target_semaphore(%arg9 : memref<!tpu.dma_semaphore, #tpu.memory_space<semaphore_mem>>)
        %dma_start3A_2913 = arith.constant 7 : i32
        %dma_start3A_2914 = arith.constant 56 : i32
        %dma_start3A_2915 = arith.constant 0 : i32
        %dma_start3A_2916 = tpu.memref_slice %arg6[%dma_start3A_2913, %dma_start3A_2914, %dma_start3A_2915] : memref<8x64x128xf32, #tpu.memory_space<vmem>> -> memref<1x8x128xf32, #tpu.memory_space<vmem>>
        %dma_start3A_2917 = tpu.memref_squeeze %dma_start3A_2916 : memref<1x8x128xf32, #tpu.memory_space<vmem>> -> memref<8x128xf32, #tpu.memory_space<vmem>>
        %dma_start3A_2918 = arith.constant 56 : i32
        %dma_start3A_2919 = tpu.memref_slice %arg3[%dma_start3A_2918, %multiple_of3A_2821] : memref<64x1000000xf32, #tpu.memory_space<hbm>> -> memref<8x128xf32, #tpu.memory_space<hbm>>
        %dma_start3A_2920 = arith.constant 56 : i32
        %dma_start3A_2921 = arith.constant 0 : i32
        %dma_start3A_2922 = tpu.memref_slice %arg6[%dma_start3A_2913, %dma_start3A_2920, %dma_start3A_2921] : memref<8x64x128xf32, #tpu.memory_space<vmem>> -> memref<1x8x128xf32, #tpu.memory_space<vmem>>
        %dma_start3A_2923 = tpu.memref_squeeze %dma_start3A_2922 : memref<1x8x128xf32, #tpu.memory_space<vmem>> -> memref<8x128xf32, #tpu.memory_space<vmem>>
        %dma_start3A_2924 = arith.constant 56 : i32
        %dma_start3A_2925 = tpu.memref_slice %arg3[%dma_start3A_2924, %multiple_of3A_2821] : memref<64x1000000xf32, #tpu.memory_space<hbm>> -> memref<8x128xf32, #tpu.memory_space<hbm>>
        tpu.enqueue_dma source(%dma_start3A_2925 : memref<8x128xf32, #tpu.memory_space<hbm>>) target(%dma_start3A_2923 : memref<8x128xf32, #tpu.memory_space<vmem>>) target_semaphore(%arg9 : memref<!tpu.dma_semaphore, #tpu.memory_space<semaphore_mem>>)
      } else {
      }
    }
    %scan3A_890 = arith.constant 8 : i32
    "tpu.region"() ({
      %run_scoped3A = tpu.sem_alloc : memref<!tpu.dma_semaphore, #tpu.memory_space<semaphore_mem>>
      %dma_start3A_891 = arith.constant 0 : i32
      %dma_start3A_892 = tpu.memref_slice %arg4[%dma_start3A_891, %mul3A_2] : memref<64x4096xf32, #tpu.memory_space<hbm>> -> memref<64x128xf32, #tpu.memory_space<hbm>>
      %dma_start3A_893 = arith.constant 0 : i32
      %dma_start3A_894 = tpu.memref_slice %arg4[%dma_start3A_893, %mul3A_2] : memref<64x4096xf32, #tpu.memory_space<hbm>> -> memref<64x128xf32, #tpu.memory_space<hbm>>
      tpu.enqueue_dma source(%arg7 : memref<64x128xf32, #tpu.memory_space<vmem>>) target(%dma_start3A_894 : memref<64x128xf32, #tpu.memory_space<hbm>>) target_semaphore(%run_scoped3A : memref<!tpu.dma_semaphore, #tpu.memory_space<semaphore_mem>>)
      %dma_wait3A = arith.constant 0 : i32
      %dma_wait3A_895 = tpu.memref_slice %arg4[%dma_wait3A, %mul3A_2] : memref<64x4096xf32, #tpu.memory_space<hbm>> -> memref<64x128xf32, #tpu.memory_space<hbm>>
      %dma_wait3A_896 = arith.constant 0 : i32
      %dma_wait3A_897 = tpu.memref_slice %arg4[%dma_wait3A_896, %mul3A_2] : memref<64x4096xf32, #tpu.memory_space<hbm>> -> memref<64x128xf32, #tpu.memory_space<hbm>>
      tpu.wait_dma2 semaphore(%run_scoped3A : memref<!tpu.dma_semaphore, #tpu.memory_space<semaphore_mem>>) src(%arg7 : memref<64x128xf32, #tpu.memory_space<vmem>>) dst(%dma_wait3A_897 : memref<64x128xf32, #tpu.memory_space<hbm>>)
      tpu.yield
    }) : () -> ()
    return
  }
}

</mosaic_0001>

<sc_bundles>
// kernel: kernel.3.cloned.1.call-start
scs
__scs_entry_jumppad:
0x0: {  	(pc) =	sbr.rel $0x88, $3  }
0x1: {  	(tag) =	ssettag $0x0;
	lr =	simm.s32 $0x1  }
0x2: {  	[smem:$0x3F9F] =	sst lr;
	_ =	strace $0xD0000000  }
0x3: {  	_ = 	snop  }
0x4: {  	_ = 	snop  }
0x5: {  	_ = 	snop  }
0x6: {  	_ = 	snop  }
0x7: {  	_ = 	snop  }
__scs_overlays_trampoline_lowered:
0x8: {  	[smem:$0x3FAE] =	sst s0  }
0x9: {  	[smem:$0x3FAF] =	sst s1  }
0xa: {  	[smem:$0x3FB0] =	sst s2  }
0xb: {  	[smem:$0x3FB1] =	sst s3  }
0xc: {  	[smem:$0x3FB2] =	sst s4  }
0xd: {  	[smem:$0x3FB3] =	sst s5  }
0xe: {  	[smem:$0x3FB4] =	sst s6  }
0xf: {  	[smem:$0x3FB5] =	sst s7  }
0x10: {  	[smem:$0x3FB6] =	sst s8  }
0x11: {  	[smem:$0x3FB7] =	sst s9;
	s0 =	simm.s32 @!p0 $0x0  }
0x12: {  	s1 =	sld [smem:$0x3F9D];
	s0 =	simm.s32 @p0 $0x1  }
0x13: {  	[smem:$0x3FB8] =	sst s0;
	s0 =	simm.s32 @!p1 $0x0  }
0x14: {  	s2 =	sld [smem:$0x3F9C];
	s0 =	simm.s32 @p1 $0x1  }
0x15: {  	[smem:$0x3FB9] =	sst s0;
	s0 =	simm.s32 @!p2 $0x0  }
0x16: {  	s3 =	sld [smem:$0x3FDB];
	s0 =	simm.s32 @p2 $0x1  }
0x17: {  	s4 =	simm.s32 $0x1BF5;
	[smem:$0x3FBB] =	sst s0  }
0x18: {  	s0 =	sld [smem:$0x3F9E];
	_ =	swait.ge [sflag:s4], $0x0  }
0x19: {  	s7 =	sld [smem:$0x3F9F]  }
0x1a: {  	s8 =	sadd.s32 $0xFFFFE003, lr  }
0x1b: {  	s9 =	sadd.s32 $0xFFFFFEF7, lr;
	s5 =	simm.s32 $0xFFFFFFFF;
	p2 =	slt.u32 s8, $0xFFFFF086  }
0x1c: {  	p1 =	slt.u32 s9, $0xF7A;
	s5 =	simm.s32 @!p2 $0x0  }
0x1d: {  	s5 =	simm.s32 @p1 $0x1;
	p0 =	seq.s32 s7, s2  }
0x1e: {  	s7 =	smul.u32 @!p0 $0xF7A, s2;
	p2 =	seq.s32 @!p0 s5, $0x0  }
0x1f: {  	s9 =	smul.u32 $0xF7A, s1;
	s8 =	simm.s32 @!p0 $0x1BF5;
	p2 =	por !p2, p0  }
0x20: {  	[sflag:s8] =	ssyncset.s32 @!p0 $0xFFFFF086;
	s6 =	sadd.s32 @!p0 s3, s7;
	s7 =	simm.s32 @!p0 $0x108  }
0x21: {  	s3 =	sadd.s32 s3, s9;
	s6 =	sadd.s32 @!p0 $0x88, s6;
	s7 =	simm.s32 @p2 $0x1082  }
0x22: {  	[simem:s7], [sflag:s8] =	dma.local @!p0 [hbm:s6], $0xF7A  }
0x23: {  	s9 =	sor.u32 $0xD0000000, s2;
	s6 =	simm.s32 $0x108;
	_ =	swait.ge @!p0 [sflag:s8], $0x0  }
0x24: {  	s3 =	sadd.s32 $0x88, s3;
	s6 =	simm.s32 @!p1 $0x1082;
	[sflag:s4] =	ssyncset.s32 $0xFFFFF086  }
0x25: {  	[simem:s6], [sflag:s4] =	dma.local [hbm:s3], $0xF7A  }
0x26: {  	[smem:$0x3F9F] =	sst s1;
	(tag) =	ssettag s2;
	_ =	strace s9  }
0x27: {  	s1 =	sld [smem:$0x3FAF]  }
0x28: {  	s2 =	sld [smem:$0x3FB0]  }
0x29: {  	s4 =	sld [smem:$0x3FB2]  }
0x2a: {  	p0 =	seq.s32 s5, $0x0;
	s5 =	sld [smem:$0x3FB3]  }
0x2b: {  	s6 =	sld [smem:$0x3FB4]  }
0x2c: {  	s7 =	sld [smem:$0x3FB5]  }
0x2d: {  	s3 =	simm.s32 $0x108;
	s8 =	sld [smem:$0x3FB6]  }
0x2e: {  	s3 =	simm.s32 @!p0 $0x1082;
	s9 =	sld [smem:$0x3FB7]  }
0x2f: {  	lr =	sadd.s32 s0, s3;
	s0 =	sld [smem:$0x3FAE]  }
0x30: {  	s3 =	sld [smem:$0x3FB1]  }
0x31: {  	[smem:$0x3FBA] =	sst s10  }
0x32: {  	s10 =	sld [smem:$0x3FB8];
	_ =	sdelay $0x3  }
0x33: {  	p0 =	seq.s32 s10, $0x1;
	s10 =	sld [smem:$0x3FBA];
	_ =	sdelay $0x3  }
0x34: {  	[smem:$0x3FBA] =	sst s10  }
0x35: {  	s10 =	sld [smem:$0x3FB9];
	_ =	sdelay $0x3  }
0x36: {  	p1 =	seq.s32 s10, $0x1;
	s10 =	sld [smem:$0x3FBA];
	_ =	sdelay $0x3  }
0x37: {  	[smem:$0x3FBA] =	sst s10  }
0x38: {  	s10 =	sld [smem:$0x3FBB]  }
0x39: {  	_ = 	snop;
	(pc) =	sbr.ind lr, $3  }
0x3a: {  	_ = 	snop  }
0x3b: {  	_ = 	snop  }
0x3c: {  	p2 =	seq.s32 s10, $0x1;
	s10 =	sld [smem:$0x3FBA]  }
0x3d: {  	_ =	shalt  }
0x3e: {  	_ =	shalt  }
0x3f: {  	_ =	shalt  }
0x40: {  	_ =	shalt  }
0x41: {  	_ =	shalt  }
0x42: {  	_ =	shalt  }
0x43: {  	_ =	shalt  }
0x44: {  	_ =	shalt  }
0x45: {  	_ =	shalt  }
0x46: {  	_ =	shalt  }
0x47: {  	_ =	shalt  }
0x48: {  	_ =	shalt  }
0x49: {  	_ =	shalt  }
0x4a: {  	_ =	shalt  }
0x4b: {  	_ =	shalt  }
0x4c: {  	_ =	shalt  }
0x4d: {  	_ =	shalt  }
0x4e: {  	_ =	shalt  }
0x4f: {  	_ =	shalt  }
0x50: {  	_ =	shalt  }
0x51: {  	_ =	shalt  }
0x52: {  	_ =	shalt  }
0x53: {  	_ =	shalt  }
0x54: {  	_ =	shalt  }
0x55: {  	_ =	shalt  }
0x56: {  	_ =	shalt  }
0x57: {  	_ =	shalt  }
0x58: {  	_ =	shalt  }
0x59: {  	_ =	shalt  }
0x5a: {  	_ =	shalt  }
0x5b: {  	_ =	shalt  }
0x5c: {  	_ =	shalt  }
0x5d: {  	_ =	shalt  }
0x5e: {  	_ =	shalt  }
0x5f: {  	_ =	shalt  }
0x60: {  	_ =	shalt  }
0x61: {  	_ =	shalt  }
0x62: {  	_ =	shalt  }
0x63: {  	_ =	shalt  }
0x64: {  	_ =	shalt  }
0x65: {  	_ =	shalt  }
0x66: {  	_ =	shalt  }
0x67: {  	_ =	shalt  }
0x68: {  	_ =	shalt  }
0x69: {  	_ =	shalt  }
0x6a: {  	_ =	shalt  }
0x6b: {  	_ =	shalt  }
0x6c: {  	_ =	shalt  }
0x6d: {  	_ =	shalt  }
0x6e: {  	_ =	shalt  }
0x6f: {  	_ =	shalt  }
0x70: {  	_ =	shalt  }
0x71: {  	_ =	shalt  }
0x72: {  	_ =	shalt  }
0x73: {  	_ =	shalt  }
0x74: {  	_ =	shalt  }
0x75: {  	_ =	shalt  }
0x76: {  	_ =	shalt  }
0x77: {  	_ =	shalt  }
0x78: {  	_ =	shalt  }
0x79: {  	_ =	shalt  }
0x7a: {  	_ =	shalt  }
0x7b: {  	_ =	shalt  }
0x7c: {  	_ =	shalt  }
0x7d: {  	_ =	shalt  }
0x7e: {  	_ =	shalt  }
0x7f: {  	_ =	shalt  }
0x80: {  	_ =	shalt  }
0x81: {  	_ =	shalt  }
0x82: {  	_ =	shalt  }
0x83: {  	_ =	shalt  }
0x84: {  	_ =	shalt  }
0x85: {  	_ =	shalt  }
0x86: {  	_ =	shalt  }
0x87: {  	_ =	shalt  }
.Lfunc_end0:
.L_simem_size_0:
called_computation_lowered:
.L_overlay_start_0:
0x88: {  	s2 =	sld [smem:$0x3FD9]  }
0x89: {  	s3 =	sld [smem:$0x3FFE];
	_ =	sdelay $0x1  }
0x8a: {  	s1 =	srdreg.scid  }
0x8b: {  	s0 =	sand.u32 $0x1, s1  }
0x8c: {  	s18 =	sshll.u32 s0, $0xA;
	s2 =	sadd.s32 s3, s2  }
0x8d: {  	s2 =	sadd.s32 s2, s18  }
0x8e: {  	[smem:$0x3FC6] =	sst s2  }
0x8f: {  	_ = 	snop  }
0x90: {  	s2 =	sld [smem:$0x3FC9]  }
0x91: {  	s19 =	sld [smem:$0x3FC8]  }
0x92: {  	s4 =	sld [smem:$0x3FD0];
	(tm) =	ssettm $0x1  }
0x93: {  	s5 =	sld [smem:$0x3FFB];
	_ =	sdelay $0x3  }
0x94: {  	_ =	strace s5  }
0x95: {  	s5 =	sld [smem:$0x3FFC];
	_ =	sdelay $0x3  }
0x96: {  	_ =	strace s5  }
0x97: {  	s5 =	sld [smem:$0x3FFD];
	_ =	sdelay $0x3  }
0x98: {  	_ =	strace s5  }
0x99: {  	_ =	strace $0x8FFFFFFF  }
0x9a: {  	s20 =	sld [smem:$0x3FDB];
	_ =	sdelay $0x1  }
0x9b: {  	s6 =	simm.s32 $_scs_section_size  }
0x9c: {  	s7 =	simm.s32 $_size__tile_overlayer_lowered;
	s8 =	simm.s32 $_tile_overlayer_lowered  }
0x9d: {  	s23 =	simm.s32 $0x1BFF;
	s22 =	sshll.u32 s8, $0x1;
	s5 =	sadd.s32 s6, s20  }
0x9e: {  	s9 =	simm.s32 $0x0;
	s21 =	sshll.u32 s7, $0x1;
	s7 =	sadd.s32 s22, s5  }
0x9f: {  	[timem:s9], [sflag:s23] =	dma.local [hbm:s7], s21  }
0xa0: {  	_ =	swait.ge [sflag:s23], s21  }
0xa1: {  	s6 =	ssub.s32 $0x0, s21;
	[sflag:s23] =	ssyncset.done $0x0  }
0xa2: {  	[sflag:s23] =	ssyncadd.s32 s6;
	_ =	sdelay $0x1  }
0xa3: {  	s24 =	simm.s32 $0x1B8B  }
0xa4: {  	_ =	swait.ge [sflag:s24], $0x1  }
0xa5: {  	[sflag:s24] =	ssyncset.done $0x0  }
0xa6: {  	s25 =	simm.s32 $0x1B8E;
	[sflag:s24] =	ssyncadd.s32 $0xFFFFFFFF  }
0xa7: {  	s26 =	simm.s32 $execute0_lowered;
	[smem:$0x3FD2] =	sst s25  }
0xa8: {  	s6 =	sshll.u32 s26, $0x1;
	_ =	strace $0x80000046;
	[dreg:$0x1] =	wrdreg $0xFFFFFFFF  }
0xa9: {  	s28 =	simm.s32 $_size_execute0_lowered;
	s5 =	sadd.s32 s5, s6;
	[dreg:$0x0] =	wrdreg $0x0  }
0xaa: {  	s6 =	sshll.u32 s28, $0x1;
	[dreg:$0x2] =	wrdreg s5  }
0xab: {  	[dreg:$0x3] =	wrdreg s6  }
0xac: {  	[dreg:$0x4] =	wrdreg $0xC0  }
0xad: {  	_ =	task [dreg:s9], $0x5FFFF  }
0xae: {  	[dreg:$0x1] =	wrdreg $0xFFFFFFFF  }
0xaf: {  	[dreg:$0x0] =	wrdreg $0x60  }
0xb0: {  	[dreg:$0x2] =	wrdreg s2  }
0xb1: {  	[dreg:$0x3] =	wrdreg s19  }
0xb2: {  	[dreg:$0x4] =	wrdreg s4  }
0xb3: {  	[dreg:$0x5] =	wrdreg $0x9  }
0xb4: {  	_ =	task.clear_ibuf [dreg:s9], $0x6FFFF;
	_ =	strace $0x90000046  }
0xb5: {  	s29 =	simm.s32 $0x9;
	_ =	strace $0x80000048  }
0xb6: {  	_ =	swait.ge [sflag:s29], $0x1  }
0xb7: {  	[sflag:s29] =	ssyncadd.s32 $0xFFFFFFFF  }
0xb8: {  	_ =	strace $0x90000048  }
0xb9: {  	_ =	sfence  }
0xba: {  	s30 =	sld [smem:$0x0];
	_ =	sdelay $0x2  }
0xbb: {  	s31 =	sshll.u32 s1, $0xD;
	s1 =	sshrl.u32 s1, $0x2  }
0xbc: {  	s3 =	sand.u32 $0x4000, s31;
	s1 =	sadd.s32 s1, s30  }
0xbd: {  	s0 =	sor.u32 s3, s0;
	s1 =	sshll.u32 s1, $0x11  }
0xbe: {  	s0 =	sor.u32 s1, s0  }
0xbf: {  	s0 =	sadd.s32 $0x8F2B, s0  }
0xc0: {  	[sflag:s0] =	ssyncadd.remote.s32 $0x1  }
0xc1: {  	_ =	sfence.sel $0xFFFF  }
0xc2: {  	[dreg:$0x0] =	wrdreg $0xFFFFFFFF;
	(pc) =	sbr.abs _section_cstart, $3  }
0xc3: {  	[dreg:$0x1] =	wrdreg $0xFFFFFFFF  }
0xc4: {  	_ =	task.clear_ibuf [dreg:s9], $0x2FFFF;
	_ =	strace $0x9FFFFFFF  }
0xc5: {  	(tm) =	ssettm $0x7FFFFFFF  }
tec
execute0_lowered:
.L_overlay_start_1:
0x0: {  	(tag) =	ssettag $0x1  }
0x1: {  	s0 =	rddreg [dreg:$0x0]  }
0x2: {  	s21 =	rddreg [dreg:$0x1]  }
0x3: {  	s2 =	rddreg [dreg:$0x2];
	s3 =	simm.s32 $0x0;
	s4 =	srdreg.scid  }
0x4: {  	s5 =	stileid.u32;
	s19 =	simm.s32 $0x3;
	s8 =	simm.s32 $0x80  }
0x5: {  	v0 =	vlaneseq.u32;
	s31 =	simm.s32 $0x8080;
	s9 =	simm.s32 $0x9C80;
	s10 =	simm.s32 $0xA080  }
0x6: {  	s11 =	simm.s32 $0xA480;
	s12 =	simm.s32 $0xA880;
	s13 =	simm.s32 $0xAC80;
	v0 =	vmul.u32 $0x80, v0  }
0x7: {  	s14 =	simm.s32 $0xB080;
	s15 =	simm.s32 $0xB480;
	s23 =	simm.s32 $0xB880  }
0x8: {  	s29 =	simm.s32 $0xC880;
	s30 =	simm.s32 $0xCC80;
	s1 =	simm.s32 $0xD080;
	v1 =	vor.u32 $0x800, v0  }
0x9: {  	s22 =	simm.s32 $0xD480;
	s16 =	simm.s32 $0x1;
	s17 =	simm.s32 $0x10080;
	v2 =	vor.u32 $0x1000, v0;
	v3 =	vor.u32 $0x1800, v0;
	v4 =	vor.u32 $0x2000, v0  }
0xa: {  	s18 =	simm.s32 $0x2;
	s28 =	simm.s32 $0x0;
	s4 =	sand.u32 $0x1, s4;
	v5 =	vor.u32 $0x2800, v0;
	v6 =	vor.u32 $0x3000, v0;
	v7 =	vor.u32 $0x3800, v0  }
0xb: {  	[smem:$0x7FF] =	sst s3;
	s5 =	sshll.u32 s5, $0x1;
	s6 =	ssub.s32 $0x2, s4;
	v8 =	vor.u32 $0x4000, v0;
	v9 =	vor.u32 $0x4800, v0;
	v10 =	vor.u32 $0x5000, v0  }
0xc: {  	_ =	strace $0x80000047;
	s4 =	sor.u32 s4, s5;
	s24 =	sshrl.u32 s6, $0x1;
	v11 =	vor.u32 $0x5800, v0;
	v12 =	vor.u32 $0x6000, v0;
	v13 =	vor.u32 $0x6800, v0  }
0xd: {  	s7 =	sshll.u32 s4, $0x4;
	s4 =	sshll.u32 s4, $0x7;
	v14 =	vor.u32 $0x7000, v0;
	v15 =	vor.u32 $0x7800, v0;
	v16 =	vor.u32 $0x8000, v0;
	s5 =	ssub.s32 s6, s24  }
.Ltmp0:
0xe: {  	v17 =	vor.u32 $0x8800, v0;
	v18 =	vor.u32 $0x9000, v0;
	v19 =	vor.u32 $0x9800, v0;
	s0 =	sadd.s32 s0, s7;
	s25 =	sadd.s32 s2, s4;
	(pc) =	sbr.rel .LBB2_1-.Ltmp0, $4  }
0xf: {  	v20 =	vor.u32 $0xA000, v0;
	v21 =	vor.u32 $0xA800, v0;
	v22 =	vor.u32 $0xB000, v0;
	s2 =	simm.s32 $0x8880;
	s4 =	simm.s32 $0x8C80;
	s6 =	simm.s32 $0x9480  }
0x10: {  	v23 =	vor.u32 $0xB800, v0;
	v24 =	vor.u32 $0xC000, v0;
	v25 =	vor.u32 $0xC800, v0;
	s7 =	simm.s32 $0x9880;
	s24 =	simm.s32 $0xBC80;
	[dreg:$0x4] =	wrdreg s0  }
0x11: {  	v26 =	vor.u32 $0xD000, v0;
	v27 =	vor.u32 $0xD800, v0;
	v28 =	vor.u32 $0xE000, v0;
	[dreg:$0x5] =	wrdreg s25;
	s26 =	smax.u32 s5, $0x1;
	s5 =	simm.s32 $0x9080  }
0x12: {  	v29 =	vor.u32 $0xE800, v0;
	v30 =	vor.u32 $0xF000, v0;
	v31 =	vor.u32 $0xF800, v0;
	s25 =	simm.s32 $0xC080;
	[dreg:$0x6] =	wrdreg s26;
	s26 =	simm.s32 $0xC480  }
.LBB2_6:
0x13: {  	s0 =	rddreg [dreg:$0x5];
	s1 =	simm.s32 $0x400;
	s19 =	simm.s32 $0x8000  }
0x14: {  	[hbm4b:s0+s1] =	stream.strided.scatter [tilespmem:s17], [sflag:$0x3], $0x2000, s19, s1, $0x38;
	[tilespmem:$0x12080] =	vst v63  }
0x15: {  	s19 =	simm.s32 $0x3  }
0x16: {  	_ =	swait.ge [sflag:s19], $0x2000  }
0x17: {  	s28 =	rddreg [dreg:$0x7]  }
0x18: {  	s22 =	rddreg [dreg:$0x6];
	s28 =	sadd.s32 $0x1, s28  }
0x19: {  	p0 =	sne.s32 s28, s22  }
.Ltmp1:
0x1a: {  	_ = 	snop;
	(pc) =	sbr.rel @!p0 .LBB2_7-.Ltmp1, $3  }
0x1b: {  	_ =	sdelay $0x1  }
0x1c: {  	s21 =	smov.u32 s20;
	s31 =	simm.s32 $0x8080;
	[sflag:s19] =	ssyncset.done $0x0  }
0x1d: {  	s1 =	simm.s32 $0xD080;
	[sflag:s19] =	ssyncadd.s32 $0xFFFFE000;
	s22 =	simm.s32 $0xD480  }
.LBB2_1:
0x1e: {  	[dreg:$0x7] =	wrdreg s28  }
0x1f: {  	s0 =	rddreg [dreg:$0x4]  }
0x20: {  	[tilespmem:s3], [sflag:$0x3] =	stream.linear.gather [hbm4b:s0+s3], $0x80, $0x38;
	[tilespmem:$0x12080] =	vst v63  }
0x21: {  	_ =	swait.ge [sflag:s19], $0x80  }
0x22: {  	[sflag:s19] =	ssyncset.done $0x0  }
0x23: {  	[sflag:s19] =	ssyncadd.s32 $0xFFFFFF80  }
0x24: {  	v32 =	vld [tilespmem:$0x0];
	_ =	sdelay $0x4  }
0x25: {  	(v2sf) =	vpush v32, $0x0;
	_ =	sdelay $0xe  }
0x26: {  	s0 =	spop (v2sf)  }
0x27: {  	(v2sf) =	vpush v32, $0x1;
	s19 =	sand.u32 $0xFFFFF80, s0  }
0x28: {  	s19 =	sadd.s32 s21, s19  }
0x29: {  	[tilespmem:s8], [sflag:$0x1] =	stream.linear.gather [hbm4b:s19+s3], $0x400, $0x38;
	[tilespmem:$0x12080] =	vst v63  }
0x2a: {  	s0 =	simm.s32 $0x480;
	s20 =	sadd.s32 $0xF4280, s19  }
0x2b: {  	[tilespmem:s0], [sflag:$0x1] =	stream.linear.gather [hbm4b:s20+s3], $0x400, $0x38;
	[tilespmem:$0x12080] =	vst v63  }
0x2c: {  	s20 =	sadd.s32 $0x1E8500, s19;
	s0 =	simm.s32 $0x880  }
0x2d: {  	[tilespmem:s0], [sflag:$0x1] =	stream.linear.gather [hbm4b:s20+s3], $0x400, $0x38;
	[tilespmem:$0x12080] =	vst v63  }
0x2e: {  	s20 =	sadd.s32 $0x2DC780, s19;
	s0 =	simm.s32 $0xC80  }
0x2f: {  	[tilespmem:s0], [sflag:$0x1] =	stream.linear.gather [hbm4b:s20+s3], $0x400, $0x38;
	[tilespmem:$0x12080] =	vst v63  }
0x30: {  	s20 =	sadd.s32 $0x3D0A00, s19;
	s0 =	simm.s32 $0x1080  }
0x31: {  	[tilespmem:s0], [sflag:$0x1] =	stream.linear.gather [hbm4b:s20+s3], $0x400, $0x38;
	[tilespmem:$0x12080] =	vst v63  }
0x32: {  	s20 =	sadd.s32 $0x4C4C80, s19;
	s0 =	simm.s32 $0x1480  }
0x33: {  	[tilespmem:s0], [sflag:$0x1] =	stream.linear.gather [hbm4b:s20+s3], $0x400, $0x38;
	[tilespmem:$0x12080] =	vst v63  }
0x34: {  	s20 =	sadd.s32 $0x5B8F00, s19;
	s0 =	simm.s32 $0x1880  }
0x35: {  	[tilespmem:s0], [sflag:$0x1] =	stream.linear.gather [hbm4b:s20+s3], $0x400, $0x38;
	[tilespmem:$0x12080] =	vst v63  }
0x36: {  	s19 =	sadd.s32 $0x6AD180, s19;
	s20 =	simm.s32 $0x1C80;
	s0 =	spop (v2sf)  }
0x37: {  	[tilespmem:s20], [sflag:$0x1] =	stream.linear.gather [hbm4b:s19+s3], $0x400, $0x38;
	[tilespmem:$0x12080] =	vst v63  }
0x38: {  	(v2sf) =	vpush v32, $0x2;
	s19 =	sand.u32 $0xFFFFF80, s0  }
0x39: {  	s20 =	simm.s32 $0x2080;
	s19 =	sadd.s32 s21, s19  }
0x3a: {  	[tilespmem:s20], [sflag:$0x1] =	stream.linear.gather [hbm4b:s19+s3], $0x400, $0x38;
	[tilespmem:$0x12080] =	vst v63  }
0x3b: {  	s0 =	simm.s32 $0x2480;
	s20 =	sadd.s32 $0xF4280, s19  }
0x3c: {  	[tilespmem:s0], [sflag:$0x1] =	stream.linear.gather [hbm4b:s20+s3], $0x400, $0x38;
	[tilespmem:$0x12080] =	vst v63  }
0x3d: {  	s20 =	sadd.s32 $0x1E8500, s19;
	s0 =	simm.s32 $0x2880  }
0x3e: {  	[tilespmem:s0], [sflag:$0x1] =	stream.linear.gather [hbm4b:s20+s3], $0x400, $0x38;
	[tilespmem:$0x12080] =	vst v63  }
0x3f: {  	s20 =	sadd.s32 $0x2DC780, s19;
	s0 =	simm.s32 $0x2C80  }
0x40: {  	[tilespmem:s0], [sflag:$0x1] =	stream.linear.gather [hbm4b:s20+s3], $0x400, $0x38;
	[tilespmem:$0x12080] =	vst v63  }
0x41: {  	s20 =	sadd.s32 $0x3D0A00, s19;
	s0 =	simm.s32 $0x3080  }
0x42: {  	[tilespmem:s0], [sflag:$0x1] =	stream.linear.gather [hbm4b:s20+s3], $0x400, $0x38;
	[tilespmem:$0x12080] =	vst v63  }
0x43: {  	s20 =	sadd.s32 $0x4C4C80, s19;
	s0 =	simm.s32 $0x3480  }
0x44: {  	[tilespmem:s0], [sflag:$0x1] =	stream.linear.gather [hbm4b:s20+s3], $0x400, $0x38;
	[tilespmem:$0x12080] =	vst v63  }
0x45: {  	s20 =	sadd.s32 $0x5B8F00, s19;
	s0 =	simm.s32 $0x3880  }
0x46: {  	[tilespmem:s0], [sflag:$0x1] =	stream.linear.gather [hbm4b:s20+s3], $0x400, $0x38;
	[tilespmem:$0x12080] =	vst v63  }
0x47: {  	s19 =	sadd.s32 $0x6AD180, s19;
	s20 =	simm.s32 $0x3C80;
	s0 =	spop (v2sf)  }
0x48: {  	[tilespmem:s20], [sflag:$0x1] =	stream.linear.gather [hbm4b:s19+s3], $0x400, $0x38;
	[tilespmem:$0x12080] =	vst v63  }
0x49: {  	(v2sf) =	vpush v32, $0x3;
	s19 =	sand.u32 $0xFFFFF80, s0  }
0x4a: {  	s20 =	simm.s32 $0x4080;
	s19 =	sadd.s32 s21, s19  }
0x4b: {  	[tilespmem:s20], [sflag:$0x1] =	stream.linear.gather [hbm4b:s19+s3], $0x400, $0x38;
	[tilespmem:$0x12080] =	vst v63  }
0x4c: {  	s0 =	simm.s32 $0x4480;
	s20 =	sadd.s32 $0xF4280, s19  }
0x4d: {  	[tilespmem:s0], [sflag:$0x1] =	stream.linear.gather [hbm4b:s20+s3], $0x400, $0x38;
	[tilespmem:$0x12080] =	vst v63  }
0x4e: {  	s20 =	sadd.s32 $0x1E8500, s19;
	s0 =	simm.s32 $0x4880  }
0x4f: {  	[tilespmem:s0], [sflag:$0x1] =	stream.linear.gather [hbm4b:s20+s3], $0x400, $0x38;
	[tilespmem:$0x12080] =	vst v63  }
0x50: {  	s20 =	sadd.s32 $0x2DC780, s19;
	s0 =	simm.s32 $0x4C80  }
0x51: {  	[tilespmem:s0], [sflag:$0x1] =	stream.linear.gather [hbm4b:s20+s3], $0x400, $0x38;
	[tilespmem:$0x12080] =	vst v63  }
0x52: {  	s20 =	sadd.s32 $0x3D0A00, s19;
	s0 =	simm.s32 $0x5080  }
0x53: {  	[tilespmem:s0], [sflag:$0x1] =	stream.linear.gather [hbm4b:s20+s3], $0x400, $0x38;
	[tilespmem:$0x12080] =	vst v63  }
0x54: {  	s20 =	sadd.s32 $0x4C4C80, s19;
	s0 =	simm.s32 $0x5480  }
0x55: {  	[tilespmem:s0], [sflag:$0x1] =	stream.linear.gather [hbm4b:s20+s3], $0x400, $0x38;
	[tilespmem:$0x12080] =	vst v63  }
0x56: {  	s20 =	sadd.s32 $0x5B8F00, s19;
	s0 =	simm.s32 $0x5880  }
0x57: {  	[tilespmem:s0], [sflag:$0x1] =	stream.linear.gather [hbm4b:s20+s3], $0x400, $0x38;
	[tilespmem:$0x12080] =	vst v63  }
0x58: {  	s19 =	sadd.s32 $0x6AD180, s19;
	s20 =	simm.s32 $0x5C80;
	s0 =	spop (v2sf)  }
0x59: {  	[tilespmem:s20], [sflag:$0x1] =	stream.linear.gather [hbm4b:s19+s3], $0x400, $0x38;
	[tilespmem:$0x12080] =	vst v63  }
0x5a: {  	s19 =	sand.u32 $0xFFFFF80, s0  }
0x5b: {  	s20 =	simm.s32 $0x6080;
	s19 =	sadd.s32 s21, s19  }
0x5c: {  	(v2sf) =	vpush v32, $0x4;
	[tilespmem:s20], [sflag:$0x1] =	stream.linear.gather [hbm4b:s19+s3], $0x400, $0x38;
	[tilespmem:$0x12080] =	vst v63  }
0x5d: {  	s0 =	simm.s32 $0x6480;
	s20 =	sadd.s32 $0xF4280, s19  }
0x5e: {  	[tilespmem:s0], [sflag:$0x1] =	stream.linear.gather [hbm4b:s20+s3], $0x400, $0x38;
	[tilespmem:$0x12080] =	vst v63  }
0x5f: {  	s20 =	sadd.s32 $0x1E8500, s19;
	s0 =	simm.s32 $0x6880  }
0x60: {  	[tilespmem:s0], [sflag:$0x1] =	stream.linear.gather [hbm4b:s20+s3], $0x400, $0x38;
	[tilespmem:$0x12080] =	vst v63  }
0x61: {  	s20 =	sadd.s32 $0x2DC780, s19;
	s0 =	simm.s32 $0x6C80  }
0x62: {  	[tilespmem:s0], [sflag:$0x1] =	stream.linear.gather [hbm4b:s20+s3], $0x400, $0x38;
	[tilespmem:$0x12080] =	vst v63  }
0x63: {  	s20 =	sadd.s32 $0x3D0A00, s19;
	s0 =	simm.s32 $0x7080  }
0x64: {  	[tilespmem:s0], [sflag:$0x1] =	stream.linear.gather [hbm4b:s20+s3], $0x400, $0x38;
	[tilespmem:$0x12080] =	vst v63  }
0x65: {  	s20 =	sadd.s32 $0x4C4C80, s19;
	s0 =	simm.s32 $0x7480  }
0x66: {  	[tilespmem:s0], [sflag:$0x1] =	stream.linear.gather [hbm4b:s20+s3], $0x400, $0x38;
	[tilespmem:$0x12080] =	vst v63  }
0x67: {  	s20 =	sadd.s32 $0x5B8F00, s19;
	s0 =	simm.s32 $0x7880  }
0x68: {  	[tilespmem:s0], [sflag:$0x1] =	stream.linear.gather [hbm4b:s20+s3], $0x400, $0x38;
	[tilespmem:$0x12080] =	vst v63  }
0x69: {  	s19 =	sadd.s32 $0x6AD180, s19;
	s20 =	simm.s32 $0x7C80  }
0x6a: {  	[tilespmem:s20], [sflag:$0x1] =	stream.linear.gather [hbm4b:s19+s3], $0x400, $0x38;
	[tilespmem:$0x12080] =	vst v63  }
0x6b: {  	s20 =	spop (v2sf)  }
0x6c: {  	s19 =	sand.u32 $0xFFFFF80, s20  }
0x6d: {  	s19 =	sadd.s32 s21, s19  }
0x6e: {  	(v2sf) =	vpush v32, $0x5;
	[tilespmem:s31], [sflag:$0x2] =	stream.linear.gather [hbm4b:s19+s3], $0x400, $0x38;
	[tilespmem:$0x12080] =	vst v63  }
0x6f: {  	s0 =	sadd.s32 $0xF4280, s19;
	s31 =	simm.s32 $0x8480  }
0x70: {  	[tilespmem:s31], [sflag:$0x2] =	stream.linear.gather [hbm4b:s0+s3], $0x400, $0x38;
	[tilespmem:$0x12080] =	vst v63  }
0x71: {  	s0 =	sadd.s32 $0x1E8500, s19  }
0x72: {  	[tilespmem:s2], [sflag:$0x2] =	stream.linear.gather [hbm4b:s0+s3], $0x400, $0x38;
	[tilespmem:$0x12080] =	vst v63  }
0x73: {  	s2 =	sadd.s32 $0x2DC780, s19  }
0x74: {  	[tilespmem:s4], [sflag:$0x2] =	stream.linear.gather [hbm4b:s2+s3], $0x400, $0x38;
	[tilespmem:$0x12080] =	vst v63  }
0x75: {  	s4 =	sadd.s32 $0x3D0A00, s19  }
0x76: {  	[tilespmem:s5], [sflag:$0x2] =	stream.linear.gather [hbm4b:s4+s3], $0x400, $0x38;
	[tilespmem:$0x12080] =	vst v63  }
0x77: {  	s5 =	sadd.s32 $0x4C4C80, s19  }
0x78: {  	[tilespmem:s6], [sflag:$0x2] =	stream.linear.gather [hbm4b:s5+s3], $0x400, $0x38;
	[tilespmem:$0x12080] =	vst v63  }
0x79: {  	s6 =	sadd.s32 $0x5B8F00, s19  }
0x7a: {  	[tilespmem:s7], [sflag:$0x2] =	stream.linear.gather [hbm4b:s6+s3], $0x400, $0x38;
	[tilespmem:$0x12080] =	vst v63  }
0x7b: {  	s19 =	sadd.s32 $0x6AD180, s19  }
0x7c: {  	[tilespmem:s9], [sflag:$0x2] =	stream.linear.gather [hbm4b:s19+s3], $0x400, $0x38;
	[tilespmem:$0x12080] =	vst v63  }
0x7d: {  	s9 =	spop (v2sf)  }
0x7e: {  	s19 =	sand.u32 $0xFFFFF80, s9  }
0x7f: {  	s19 =	sadd.s32 s21, s19  }
0x80: {  	(v2sf) =	vpush v32, $0x6;
	[tilespmem:s10], [sflag:$0x2] =	stream.linear.gather [hbm4b:s19+s3], $0x400, $0x38;
	[tilespmem:$0x12080] =	vst v63  }
0x81: {  	s10 =	sadd.s32 $0xF4280, s19  }
0x82: {  	[tilespmem:s11], [sflag:$0x2] =	stream.linear.gather [hbm4b:s10+s3], $0x400, $0x38;
	[tilespmem:$0x12080] =	vst v63  }
0x83: {  	s11 =	sadd.s32 $0x1E8500, s19  }
0x84: {  	[tilespmem:s12], [sflag:$0x2] =	stream.linear.gather [hbm4b:s11+s3], $0x400, $0x38;
	[tilespmem:$0x12080] =	vst v63  }
0x85: {  	s12 =	sadd.s32 $0x2DC780, s19  }
0x86: {  	[tilespmem:s13], [sflag:$0x2] =	stream.linear.gather [hbm4b:s12+s3], $0x400, $0x38;
	[tilespmem:$0x12080] =	vst v63  }
0x87: {  	s13 =	sadd.s32 $0x3D0A00, s19  }
0x88: {  	[tilespmem:s14], [sflag:$0x2] =	stream.linear.gather [hbm4b:s13+s3], $0x400, $0x38;
	[tilespmem:$0x12080] =	vst v63  }
0x89: {  	s14 =	sadd.s32 $0x4C4C80, s19  }
0x8a: {  	[tilespmem:s15], [sflag:$0x2] =	stream.linear.gather [hbm4b:s14+s3], $0x400, $0x38;
	[tilespmem:$0x12080] =	vst v63  }
0x8b: {  	s15 =	sadd.s32 $0x5B8F00, s19  }
0x8c: {  	[tilespmem:s23], [sflag:$0x2] =	stream.linear.gather [hbm4b:s15+s3], $0x400, $0x38;
	[tilespmem:$0x12080] =	vst v63  }
0x8d: {  	s19 =	sadd.s32 $0x6AD180, s19  }
0x8e: {  	[tilespmem:s24], [sflag:$0x2] =	stream.linear.gather [hbm4b:s19+s3], $0x400, $0x38;
	[tilespmem:$0x12080] =	vst v63  }
0x8f: {  	s24 =	spop (v2sf)  }
0x90: {  	(v2sf) =	vpush v32, $0x7;
	s19 =	sand.u32 $0xFFFFF80, s24  }
0x91: {  	s19 =	sadd.s32 s21, s19  }
0x92: {  	[tilespmem:s25], [sflag:$0x2] =	stream.linear.gather [hbm4b:s19+s3], $0x400, $0x38;
	[tilespmem:$0x12080] =	vst v63  }
0x93: {  	s25 =	sadd.s32 $0xF4280, s19  }
0x94: {  	[tilespmem:s26], [sflag:$0x2] =	stream.linear.gather [hbm4b:s25+s3], $0x400, $0x38;
	[tilespmem:$0x12080] =	vst v63  }
0x95: {  	s26 =	sadd.s32 $0x1E8500, s19  }
0x96: {  	[tilespmem:s29], [sflag:$0x2] =	stream.linear.gather [hbm4b:s26+s3], $0x400, $0x38;
	[tilespmem:$0x12080] =	vst v63  }
0x97: {  	s0 =	sadd.s32 $0x2DC780, s19  }
0x98: {  	[tilespmem:s30], [sflag:$0x2] =	stream.linear.gather [hbm4b:s0+s3], $0x400, $0x38;
	[tilespmem:$0x12080] =	vst v63  }
0x99: {  	s2 =	sadd.s32 $0x3D0A00, s19  }
0x9a: {  	[tilespmem:s1], [sflag:$0x2] =	stream.linear.gather [hbm4b:s2+s3], $0x400, $0x38;
	[tilespmem:$0x12080] =	vst v63  }
0x9b: {  	s4 =	sadd.s32 $0x4C4C80, s19  }
0x9c: {  	[tilespmem:s22], [sflag:$0x2] =	stream.linear.gather [hbm4b:s4+s3], $0x400, $0x38;
	[tilespmem:$0x12080] =	vst v63  }
0x9d: {  	s6 =	simm.s32 $0xD880;
	s5 =	sadd.s32 $0x5B8F00, s19  }
0x9e: {  	[tilespmem:s6], [sflag:$0x2] =	stream.linear.gather [hbm4b:s5+s3], $0x400, $0x38;
	[tilespmem:$0x12080] =	vst v63  }
0x9f: {  	s7 =	simm.s32 $0xDC80;
	s19 =	sadd.s32 $0x6AD180, s19;
	s9 =	spop (v2sf)  }
0xa0: {  	[tilespmem:s7], [sflag:$0x2] =	stream.linear.gather [hbm4b:s19+s3], $0x400, $0x38;
	[tilespmem:$0x12080] =	vst v63  }
0xa1: {  	s19 =	sand.u32 $0xFFFFF80, s9  }
0xa2: {  	s10 =	simm.s32 $0xE080;
	s19 =	sadd.s32 s21, s19  }
0xa3: {  	[tilespmem:s10], [sflag:$0x2] =	stream.linear.gather [hbm4b:s19+s3], $0x400, $0x38;
	[tilespmem:$0x12080] =	vst v63  }
0xa4: {  	s12 =	simm.s32 $0xE480;
	s11 =	sadd.s32 $0xF4280, s19  }
0xa5: {  	[tilespmem:s12], [sflag:$0x2] =	stream.linear.gather [hbm4b:s11+s3], $0x400, $0x38;
	[tilespmem:$0x12080] =	vst v63  }
0xa6: {  	s14 =	simm.s32 $0xE880;
	s13 =	sadd.s32 $0x1E8500, s19  }
0xa7: {  	[tilespmem:s14], [sflag:$0x2] =	stream.linear.gather [hbm4b:s13+s3], $0x400, $0x38;
	[tilespmem:$0x12080] =	vst v63  }
0xa8: {  	s22 =	simm.s32 $0xEC80;
	s15 =	sadd.s32 $0x2DC780, s19  }
0xa9: {  	[tilespmem:s22], [sflag:$0x2] =	stream.linear.gather [hbm4b:s15+s3], $0x400, $0x38;
	[tilespmem:$0x12080] =	vst v63  }
0xaa: {  	s24 =	simm.s32 $0xF080;
	s23 =	sadd.s32 $0x3D0A00, s19  }
0xab: {  	[tilespmem:s24], [sflag:$0x2] =	stream.linear.gather [hbm4b:s23+s3], $0x400, $0x38;
	[tilespmem:$0x12080] =	vst v63  }
0xac: {  	s28 =	simm.s32 $0xFC80;
	s26 =	simm.s32 $0xF480;
	s25 =	sadd.s32 $0x4C4C80, s19  }
0xad: {  	[tilespmem:s26], [sflag:$0x2] =	stream.linear.gather [hbm4b:s25+s3], $0x400, $0x38;
	[tilespmem:$0x12080] =	vst v63  }
0xae: {  	s20 =	smov.u32 s21;
	s30 =	simm.s32 $0xF880;
	s29 =	sadd.s32 $0x5B8F00, s19  }
0xaf: {  	[tilespmem:s30], [sflag:$0x2] =	stream.linear.gather [hbm4b:s29+s3], $0x400, $0x38;
	[tilespmem:$0x12080] =	vst v63  }
0xb0: {  	s0 =	simm.s32 $0x0;
	s1 =	simm.s32 $0xD080;
	s19 =	sadd.s32 $0x6AD180, s19  }
0xb1: {  	[tilespmem:s28], [sflag:$0x2] =	stream.linear.gather [hbm4b:s19+s3], $0x400, $0x38;
	[tilespmem:$0x12080] =	vst v63  }
0xb2: {  	s21 =	simm.s32 $0xD480;
	s22 =	simm.s32 $0x1;
	s19 =	simm.s32 $0xF  }
.LBB2_2:
0xb3: {  	[dreg:$0x9] =	wrdreg s22;
	s25 =	smin.u32 s22, $0x7  }
0xb4: {  	[dreg:$0x8] =	wrdreg s0;
	v33 =	vld [tilespmem:s0+$0x0];
	s22 =	sshll.u32 s25, $0x4  }
0xb5: {  	v32 =	vld [tilespmem:s22+$0x0];
	_ =	swait.ge [sflag:s16], $0x2000  }
0xb6: {  	[sflag:s16] =	ssyncset.done $0x0  }
0xb7: {  	[sflag:s16] =	ssyncadd.s32 $0xFFFFE000  }
0xb8: {  	_ =	swait.ge [sflag:s16], $0x2000  }
0xb9: {  	[sflag:s16] =	ssyncset.done $0x0  }
0xba: {  	[sflag:s16] =	ssyncadd.s32 $0xFFFFE000  }
0xbb: {  	_ =	swait.ge [sflag:s16], $0x2000  }
0xbc: {  	[sflag:s16] =	ssyncset.done $0x0  }
0xbd: {  	[sflag:s16] =	ssyncadd.s32 $0xFFFFE000  }
0xbe: {  	_ =	swait.ge [sflag:s16], $0x2000  }
0xbf: {  	(v2sf) =	vpush v33, $0x0;
	_ =	sdelay $0xe  }
0xc0: {  	s26 =	spop (v2sf)  }
0xc1: {  	s22 =	sand.u32 $0x7F, s26  }
0xc2: {  	s23 =	sadd.s32 $0xFFFFFFF1, s19;
	v34 =	vor.u32 s22, v0  }
0xc3: {  	v35 =	vmov s23  }
0xc4: {  	v35 =	vand.u32 $0x70, v35  }
0xc5: {  	v35 =	vbroadcast v35, $0x0;
	[sflag:s16] =	ssyncset.done $0x0  }
0xc6: {  	[sflag:s16] =	ssyncadd.s32 $0xFFFFE000  }
0xc7: {  	v36 =	vor.u32 v0, v35;
	v34 =	vld.idx.msk [tilespmem:v34+s8+$0x0], $0xffff  }
0xc8: {  	v37 =	vor.u32 s22, v1  }
0xc9: {  	(v2sf) =	vpush v33, $0x1;
	_ =	sdelay $0x2  }
0xca: {  	[tilespmem:v36+s17+$0x0] =	vst.idx.msk $0xffff, v34  }
0xcb: {  	v60 =	vor.u32 v1, v35;
	v34 =	vld.idx.msk [tilespmem:v37+s8+$0x0], $0xffff  }
0xcc: {  	v61 =	vor.u32 s22, v2;
	_ =	sdelay $0x3  }
0xcd: {  	[tilespmem:v60+s17+$0x0] =	vst.idx.msk $0xffff, v34  }
0xce: {  	v62 =	vor.u32 v2, v35;
	v34 =	vld.idx.msk [tilespmem:v61+s8+$0x0], $0xffff  }
0xcf: {  	v63 =	vor.u32 s22, v3;
	_ =	sdelay $0x3  }
0xd0: {  	s29 =	spop (v2sf);
	[tilespmem:v62+s17+$0x0] =	vst.idx.msk $0xffff, v34  }
0xd1: {  	v35 =	vor.u32 v3, v35;
	s22 =	sand.u32 $0x7F, s29;
	v34 =	vld.idx.msk [tilespmem:v63+s8+$0x0], $0xffff  }
0xd2: {  	s0 =	sadd.s32 $0xFFFFFFF2, s19;
	v40 =	vor.u32 s22, v4  }
0xd3: {  	v41 =	vmov s0  }
0xd4: {  	v37 =	vand.u32 $0x71, v41  }
0xd5: {  	v37 =	vbroadcast v37, $0x0  }
0xd6: {  	[tilespmem:v35+s17+$0x0] =	vst.idx.msk $0xffff, v34  }
0xd7: {  	v42 =	vor.u32 v0, v37;
	v34 =	vld.idx.msk [tilespmem:v40+s8+$0x0], $0xffff  }
0xd8: {  	v43 =	vor.u32 s22, v5  }
0xd9: {  	(v2sf) =	vpush v33, $0x2;
	_ =	sdelay $0x2  }
0xda: {  	[tilespmem:v42+s17+$0x0] =	vst.idx.msk $0xffff, v34  }
0xdb: {  	v44 =	vor.u32 v1, v37;
	v34 =	vld.idx.msk [tilespmem:v43+s8+$0x0], $0xffff  }
0xdc: {  	v45 =	vor.u32 s22, v6;
	_ =	sdelay $0x3  }
0xdd: {  	[tilespmem:v44+s17+$0x0] =	vst.idx.msk $0xffff, v34  }
0xde: {  	v46 =	vor.u32 v2, v37;
	v34 =	vld.idx.msk [tilespmem:v45+s8+$0x0], $0xffff  }
0xdf: {  	v47 =	vor.u32 s22, v7;
	_ =	sdelay $0x3  }
0xe0: {  	s2 =	spop (v2sf);
	[tilespmem:v46+s17+$0x0] =	vst.idx.msk $0xffff, v34  }
0xe1: {  	v48 =	vor.u32 v3, v37;
	s22 =	sand.u32 $0x7F, s2;
	v34 =	vld.idx.msk [tilespmem:v47+s8+$0x0], $0xffff  }
0xe2: {  	s4 =	sadd.s32 $0xFFFFFFF3, s19;
	v49 =	vor.u32 s22, v8  }
0xe3: {  	v50 =	vmov s4  }
0xe4: {  	v37 =	vand.u32 $0x72, v50  }
0xe5: {  	v37 =	vbroadcast v37, $0x0  }
0xe6: {  	[tilespmem:v48+s17+$0x0] =	vst.idx.msk $0xffff, v34  }
0xe7: {  	v51 =	vor.u32 v0, v37;
	v34 =	vld.idx.msk [tilespmem:v49+s8+$0x0], $0xffff  }
0xe8: {  	v52 =	vor.u32 s22, v9  }
0xe9: {  	(v2sf) =	vpush v33, $0x3;
	_ =	sdelay $0x2  }
0xea: {  	[tilespmem:v51+s17+$0x0] =	vst.idx.msk $0xffff, v34  }
0xeb: {  	v53 =	vor.u32 v1, v37;
	v34 =	vld.idx.msk [tilespmem:v52+s8+$0x0], $0xffff  }
0xec: {  	v54 =	vor.u32 s22, v10;
	_ =	sdelay $0x3  }
0xed: {  	[tilespmem:v53+s17+$0x0] =	vst.idx.msk $0xffff, v34  }
0xee: {  	v55 =	vor.u32 v2, v37;
	v34 =	vld.idx.msk [tilespmem:v54+s8+$0x0], $0xffff  }
0xef: {  	v56 =	vor.u32 s22, v11;
	_ =	sdelay $0x3  }
0xf0: {  	s5 =	spop (v2sf);
	[tilespmem:v55+s17+$0x0] =	vst.idx.msk $0xffff, v34  }
0xf1: {  	v57 =	vor.u32 v3, v37;
	s22 =	sand.u32 $0x7F, s5;
	v34 =	vld.idx.msk [tilespmem:v56+s8+$0x0], $0xffff  }
0xf2: {  	s6 =	sadd.s32 $0xFFFFFFF4, s19;
	v58 =	vor.u32 s22, v12  }
0xf3: {  	v59 =	vmov s6  }
0xf4: {  	v37 =	vand.u32 $0x73, v59  }
0xf5: {  	v37 =	vbroadcast v37, $0x0  }
0xf6: {  	[tilespmem:v57+s17+$0x0] =	vst.idx.msk $0xffff, v34  }
0xf7: {  	v60 =	vor.u32 v0, v37;
	v34 =	vld.idx.msk [tilespmem:v58+s8+$0x0], $0xffff  }
0xf8: {  	v61 =	vor.u32 s22, v13;
	_ =	sdelay $0x3  }
0xf9: {  	(v2sf) =	vpush v33, $0x8;
	[tilespmem:v60+s17+$0x0] =	vst.idx.msk $0xffff, v34  }
0xfa: {  	v62 =	vor.u32 v1, v37;
	v34 =	vld.idx.msk [tilespmem:v61+s8+$0x0], $0xffff  }
0xfb: {  	v63 =	vor.u32 s22, v14;
	_ =	sdelay $0x3  }
0xfc: {  	[tilespmem:v62+s17+$0x0] =	vst.idx.msk $0xffff, v34  }
0xfd: {  	v40 =	vor.u32 v2, v37;
	v34 =	vld.idx.msk [tilespmem:v63+s8+$0x0], $0xffff  }
0xfe: {  	v41 =	vor.u32 s22, v15;
	_ =	sdelay $0x3  }
0xff: {  	[tilespmem:v40+s17+$0x0] =	vst.idx.msk $0xffff, v34  }
0x100: {  	v42 =	vor.u32 v3, v37;
	v34 =	vld.idx.msk [tilespmem:v41+s8+$0x0], $0xffff;
	_ =	sdelay $0x1  }
0x101: {  	s29 =	spop (v2sf);
	(v2sf) =	vpush v33, $0x9;
	_ =	sdelay $0x1  }
0x102: {  	s24 =	sand.u32 $0xFFFFF80, s29  }
0x103: {  	s22 =	sadd.s32 s20, s24;
	[tilespmem:v42+s17+$0x0] =	vst.idx.msk $0xffff, v34  }
0x104: {  	[tilespmem:s8], [sflag:$0x1] =	stream.linear.gather [hbm4b:s22+s3], $0x400, $0x38;
	[tilespmem:$0x12080] =	vst v63  }
0x105: {  	s26 =	simm.s32 $0x480;
	s25 =	sadd.s32 $0xF4280, s22  }
0x106: {  	[tilespmem:s26], [sflag:$0x1] =	stream.linear.gather [hbm4b:s25+s3], $0x400, $0x38;
	[tilespmem:$0x12080] =	vst v63  }
0x107: {  	s4 =	simm.s32 $0x880;
	s2 =	sadd.s32 $0x1E8500, s22  }
0x108: {  	[tilespmem:s4], [sflag:$0x1] =	stream.linear.gather [hbm4b:s2+s3], $0x400, $0x38;
	[tilespmem:$0x12080] =	vst v63  }
0x109: {  	s24 =	simm.s32 $0xC80;
	s5 =	sadd.s32 $0x2DC780, s22  }
0x10a: {  	[tilespmem:s24], [sflag:$0x1] =	stream.linear.gather [hbm4b:s5+s3], $0x400, $0x38;
	[tilespmem:$0x12080] =	vst v63  }
0x10b: {  	s25 =	sadd.s32 $0x3D0A00, s22;
	s26 =	simm.s32 $0x1080  }
0x10c: {  	[tilespmem:s26], [sflag:$0x1] =	stream.linear.gather [hbm4b:s25+s3], $0x400, $0x38;
	[tilespmem:$0x12080] =	vst v63  }
0x10d: {  	s23 =	simm.s32 $0x1C80;
	s0 =	sadd.s32 $0x4C4C80, s22;
	s2 =	simm.s32 $0x1480  }
0x10e: {  	[tilespmem:s2], [sflag:$0x1] =	stream.linear.gather [hbm4b:s0+s3], $0x400, $0x38;
	[tilespmem:$0x12080] =	vst v63  }
0x10f: {  	s4 =	sadd.s32 $0x5B8F00, s22;
	s5 =	simm.s32 $0x1880;
	s25 =	spop (v2sf)  }
0x110: {  	(v2sf) =	vpush v33, $0xA;
	[tilespmem:s5], [sflag:$0x1] =	stream.linear.gather [hbm4b:s4+s3], $0x400, $0x38;
	[tilespmem:$0x12080] =	vst v63  }
0x111: {  	s22 =	sadd.s32 $0x6AD180, s22;
	s24 =	sand.u32 $0xFFFFF80, s25  }
0x112: {  	[tilespmem:s23], [sflag:$0x1] =	stream.linear.gather [hbm4b:s22+s3], $0x400, $0x38;
	[tilespmem:$0x12080] =	vst v63  }
0x113: {  	s26 =	simm.s32 $0x2080;
	s22 =	sadd.s32 s20, s24  }
0x114: {  	[tilespmem:s26], [sflag:$0x1] =	stream.linear.gather [hbm4b:s22+s3], $0x400, $0x38;
	[tilespmem:$0x12080] =	vst v63  }
0x115: {  	s4 =	simm.s32 $0x2480;
	s2 =	sadd.s32 $0xF4280, s22;
	s24 =	sadd.s32 $0x1E8500, s22  }
0x116: {  	[tilespmem:s4], [sflag:$0x1] =	stream.linear.gather [hbm4b:s2+s3], $0x400, $0x38;
	[tilespmem:$0x12080] =	vst v63  }
0x117: {  	s26 =	simm.s32 $0x2880;
	s2 =	sadd.s32 $0x2DC780, s22  }
0x118: {  	[tilespmem:s26], [sflag:$0x1] =	stream.linear.gather [hbm4b:s24+s3], $0x400, $0x38;
	[tilespmem:$0x12080] =	vst v63  }
0x119: {  	s4 =	simm.s32 $0x2C80;
	s24 =	sadd.s32 $0x3D0A00, s22  }
0x11a: {  	[tilespmem:s4], [sflag:$0x1] =	stream.linear.gather [hbm4b:s2+s3], $0x400, $0x38;
	[tilespmem:$0x12080] =	vst v63  }
0x11b: {  	s26 =	simm.s32 $0x3080;
	s2 =	sadd.s32 $0x4C4C80, s22  }
0x11c: {  	[tilespmem:s26], [sflag:$0x1] =	stream.linear.gather [hbm4b:s24+s3], $0x400, $0x38;
	[tilespmem:$0x12080] =	vst v63  }
0x11d: {  	s4 =	simm.s32 $0x3480;
	s24 =	sadd.s32 $0x5B8F00, s22  }
0x11e: {  	[tilespmem:s4], [sflag:$0x1] =	stream.linear.gather [hbm4b:s2+s3], $0x400, $0x38;
	[tilespmem:$0x12080] =	vst v63  }
0x11f: {  	s23 =	spop (v2sf);
	s26 =	simm.s32 $0x3880;
	s22 =	sadd.s32 $0x6AD180, s22  }
0x120: {  	[tilespmem:s26], [sflag:$0x1] =	stream.linear.gather [hbm4b:s24+s3], $0x400, $0x38;
	[tilespmem:$0x12080] =	vst v63  }
0x121: {  	s2 =	simm.s32 $0x3C80;
	s4 =	sand.u32 $0xFFFFF80, s23  }
0x122: {  	[tilespmem:s2], [sflag:$0x1] =	stream.linear.gather [hbm4b:s22+s3], $0x400, $0x38;
	[tilespmem:$0x12080] =	vst v63  }
0x123: {  	s24 =	simm.s32 $0x4080;
	s22 =	sadd.s32 s20, s4  }
0x124: {  	(v2sf) =	vpush v33, $0xB;
	[tilespmem:s24], [sflag:$0x1] =	stream.linear.gather [hbm4b:s22+s3], $0x400, $0x38;
	[tilespmem:$0x12080] =	vst v63  }
0x125: {  	s26 =	simm.s32 $0x4480;
	s24 =	sadd.s32 $0xF4280, s22  }
0x126: {  	[tilespmem:s26], [sflag:$0x1] =	stream.linear.gather [hbm4b:s24+s3], $0x400, $0x38;
	[tilespmem:$0x12080] =	vst v63  }
0x127: {  	s2 =	sadd.s32 $0x1E8500, s22;
	s26 =	simm.s32 $0x4880  }
0x128: {  	[tilespmem:s26], [sflag:$0x1] =	stream.linear.gather [hbm4b:s2+s3], $0x400, $0x38;
	[tilespmem:$0x12080] =	vst v63  }
0x129: {  	s2 =	sadd.s32 $0x2DC780, s22;
	s26 =	simm.s32 $0x4C80  }
0x12a: {  	[tilespmem:s26], [sflag:$0x1] =	stream.linear.gather [hbm4b:s2+s3], $0x400, $0x38;
	[tilespmem:$0x12080] =	vst v63  }
0x12b: {  	s2 =	sadd.s32 $0x3D0A00, s22;
	s26 =	simm.s32 $0x5080  }
0x12c: {  	[tilespmem:s26], [sflag:$0x1] =	stream.linear.gather [hbm4b:s2+s3], $0x400, $0x38;
	[tilespmem:$0x12080] =	vst v63  }
0x12d: {  	s2 =	sadd.s32 $0x4C4C80, s22;
	s26 =	simm.s32 $0x5480  }
0x12e: {  	[tilespmem:s26], [sflag:$0x1] =	stream.linear.gather [hbm4b:s2+s3], $0x400, $0x38;
	[tilespmem:$0x12080] =	vst v63  }
0x12f: {  	s0 =	sadd.s32 $0x5B8F00, s22;
	s2 =	simm.s32 $0x5880  }
0x130: {  	[tilespmem:s2], [sflag:$0x1] =	stream.linear.gather [hbm4b:s0+s3], $0x400, $0x38;
	[tilespmem:$0x12080] =	vst v63  }
0x131: {  	s22 =	sadd.s32 $0x6AD180, s22;
	s26 =	simm.s32 $0x5C80  }
0x132: {  	[tilespmem:s26], [sflag:$0x1] =	stream.linear.gather [hbm4b:s22+s3], $0x400, $0x38;
	[tilespmem:$0x12080] =	vst v63  }
0x133: {  	s22 =	spop (v2sf)  }
0x134: {  	s0 =	sand.u32 $0xFFFFF80, s22  }
0x135: {  	s2 =	simm.s32 $0x6080;
	s24 =	sadd.s32 s20, s0  }
0x136: {  	[tilespmem:s2], [sflag:$0x1] =	stream.linear.gather [hbm4b:s24+s3], $0x400, $0x38;
	[tilespmem:$0x12080] =	vst v63  }
0x137: {  	s0 =	simm.s32 $0x6480;
	s26 =	sadd.s32 $0xF4280, s24  }
0x138: {  	[tilespmem:s0], [sflag:$0x1] =	stream.linear.gather [hbm4b:s26+s3], $0x400, $0x38;
	[tilespmem:$0x12080] =	vst v63  }
0x139: {  	s26 =	sadd.s32 $0x1E8500, s24;
	s0 =	simm.s32 $0x6880  }
0x13a: {  	[tilespmem:s0], [sflag:$0x1] =	stream.linear.gather [hbm4b:s26+s3], $0x400, $0x38;
	[tilespmem:$0x12080] =	vst v63  }
0x13b: {  	s26 =	sadd.s32 $0x2DC780, s24;
	s0 =	simm.s32 $0x6C80  }
0x13c: {  	[tilespmem:s0], [sflag:$0x1] =	stream.linear.gather [hbm4b:s26+s3], $0x400, $0x38;
	[tilespmem:$0x12080] =	vst v63  }
0x13d: {  	s26 =	sadd.s32 $0x3D0A00, s24;
	s0 =	simm.s32 $0x7080  }
0x13e: {  	[tilespmem:s0], [sflag:$0x1] =	stream.linear.gather [hbm4b:s26+s3], $0x400, $0x38;
	[tilespmem:$0x12080] =	vst v63  }
0x13f: {  	s26 =	sadd.s32 $0x4C4C80, s24;
	s0 =	simm.s32 $0x7480  }
0x140: {  	[tilespmem:s0], [sflag:$0x1] =	stream.linear.gather [hbm4b:s26+s3], $0x400, $0x38;
	[tilespmem:$0x12080] =	vst v63  }
0x141: {  	s26 =	sadd.s32 $0x5B8F00, s24;
	s0 =	simm.s32 $0x7880  }
0x142: {  	[tilespmem:s0], [sflag:$0x1] =	stream.linear.gather [hbm4b:s26+s3], $0x400, $0x38;
	[tilespmem:$0x12080] =	vst v63  }
0x143: {  	s24 =	sadd.s32 $0x6AD180, s24;
	s26 =	simm.s32 $0x7C80  }
0x144: {  	[tilespmem:s26], [sflag:$0x1] =	stream.linear.gather [hbm4b:s24+s3], $0x400, $0x38;
	[tilespmem:$0x12080] =	vst v63  }
0x145: {  	_ =	swait.ge [sflag:s18], $0x2000  }
0x146: {  	[sflag:s18] =	ssyncset.done $0x0  }
0x147: {  	[sflag:s18] =	ssyncadd.s32 $0xFFFFE000  }
0x148: {  	_ =	swait.ge [sflag:s18], $0x2000  }
0x149: {  	[sflag:s18] =	ssyncset.done $0x0  }
0x14a: {  	[sflag:s18] =	ssyncadd.s32 $0xFFFFE000  }
0x14b: {  	_ =	swait.ge [sflag:s18], $0x2000  }
0x14c: {  	[sflag:s18] =	ssyncset.done $0x0  }
0x14d: {  	[sflag:s18] =	ssyncadd.s32 $0xFFFFE000  }
0x14e: {  	_ =	swait.ge [sflag:s18], $0x2000  }
0x14f: {  	(v2sf) =	vpush v33, $0x4;
	_ =	sdelay $0xe  }
0x150: {  	s26 =	spop (v2sf)  }
0x151: {  	s24 =	sand.u32 $0x7F, s26  }
0x152: {  	s0 =	sadd.s32 $0xFFFFFFF5, s19;
	v43 =	vor.u32 s24, v16  }
0x153: {  	v44 =	vmov s0  }
0x154: {  	v35 =	vand.u32 $0x74, v44  }
0x155: {  	v35 =	vbroadcast v35, $0x0;
	[sflag:s18] =	ssyncset.done $0x0  }
0x156: {  	[sflag:s18] =	ssyncadd.s32 $0xFFFFE000  }
0x157: {  	v45 =	vor.u32 v0, v35;
	v34 =	vld.idx.msk [tilespmem:v43+s8+$0x0], $0xffff  }
0x158: {  	v46 =	vor.u32 s24, v17  }
0x159: {  	(v2sf) =	vpush v33, $0x5;
	_ =	sdelay $0x2  }
0x15a: {  	[tilespmem:v45+s17+$0x0] =	vst.idx.msk $0xffff, v34  }
0x15b: {  	v47 =	vor.u32 v1, v35;
	v34 =	vld.idx.msk [tilespmem:v46+s8+$0x0], $0xffff  }
0x15c: {  	v48 =	vor.u32 s24, v18;
	_ =	sdelay $0x3  }
0x15d: {  	[tilespmem:v47+s17+$0x0] =	vst.idx.msk $0xffff, v34  }
0x15e: {  	v49 =	vor.u32 v2, v35;
	v34 =	vld.idx.msk [tilespmem:v48+s8+$0x0], $0xffff  }
0x15f: {  	v50 =	vor.u32 s24, v19;
	_ =	sdelay $0x3  }
0x160: {  	s26 =	spop (v2sf);
	[tilespmem:v49+s17+$0x0] =	vst.idx.msk $0xffff, v34  }
0x161: {  	v35 =	vor.u32 v3, v35;
	s24 =	sand.u32 $0x7F, s26;
	v34 =	vld.idx.msk [tilespmem:v50+s8+$0x0], $0xffff  }
0x162: {  	s0 =	sadd.s32 $0xFFFFFFF6, s19;
	v51 =	vor.u32 s24, v20  }
0x163: {  	v52 =	vmov s0  }
0x164: {  	v37 =	vand.u32 $0x75, v52  }
0x165: {  	v37 =	vbroadcast v37, $0x0  }
0x166: {  	[tilespmem:v35+s17+$0x0] =	vst.idx.msk $0xffff, v34  }
0x167: {  	v53 =	vor.u32 v0, v37;
	v34 =	vld.idx.msk [tilespmem:v51+s8+$0x0], $0xffff  }
0x168: {  	v54 =	vor.u32 s24, v21  }
0x169: {  	(v2sf) =	vpush v33, $0x6;
	_ =	sdelay $0x2  }
0x16a: {  	[tilespmem:v53+s17+$0x0] =	vst.idx.msk $0xffff, v34  }
0x16b: {  	v55 =	vor.u32 v1, v37;
	v34 =	vld.idx.msk [tilespmem:v54+s8+$0x0], $0xffff  }
0x16c: {  	v56 =	vor.u32 s24, v22;
	_ =	sdelay $0x3  }
0x16d: {  	[tilespmem:v55+s17+$0x0] =	vst.idx.msk $0xffff, v34  }
0x16e: {  	v57 =	vor.u32 v2, v37;
	v34 =	vld.idx.msk [tilespmem:v56+s8+$0x0], $0xffff  }
0x16f: {  	v58 =	vor.u32 s24, v23;
	_ =	sdelay $0x3  }
0x170: {  	s26 =	spop (v2sf);
	[tilespmem:v57+s17+$0x0] =	vst.idx.msk $0xffff, v34  }
0x171: {  	v59 =	vor.u32 v3, v37;
	s24 =	sand.u32 $0x7F, s26;
	v34 =	vld.idx.msk [tilespmem:v58+s8+$0x0], $0xffff  }
0x172: {  	s0 =	sadd.s32 $0xFFFFFFF7, s19;
	v60 =	vor.u32 s24, v24  }
0x173: {  	v61 =	vmov s0  }
0x174: {  	v37 =	vand.u32 $0x76, v61  }
0x175: {  	v37 =	vbroadcast v37, $0x0  }
0x176: {  	[tilespmem:v59+s17+$0x0] =	vst.idx.msk $0xffff, v34  }
0x177: {  	v62 =	vor.u32 v0, v37;
	v34 =	vld.idx.msk [tilespmem:v60+s8+$0x0], $0xffff  }
0x178: {  	v63 =	vor.u32 s24, v25  }
0x179: {  	(v2sf) =	vpush v33, $0x7;
	_ =	sdelay $0x2  }
0x17a: {  	[tilespmem:v62+s17+$0x0] =	vst.idx.msk $0xffff, v34  }
0x17b: {  	v40 =	vor.u32 v1, v37;
	v34 =	vld.idx.msk [tilespmem:v63+s8+$0x0], $0xffff  }
0x17c: {  	v41 =	vor.u32 s24, v26;
	_ =	sdelay $0x3  }
0x17d: {  	[tilespmem:v40+s17+$0x0] =	vst.idx.msk $0xffff, v34  }
0x17e: {  	v42 =	vor.u32 v2, v37;
	v34 =	vld.idx.msk [tilespmem:v41+s8+$0x0], $0xffff  }
0x17f: {  	v43 =	vor.u32 s24, v27;
	_ =	sdelay $0x3  }
0x180: {  	s26 =	spop (v2sf);
	[tilespmem:v42+s17+$0x0] =	vst.idx.msk $0xffff, v34  }
0x181: {  	v44 =	vor.u32 v3, v37;
	s24 =	sand.u32 $0x7F, s26;
	v34 =	vld.idx.msk [tilespmem:v43+s8+$0x0], $0xffff  }
0x182: {  	s0 =	sadd.s32 $0xFFFFFFF8, s19;
	v45 =	vor.u32 s24, v28  }
0x183: {  	v46 =	vmov s0  }
0x184: {  	v37 =	vand.u32 $0x77, v46  }
0x185: {  	v37 =	vbroadcast v37, $0x0  }
0x186: {  	[tilespmem:v44+s17+$0x0] =	vst.idx.msk $0xffff, v34  }
0x187: {  	v47 =	vor.u32 v0, v37;
	v34 =	vld.idx.msk [tilespmem:v45+s8+$0x0], $0xffff  }
0x188: {  	v48 =	vor.u32 s24, v29;
	_ =	sdelay $0x3  }
0x189: {  	[tilespmem:v47+s17+$0x0] =	vst.idx.msk $0xffff, v34  }
0x18a: {  	v49 =	vor.u32 v1, v37;
	(v2sf) =	vpush v33, $0xC;
	v34 =	vld.idx.msk [tilespmem:v48+s8+$0x0], $0xffff  }
0x18b: {  	v50 =	vor.u32 s24, v30;
	_ =	sdelay $0x3  }
0x18c: {  	[tilespmem:v49+s17+$0x0] =	vst.idx.msk $0xffff, v34  }
0x18d: {  	v51 =	vor.u32 v2, v37;
	v34 =	vld.idx.msk [tilespmem:v50+s8+$0x0], $0xffff  }
0x18e: {  	v52 =	vor.u32 s24, v31;
	_ =	sdelay $0x3  }
0x18f: {  	[tilespmem:v51+s17+$0x0] =	vst.idx.msk $0xffff, v34  }
0x190: {  	v53 =	vor.u32 v3, v37;
	v34 =	vld.idx.msk [tilespmem:v52+s8+$0x0], $0xffff;
	_ =	sdelay $0x2  }
0x191: {  	s30 =	spop (v2sf)  }
0x192: {  	(v2sf) =	vpush v33, $0xD;
	s26 =	sand.u32 $0xFFFFF80, s30  }
0x193: {  	s24 =	sadd.s32 s20, s26;
	s26 =	simm.s32 $0x8080;
	[tilespmem:v53+s17+$0x0] =	vst.idx.msk $0xffff, v34  }
0x194: {  	[tilespmem:s26], [sflag:$0x2] =	stream.linear.gather [hbm4b:s24+s3], $0x400, $0x38;
	[tilespmem:$0x12080] =	vst v63  }
0x195: {  	s26 =	sadd.s32 $0xF4280, s24  }
0x196: {  	[tilespmem:s31], [sflag:$0x2] =	stream.linear.gather [hbm4b:s26+s3], $0x400, $0x38;
	[tilespmem:$0x12080] =	vst v63  }
0x197: {  	s7 =	simm.s32 $0x8880;
	s31 =	sadd.s32 $0x1E8500, s24  }
0x198: {  	[tilespmem:s7], [sflag:$0x2] =	stream.linear.gather [hbm4b:s31+s3], $0x400, $0x38;
	[tilespmem:$0x12080] =	vst v63  }
0x199: {  	s9 =	simm.s32 $0x8C80;
	s7 =	sadd.s32 $0x2DC780, s24  }
0x19a: {  	[tilespmem:s9], [sflag:$0x2] =	stream.linear.gather [hbm4b:s7+s3], $0x400, $0x38;
	[tilespmem:$0x12080] =	vst v63  }
0x19b: {  	s10 =	simm.s32 $0x9080;
	s9 =	sadd.s32 $0x3D0A00, s24  }
0x19c: {  	[tilespmem:s10], [sflag:$0x2] =	stream.linear.gather [hbm4b:s9+s3], $0x400, $0x38;
	[tilespmem:$0x12080] =	vst v63  }
0x19d: {  	s11 =	simm.s32 $0x9480;
	s31 =	sadd.s32 $0x4C4C80, s24  }
0x19e: {  	[tilespmem:s11], [sflag:$0x2] =	stream.linear.gather [hbm4b:s31+s3], $0x400, $0x38;
	[tilespmem:$0x12080] =	vst v63  }
0x19f: {  	s12 =	simm.s32 $0x9880;
	s7 =	sadd.s32 $0x5B8F00, s24  }
0x1a0: {  	[tilespmem:s12], [sflag:$0x2] =	stream.linear.gather [hbm4b:s7+s3], $0x400, $0x38;
	[tilespmem:$0x12080] =	vst v63  }
0x1a1: {  	s13 =	simm.s32 $0x9C80;
	s7 =	spop (v2sf);
	(v2sf) =	vpush v33, $0xE  }
0x1a2: {  	s24 =	sadd.s32 $0x6AD180, s24;
	s9 =	sand.u32 $0xFFFFF80, s7  }
0x1a3: {  	[tilespmem:s13], [sflag:$0x2] =	stream.linear.gather [hbm4b:s24+s3], $0x400, $0x38;
	[tilespmem:$0x12080] =	vst v63  }
0x1a4: {  	s14 =	simm.s32 $0xA080;
	s24 =	sadd.s32 s20, s9  }
0x1a5: {  	[tilespmem:s14], [sflag:$0x2] =	stream.linear.gather [hbm4b:s24+s3], $0x400, $0x38;
	[tilespmem:$0x12080] =	vst v63  }
0x1a6: {  	s15 =	simm.s32 $0xA480;
	s10 =	sadd.s32 $0xF4280, s24  }
0x1a7: {  	[tilespmem:s15], [sflag:$0x2] =	stream.linear.gather [hbm4b:s10+s3], $0x400, $0x38;
	[tilespmem:$0x12080] =	vst v63  }
0x1a8: {  	s12 =	simm.s32 $0xA880;
	s11 =	sadd.s32 $0x1E8500, s24  }
0x1a9: {  	[tilespmem:s12], [sflag:$0x2] =	stream.linear.gather [hbm4b:s11+s3], $0x400, $0x38;
	[tilespmem:$0x12080] =	vst v63  }
0x1aa: {  	s13 =	sadd.s32 $0x2DC780, s24;
	s14 =	simm.s32 $0xAC80  }
0x1ab: {  	[tilespmem:s14], [sflag:$0x2] =	stream.linear.gather [hbm4b:s13+s3], $0x400, $0x38;
	[tilespmem:$0x12080] =	vst v63  }
0x1ac: {  	s31 =	simm.s32 $0xB080;
	s15 =	sadd.s32 $0x3D0A00, s24  }
0x1ad: {  	[tilespmem:s31], [sflag:$0x2] =	stream.linear.gather [hbm4b:s15+s3], $0x400, $0x38;
	[tilespmem:$0x12080] =	vst v63  }
0x1ae: {  	s4 =	simm.s32 $0xBC80;
	s10 =	sadd.s32 $0x4C4C80, s24;
	s11 =	simm.s32 $0xB480  }
0x1af: {  	[tilespmem:s11], [sflag:$0x2] =	stream.linear.gather [hbm4b:s10+s3], $0x400, $0x38;
	[tilespmem:$0x12080] =	vst v63  }
0x1b0: {  	s12 =	sadd.s32 $0x5B8F00, s24;
	s13 =	simm.s32 $0xB880;
	s26 =	spop (v2sf)  }
0x1b1: {  	[tilespmem:s13], [sflag:$0x2] =	stream.linear.gather [hbm4b:s12+s3], $0x400, $0x38;
	[tilespmem:$0x12080] =	vst v63  }
0x1b2: {  	s24 =	sadd.s32 $0x6AD180, s24;
	s14 =	sand.u32 $0xFFFFF80, s26  }
0x1b3: {  	[tilespmem:s4], [sflag:$0x2] =	stream.linear.gather [hbm4b:s24+s3], $0x400, $0x38;
	[tilespmem:$0x12080] =	vst v63  }
0x1b4: {  	s5 =	simm.s32 $0xC080;
	s24 =	sadd.s32 s20, s14  }
0x1b5: {  	(v2sf) =	vpush v33, $0xF;
	[tilespmem:s5], [sflag:$0x2] =	stream.linear.gather [hbm4b:s24+s3], $0x400, $0x38;
	[tilespmem:$0x12080] =	vst v63  }
0x1b6: {  	s2 =	simm.s32 $0xC480;
	s15 =	sadd.s32 $0xF4280, s24  }
0x1b7: {  	[tilespmem:s2], [sflag:$0x2] =	stream.linear.gather [hbm4b:s15+s3], $0x400, $0x38;
	[tilespmem:$0x12080] =	vst v63  }
0x1b8: {  	s6 =	simm.s32 $0xC880;
	s2 =	sadd.s32 $0x1E8500, s24  }
0x1b9: {  	[tilespmem:s6], [sflag:$0x2] =	stream.linear.gather [hbm4b:s2+s3], $0x400, $0x38;
	[tilespmem:$0x12080] =	vst v63  }
0x1ba: {  	s0 =	simm.s32 $0xCC80;
	s4 =	sadd.s32 $0x2DC780, s24  }
0x1bb: {  	[tilespmem:s0], [sflag:$0x2] =	stream.linear.gather [hbm4b:s4+s3], $0x400, $0x38;
	[tilespmem:$0x12080] =	vst v63  }
0x1bc: {  	s5 =	sadd.s32 $0x3D0A00, s24  }
0x1bd: {  	[tilespmem:s1], [sflag:$0x2] =	stream.linear.gather [hbm4b:s5+s3], $0x400, $0x38;
	[tilespmem:$0x12080] =	vst v63  }
0x1be: {  	s6 =	sadd.s32 $0x4C4C80, s24  }
0x1bf: {  	[tilespmem:s21], [sflag:$0x2] =	stream.linear.gather [hbm4b:s6+s3], $0x400, $0x38;
	[tilespmem:$0x12080] =	vst v63  }
0x1c0: {  	s10 =	simm.s32 $0xD880;
	s9 =	sadd.s32 $0x5B8F00, s24  }
0x1c1: {  	[tilespmem:s10], [sflag:$0x2] =	stream.linear.gather [hbm4b:s9+s3], $0x400, $0x38;
	[tilespmem:$0x12080] =	vst v63  }
0x1c2: {  	s11 =	simm.s32 $0xDC80;
	s24 =	sadd.s32 $0x6AD180, s24  }
0x1c3: {  	[tilespmem:s11], [sflag:$0x2] =	stream.linear.gather [hbm4b:s24+s3], $0x400, $0x38;
	[tilespmem:$0x12080] =	vst v63  }
0x1c4: {  	s24 =	spop (v2sf)  }
0x1c5: {  	s12 =	sand.u32 $0xFFFFF80, s24  }
0x1c6: {  	s13 =	simm.s32 $0xE080;
	s31 =	sadd.s32 s20, s12  }
0x1c7: {  	[tilespmem:s13], [sflag:$0x2] =	stream.linear.gather [hbm4b:s31+s3], $0x400, $0x38;
	[tilespmem:$0x12080] =	vst v63  }
0x1c8: {  	s15 =	simm.s32 $0xE480;
	s14 =	sadd.s32 $0xF4280, s31  }
0x1c9: {  	[tilespmem:s15], [sflag:$0x2] =	stream.linear.gather [hbm4b:s14+s3], $0x400, $0x38;
	[tilespmem:$0x12080] =	vst v63  }
0x1ca: {  	s21 =	simm.s32 $0xE880;
	s20 =	sadd.s32 $0x1E8500, s31  }
0x1cb: {  	[tilespmem:s21], [sflag:$0x2] =	stream.linear.gather [hbm4b:s20+s3], $0x400, $0x38;
	[tilespmem:$0x12080] =	vst v63  }
0x1cc: {  	s4 =	simm.s32 $0xEC80;
	s2 =	sadd.s32 $0x2DC780, s31  }
0x1cd: {  	[tilespmem:s4], [sflag:$0x2] =	stream.linear.gather [hbm4b:s2+s3], $0x400, $0x38;
	[tilespmem:$0x12080] =	vst v63  }
0x1ce: {  	s6 =	simm.s32 $0xF080;
	s5 =	sadd.s32 $0x3D0A00, s31  }
0x1cf: {  	[tilespmem:s6], [sflag:$0x2] =	stream.linear.gather [hbm4b:s5+s3], $0x400, $0x38;
	[tilespmem:$0x12080] =	vst v63  }
0x1d0: {  	s10 =	simm.s32 $0xF480;
	s9 =	sadd.s32 $0x4C4C80, s31  }
0x1d1: {  	[tilespmem:s10], [sflag:$0x2] =	stream.linear.gather [hbm4b:s9+s3], $0x400, $0x38;
	[tilespmem:$0x12080] =	vst v63  }
0x1d2: {  	s12 =	simm.s32 $0xF880;
	s11 =	sadd.s32 $0x5B8F00, s31  }
0x1d3: {  	[tilespmem:s12], [sflag:$0x2] =	stream.linear.gather [hbm4b:s11+s3], $0x400, $0x38;
	[tilespmem:$0x12080] =	vst v63  }
0x1d4: {  	s13 =	sadd.s32 $0x6AD180, s31  }
0x1d5: {  	[tilespmem:s28], [sflag:$0x2] =	stream.linear.gather [hbm4b:s13+s3], $0x400, $0x38;
	[tilespmem:$0x12080] =	vst v63  }
0x1d6: {  	_ =	swait.ge [sflag:s16], $0x2000  }
0x1d7: {  	[sflag:s16] =	ssyncset.done $0x0  }
0x1d8: {  	[sflag:s16] =	ssyncadd.s32 $0xFFFFE000  }
0x1d9: {  	_ =	swait.ge [sflag:s16], $0x2000  }
0x1da: {  	[sflag:s16] =	ssyncset.done $0x0  }
0x1db: {  	[sflag:s16] =	ssyncadd.s32 $0xFFFFE000  }
0x1dc: {  	s14 =	sand.u32 $0x7F, s29;
	_ =	swait.ge [sflag:s16], $0x2000  }
0x1dd: {  	s15 =	sadd.s32 $0xFFFFFFF9, s19;
	v54 =	vor.u32 s14, v0;
	[sflag:s16] =	ssyncset.done $0x0  }
0x1de: {  	v55 =	vmov s15;
	[sflag:s16] =	ssyncadd.s32 $0xFFFFE000  }
0x1df: {  	v34 =	vand.u32 $0x78, v55;
	_ =	swait.ge [sflag:s16], $0x2000  }
0x1e0: {  	v34 =	vbroadcast v34, $0x0;
	[sflag:s16] =	ssyncset.done $0x0  }
0x1e1: {  	[sflag:s16] =	ssyncadd.s32 $0xFFFFE000  }
0x1e2: {  	v56 =	vor.u32 v0, v34;
	v33 =	vld.idx.msk [tilespmem:v54+s8+$0x0], $0xffff  }
0x1e3: {  	v57 =	vor.u32 s14, v1;
	_ =	sdelay $0x3  }
0x1e4: {  	[tilespmem:v56+s17+$0x0] =	vst.idx.msk $0xffff, v33  }
0x1e5: {  	v58 =	vor.u32 v1, v34;
	v33 =	vld.idx.msk [tilespmem:v57+s8+$0x0], $0xffff  }
0x1e6: {  	v59 =	vor.u32 s14, v2;
	_ =	sdelay $0x3  }
0x1e7: {  	[tilespmem:v58+s17+$0x0] =	vst.idx.msk $0xffff, v33  }
0x1e8: {  	v60 =	vor.u32 v2, v34;
	v33 =	vld.idx.msk [tilespmem:v59+s8+$0x0], $0xffff  }
0x1e9: {  	v61 =	vor.u32 s14, v3;
	_ =	sdelay $0x3  }
0x1ea: {  	[tilespmem:v60+s17+$0x0] =	vst.idx.msk $0xffff, v33  }
0x1eb: {  	s20 =	sand.u32 $0x7F, s25;
	v34 =	vor.u32 v3, v34;
	v33 =	vld.idx.msk [tilespmem:v61+s8+$0x0], $0xffff  }
0x1ec: {  	s21 =	sadd.s32 $0xFFFFFFFA, s19;
	v62 =	vor.u32 s20, v4  }
0x1ed: {  	v63 =	vmov s21  }
0x1ee: {  	v36 =	vand.u32 $0x79, v63  }
0x1ef: {  	v36 =	vbroadcast v36, $0x0  }
0x1f0: {  	[tilespmem:v34+s17+$0x0] =	vst.idx.msk $0xffff, v33  }
0x1f1: {  	v39 =	vor.u32 v0, v36;
	v33 =	vld.idx.msk [tilespmem:v62+s8+$0x0], $0xffff  }
0x1f2: {  	v40 =	vor.u32 s20, v5;
	_ =	sdelay $0x3  }
0x1f3: {  	[tilespmem:v39+s17+$0x0] =	vst.idx.msk $0xffff, v33  }
0x1f4: {  	v41 =	vor.u32 v1, v36;
	v33 =	vld.idx.msk [tilespmem:v40+s8+$0x0], $0xffff  }
0x1f5: {  	v42 =	vor.u32 s20, v6;
	_ =	sdelay $0x3  }
0x1f6: {  	[tilespmem:v41+s17+$0x0] =	vst.idx.msk $0xffff, v33  }
0x1f7: {  	v43 =	vor.u32 v2, v36;
	v33 =	vld.idx.msk [tilespmem:v42+s8+$0x0], $0xffff  }
0x1f8: {  	v44 =	vor.u32 s20, v7;
	_ =	sdelay $0x3  }
0x1f9: {  	[tilespmem:v43+s17+$0x0] =	vst.idx.msk $0xffff, v33  }
0x1fa: {  	s25 =	sand.u32 $0x7F, s23;
	v45 =	vor.u32 v3, v36;
	v33 =	vld.idx.msk [tilespmem:v44+s8+$0x0], $0xffff  }
0x1fb: {  	v46 =	vor.u32 s25, v8;
	s28 =	sadd.s32 $0xFFFFFFFB, s19  }
0x1fc: {  	v47 =	vmov s28  }
0x1fd: {  	v36 =	vand.u32 $0x7A, v47  }
0x1fe: {  	v36 =	vbroadcast v36, $0x0  }
0x1ff: {  	[tilespmem:v45+s17+$0x0] =	vst.idx.msk $0xffff, v33  }
0x200: {  	v48 =	vor.u32 v0, v36;
	v33 =	vld.idx.msk [tilespmem:v46+s8+$0x0], $0xffff  }
0x201: {  	v49 =	vor.u32 s25, v9;
	_ =	sdelay $0x3  }
0x202: {  	[tilespmem:v48+s17+$0x0] =	vst.idx.msk $0xffff, v33  }
0x203: {  	v50 =	vor.u32 v1, v36;
	v33 =	vld.idx.msk [tilespmem:v49+s8+$0x0], $0xffff  }
0x204: {  	v51 =	vor.u32 s25, v10;
	_ =	sdelay $0x3  }
0x205: {  	[tilespmem:v50+s17+$0x0] =	vst.idx.msk $0xffff, v33  }
0x206: {  	v52 =	vor.u32 v2, v36;
	v33 =	vld.idx.msk [tilespmem:v51+s8+$0x0], $0xffff  }
0x207: {  	v53 =	vor.u32 s25, v11;
	_ =	sdelay $0x3  }
0x208: {  	[tilespmem:v52+s17+$0x0] =	vst.idx.msk $0xffff, v33  }
0x209: {  	s29 =	sand.u32 $0x7F, s22;
	v54 =	vor.u32 v3, v36;
	v33 =	vld.idx.msk [tilespmem:v53+s8+$0x0], $0xffff  }
0x20a: {  	s31 =	sadd.s32 $0xFFFFFFFC, s19;
	v55 =	vor.u32 s29, v12  }
0x20b: {  	v56 =	vmov s31  }
0x20c: {  	v36 =	vand.u32 $0x7B, v56  }
0x20d: {  	v36 =	vbroadcast v36, $0x0  }
0x20e: {  	[tilespmem:v54+s17+$0x0] =	vst.idx.msk $0xffff, v33  }
0x20f: {  	v57 =	vor.u32 v0, v36;
	v33 =	vld.idx.msk [tilespmem:v55+s8+$0x0], $0xffff  }
0x210: {  	v58 =	vor.u32 s29, v13;
	_ =	sdelay $0x3  }
0x211: {  	[tilespmem:v57+s17+$0x0] =	vst.idx.msk $0xffff, v33  }
0x212: {  	v59 =	vor.u32 v1, v36;
	v33 =	vld.idx.msk [tilespmem:v58+s8+$0x0], $0xffff  }
0x213: {  	v60 =	vor.u32 s29, v14;
	_ =	sdelay $0x3  }
0x214: {  	[tilespmem:v59+s17+$0x0] =	vst.idx.msk $0xffff, v33  }
0x215: {  	v61 =	vor.u32 v2, v36;
	v33 =	vld.idx.msk [tilespmem:v60+s8+$0x0], $0xffff  }
0x216: {  	v62 =	vor.u32 s29, v15;
	_ =	sdelay $0x3  }
0x217: {  	[tilespmem:v61+s17+$0x0] =	vst.idx.msk $0xffff, v33  }
0x218: {  	p0 =	seq.s32 s19, $0x7F;
	v63 =	vor.u32 v3, v36;
	v33 =	vld.idx.msk [tilespmem:v62+s8+$0x0], $0xffff  }
.Ltmp2:
0x219: {  	_ = 	snop;
	(pc) =	sbr.rel @p0 .LBB2_4-.Ltmp2, $2  }
0x21a: {  	_ =	sdelay $0x2  }
0x21b: {  	[tilespmem:v63+s17+$0x0] =	vst.idx.msk $0xffff, v33  }
0x21c: {  	(v2sf) =	vpush v32, $0x0;
	_ =	sdelay $0xe  }
0x21d: {  	s0 =	spop (v2sf)  }
0x21e: {  	s1 =	rddreg [dreg:$0x1];
	(v2sf) =	vpush v32, $0x1;
	s0 =	sand.u32 $0xFFFFF80, s0  }
0x21f: {  	s0 =	sadd.s32 s1, s0  }
0x220: {  	[tilespmem:s8], [sflag:$0x1] =	stream.linear.gather [hbm4b:s0+s3], $0x400, $0x38;
	[tilespmem:$0x12080] =	vst v63  }
0x221: {  	s23 =	simm.s32 $0x480;
	s22 =	sadd.s32 $0xF4280, s0  }
0x222: {  	[tilespmem:s23], [sflag:$0x1] =	stream.linear.gather [hbm4b:s22+s3], $0x400, $0x38;
	[tilespmem:$0x12080] =	vst v63  }
0x223: {  	s28 =	simm.s32 $0x880;
	s25 =	sadd.s32 $0x1E8500, s0  }
0x224: {  	[tilespmem:s28], [sflag:$0x1] =	stream.linear.gather [hbm4b:s25+s3], $0x400, $0x38;
	[tilespmem:$0x12080] =	vst v63  }
0x225: {  	s31 =	simm.s32 $0xC80;
	s29 =	sadd.s32 $0x2DC780, s0  }
0x226: {  	[tilespmem:s31], [sflag:$0x1] =	stream.linear.gather [hbm4b:s29+s3], $0x400, $0x38;
	[tilespmem:$0x12080] =	vst v63  }
0x227: {  	s4 =	simm.s32 $0x1080;
	s2 =	sadd.s32 $0x3D0A00, s0  }
0x228: {  	[tilespmem:s4], [sflag:$0x1] =	stream.linear.gather [hbm4b:s2+s3], $0x400, $0x38;
	[tilespmem:$0x12080] =	vst v63  }
0x229: {  	s6 =	simm.s32 $0x1480;
	s5 =	sadd.s32 $0x4C4C80, s0  }
0x22a: {  	[tilespmem:s6], [sflag:$0x1] =	stream.linear.gather [hbm4b:s5+s3], $0x400, $0x38;
	[tilespmem:$0x12080] =	vst v63  }
0x22b: {  	s10 =	simm.s32 $0x1880;
	s9 =	sadd.s32 $0x5B8F00, s0  }
0x22c: {  	[tilespmem:s10], [sflag:$0x1] =	stream.linear.gather [hbm4b:s9+s3], $0x400, $0x38;
	[tilespmem:$0x12080] =	vst v63  }
0x22d: {  	s11 =	simm.s32 $0x1C80;
	s0 =	sadd.s32 $0x6AD180, s0;
	s12 =	spop (v2sf)  }
0x22e: {  	[tilespmem:s11], [sflag:$0x1] =	stream.linear.gather [hbm4b:s0+s3], $0x400, $0x38;
	[tilespmem:$0x12080] =	vst v63  }
0x22f: {  	(v2sf) =	vpush v32, $0x2;
	s0 =	sand.u32 $0xFFFFF80, s12  }
0x230: {  	s13 =	simm.s32 $0x2080;
	s0 =	sadd.s32 s1, s0  }
0x231: {  	[tilespmem:s13], [sflag:$0x1] =	stream.linear.gather [hbm4b:s0+s3], $0x400, $0x38;
	[tilespmem:$0x12080] =	vst v63  }
0x232: {  	s15 =	simm.s32 $0x2480;
	s14 =	sadd.s32 $0xF4280, s0  }
0x233: {  	[tilespmem:s15], [sflag:$0x1] =	stream.linear.gather [hbm4b:s14+s3], $0x400, $0x38;
	[tilespmem:$0x12080] =	vst v63  }
0x234: {  	s21 =	simm.s32 $0x2880;
	s20 =	sadd.s32 $0x1E8500, s0  }
0x235: {  	[tilespmem:s21], [sflag:$0x1] =	stream.linear.gather [hbm4b:s20+s3], $0x400, $0x38;
	[tilespmem:$0x12080] =	vst v63  }
0x236: {  	s28 =	simm.s32 $0x2C80;
	s25 =	sadd.s32 $0x2DC780, s0  }
0x237: {  	[tilespmem:s28], [sflag:$0x1] =	stream.linear.gather [hbm4b:s25+s3], $0x400, $0x38;
	[tilespmem:$0x12080] =	vst v63  }
0x238: {  	s31 =	simm.s32 $0x3080;
	s29 =	sadd.s32 $0x3D0A00, s0  }
0x239: {  	[tilespmem:s31], [sflag:$0x1] =	stream.linear.gather [hbm4b:s29+s3], $0x400, $0x38;
	[tilespmem:$0x12080] =	vst v63  }
0x23a: {  	s4 =	simm.s32 $0x3480;
	s2 =	sadd.s32 $0x4C4C80, s0  }
0x23b: {  	[tilespmem:s4], [sflag:$0x1] =	stream.linear.gather [hbm4b:s2+s3], $0x400, $0x38;
	[tilespmem:$0x12080] =	vst v63  }
0x23c: {  	s6 =	simm.s32 $0x3880;
	s5 =	sadd.s32 $0x5B8F00, s0  }
0x23d: {  	[tilespmem:s6], [sflag:$0x1] =	stream.linear.gather [hbm4b:s5+s3], $0x400, $0x38;
	[tilespmem:$0x12080] =	vst v63  }
0x23e: {  	s9 =	simm.s32 $0x3C80;
	s0 =	sadd.s32 $0x6AD180, s0;
	s10 =	spop (v2sf)  }
0x23f: {  	[tilespmem:s9], [sflag:$0x1] =	stream.linear.gather [hbm4b:s0+s3], $0x400, $0x38;
	[tilespmem:$0x12080] =	vst v63  }
0x240: {  	(v2sf) =	vpush v32, $0x3;
	s0 =	sand.u32 $0xFFFFF80, s10  }
0x241: {  	s11 =	simm.s32 $0x4080;
	s0 =	sadd.s32 s1, s0  }
0x242: {  	[tilespmem:s11], [sflag:$0x1] =	stream.linear.gather [hbm4b:s0+s3], $0x400, $0x38;
	[tilespmem:$0x12080] =	vst v63  }
0x243: {  	s13 =	simm.s32 $0x4480;
	s12 =	sadd.s32 $0xF4280, s0  }
0x244: {  	[tilespmem:s13], [sflag:$0x1] =	stream.linear.gather [hbm4b:s12+s3], $0x400, $0x38;
	[tilespmem:$0x12080] =	vst v63  }
0x245: {  	s15 =	simm.s32 $0x4880;
	s14 =	sadd.s32 $0x1E8500, s0  }
0x246: {  	[tilespmem:s15], [sflag:$0x1] =	stream.linear.gather [hbm4b:s14+s3], $0x400, $0x38;
	[tilespmem:$0x12080] =	vst v63  }
0x247: {  	s21 =	simm.s32 $0x4C80;
	s20 =	sadd.s32 $0x2DC780, s0  }
0x248: {  	[tilespmem:s21], [sflag:$0x1] =	stream.linear.gather [hbm4b:s20+s3], $0x400, $0x38;
	[tilespmem:$0x12080] =	vst v63  }
0x249: {  	s28 =	simm.s32 $0x5080;
	s25 =	sadd.s32 $0x3D0A00, s0  }
0x24a: {  	[tilespmem:s28], [sflag:$0x1] =	stream.linear.gather [hbm4b:s25+s3], $0x400, $0x38;
	[tilespmem:$0x12080] =	vst v63  }
0x24b: {  	s31 =	simm.s32 $0x5480;
	s29 =	sadd.s32 $0x4C4C80, s0  }
0x24c: {  	[tilespmem:s31], [sflag:$0x1] =	stream.linear.gather [hbm4b:s29+s3], $0x400, $0x38;
	[tilespmem:$0x12080] =	vst v63  }
0x24d: {  	s4 =	simm.s32 $0x5880;
	s2 =	sadd.s32 $0x5B8F00, s0  }
0x24e: {  	[tilespmem:s4], [sflag:$0x1] =	stream.linear.gather [hbm4b:s2+s3], $0x400, $0x38;
	[tilespmem:$0x12080] =	vst v63  }
0x24f: {  	s5 =	simm.s32 $0x5C80;
	s0 =	sadd.s32 $0x6AD180, s0;
	s6 =	spop (v2sf)  }
0x250: {  	[tilespmem:s5], [sflag:$0x1] =	stream.linear.gather [hbm4b:s0+s3], $0x400, $0x38;
	[tilespmem:$0x12080] =	vst v63  }
0x251: {  	s0 =	sand.u32 $0xFFFFF80, s6  }
0x252: {  	s9 =	simm.s32 $0x6080;
	s0 =	sadd.s32 s1, s0  }
0x253: {  	[tilespmem:s9], [sflag:$0x1] =	stream.linear.gather [hbm4b:s0+s3], $0x400, $0x38;
	[tilespmem:$0x12080] =	vst v63  }
0x254: {  	s11 =	simm.s32 $0x6480;
	s10 =	sadd.s32 $0xF4280, s0  }
0x255: {  	[tilespmem:s11], [sflag:$0x1] =	stream.linear.gather [hbm4b:s10+s3], $0x400, $0x38;
	[tilespmem:$0x12080] =	vst v63  }
0x256: {  	s13 =	simm.s32 $0x6880;
	s12 =	sadd.s32 $0x1E8500, s0  }
0x257: {  	[tilespmem:s13], [sflag:$0x1] =	stream.linear.gather [hbm4b:s12+s3], $0x400, $0x38;
	[tilespmem:$0x12080] =	vst v63  }
0x258: {  	s15 =	simm.s32 $0x6C80;
	s14 =	sadd.s32 $0x2DC780, s0  }
0x259: {  	[tilespmem:s15], [sflag:$0x1] =	stream.linear.gather [hbm4b:s14+s3], $0x400, $0x38;
	[tilespmem:$0x12080] =	vst v63  }
0x25a: {  	s21 =	simm.s32 $0x7080;
	s20 =	sadd.s32 $0x3D0A00, s0  }
0x25b: {  	[tilespmem:s21], [sflag:$0x1] =	stream.linear.gather [hbm4b:s20+s3], $0x400, $0x38;
	[tilespmem:$0x12080] =	vst v63  }
0x25c: {  	s25 =	simm.s32 $0x7480;
	s23 =	sadd.s32 $0x4C4C80, s0  }
0x25d: {  	[tilespmem:s25], [sflag:$0x1] =	stream.linear.gather [hbm4b:s23+s3], $0x400, $0x38;
	[tilespmem:$0x12080] =	vst v63  }
0x25e: {  	s29 =	simm.s32 $0x7880;
	s28 =	sadd.s32 $0x5B8F00, s0  }
0x25f: {  	[tilespmem:s29], [sflag:$0x1] =	stream.linear.gather [hbm4b:s28+s3], $0x400, $0x38;
	[tilespmem:$0x12080] =	vst v63  }
0x260: {  	s31 =	simm.s32 $0x7C80;
	s0 =	sadd.s32 $0x6AD180, s0  }
0x261: {  	[tilespmem:s31], [sflag:$0x1] =	stream.linear.gather [hbm4b:s0+s3], $0x400, $0x38;
	[tilespmem:$0x12080] =	vst v63  }
.LBB2_4:
0x262: {  	_ =	swait.ge [sflag:s18], $0x2000  }
0x263: {  	[sflag:s18] =	ssyncset.done $0x0  }
0x264: {  	[sflag:s18] =	ssyncadd.s32 $0xFFFFE000  }
0x265: {  	_ =	swait.ge [sflag:s18], $0x2000  }
0x266: {  	[sflag:s18] =	ssyncset.done $0x0  }
0x267: {  	[sflag:s18] =	ssyncadd.s32 $0xFFFFE000  }
0x268: {  	s0 =	sand.u32 $0x7F, s30;
	_ =	swait.ge [sflag:s18], $0x2000  }
0x269: {  	s22 =	sadd.s32 $0xFFFFFFFD, s19;
	v33 =	vor.u32 s0, v16;
	[sflag:s18] =	ssyncset.done $0x0  }
0x26a: {  	v34 =	vmov s22;
	[sflag:s18] =	ssyncadd.s32 $0xFFFFE000  }
0x26b: {  	v34 =	vand.u32 $0x7C, v34;
	_ =	swait.ge [sflag:s18], $0x2000  }
0x26c: {  	v34 =	vbroadcast v34, $0x0;
	[sflag:s18] =	ssyncset.done $0x0  }
0x26d: {  	[sflag:s18] =	ssyncadd.s32 $0xFFFFE000  }
0x26e: {  	v35 =	vor.u32 v0, v34;
	v33 =	vld.idx.msk [tilespmem:v33+s8+$0x0], $0xffff  }
0x26f: {  	v36 =	vor.u32 s0, v17;
	_ =	sdelay $0x3  }
0x270: {  	[tilespmem:v35+s17+$0x0] =	vst.idx.msk $0xffff, v33  }
0x271: {  	v58 =	vor.u32 v1, v34;
	v33 =	vld.idx.msk [tilespmem:v36+s8+$0x0], $0xffff  }
0x272: {  	v59 =	vor.u32 s0, v18;
	_ =	sdelay $0x3  }
0x273: {  	[tilespmem:v58+s17+$0x0] =	vst.idx.msk $0xffff, v33  }
0x274: {  	v60 =	vor.u32 v2, v34;
	v33 =	vld.idx.msk [tilespmem:v59+s8+$0x0], $0xffff  }
0x275: {  	v61 =	vor.u32 s0, v19;
	_ =	sdelay $0x3  }
0x276: {  	[tilespmem:v60+s17+$0x0] =	vst.idx.msk $0xffff, v33  }
0x277: {  	s20 =	sand.u32 $0x7F, s7;
	v34 =	vor.u32 v3, v34;
	v33 =	vld.idx.msk [tilespmem:v61+s8+$0x0], $0xffff  }
0x278: {  	s21 =	sadd.s32 $0xFFFFFFFE, s19;
	v62 =	vor.u32 s20, v20  }
0x279: {  	v63 =	vmov s21  }
0x27a: {  	v36 =	vand.u32 $0x7D, v63  }
0x27b: {  	v36 =	vbroadcast v36, $0x0  }
0x27c: {  	[tilespmem:v34+s17+$0x0] =	vst.idx.msk $0xffff, v33  }
0x27d: {  	v39 =	vor.u32 v0, v36;
	v33 =	vld.idx.msk [tilespmem:v62+s8+$0x0], $0xffff  }
0x27e: {  	v40 =	vor.u32 s20, v21;
	_ =	sdelay $0x3  }
0x27f: {  	[tilespmem:v39+s17+$0x0] =	vst.idx.msk $0xffff, v33  }
0x280: {  	v41 =	vor.u32 v1, v36;
	v33 =	vld.idx.msk [tilespmem:v40+s8+$0x0], $0xffff  }
0x281: {  	v42 =	vor.u32 s20, v22;
	_ =	sdelay $0x3  }
0x282: {  	[tilespmem:v41+s17+$0x0] =	vst.idx.msk $0xffff, v33  }
0x283: {  	v43 =	vor.u32 v2, v36;
	v33 =	vld.idx.msk [tilespmem:v42+s8+$0x0], $0xffff  }
0x284: {  	v44 =	vor.u32 s20, v23;
	_ =	sdelay $0x3  }
0x285: {  	[tilespmem:v43+s17+$0x0] =	vst.idx.msk $0xffff, v33  }
0x286: {  	s23 =	sand.u32 $0x7F, s26;
	v45 =	vor.u32 v3, v36;
	v33 =	vld.idx.msk [tilespmem:v44+s8+$0x0], $0xffff  }
0x287: {  	s25 =	sadd.s32 $0xFFFFFFFF, s19;
	v46 =	vor.u32 s23, v24  }
0x288: {  	v47 =	vmov s25  }
0x289: {  	v36 =	vand.u32 $0x7E, v47  }
0x28a: {  	v36 =	vbroadcast v36, $0x0  }
0x28b: {  	[tilespmem:v45+s17+$0x0] =	vst.idx.msk $0xffff, v33  }
0x28c: {  	v48 =	vor.u32 v0, v36;
	v33 =	vld.idx.msk [tilespmem:v46+s8+$0x0], $0xffff  }
0x28d: {  	v49 =	vor.u32 s23, v25;
	_ =	sdelay $0x3  }
0x28e: {  	[tilespmem:v48+s17+$0x0] =	vst.idx.msk $0xffff, v33  }
0x28f: {  	v50 =	vor.u32 v1, v36;
	v33 =	vld.idx.msk [tilespmem:v49+s8+$0x0], $0xffff  }
0x290: {  	v51 =	vor.u32 s23, v26;
	_ =	sdelay $0x3  }
0x291: {  	[tilespmem:v50+s17+$0x0] =	vst.idx.msk $0xffff, v33  }
0x292: {  	v52 =	vor.u32 v2, v36;
	v33 =	vld.idx.msk [tilespmem:v51+s8+$0x0], $0xffff  }
0x293: {  	v53 =	vor.u32 s23, v27;
	_ =	sdelay $0x3  }
0x294: {  	[tilespmem:v52+s17+$0x0] =	vst.idx.msk $0xffff, v33  }
0x295: {  	s26 =	sand.u32 $0x7F, s24;
	v54 =	vor.u32 v3, v36;
	v33 =	vld.idx.msk [tilespmem:v53+s8+$0x0], $0xffff  }
0x296: {  	v55 =	vor.u32 s26, v28  }
0x297: {  	v56 =	vmov s19  }
0x298: {  	v36 =	vand.u32 $0x7F, v56  }
0x299: {  	v36 =	vbroadcast v36, $0x0  }
0x29a: {  	[tilespmem:v54+s17+$0x0] =	vst.idx.msk $0xffff, v33  }
0x29b: {  	v57 =	vor.u32 v0, v36;
	v33 =	vld.idx.msk [tilespmem:v55+s8+$0x0], $0xffff  }
0x29c: {  	v58 =	vor.u32 s26, v29;
	_ =	sdelay $0x3  }
0x29d: {  	[tilespmem:v57+s17+$0x0] =	vst.idx.msk $0xffff, v33  }
0x29e: {  	v59 =	vor.u32 v1, v36;
	v33 =	vld.idx.msk [tilespmem:v58+s8+$0x0], $0xffff  }
0x29f: {  	v60 =	vor.u32 s26, v30;
	_ =	sdelay $0x3  }
0x2a0: {  	[tilespmem:v59+s17+$0x0] =	vst.idx.msk $0xffff, v33  }
0x2a1: {  	v61 =	vor.u32 v2, v36;
	v33 =	vld.idx.msk [tilespmem:v60+s8+$0x0], $0xffff  }
0x2a2: {  	v62 =	vor.u32 s26, v31;
	_ =	sdelay $0x2  }
0x2a3: {  	s31 =	simm.s32 $0x8480;
	s2 =	simm.s32 $0x8880;
	s4 =	simm.s32 $0x8C80  }
0x2a4: {  	s5 =	simm.s32 $0x9080;
	s6 =	simm.s32 $0x9480;
	s7 =	simm.s32 $0x9880;
	[tilespmem:v61+s17+$0x0] =	vst.idx.msk $0xffff, v33  }
0x2a5: {  	s9 =	simm.s32 $0x9C80;
	s10 =	simm.s32 $0xA080;
	s11 =	simm.s32 $0xA480;
	v63 =	vor.u32 v3, v36;
	v33 =	vld.idx.msk [tilespmem:v62+s8+$0x0], $0xffff  }
.Ltmp3:
0x2a6: {  	s12 =	simm.s32 $0xA880;
	s13 =	simm.s32 $0xAC80;
	(pc) =	sbr.rel @p0 .LBB2_6-.Ltmp3, $4  }
0x2a7: {  	s14 =	simm.s32 $0xB080;
	s15 =	simm.s32 $0xB480;
	s24 =	simm.s32 $0xBC80  }
0x2a8: {  	s29 =	simm.s32 $0xC880;
	s30 =	simm.s32 $0xCC80;
	s1 =	simm.s32 $0xD080  }
0x2a9: {  	s28 =	simm.s32 $0xFC80;
	s23 =	simm.s32 $0xB880;
	s25 =	simm.s32 $0xC080  }
0x2aa: {  	s21 =	simm.s32 $0xD480;
	s20 =	rddreg [dreg:$0x1];
	s26 =	simm.s32 $0xC480;
	[tilespmem:v63+s17+$0x0] =	vst.idx.msk $0xffff, v33  }
0x2ab: {  	(v2sf) =	vpush v32, $0x4;
	_ =	sdelay $0xe  }
0x2ac: {  	s0 =	spop (v2sf)  }
0x2ad: {  	(v2sf) =	vpush v32, $0x5;
	s0 =	sand.u32 $0xFFFFF80, s0  }
0x2ae: {  	s22 =	simm.s32 $0x8080;
	s0 =	sadd.s32 s20, s0  }
0x2af: {  	[tilespmem:s22], [sflag:$0x2] =	stream.linear.gather [hbm4b:s0+s3], $0x400, $0x38;
	[tilespmem:$0x12080] =	vst v63  }
0x2b0: {  	s22 =	sadd.s32 $0xF4280, s0  }
0x2b1: {  	[tilespmem:s31], [sflag:$0x2] =	stream.linear.gather [hbm4b:s22+s3], $0x400, $0x38;
	[tilespmem:$0x12080] =	vst v63  }
0x2b2: {  	s22 =	sadd.s32 $0x1E8500, s0  }
0x2b3: {  	[tilespmem:s2], [sflag:$0x2] =	stream.linear.gather [hbm4b:s22+s3], $0x400, $0x38;
	[tilespmem:$0x12080] =	vst v63  }
0x2b4: {  	s22 =	sadd.s32 $0x2DC780, s0  }
0x2b5: {  	[tilespmem:s4], [sflag:$0x2] =	stream.linear.gather [hbm4b:s22+s3], $0x400, $0x38;
	[tilespmem:$0x12080] =	vst v63  }
0x2b6: {  	s22 =	sadd.s32 $0x3D0A00, s0  }
0x2b7: {  	[tilespmem:s5], [sflag:$0x2] =	stream.linear.gather [hbm4b:s22+s3], $0x400, $0x38;
	[tilespmem:$0x12080] =	vst v63  }
0x2b8: {  	s22 =	sadd.s32 $0x4C4C80, s0  }
0x2b9: {  	[tilespmem:s6], [sflag:$0x2] =	stream.linear.gather [hbm4b:s22+s3], $0x400, $0x38;
	[tilespmem:$0x12080] =	vst v63  }
0x2ba: {  	s22 =	sadd.s32 $0x5B8F00, s0  }
0x2bb: {  	[tilespmem:s7], [sflag:$0x2] =	stream.linear.gather [hbm4b:s22+s3], $0x400, $0x38;
	[tilespmem:$0x12080] =	vst v63  }
0x2bc: {  	s0 =	sadd.s32 $0x6AD180, s0;
	s22 =	spop (v2sf)  }
0x2bd: {  	[tilespmem:s9], [sflag:$0x2] =	stream.linear.gather [hbm4b:s0+s3], $0x400, $0x38;
	[tilespmem:$0x12080] =	vst v63  }
0x2be: {  	(v2sf) =	vpush v32, $0x6;
	s0 =	sand.u32 $0xFFFFF80, s22  }
0x2bf: {  	s0 =	sadd.s32 s20, s0  }
0x2c0: {  	[tilespmem:s10], [sflag:$0x2] =	stream.linear.gather [hbm4b:s0+s3], $0x400, $0x38;
	[tilespmem:$0x12080] =	vst v63  }
0x2c1: {  	s22 =	sadd.s32 $0xF4280, s0  }
0x2c2: {  	[tilespmem:s11], [sflag:$0x2] =	stream.linear.gather [hbm4b:s22+s3], $0x400, $0x38;
	[tilespmem:$0x12080] =	vst v63  }
0x2c3: {  	s22 =	sadd.s32 $0x1E8500, s0  }
0x2c4: {  	[tilespmem:s12], [sflag:$0x2] =	stream.linear.gather [hbm4b:s22+s3], $0x400, $0x38;
	[tilespmem:$0x12080] =	vst v63  }
0x2c5: {  	s22 =	sadd.s32 $0x2DC780, s0  }
0x2c6: {  	[tilespmem:s13], [sflag:$0x2] =	stream.linear.gather [hbm4b:s22+s3], $0x400, $0x38;
	[tilespmem:$0x12080] =	vst v63  }
0x2c7: {  	s22 =	sadd.s32 $0x3D0A00, s0  }
0x2c8: {  	[tilespmem:s14], [sflag:$0x2] =	stream.linear.gather [hbm4b:s22+s3], $0x400, $0x38;
	[tilespmem:$0x12080] =	vst v63  }
0x2c9: {  	s22 =	sadd.s32 $0x4C4C80, s0  }
0x2ca: {  	[tilespmem:s15], [sflag:$0x2] =	stream.linear.gather [hbm4b:s22+s3], $0x400, $0x38;
	[tilespmem:$0x12080] =	vst v63  }
0x2cb: {  	s22 =	sadd.s32 $0x5B8F00, s0  }
0x2cc: {  	[tilespmem:s23], [sflag:$0x2] =	stream.linear.gather [hbm4b:s22+s3], $0x400, $0x38;
	[tilespmem:$0x12080] =	vst v63  }
0x2cd: {  	s0 =	sadd.s32 $0x6AD180, s0;
	s22 =	spop (v2sf)  }
0x2ce: {  	[tilespmem:s24], [sflag:$0x2] =	stream.linear.gather [hbm4b:s0+s3], $0x400, $0x38;
	[tilespmem:$0x12080] =	vst v63  }
0x2cf: {  	s0 =	sand.u32 $0xFFFFF80, s22  }
0x2d0: {  	s0 =	sadd.s32 s20, s0  }
0x2d1: {  	(v2sf) =	vpush v32, $0x7;
	[tilespmem:s25], [sflag:$0x2] =	stream.linear.gather [hbm4b:s0+s3], $0x400, $0x38;
	[tilespmem:$0x12080] =	vst v63  }
0x2d2: {  	s22 =	sadd.s32 $0xF4280, s0  }
0x2d3: {  	[tilespmem:s26], [sflag:$0x2] =	stream.linear.gather [hbm4b:s22+s3], $0x400, $0x38;
	[tilespmem:$0x12080] =	vst v63  }
0x2d4: {  	s22 =	sadd.s32 $0x1E8500, s0  }
0x2d5: {  	[tilespmem:s29], [sflag:$0x2] =	stream.linear.gather [hbm4b:s22+s3], $0x400, $0x38;
	[tilespmem:$0x12080] =	vst v63  }
0x2d6: {  	s22 =	sadd.s32 $0x2DC780, s0  }
0x2d7: {  	[tilespmem:s30], [sflag:$0x2] =	stream.linear.gather [hbm4b:s22+s3], $0x400, $0x38;
	[tilespmem:$0x12080] =	vst v63  }
0x2d8: {  	s22 =	sadd.s32 $0x3D0A00, s0  }
0x2d9: {  	[tilespmem:s1], [sflag:$0x2] =	stream.linear.gather [hbm4b:s22+s3], $0x400, $0x38;
	[tilespmem:$0x12080] =	vst v63  }
0x2da: {  	s22 =	sadd.s32 $0x4C4C80, s0  }
0x2db: {  	[tilespmem:s21], [sflag:$0x2] =	stream.linear.gather [hbm4b:s22+s3], $0x400, $0x38;
	[tilespmem:$0x12080] =	vst v63  }
0x2dc: {  	s31 =	simm.s32 $0xD880;
	s22 =	sadd.s32 $0x5B8F00, s0  }
0x2dd: {  	[tilespmem:s31], [sflag:$0x2] =	stream.linear.gather [hbm4b:s22+s3], $0x400, $0x38;
	[tilespmem:$0x12080] =	vst v63  }
0x2de: {  	s0 =	sadd.s32 $0x6AD180, s0;
	s22 =	simm.s32 $0xDC80  }
0x2df: {  	[tilespmem:s22], [sflag:$0x2] =	stream.linear.gather [hbm4b:s0+s3], $0x400, $0x38;
	[tilespmem:$0x12080] =	vst v63  }
0x2e0: {  	s22 =	spop (v2sf)  }
0x2e1: {  	s0 =	sand.u32 $0xFFFFF80, s22  }
0x2e2: {  	s22 =	simm.s32 $0xE080;
	s0 =	sadd.s32 s20, s0  }
0x2e3: {  	[tilespmem:s22], [sflag:$0x2] =	stream.linear.gather [hbm4b:s0+s3], $0x400, $0x38;
	[tilespmem:$0x12080] =	vst v63  }
0x2e4: {  	s31 =	simm.s32 $0xE480;
	s22 =	sadd.s32 $0xF4280, s0  }
0x2e5: {  	[tilespmem:s31], [sflag:$0x2] =	stream.linear.gather [hbm4b:s22+s3], $0x400, $0x38;
	[tilespmem:$0x12080] =	vst v63  }
0x2e6: {  	s22 =	sadd.s32 $0x1E8500, s0;
	s31 =	simm.s32 $0xE880  }
0x2e7: {  	[tilespmem:s31], [sflag:$0x2] =	stream.linear.gather [hbm4b:s22+s3], $0x400, $0x38;
	[tilespmem:$0x12080] =	vst v63  }
0x2e8: {  	s22 =	sadd.s32 $0x2DC780, s0;
	s31 =	simm.s32 $0xEC80  }
0x2e9: {  	[tilespmem:s31], [sflag:$0x2] =	stream.linear.gather [hbm4b:s22+s3], $0x400, $0x38;
	[tilespmem:$0x12080] =	vst v63  }
0x2ea: {  	s22 =	sadd.s32 $0x3D0A00, s0;
	s31 =	simm.s32 $0xF080  }
0x2eb: {  	[tilespmem:s31], [sflag:$0x2] =	stream.linear.gather [hbm4b:s22+s3], $0x400, $0x38;
	[tilespmem:$0x12080] =	vst v63  }
0x2ec: {  	s19 =	sadd.s32 $0x10, s19;
	s22 =	sadd.s32 $0x4C4C80, s0;
	s31 =	simm.s32 $0xF480  }
0x2ed: {  	[tilespmem:s31], [sflag:$0x2] =	stream.linear.gather [hbm4b:s22+s3], $0x400, $0x38;
	[tilespmem:$0x12080] =	vst v63  }
0x2ee: {  	p0 =	sne.s32 s19, $0x8F;
	s22 =	sadd.s32 $0x5B8F00, s0;
	s31 =	simm.s32 $0xF880  }
0x2ef: {  	[tilespmem:s31], [sflag:$0x2] =	stream.linear.gather [hbm4b:s22+s3], $0x400, $0x38;
	[tilespmem:$0x12080] =	vst v63  }
.Ltmp4:
0x2f0: {  	_ = 	snop;
	(pc) =	sbr.rel @p0 .LBB2_2-.Ltmp4, $4  }
.Ltmp5:
0x2f1: {  	s0 =	sadd.s32 $0x6AD180, s0;
	s22 =	rddreg [dreg:$0x9];
	(pc) =	sbr.rel @!p0 .LBB2_6-.Ltmp5, $4  }
0x2f2: {  	[tilespmem:s28], [sflag:$0x2] =	stream.linear.gather [hbm4b:s0+s3], $0x400, $0x38;
	[tilespmem:$0x12080] =	vst v63  }
0x2f3: {  	s0 =	rddreg [dreg:$0x8]  }
0x2f4: {  	s31 =	simm.s32 $0x8480;
	s22 =	sadd.s32 $0x1, s22;
	s0 =	sadd.s32 $0x10, s0  }
0x2f5: {  	_ = 	snop  }
.LBB2_7:
0x2f6: {  	_ =	sfence.sel $0x180000  }
0x2f7: {  	[bflag:$0x0] =	sbarrier.arrive $0xFFFF  }
0x2f8: {  	_ =	strace $0x90000047  }
0x2f9: {  	s0 =	stileid.u32;
	[bflag:$0x2] =	sbarrier.arrive $0xFFFF  }
0x2fa: {  	p0 =	sne.s32 s0, $0x0;
	s0 =	rddreg [dreg:$0x3]  }
0x2fb: {  	s0 =	sadd.s32 @!p0 $0x100000, s0  }
0x2fc: {  	[sflag:s0] =	ssyncadd.tile.s32 @!p0 $0x1;
	_ =	shalt  }
.Lfunc_end2:
_tile_overlayer_lowered:
.L_overlay_start_2:
0x2fd: {  	(tag) =	ssettag $0x2  }
0x2fe: {  	s0 =	rddreg [dreg:$0x0];
	s2 =	stileid.u32  }
0x2ff: {  	s1 =	rddreg [dreg:$0x1];
	p0 =	sne.s32 s2, $0x0  }
0x300: {  	s3 =	rddreg [dreg:$0x2];
	[bflag:$0x3] =	sbarrier.arrive $0xFFFF;
	s2 =	simm.s32 @!p0 $0x1C03  }
0x301: {  	[timem:s3], [sflag:s2] =	dma.local @!p0 [hbm:s0], s1  }
0x302: {  	s0 =	simm.s32 @!p0 $0x3  }
0x303: {  	_ =	swait.ge @!p0 [sflag:s0], s1  }
0x304: {  	s1 =	ssub.s32 @!p0 $0x0, s1;
	[sflag:s0] =	ssyncset.done @!p0 $0x0  }
0x305: {  	[sflag:s0] =	ssyncadd.s32 @!p0 s1  }
0x306: {  	[bflag:$0x3] =	sbarrier.arrive $0xFFFF  }
0x307: {  	_ =	shalt  }

</sc_bundles>
